<compile_context>
chip_gen: v7x
topology: tpu7x:2x2x1
jax: 0.10.2.dev20260603
libtpu: 0.0.44.dev20260713+nightly
codegen_flags: <defaults>
</compile_context>

<pallas_src>
import functools

import jax
import jax.numpy as jnp
from jax import lax
from jax.experimental import pallas as pl
from jax.experimental.pallas import tpu as pltpu
from jax.experimental.pallas import tpu_sc as plsc

NC = 2
NS = 16
L = 16
NW = NC * NS

D = 256
E = 160000
E_PER_W = E // NW
CHUNK = 64
NBUF = 3
N_FULL = E_PER_W // CHUNK
N_ROUND = N_FULL // NBUF
TAIL = E_PER_W - N_FULL * CHUNK
NJ = D // L
OUT_PAD = E_PER_W + L - TAIL


def _lane_sum_splat(acc, iota):
    for sh in (8, 4, 2, 1):
        perm = iota ^ sh
        acc = acc + jnp.take_along_axis(acc, perm, axis=0,
                                        mode="promise_in_bounds")
    return acc


def _edge_dots(rows_s, rows_d, base_e, n_edges, iota):

    def body(i, r):
        e = base_e + i
        acc = rows_s[e, pl.ds(0, L)] * rows_d[e, pl.ds(0, L)]
        for j in range(1, NJ):
            acc = acc + rows_s[e, pl.ds(j * L, L)] * rows_d[e, pl.ds(j * L, L)]
        tot = _lane_sum_splat(acc, iota)
        return jnp.where(iota == i, tot, r)

    return lax.fori_loop(0, n_edges, body, jnp.zeros((L,), jnp.float32))


def _sigmoid(x):
    return 1.0 / (1.0 + jnp.exp(-x))


@functools.partial(
    pl.kernel,
    out_type=jax.ShapeDtypeStruct((E,), jnp.float32),
    mesh=plsc.VectorSubcoreMesh(core_axis_name="c", subcore_axis_name="s"),
    scratch_types=dict(
        idx_s=pltpu.VMEM((E_PER_W,), jnp.int32),
        idx_d=pltpu.VMEM((E_PER_W,), jnp.int32),
        out_v=pltpu.VMEM((OUT_PAD,), jnp.float32),
        rows_s0=pltpu.VMEM((CHUNK, D), jnp.float32),
        rows_d0=pltpu.VMEM((CHUNK, D), jnp.float32),
        rows_s1=pltpu.VMEM((CHUNK, D), jnp.float32),
        rows_d1=pltpu.VMEM((CHUNK, D), jnp.float32),
        rows_s2=pltpu.VMEM((CHUNK, D), jnp.float32),
        rows_d2=pltpu.VMEM((CHUNK, D), jnp.float32),
        sem_s0=pltpu.SemaphoreType.DMA,
        sem_d0=pltpu.SemaphoreType.DMA,
        sem_s1=pltpu.SemaphoreType.DMA,
        sem_d1=pltpu.SemaphoreType.DMA,
        sem_s2=pltpu.SemaphoreType.DMA,
        sem_d2=pltpu.SemaphoreType.DMA,
    ),
)
def _decode(z_hbm, si_hbm, di_hbm, out_hbm, *, idx_s, idx_d, out_v,
            rows_s0, rows_d0, rows_s1, rows_d1, rows_s2, rows_d2,
            sem_s0, sem_d0, sem_s1, sem_d1, sem_s2, sem_d2):
    wid = lax.axis_index("s") * NC + lax.axis_index("c")
    base = wid * E_PER_W
    iota = lax.iota(jnp.int32, L)

    bufs = (
        (rows_s0, rows_d0, sem_s0, sem_d0),
        (rows_s1, rows_d1, sem_s1, sem_d1),
        (rows_s2, rows_d2, sem_s2, sem_d2),
    )

    pltpu.sync_copy(si_hbm.at[pl.ds(base, E_PER_W)], idx_s)
    pltpu.sync_copy(di_hbm.at[pl.ds(base, E_PER_W)], idx_d)

    def fire(ci, buf):
        rows_sb, rows_db, sem_sb, sem_db = buf
        loc = ci * CHUNK
        pltpu.async_copy(z_hbm.at[idx_s.at[pl.ds(loc, CHUNK)]], rows_sb, sem_sb)
        pltpu.async_copy(z_hbm.at[idx_d.at[pl.ds(loc, CHUNK)]], rows_db, sem_db)

    def drain(ci, buf):
        rows_sb, rows_db, sem_sb, sem_db = buf
        loc = ci * CHUNK
        pltpu.make_async_copy(z_hbm.at[idx_s.at[pl.ds(loc, CHUNK)]],
                              rows_sb, sem_sb).wait()
        pltpu.make_async_copy(z_hbm.at[idx_d.at[pl.ds(loc, CHUNK)]],
                              rows_db, sem_db).wait()

    def compute(ci, buf):
        rows_sb, rows_db, _, _ = buf
        loc = ci * CHUNK
        for g in range(CHUNK // L):
            r = _edge_dots(rows_sb, rows_db, g * L, L, iota)
            out_v[pl.ds(loc + g * L, L)] = _sigmoid(r)

    for b in range(NBUF):
        fire(b, bufs[b])

    def round_body(k, carry):
        for b in range(NBUF):
            ci = k * NBUF + b
            drain(ci, bufs[b])
            compute(ci, bufs[b])

            @pl.when(k < N_ROUND - 1)
            def _():
                fire(ci + NBUF, bufs[b])
        return carry

    lax.fori_loop(0, N_ROUND, round_body, 0)

    tloc = N_FULL * CHUNK
    rows_sb, rows_db, sem_sb, sem_db = bufs[0]
    c1 = pltpu.async_copy(z_hbm.at[idx_s.at[pl.ds(tloc, TAIL)]],
                          rows_sb.at[pl.ds(0, TAIL)], sem_sb)
    c2 = pltpu.async_copy(z_hbm.at[idx_d.at[pl.ds(tloc, TAIL)]],
                          rows_db.at[pl.ds(0, TAIL)], sem_db)
    c1.wait()
    c2.wait()
    r = _edge_dots(rows_sb, rows_db, 0, TAIL, iota)
    out_v[pl.ds(tloc, L)] = _sigmoid(r)

    pltpu.sync_copy(out_v.at[pl.ds(0, E_PER_W)],
                    out_hbm.at[pl.ds(base, E_PER_W)])


def kernel(z, edge_index):
    src = edge_index[0]
    dst = edge_index[1]
    return _decode(z, src, dst)

# --- scband reference (transcript-rebuilt; emitter-appended) ---
"""Pipeline reference for scband-adjacency-decoder-83803401879710 (READ-ONLY COPY).

The authoritative reference and input builder live on the scoring server;
editing this copy changes nothing except your own understanding.
"""

import jax, jax.numpy as jnp
import numpy as np


def setup_inputs(seed: int = 0) -> dict:
    key = jax.random.key(seed)
    k1, k2 = jax.random.split(key)
    z = jax.random.normal(k1, (10000, 256), dtype=jnp.float32)
    edge_index = jax.random.randint(k2, (2, 160000), 0, 10000, dtype=jnp.int64 if jax.config.jax_enable_x64 else jnp.int32).astype(jnp.int32)
    return {"z": z, "edge_index": edge_index}


def reference(z, edge_index):
    # src = z[edge_index[0]]; dst = z[edge_index[1]]
    src = jnp.take(z, edge_index[0], axis=0)
    dst = jnp.take(z, edge_index[1], axis=0)
    # sigmoid of per-edge inner product
    return jax.nn.sigmoid(jnp.sum(src * dst, axis=1))

if __name__ == "__main__":
    import jax
    _d = setup_inputs()
    print(jax.jit(kernel)(*tuple(_d.values())))

</pallas_src>

<mosaic_0001>
#map = affine_map<(d0, d1) -> (0, 0)>
#map1 = affine_map<(d0, d1) -> (0)>
module attributes {stable_mosaic.version = 14 : i64} {
  func.func @_decode(%arg0: i32, %arg1: i32, %arg2: memref<10000x256xf32, #tpu.memory_space<hbm>>, %arg3: memref<160000xi32, #tpu.memory_space<hbm>>, %arg4: memref<160000xi32, #tpu.memory_space<hbm>>, %arg5: memref<160000xf32, #tpu.memory_space<hbm>>, %arg6: memref<5000xi32, #tpu.memory_space<vmem>>, %arg7: memref<5000xi32, #tpu.memory_space<vmem>>, %arg8: memref<5008xf32, #tpu.memory_space<vmem>>, %arg9: memref<64x256xf32, #tpu.memory_space<vmem>>, %arg10: memref<64x256xf32, #tpu.memory_space<vmem>>, %arg11: memref<64x256xf32, #tpu.memory_space<vmem>>, %arg12: memref<64x256xf32, #tpu.memory_space<vmem>>, %arg13: memref<64x256xf32, #tpu.memory_space<vmem>>, %arg14: memref<64x256xf32, #tpu.memory_space<vmem>>, %arg15: memref<!tpu.dma_semaphore, #tpu.memory_space<semaphore_mem>>, %arg16: memref<!tpu.dma_semaphore, #tpu.memory_space<semaphore_mem>>, %arg17: memref<!tpu.dma_semaphore, #tpu.memory_space<semaphore_mem>>, %arg18: memref<!tpu.dma_semaphore, #tpu.memory_space<semaphore_mem>>, %arg19: memref<!tpu.dma_semaphore, #tpu.memory_space<semaphore_mem>>, %arg20: memref<!tpu.dma_semaphore, #tpu.memory_space<semaphore_mem>>) attributes {dimension_semantics = [#tpu.dimension_semantics<core_parallel>, #tpu.dimension_semantics<subcore_parallel>], iteration_bounds = array<i64: 2, 16>, scalar_prefetch = 0 : i64, scratch_operands = 15 : i64, tpu.core_type = #tpu.core_type<sc_vector_subcore>, window_params = [{transform_indices = #map}, {transform_indices = #map1}, {transform_indices = #map1}, {transform_indices = #map1}]} {
    %mul3A = arith.constant 2 : i32
    %mul3A_0 = arith.muli %arg1, %mul3A : i32
    %add3A = arith.addi %mul3A_0, %arg0 : i32
    %mul3A_1 = arith.constant 5000 : i32
    %mul3A_2 = arith.muli %add3A, %mul3A_1 : i32
    %iota3A = tpu.iota {dimensions = array<i32: 0>} : vector<16xi32>
    "tpu.region"() ({
      %run_scoped3A = tpu.sem_alloc : memref<!tpu.dma_semaphore, #tpu.memory_space<semaphore_mem>>
      %dma_start3A_85 = tpu.memref_slice %arg3[%mul3A_2] : memref<160000xi32, #tpu.memory_space<hbm>> -> memref<5000xi32, #tpu.memory_space<hbm>>
      %dma_start3A_86 = tpu.memref_slice %arg3[%mul3A_2] : memref<160000xi32, #tpu.memory_space<hbm>> -> memref<5000xi32, #tpu.memory_space<hbm>>
      tpu.enqueue_dma source(%dma_start3A_86 : memref<5000xi32, #tpu.memory_space<hbm>>) target(%arg7 : memref<5000xi32, #tpu.memory_space<vmem>>) target_semaphore(%run_scoped3A : memref<!tpu.dma_semaphore, #tpu.memory_space<semaphore_mem>>)
      %dma_wait3A_87 = tpu.memref_slice %arg3[%mul3A_2] : memref<160000xi32, #tpu.memory_space<hbm>> -> memref<5000xi32, #tpu.memory_space<hbm>>
      %dma_wait3A_88 = tpu.memref_slice %arg3[%mul3A_2] : memref<160000xi32, #tpu.memory_space<hbm>> -> memref<5000xi32, #tpu.memory_space<hbm>>
      tpu.wait_dma2 semaphore(%run_scoped3A : memref<!tpu.dma_semaphore, #tpu.memory_space<semaphore_mem>>) src(%dma_wait3A_88 : memref<5000xi32, #tpu.memory_space<hbm>>) dst(%arg7 : memref<5000xi32, #tpu.memory_space<vmem>>)
      tpu.yield
    }) : () -> ()
    "tpu.region"() ({
      %run_scoped3A = tpu.sem_alloc : memref<!tpu.dma_semaphore, #tpu.memory_space<semaphore_mem>>
      %dma_start3A_85 = tpu.memref_slice %arg4[%mul3A_2] : memref<160000xi32, #tpu.memory_space<hbm>> -> memref<5000xi32, #tpu.memory_space<hbm>>
      %dma_start3A_86 = tpu.memref_slice %arg4[%mul3A_2] : memref<160000xi32, #tpu.memory_space<hbm>> -> memref<5000xi32, #tpu.memory_space<hbm>>
      tpu.enqueue_dma source(%dma_start3A_86 : memref<5000xi32, #tpu.memory_space<hbm>>) target(%arg6 : memref<5000xi32, #tpu.memory_space<vmem>>) target_semaphore(%run_scoped3A : memref<!tpu.dma_semaphore, #tpu.memory_space<semaphore_mem>>)
      %dma_wait3A_87 = tpu.memref_slice %arg4[%mul3A_2] : memref<160000xi32, #tpu.memory_space<hbm>> -> memref<5000xi32, #tpu.memory_space<hbm>>
      %dma_wait3A_88 = tpu.memref_slice %arg4[%mul3A_2] : memref<160000xi32, #tpu.memory_space<hbm>> -> memref<5000xi32, #tpu.memory_space<hbm>>
      tpu.wait_dma2 semaphore(%run_scoped3A : memref<!tpu.dma_semaphore, #tpu.memory_space<semaphore_mem>>) src(%dma_wait3A_88 : memref<5000xi32, #tpu.memory_space<hbm>>) dst(%arg6 : memref<5000xi32, #tpu.memory_space<vmem>>)
      tpu.yield
    }) : () -> ()
    %dma_start3A = arith.constant 0 : i32
    %dma_start3A_3 = tpu.memref_slice %arg7[%dma_start3A] : memref<5000xi32, #tpu.memory_space<vmem>> -> memref<64xi32, #tpu.memory_space<vmem>>
    %dma_start3A_4 = arith.constant 0 : i32
    %dma_start3A_5 = arith.constant 0 : i32
    %dma_start3A_6 = tpu.memref_slice %arg2[%dma_start3A_4, %dma_start3A_5] : memref<10000x256xf32, #tpu.memory_space<hbm>> -> memref<10000x256xf32, #tpu.memory_space<hbm>>
    tpu.enqueue_indirect_dma source(%dma_start3A_6 : memref<10000x256xf32, #tpu.memory_space<hbm>>) target(%arg12 : memref<64x256xf32, #tpu.memory_space<vmem>>) offsets(%dma_start3A_3 : memref<64xi32, #tpu.memory_space<vmem>>) semaphore(%arg18 : memref<!tpu.dma_semaphore, #tpu.memory_space<semaphore_mem>>)
    %dma_start3A_7 = arith.constant 0 : i32
    %dma_start3A_8 = tpu.memref_slice %arg6[%dma_start3A_7] : memref<5000xi32, #tpu.memory_space<vmem>> -> memref<64xi32, #tpu.memory_space<vmem>>
    %dma_start3A_9 = arith.constant 0 : i32
    %dma_start3A_10 = arith.constant 0 : i32
    %dma_start3A_11 = tpu.memref_slice %arg2[%dma_start3A_9, %dma_start3A_10] : memref<10000x256xf32, #tpu.memory_space<hbm>> -> memref<10000x256xf32, #tpu.memory_space<hbm>>
    tpu.enqueue_indirect_dma source(%dma_start3A_11 : memref<10000x256xf32, #tpu.memory_space<hbm>>) target(%arg9 : memref<64x256xf32, #tpu.memory_space<vmem>>) offsets(%dma_start3A_8 : memref<64xi32, #tpu.memory_space<vmem>>) semaphore(%arg15 : memref<!tpu.dma_semaphore, #tpu.memory_space<semaphore_mem>>)
    %dma_start3A_12 = arith.constant 64 : i32
    %dma_start3A_13 = tpu.memref_slice %arg7[%dma_start3A_12] : memref<5000xi32, #tpu.memory_space<vmem>> -> memref<64xi32, #tpu.memory_space<vmem>>
    %dma_start3A_14 = arith.constant 0 : i32
    %dma_start3A_15 = arith.constant 0 : i32
    %dma_start3A_16 = tpu.memref_slice %arg2[%dma_start3A_14, %dma_start3A_15] : memref<10000x256xf32, #tpu.memory_space<hbm>> -> memref<10000x256xf32, #tpu.memory_space<hbm>>
    tpu.enqueue_indirect_dma source(%dma_start3A_16 : memref<10000x256xf32, #tpu.memory_space<hbm>>) target(%arg13 : memref<64x256xf32, #tpu.memory_space<vmem>>) offsets(%dma_start3A_13 : memref<64xi32, #tpu.memory_space<vmem>>) semaphore(%arg19 : memref<!tpu.dma_semaphore, #tpu.memory_space<semaphore_mem>>)
    %dma_start3A_17 = arith.constant 64 : i32
    %dma_start3A_18 = tpu.memref_slice %arg6[%dma_start3A_17] : memref<5000xi32, #tpu.memory_space<vmem>> -> memref<64xi32, #tpu.memory_space<vmem>>
    %dma_start3A_19 = arith.constant 0 : i32
    %dma_start3A_20 = arith.constant 0 : i32
    %dma_start3A_21 = tpu.memref_slice %arg2[%dma_start3A_19, %dma_start3A_20] : memref<10000x256xf32, #tpu.memory_space<hbm>> -> memref<10000x256xf32, #tpu.memory_space<hbm>>
    tpu.enqueue_indirect_dma source(%dma_start3A_21 : memref<10000x256xf32, #tpu.memory_space<hbm>>) target(%arg10 : memref<64x256xf32, #tpu.memory_space<vmem>>) offsets(%dma_start3A_18 : memref<64xi32, #tpu.memory_space<vmem>>) semaphore(%arg16 : memref<!tpu.dma_semaphore, #tpu.memory_space<semaphore_mem>>)
    %dma_start3A_22 = arith.constant 128 : i32
    %dma_start3A_23 = tpu.memref_slice %arg7[%dma_start3A_22] : memref<5000xi32, #tpu.memory_space<vmem>> -> memref<64xi32, #tpu.memory_space<vmem>>
    %dma_start3A_24 = arith.constant 0 : i32
    %dma_start3A_25 = arith.constant 0 : i32
    %dma_start3A_26 = tpu.memref_slice %arg2[%dma_start3A_24, %dma_start3A_25] : memref<10000x256xf32, #tpu.memory_space<hbm>> -> memref<10000x256xf32, #tpu.memory_space<hbm>>
    tpu.enqueue_indirect_dma source(%dma_start3A_26 : memref<10000x256xf32, #tpu.memory_space<hbm>>) target(%arg14 : memref<64x256xf32, #tpu.memory_space<vmem>>) offsets(%dma_start3A_23 : memref<64xi32, #tpu.memory_space<vmem>>) semaphore(%arg20 : memref<!tpu.dma_semaphore, #tpu.memory_space<semaphore_mem>>)
    %dma_start3A_27 = arith.constant 128 : i32
    %dma_start3A_28 = tpu.memref_slice %arg6[%dma_start3A_27] : memref<5000xi32, #tpu.memory_space<vmem>> -> memref<64xi32, #tpu.memory_space<vmem>>
    %dma_start3A_29 = arith.constant 0 : i32
    %dma_start3A_30 = arith.constant 0 : i32
    %dma_start3A_31 = tpu.memref_slice %arg2[%dma_start3A_29, %dma_start3A_30] : memref<10000x256xf32, #tpu.memory_space<hbm>> -> memref<10000x256xf32, #tpu.memory_space<hbm>>
    tpu.enqueue_indirect_dma source(%dma_start3A_31 : memref<10000x256xf32, #tpu.memory_space<hbm>>) target(%arg11 : memref<64x256xf32, #tpu.memory_space<vmem>>) offsets(%dma_start3A_28 : memref<64xi32, #tpu.memory_space<vmem>>) semaphore(%arg17 : memref<!tpu.dma_semaphore, #tpu.memory_space<semaphore_mem>>)
    %scan3A = arith.constant 0 : i32
    %scan3A_32 = arith.constant 0 : i32
    %scan3A_33 = arith.constant 26 : i32
    %scan3A_34 = arith.addi %scan3A_32, %scan3A_33 : i32
    %scan3A_35 = arith.constant 1 : i32
    scf.for %scan3A_85 = %scan3A_32 to %scan3A_34 step %scan3A_35  : i32 {
      %mul3A_86 = arith.constant 3 : i32
      %mul3A_87 = arith.muli %scan3A_85, %mul3A_86 : i32
      %add3A_88 = arith.constant 0 : i32
      %add3A_89 = arith.addi %mul3A_87, %add3A_88 : i32
      %mul3A_90 = arith.constant 64 : i32
      %mul3A_91 = arith.muli %add3A_89, %mul3A_90 : i32
      %dma_wait3A_92 = tpu.memref_slice %arg7[%mul3A_91] : memref<5000xi32, #tpu.memory_space<vmem>> -> memref<64xi32, #tpu.memory_space<vmem>>
      %dma_wait3A_93 = arith.constant 0 : i32
      %dma_wait3A_94 = arith.constant 0 : i32
      %dma_wait3A_95 = tpu.memref_slice %arg2[%dma_wait3A_93, %dma_wait3A_94] : memref<10000x256xf32, #tpu.memory_space<hbm>> -> memref<10000x256xf32, #tpu.memory_space<hbm>>
      tpu.wait_indirect_dma semaphore(%arg18 : memref<!tpu.dma_semaphore, #tpu.memory_space<semaphore_mem>>) src(%dma_wait3A_95 : memref<10000x256xf32, #tpu.memory_space<hbm>>) dst(%arg12 : memref<64x256xf32, #tpu.memory_space<vmem>>)
      %dma_wait3A_96 = tpu.memref_slice %arg6[%mul3A_91] : memref<5000xi32, #tpu.memory_space<vmem>> -> memref<64xi32, #tpu.memory_space<vmem>>
      %dma_wait3A_97 = arith.constant 0 : i32
      %dma_wait3A_98 = arith.constant 0 : i32
      %dma_wait3A_99 = tpu.memref_slice %arg2[%dma_wait3A_97, %dma_wait3A_98] : memref<10000x256xf32, #tpu.memory_space<hbm>> -> memref<10000x256xf32, #tpu.memory_space<hbm>>
      tpu.wait_indirect_dma semaphore(%arg15 : memref<!tpu.dma_semaphore, #tpu.memory_space<semaphore_mem>>) src(%dma_wait3A_99 : memref<10000x256xf32, #tpu.memory_space<hbm>>) dst(%arg9 : memref<64x256xf32, #tpu.memory_space<vmem>>)
      %mul3A_100 = arith.constant 64 : i32
      %mul3A_101 = arith.muli %add3A_89, %mul3A_100 : i32
      %broadcast_in_dim3A_102 = arith.constant 0.000000e+00 : f32
      %broadcast_in_dim3A_103 = vector.broadcast %broadcast_in_dim3A_102 : f32 to vector<16xf32>
      %scan3A_104 = arith.constant 0 : i32
      %scan3A_105 = arith.constant 16 : i32
      %scan3A_106 = arith.addi %scan3A_104, %scan3A_105 : i32
      %scan3A_107 = arith.constant 1 : i32
      %scan3A_108 = scf.for %scan3A_434 = %scan3A_104 to %scan3A_106 step %scan3A_107 iter_args(%scan3A_435 = %broadcast_in_dim3A_103) -> (vector<16xf32>)  : i32 {
        %add3A_436 = arith.constant 0 : i32
        %add3A_437 = arith.addi %add3A_436, %scan3A_434 : i32
        %get3A = arith.index_cast %add3A_437 : i32 to index
        %get3A_438 = arith.constant 0 : index
        %get3A_439 = tpu.vector_load %arg12[%get3A, %get3A_438] {strides = array<i32>} : memref<64x256xf32, #tpu.memory_space<vmem>>, vector<1x16xf32>,
        %get3A_440 = vector.shape_cast %get3A_439 : vector<1x16xf32> to vector<16xf32>
        %get3A_441 = arith.index_cast %add3A_437 : i32 to index
        %get3A_442 = arith.constant 0 : index
        %get3A_443 = tpu.vector_load %arg9[%get3A_441, %get3A_442] {strides = array<i32>} : memref<64x256xf32, #tpu.memory_space<vmem>>, vector<1x16xf32>,
        %get3A_444 = vector.shape_cast %get3A_443 : vector<1x16xf32> to vector<16xf32>
        %mul3A_445 = arith.mulf %get3A_440, %get3A_444 : vector<16xf32>
        %get3A_446 = arith.index_cast %add3A_437 : i32 to index
        %get3A_447 = arith.constant 16 : index
        %get3A_448 = tpu.vector_load %arg12[%get3A_446, %get3A_447] {strides = array<i32>} : memref<64x256xf32, #tpu.memory_space<vmem>>, vector<1x16xf32>,
        %get3A_449 = vector.shape_cast %get3A_448 : vector<1x16xf32> to vector<16xf32>
        %get3A_450 = arith.index_cast %add3A_437 : i32 to index
        %get3A_451 = arith.constant 16 : index
        %get3A_452 = tpu.vector_load %arg9[%get3A_450, %get3A_451] {strides = array<i32>} : memref<64x256xf32, #tpu.memory_space<vmem>>, vector<1x16xf32>,
        %get3A_453 = vector.shape_cast %get3A_452 : vector<1x16xf32> to vector<16xf32>
        %mul3A_454 = arith.mulf %get3A_449, %get3A_453 : vector<16xf32>
        %add3A_455 = arith.addf %mul3A_445, %mul3A_454 : vector<16xf32>
        %get3A_456 = arith.index_cast %add3A_437 : i32 to index
        %get3A_457 = arith.constant 32 : index
        %get3A_458 = tpu.vector_load %arg12[%get3A_456, %get3A_457] {strides = array<i32>} : memref<64x256xf32, #tpu.memory_space<vmem>>, vector<1x16xf32>,
        %get3A_459 = vector.shape_cast %get3A_458 : vector<1x16xf32> to vector<16xf32>
        %get3A_460 = arith.index_cast %add3A_437 : i32 to index
        %get3A_461 = arith.constant 32 : index
        %get3A_462 = tpu.vector_load %arg9[%get3A_460, %get3A_461] {strides = array<i32>} : memref<64x256xf32, #tpu.memory_space<vmem>>, vector<1x16xf32>,
        %get3A_463 = vector.shape_cast %get3A_462 : vector<1x16xf32> to vector<16xf32>
        %mul3A_464 = arith.mulf %get3A_459, %get3A_463 : vector<16xf32>
        %add3A_465 = arith.addf %add3A_455, %mul3A_464 : vector<16xf32>
        %get3A_466 = arith.index_cast %add3A_437 : i32 to index
        %get3A_467 = arith.constant 48 : index
        %get3A_468 = tpu.vector_load %arg12[%get3A_466, %get3A_467] {strides = array<i32>} : memref<64x256xf32, #tpu.memory_space<vmem>>, vector<1x16xf32>,
        %get3A_469 = vector.shape_cast %get3A_468 : vector<1x16xf32> to vector<16xf32>
        %get3A_470 = arith.index_cast %add3A_437 : i32 to index
        %get3A_471 = arith.constant 48 : index
        %get3A_472 = tpu.vector_load %arg9[%get3A_470, %get3A_471] {strides = array<i32>} : memref<64x256xf32, #tpu.memory_space<vmem>>, vector<1x16xf32>,
        %get3A_473 = vector.shape_cast %get3A_472 : vector<1x16xf32> to vector<16xf32>
        %mul3A_474 = arith.mulf %get3A_469, %get3A_473 : vector<16xf32>
        %add3A_475 = arith.addf %add3A_465, %mul3A_474 : vector<16xf32>
        %get3A_476 = arith.index_cast %add3A_437 : i32 to index
        %get3A_477 = arith.constant 64 : index
        %get3A_478 = tpu.vector_load %arg12[%get3A_476, %get3A_477] {strides = array<i32>} : memref<64x256xf32, #tpu.memory_space<vmem>>, vector<1x16xf32>,
        %get3A_479 = vector.shape_cast %get3A_478 : vector<1x16xf32> to vector<16xf32>
        %get3A_480 = arith.index_cast %add3A_437 : i32 to index
        %get3A_481 = arith.constant 64 : index
        %get3A_482 = tpu.vector_load %arg9[%get3A_480, %get3A_481] {strides = array<i32>} : memref<64x256xf32, #tpu.memory_space<vmem>>, vector<1x16xf32>,
        %get3A_483 = vector.shape_cast %get3A_482 : vector<1x16xf32> to vector<16xf32>
        %mul3A_484 = arith.mulf %get3A_479, %get3A_483 : vector<16xf32>
        %add3A_485 = arith.addf %add3A_475, %mul3A_484 : vector<16xf32>
        %get3A_486 = arith.index_cast %add3A_437 : i32 to index
        %get3A_487 = arith.constant 80 : index
        %get3A_488 = tpu.vector_load %arg12[%get3A_486, %get3A_487] {strides = array<i32>} : memref<64x256xf32, #tpu.memory_space<vmem>>, vector<1x16xf32>,
        %get3A_489 = vector.shape_cast %get3A_488 : vector<1x16xf32> to vector<16xf32>
        %get3A_490 = arith.index_cast %add3A_437 : i32 to index
        %get3A_491 = arith.constant 80 : index
        %get3A_492 = tpu.vector_load %arg9[%get3A_490, %get3A_491] {strides = array<i32>} : memref<64x256xf32, #tpu.memory_space<vmem>>, vector<1x16xf32>,
        %get3A_493 = vector.shape_cast %get3A_492 : vector<1x16xf32> to vector<16xf32>
        %mul3A_494 = arith.mulf %get3A_489, %get3A_493 : vector<16xf32>
        %add3A_495 = arith.addf %add3A_485, %mul3A_494 : vector<16xf32>
        %get3A_496 = arith.index_cast %add3A_437 : i32 to index
        %get3A_497 = arith.constant 96 : index
        %get3A_498 = tpu.vector_load %arg12[%get3A_496, %get3A_497] {strides = array<i32>} : memref<64x256xf32, #tpu.memory_space<vmem>>, vector<1x16xf32>,
        %get3A_499 = vector.shape_cast %get3A_498 : vector<1x16xf32> to vector<16xf32>
        %get3A_500 = arith.index_cast %add3A_437 : i32 to index
        %get3A_501 = arith.constant 96 : index
        %get3A_502 = tpu.vector_load %arg9[%get3A_500, %get3A_501] {strides = array<i32>} : memref<64x256xf32, #tpu.memory_space<vmem>>, vector<1x16xf32>,
        %get3A_503 = vector.shape_cast %get3A_502 : vector<1x16xf32> to vector<16xf32>
        %mul3A_504 = arith.mulf %get3A_499, %get3A_503 : vector<16xf32>
        %add3A_505 = arith.addf %add3A_495, %mul3A_504 : vector<16xf32>
        %get3A_506 = arith.index_cast %add3A_437 : i32 to index
        %get3A_507 = arith.constant 112 : index
        %get3A_508 = tpu.vector_load %arg12[%get3A_506, %get3A_507] {strides = array<i32>} : memref<64x256xf32, #tpu.memory_space<vmem>>, vector<1x16xf32>,
        %get3A_509 = vector.shape_cast %get3A_508 : vector<1x16xf32> to vector<16xf32>
        %get3A_510 = arith.index_cast %add3A_437 : i32 to index
        %get3A_511 = arith.constant 112 : index
        %get3A_512 = tpu.vector_load %arg9[%get3A_510, %get3A_511] {strides = array<i32>} : memref<64x256xf32, #tpu.memory_space<vmem>>, vector<1x16xf32>,
        %get3A_513 = vector.shape_cast %get3A_512 : vector<1x16xf32> to vector<16xf32>
        %mul3A_514 = arith.mulf %get3A_509, %get3A_513 : vector<16xf32>
        %add3A_515 = arith.addf %add3A_505, %mul3A_514 : vector<16xf32>
        %get3A_516 = arith.index_cast %add3A_437 : i32 to index
        %get3A_517 = arith.constant 128 : index
        %get3A_518 = tpu.vector_load %arg12[%get3A_516, %get3A_517] {strides = array<i32>} : memref<64x256xf32, #tpu.memory_space<vmem>>, vector<1x16xf32>,
        %get3A_519 = vector.shape_cast %get3A_518 : vector<1x16xf32> to vector<16xf32>
        %get3A_520 = arith.index_cast %add3A_437 : i32 to index
        %get3A_521 = arith.constant 128 : index
        %get3A_522 = tpu.vector_load %arg9[%get3A_520, %get3A_521] {strides = array<i32>} : memref<64x256xf32, #tpu.memory_space<vmem>>, vector<1x16xf32>,
        %get3A_523 = vector.shape_cast %get3A_522 : vector<1x16xf32> to vector<16xf32>
        %mul3A_524 = arith.mulf %get3A_519, %get3A_523 : vector<16xf32>
        %add3A_525 = arith.addf %add3A_515, %mul3A_524 : vector<16xf32>
        %get3A_526 = arith.index_cast %add3A_437 : i32 to index
        %get3A_527 = arith.constant 144 : index
        %get3A_528 = tpu.vector_load %arg12[%get3A_526, %get3A_527] {strides = array<i32>} : memref<64x256xf32, #tpu.memory_space<vmem>>, vector<1x16xf32>,
        %get3A_529 = vector.shape_cast %get3A_528 : vector<1x16xf32> to vector<16xf32>
        %get3A_530 = arith.index_cast %add3A_437 : i32 to index
        %get3A_531 = arith.constant 144 : index
        %get3A_532 = tpu.vector_load %arg9[%get3A_530, %get3A_531] {strides = array<i32>} : memref<64x256xf32, #tpu.memory_space<vmem>>, vector<1x16xf32>,
        %get3A_533 = vector.shape_cast %get3A_532 : vector<1x16xf32> to vector<16xf32>
        %mul3A_534 = arith.mulf %get3A_529, %get3A_533 : vector<16xf32>
        %add3A_535 = arith.addf %add3A_525, %mul3A_534 : vector<16xf32>
        %get3A_536 = arith.index_cast %add3A_437 : i32 to index
        %get3A_537 = arith.constant 160 : index
        %get3A_538 = tpu.vector_load %arg12[%get3A_536, %get3A_537] {strides = array<i32>} : memref<64x256xf32, #tpu.memory_space<vmem>>, vector<1x16xf32>,
        %get3A_539 = vector.shape_cast %get3A_538 : vector<1x16xf32> to vector<16xf32>
        %get3A_540 = arith.index_cast %add3A_437 : i32 to index
        %get3A_541 = arith.constant 160 : index
        %get3A_542 = tpu.vector_load %arg9[%get3A_540, %get3A_541] {strides = array<i32>} : memref<64x256xf32, #tpu.memory_space<vmem>>, vector<1x16xf32>,
        %get3A_543 = vector.shape_cast %get3A_542 : vector<1x16xf32> to vector<16xf32>
        %mul3A_544 = arith.mulf %get3A_539, %get3A_543 : vector<16xf32>
        %add3A_545 = arith.addf %add3A_535, %mul3A_544 : vector<16xf32>
        %get3A_546 = arith.index_cast %add3A_437 : i32 to index
        %get3A_547 = arith.constant 176 : index
        %get3A_548 = tpu.vector_load %arg12[%get3A_546, %get3A_547] {strides = array<i32>} : memref<64x256xf32, #tpu.memory_space<vmem>>, vector<1x16xf32>,
        %get3A_549 = vector.shape_cast %get3A_548 : vector<1x16xf32> to vector<16xf32>
        %get3A_550 = arith.index_cast %add3A_437 : i32 to index
        %get3A_551 = arith.constant 176 : index
        %get3A_552 = tpu.vector_load %arg9[%get3A_550, %get3A_551] {strides = array<i32>} : memref<64x256xf32, #tpu.memory_space<vmem>>, vector<1x16xf32>,
        %get3A_553 = vector.shape_cast %get3A_552 : vector<1x16xf32> to vector<16xf32>
        %mul3A_554 = arith.mulf %get3A_549, %get3A_553 : vector<16xf32>
        %add3A_555 = arith.addf %add3A_545, %mul3A_554 : vector<16xf32>
        %get3A_556 = arith.index_cast %add3A_437 : i32 to index
        %get3A_557 = arith.constant 192 : index
        %get3A_558 = tpu.vector_load %arg12[%get3A_556, %get3A_557] {strides = array<i32>} : memref<64x256xf32, #tpu.memory_space<vmem>>, vector<1x16xf32>,
        %get3A_559 = vector.shape_cast %get3A_558 : vector<1x16xf32> to vector<16xf32>
        %get3A_560 = arith.index_cast %add3A_437 : i32 to index
        %get3A_561 = arith.constant 192 : index
        %get3A_562 = tpu.vector_load %arg9[%get3A_560, %get3A_561] {strides = array<i32>} : memref<64x256xf32, #tpu.memory_space<vmem>>, vector<1x16xf32>,
        %get3A_563 = vector.shape_cast %get3A_562 : vector<1x16xf32> to vector<16xf32>
        %mul3A_564 = arith.mulf %get3A_559, %get3A_563 : vector<16xf32>
        %add3A_565 = arith.addf %add3A_555, %mul3A_564 : vector<16xf32>
        %get3A_566 = arith.index_cast %add3A_437 : i32 to index
        %get3A_567 = arith.constant 208 : index
        %get3A_568 = tpu.vector_load %arg12[%get3A_566, %get3A_567] {strides = array<i32>} : memref<64x256xf32, #tpu.memory_space<vmem>>, vector<1x16xf32>,
        %get3A_569 = vector.shape_cast %get3A_568 : vector<1x16xf32> to vector<16xf32>
        %get3A_570 = arith.index_cast %add3A_437 : i32 to index
        %get3A_571 = arith.constant 208 : index
        %get3A_572 = tpu.vector_load %arg9[%get3A_570, %get3A_571] {strides = array<i32>} : memref<64x256xf32, #tpu.memory_space<vmem>>, vector<1x16xf32>,
        %get3A_573 = vector.shape_cast %get3A_572 : vector<1x16xf32> to vector<16xf32>
        %mul3A_574 = arith.mulf %get3A_569, %get3A_573 : vector<16xf32>
        %add3A_575 = arith.addf %add3A_565, %mul3A_574 : vector<16xf32>
        %get3A_576 = arith.index_cast %add3A_437 : i32 to index
        %get3A_577 = arith.constant 224 : index
        %get3A_578 = tpu.vector_load %arg12[%get3A_576, %get3A_577] {strides = array<i32>} : memref<64x256xf32, #tpu.memory_space<vmem>>, vector<1x16xf32>,
        %get3A_579 = vector.shape_cast %get3A_578 : vector<1x16xf32> to vector<16xf32>
        %get3A_580 = arith.index_cast %add3A_437 : i32 to index
        %get3A_581 = arith.constant 224 : index
        %get3A_582 = tpu.vector_load %arg9[%get3A_580, %get3A_581] {strides = array<i32>} : memref<64x256xf32, #tpu.memory_space<vmem>>, vector<1x16xf32>,
        %get3A_583 = vector.shape_cast %get3A_582 : vector<1x16xf32> to vector<16xf32>
        %mul3A_584 = arith.mulf %get3A_579, %get3A_583 : vector<16xf32>
        %add3A_585 = arith.addf %add3A_575, %mul3A_584 : vector<16xf32>
        %get3A_586 = arith.index_cast %add3A_437 : i32 to index
        %get3A_587 = arith.constant 240 : index
        %get3A_588 = tpu.vector_load %arg12[%get3A_586, %get3A_587] {strides = array<i32>} : memref<64x256xf32, #tpu.memory_space<vmem>>, vector<1x16xf32>,
        %get3A_589 = vector.shape_cast %get3A_588 : vector<1x16xf32> to vector<16xf32>
        %get3A_590 = arith.index_cast %add3A_437 : i32 to index
        %get3A_591 = arith.constant 240 : index
        %get3A_592 = tpu.vector_load %arg9[%get3A_590, %get3A_591] {strides = array<i32>} : memref<64x256xf32, #tpu.memory_space<vmem>>, vector<1x16xf32>,
        %get3A_593 = vector.shape_cast %get3A_592 : vector<1x16xf32> to vector<16xf32>
        %mul3A_594 = arith.mulf %get3A_589, %get3A_593 : vector<16xf32>
        %add3A_595 = arith.addf %add3A_585, %mul3A_594 : vector<16xf32>
        %xor3A = arith.constant 8 : i32
        %xor3A_596 = vector.broadcast %xor3A : i32 to vector<16xi32>
        %xor3A_597 = arith.xori %iota3A, %xor3A_596 : vector<16xi32>
        %reshape3A = vector.shape_cast %xor3A_597 : vector<16xi32> to vector<16x1xi32>
        %gather3A = vector.shape_cast %reshape3A : vector<16x1xi32> to vector<16xi32>
        %gather3A_598 = tpu.dynamic_gather %add3A_595[%gather3A] in [0] : vector<16xf32>, vector<16xi32> -> vector<16xf32>
        %add3A_599 = arith.addf %add3A_595, %gather3A_598 : vector<16xf32>
        %xor3A_600 = arith.constant 4 : i32
        %xor3A_601 = vector.broadcast %xor3A_600 : i32 to vector<16xi32>
        %xor3A_602 = arith.xori %iota3A, %xor3A_601 : vector<16xi32>
        %reshape3A_603 = vector.shape_cast %xor3A_602 : vector<16xi32> to vector<16x1xi32>
        %gather3A_604 = vector.shape_cast %reshape3A_603 : vector<16x1xi32> to vector<16xi32>
        %gather3A_605 = tpu.dynamic_gather %add3A_599[%gather3A_604] in [0] : vector<16xf32>, vector<16xi32> -> vector<16xf32>
        %add3A_606 = arith.addf %add3A_599, %gather3A_605 : vector<16xf32>
        %xor3A_607 = arith.constant 2 : i32
        %xor3A_608 = vector.broadcast %xor3A_607 : i32 to vector<16xi32>
        %xor3A_609 = arith.xori %iota3A, %xor3A_608 : vector<16xi32>
        %reshape3A_610 = vector.shape_cast %xor3A_609 : vector<16xi32> to vector<16x1xi32>
        %gather3A_611 = vector.shape_cast %reshape3A_610 : vector<16x1xi32> to vector<16xi32>
        %gather3A_612 = tpu.dynamic_gather %add3A_606[%gather3A_611] in [0] : vector<16xf32>, vector<16xi32> -> vector<16xf32>
        %add3A_613 = arith.addf %add3A_606, %gather3A_612 : vector<16xf32>
        %xor3A_614 = arith.constant 1 : i32
        %xor3A_615 = vector.broadcast %xor3A_614 : i32 to vector<16xi32>
        %xor3A_616 = arith.xori %iota3A, %xor3A_615 : vector<16xi32>
        %reshape3A_617 = vector.shape_cast %xor3A_616 : vector<16xi32> to vector<16x1xi32>
        %gather3A_618 = vector.shape_cast %reshape3A_617 : vector<16x1xi32> to vector<16xi32>
        %gather3A_619 = tpu.dynamic_gather %add3A_613[%gather3A_618] in [0] : vector<16xf32>, vector<16xi32> -> vector<16xf32>
        %add3A_620 = arith.addf %add3A_613, %gather3A_619 : vector<16xf32>
        %eq3A = vector.broadcast %scan3A_434 : i32 to vector<16xi32>
        %eq3A_621 = arith.cmpi eq, %iota3A, %eq3A : vector<16xi32>
        %select_n3A = arith.select %eq3A_621, %add3A_620, %scan3A_435 : vector<16xi1>, vector<16xf32>
        scf.yield %select_n3A : vector<16xf32>
      }
      %scan3A_109 = arith.constant 16 : i32
      %neg3A_110 = arith.constant 0.000000e+00 : f32
      %neg3A_111 = vector.broadcast %neg3A_110 : f32 to vector<16xf32>
      %neg3A_112 = arith.subf %neg3A_111, %scan3A_108 : vector<16xf32>
      %exp3A_113 = math.exp %neg3A_112 : vector<16xf32>
      %add3A_114 = arith.constant 1.000000e+00 : f32
      %add3A_115 = vector.broadcast %add3A_114 : f32 to vector<16xf32>
      %add3A_116 = arith.addf %add3A_115, %exp3A_113 : vector<16xf32>
      %div3A_117 = arith.constant 1.000000e+00 : f32
      %div3A_118 = vector.broadcast %div3A_117 : f32 to vector<16xf32>
      %div3A_119 = arith.divf %div3A_118, %add3A_116 : vector<16xf32>
      %add3A_120 = arith.constant 0 : i32
      %add3A_121 = arith.addi %mul3A_101, %add3A_120 : i32
      %swap3A_122 = arith.index_cast %add3A_121 : i32 to index
      %swap3A_123 = tpu.vector_load %arg8[%swap3A_122] {strides = array<i32>} : memref<5008xf32, #tpu.memory_space<vmem>>, vector<16xf32>,
      %swap3A_124 = vector.shape_cast %swap3A_123 : vector<16xf32> to vector<16xf32>
      %swap3A_125 = vector.shape_cast %div3A_119 : vector<16xf32> to vector<16xf32>
      tpu.vector_store %arg8[%swap3A_122], %swap3A_125 {strides = array<i32>} : memref<5008xf32, #tpu.memory_space<vmem>>, vector<16xf32>,
      %broadcast_in_dim3A_126 = arith.constant 0.000000e+00 : f32
      %broadcast_in_dim3A_127 = vector.broadcast %broadcast_in_dim3A_126 : f32 to vector<16xf32>
      %scan3A_128 = arith.constant 0 : i32
      %scan3A_129 = arith.constant 16 : i32
      %scan3A_130 = arith.addi %scan3A_128, %scan3A_129 : i32
      %scan3A_131 = arith.constant 1 : i32
      %scan3A_132 = scf.for %scan3A_434 = %scan3A_128 to %scan3A_130 step %scan3A_131 iter_args(%scan3A_435 = %broadcast_in_dim3A_127) -> (vector<16xf32>)  : i32 {
        %add3A_436 = arith.constant 16 : i32
        %add3A_437 = arith.addi %add3A_436, %scan3A_434 : i32
        %get3A = arith.index_cast %add3A_437 : i32 to index
        %get3A_438 = arith.constant 0 : index
        %get3A_439 = tpu.vector_load %arg12[%get3A, %get3A_438] {strides = array<i32>} : memref<64x256xf32, #tpu.memory_space<vmem>>, vector<1x16xf32>,
        %get3A_440 = vector.shape_cast %get3A_439 : vector<1x16xf32> to vector<16xf32>
        %get3A_441 = arith.index_cast %add3A_437 : i32 to index
        %get3A_442 = arith.constant 0 : index
        %get3A_443 = tpu.vector_load %arg9[%get3A_441, %get3A_442] {strides = array<i32>} : memref<64x256xf32, #tpu.memory_space<vmem>>, vector<1x16xf32>,
        %get3A_444 = vector.shape_cast %get3A_443 : vector<1x16xf32> to vector<16xf32>
        %mul3A_445 = arith.mulf %get3A_440, %get3A_444 : vector<16xf32>
        %get3A_446 = arith.index_cast %add3A_437 : i32 to index
        %get3A_447 = arith.constant 16 : index
        %get3A_448 = tpu.vector_load %arg12[%get3A_446, %get3A_447] {strides = array<i32>} : memref<64x256xf32, #tpu.memory_space<vmem>>, vector<1x16xf32>,
        %get3A_449 = vector.shape_cast %get3A_448 : vector<1x16xf32> to vector<16xf32>
        %get3A_450 = arith.index_cast %add3A_437 : i32 to index
        %get3A_451 = arith.constant 16 : index
        %get3A_452 = tpu.vector_load %arg9[%get3A_450, %get3A_451] {strides = array<i32>} : memref<64x256xf32, #tpu.memory_space<vmem>>, vector<1x16xf32>,
        %get3A_453 = vector.shape_cast %get3A_452 : vector<1x16xf32> to vector<16xf32>
        %mul3A_454 = arith.mulf %get3A_449, %get3A_453 : vector<16xf32>
        %add3A_455 = arith.addf %mul3A_445, %mul3A_454 : vector<16xf32>
        %get3A_456 = arith.index_cast %add3A_437 : i32 to index
        %get3A_457 = arith.constant 32 : index
        %get3A_458 = tpu.vector_load %arg12[%get3A_456, %get3A_457] {strides = array<i32>} : memref<64x256xf32, #tpu.memory_space<vmem>>, vector<1x16xf32>,
        %get3A_459 = vector.shape_cast %get3A_458 : vector<1x16xf32> to vector<16xf32>
        %get3A_460 = arith.index_cast %add3A_437 : i32 to index
        %get3A_461 = arith.constant 32 : index
        %get3A_462 = tpu.vector_load %arg9[%get3A_460, %get3A_461] {strides = array<i32>} : memref<64x256xf32, #tpu.memory_space<vmem>>, vector<1x16xf32>,
        %get3A_463 = vector.shape_cast %get3A_462 : vector<1x16xf32> to vector<16xf32>
        %mul3A_464 = arith.mulf %get3A_459, %get3A_463 : vector<16xf32>
        %add3A_465 = arith.addf %add3A_455, %mul3A_464 : vector<16xf32>
        %get3A_466 = arith.index_cast %add3A_437 : i32 to index
        %get3A_467 = arith.constant 48 : index
        %get3A_468 = tpu.vector_load %arg12[%get3A_466, %get3A_467] {strides = array<i32>} : memref<64x256xf32, #tpu.memory_space<vmem>>, vector<1x16xf32>,
        %get3A_469 = vector.shape_cast %get3A_468 : vector<1x16xf32> to vector<16xf32>
        %get3A_470 = arith.index_cast %add3A_437 : i32 to index
        %get3A_471 = arith.constant 48 : index
        %get3A_472 = tpu.vector_load %arg9[%get3A_470, %get3A_471] {strides = array<i32>} : memref<64x256xf32, #tpu.memory_space<vmem>>, vector<1x16xf32>,
        %get3A_473 = vector.shape_cast %get3A_472 : vector<1x16xf32> to vector<16xf32>
        %mul3A_474 = arith.mulf %get3A_469, %get3A_473 : vector<16xf32>
        %add3A_475 = arith.addf %add3A_465, %mul3A_474 : vector<16xf32>
        %get3A_476 = arith.index_cast %add3A_437 : i32 to index
        %get3A_477 = arith.constant 64 : index
        %get3A_478 = tpu.vector_load %arg12[%get3A_476, %get3A_477] {strides = array<i32>} : memref<64x256xf32, #tpu.memory_space<vmem>>, vector<1x16xf32>,
        %get3A_479 = vector.shape_cast %get3A_478 : vector<1x16xf32> to vector<16xf32>
        %get3A_480 = arith.index_cast %add3A_437 : i32 to index
        %get3A_481 = arith.constant 64 : index
        %get3A_482 = tpu.vector_load %arg9[%get3A_480, %get3A_481] {strides = array<i32>} : memref<64x256xf32, #tpu.memory_space<vmem>>, vector<1x16xf32>,
        %get3A_483 = vector.shape_cast %get3A_482 : vector<1x16xf32> to vector<16xf32>
        %mul3A_484 = arith.mulf %get3A_479, %get3A_483 : vector<16xf32>
        %add3A_485 = arith.addf %add3A_475, %mul3A_484 : vector<16xf32>
        %get3A_486 = arith.index_cast %add3A_437 : i32 to index
        %get3A_487 = arith.constant 80 : index
        %get3A_488 = tpu.vector_load %arg12[%get3A_486, %get3A_487] {strides = array<i32>} : memref<64x256xf32, #tpu.memory_space<vmem>>, vector<1x16xf32>,
        %get3A_489 = vector.shape_cast %get3A_488 : vector<1x16xf32> to vector<16xf32>
        %get3A_490 = arith.index_cast %add3A_437 : i32 to index
        %get3A_491 = arith.constant 80 : index
        %get3A_492 = tpu.vector_load %arg9[%get3A_490, %get3A_491] {strides = array<i32>} : memref<64x256xf32, #tpu.memory_space<vmem>>, vector<1x16xf32>,
        %get3A_493 = vector.shape_cast %get3A_492 : vector<1x16xf32> to vector<16xf32>
        %mul3A_494 = arith.mulf %get3A_489, %get3A_493 : vector<16xf32>
        %add3A_495 = arith.addf %add3A_485, %mul3A_494 : vector<16xf32>
        %get3A_496 = arith.index_cast %add3A_437 : i32 to index
        %get3A_497 = arith.constant 96 : index
        %get3A_498 = tpu.vector_load %arg12[%get3A_496, %get3A_497] {strides = array<i32>} : memref<64x256xf32, #tpu.memory_space<vmem>>, vector<1x16xf32>,
        %get3A_499 = vector.shape_cast %get3A_498 : vector<1x16xf32> to vector<16xf32>
        %get3A_500 = arith.index_cast %add3A_437 : i32 to index
        %get3A_501 = arith.constant 96 : index
        %get3A_502 = tpu.vector_load %arg9[%get3A_500, %get3A_501] {strides = array<i32>} : memref<64x256xf32, #tpu.memory_space<vmem>>, vector<1x16xf32>,
        %get3A_503 = vector.shape_cast %get3A_502 : vector<1x16xf32> to vector<16xf32>
        %mul3A_504 = arith.mulf %get3A_499, %get3A_503 : vector<16xf32>
        %add3A_505 = arith.addf %add3A_495, %mul3A_504 : vector<16xf32>
        %get3A_506 = arith.index_cast %add3A_437 : i32 to index
        %get3A_507 = arith.constant 112 : index
        %get3A_508 = tpu.vector_load %arg12[%get3A_506, %get3A_507] {strides = array<i32>} : memref<64x256xf32, #tpu.memory_space<vmem>>, vector<1x16xf32>,
        %get3A_509 = vector.shape_cast %get3A_508 : vector<1x16xf32> to vector<16xf32>
        %get3A_510 = arith.index_cast %add3A_437 : i32 to index
        %get3A_511 = arith.constant 112 : index
        %get3A_512 = tpu.vector_load %arg9[%get3A_510, %get3A_511] {strides = array<i32>} : memref<64x256xf32, #tpu.memory_space<vmem>>, vector<1x16xf32>,
        %get3A_513 = vector.shape_cast %get3A_512 : vector<1x16xf32> to vector<16xf32>
        %mul3A_514 = arith.mulf %get3A_509, %get3A_513 : vector<16xf32>
        %add3A_515 = arith.addf %add3A_505, %mul3A_514 : vector<16xf32>
        %get3A_516 = arith.index_cast %add3A_437 : i32 to index
        %get3A_517 = arith.constant 128 : index
        %get3A_518 = tpu.vector_load %arg12[%get3A_516, %get3A_517] {strides = array<i32>} : memref<64x256xf32, #tpu.memory_space<vmem>>, vector<1x16xf32>,
        %get3A_519 = vector.shape_cast %get3A_518 : vector<1x16xf32> to vector<16xf32>
        %get3A_520 = arith.index_cast %add3A_437 : i32 to index
        %get3A_521 = arith.constant 128 : index
        %get3A_522 = tpu.vector_load %arg9[%get3A_520, %get3A_521] {strides = array<i32>} : memref<64x256xf32, #tpu.memory_space<vmem>>, vector<1x16xf32>,
        %get3A_523 = vector.shape_cast %get3A_522 : vector<1x16xf32> to vector<16xf32>
        %mul3A_524 = arith.mulf %get3A_519, %get3A_523 : vector<16xf32>
        %add3A_525 = arith.addf %add3A_515, %mul3A_524 : vector<16xf32>
        %get3A_526 = arith.index_cast %add3A_437 : i32 to index
        %get3A_527 = arith.constant 144 : index
        %get3A_528 = tpu.vector_load %arg12[%get3A_526, %get3A_527] {strides = array<i32>} : memref<64x256xf32, #tpu.memory_space<vmem>>, vector<1x16xf32>,
        %get3A_529 = vector.shape_cast %get3A_528 : vector<1x16xf32> to vector<16xf32>
        %get3A_530 = arith.index_cast %add3A_437 : i32 to index
        %get3A_531 = arith.constant 144 : index
        %get3A_532 = tpu.vector_load %arg9[%get3A_530, %get3A_531] {strides = array<i32>} : memref<64x256xf32, #tpu.memory_space<vmem>>, vector<1x16xf32>,
        %get3A_533 = vector.shape_cast %get3A_532 : vector<1x16xf32> to vector<16xf32>
        %mul3A_534 = arith.mulf %get3A_529, %get3A_533 : vector<16xf32>
        %add3A_535 = arith.addf %add3A_525, %mul3A_534 : vector<16xf32>
        %get3A_536 = arith.index_cast %add3A_437 : i32 to index
        %get3A_537 = arith.constant 160 : index
        %get3A_538 = tpu.vector_load %arg12[%get3A_536, %get3A_537] {strides = array<i32>} : memref<64x256xf32, #tpu.memory_space<vmem>>, vector<1x16xf32>,
        %get3A_539 = vector.shape_cast %get3A_538 : vector<1x16xf32> to vector<16xf32>
        %get3A_540 = arith.index_cast %add3A_437 : i32 to index
        %get3A_541 = arith.constant 160 : index
        %get3A_542 = tpu.vector_load %arg9[%get3A_540, %get3A_541] {strides = array<i32>} : memref<64x256xf32, #tpu.memory_space<vmem>>, vector<1x16xf32>,
        %get3A_543 = vector.shape_cast %get3A_542 : vector<1x16xf32> to vector<16xf32>
        %mul3A_544 = arith.mulf %get3A_539, %get3A_543 : vector<16xf32>
        %add3A_545 = arith.addf %add3A_535, %mul3A_544 : vector<16xf32>
        %get3A_546 = arith.index_cast %add3A_437 : i32 to index
        %get3A_547 = arith.constant 176 : index
        %get3A_548 = tpu.vector_load %arg12[%get3A_546, %get3A_547] {strides = array<i32>} : memref<64x256xf32, #tpu.memory_space<vmem>>, vector<1x16xf32>,
        %get3A_549 = vector.shape_cast %get3A_548 : vector<1x16xf32> to vector<16xf32>
        %get3A_550 = arith.index_cast %add3A_437 : i32 to index
        %get3A_551 = arith.constant 176 : index
        %get3A_552 = tpu.vector_load %arg9[%get3A_550, %get3A_551] {strides = array<i32>} : memref<64x256xf32, #tpu.memory_space<vmem>>, vector<1x16xf32>,
        %get3A_553 = vector.shape_cast %get3A_552 : vector<1x16xf32> to vector<16xf32>
        %mul3A_554 = arith.mulf %get3A_549, %get3A_553 : vector<16xf32>
        %add3A_555 = arith.addf %add3A_545, %mul3A_554 : vector<16xf32>
        %get3A_556 = arith.index_cast %add3A_437 : i32 to index
        %get3A_557 = arith.constant 192 : index
        %get3A_558 = tpu.vector_load %arg12[%get3A_556, %get3A_557] {strides = array<i32>} : memref<64x256xf32, #tpu.memory_space<vmem>>, vector<1x16xf32>,
        %get3A_559 = vector.shape_cast %get3A_558 : vector<1x16xf32> to vector<16xf32>
        %get3A_560 = arith.index_cast %add3A_437 : i32 to index
        %get3A_561 = arith.constant 192 : index
        %get3A_562 = tpu.vector_load %arg9[%get3A_560, %get3A_561] {strides = array<i32>} : memref<64x256xf32, #tpu.memory_space<vmem>>, vector<1x16xf32>,
        %get3A_563 = vector.shape_cast %get3A_562 : vector<1x16xf32> to vector<16xf32>
        %mul3A_564 = arith.mulf %get3A_559, %get3A_563 : vector<16xf32>
        %add3A_565 = arith.addf %add3A_555, %mul3A_564 : vector<16xf32>
        %get3A_566 = arith.index_cast %add3A_437 : i32 to index
        %get3A_567 = arith.constant 208 : index
        %get3A_568 = tpu.vector_load %arg12[%get3A_566, %get3A_567] {strides = array<i32>} : memref<64x256xf32, #tpu.memory_space<vmem>>, vector<1x16xf32>,
        %get3A_569 = vector.shape_cast %get3A_568 : vector<1x16xf32> to vector<16xf32>
        %get3A_570 = arith.index_cast %add3A_437 : i32 to index
        %get3A_571 = arith.constant 208 : index
        %get3A_572 = tpu.vector_load %arg9[%get3A_570, %get3A_571] {strides = array<i32>} : memref<64x256xf32, #tpu.memory_space<vmem>>, vector<1x16xf32>,
        %get3A_573 = vector.shape_cast %get3A_572 : vector<1x16xf32> to vector<16xf32>
        %mul3A_574 = arith.mulf %get3A_569, %get3A_573 : vector<16xf32>
        %add3A_575 = arith.addf %add3A_565, %mul3A_574 : vector<16xf32>
        %get3A_576 = arith.index_cast %add3A_437 : i32 to index
        %get3A_577 = arith.constant 224 : index
        %get3A_578 = tpu.vector_load %arg12[%get3A_576, %get3A_577] {strides = array<i32>} : memref<64x256xf32, #tpu.memory_space<vmem>>, vector<1x16xf32>,
        %get3A_579 = vector.shape_cast %get3A_578 : vector<1x16xf32> to vector<16xf32>
        %get3A_580 = arith.index_cast %add3A_437 : i32 to index
        %get3A_581 = arith.constant 224 : index
        %get3A_582 = tpu.vector_load %arg9[%get3A_580, %get3A_581] {strides = array<i32>} : memref<64x256xf32, #tpu.memory_space<vmem>>, vector<1x16xf32>,
        %get3A_583 = vector.shape_cast %get3A_582 : vector<1x16xf32> to vector<16xf32>
        %mul3A_584 = arith.mulf %get3A_579, %get3A_583 : vector<16xf32>
        %add3A_585 = arith.addf %add3A_575, %mul3A_584 : vector<16xf32>
        %get3A_586 = arith.index_cast %add3A_437 : i32 to index
        %get3A_587 = arith.constant 240 : index
        %get3A_588 = tpu.vector_load %arg12[%get3A_586, %get3A_587] {strides = array<i32>} : memref<64x256xf32, #tpu.memory_space<vmem>>, vector<1x16xf32>,
        %get3A_589 = vector.shape_cast %get3A_588 : vector<1x16xf32> to vector<16xf32>
        %get3A_590 = arith.index_cast %add3A_437 : i32 to index
        %get3A_591 = arith.constant 240 : index
        %get3A_592 = tpu.vector_load %arg9[%get3A_590, %get3A_591] {strides = array<i32>} : memref<64x256xf32, #tpu.memory_space<vmem>>, vector<1x16xf32>,
        %get3A_593 = vector.shape_cast %get3A_592 : vector<1x16xf32> to vector<16xf32>
        %mul3A_594 = arith.mulf %get3A_589, %get3A_593 : vector<16xf32>
        %add3A_595 = arith.addf %add3A_585, %mul3A_594 : vector<16xf32>
        %xor3A = arith.constant 8 : i32
        %xor3A_596 = vector.broadcast %xor3A : i32 to vector<16xi32>
        %xor3A_597 = arith.xori %iota3A, %xor3A_596 : vector<16xi32>
        %reshape3A = vector.shape_cast %xor3A_597 : vector<16xi32> to vector<16x1xi32>
        %gather3A = vector.shape_cast %reshape3A : vector<16x1xi32> to vector<16xi32>
        %gather3A_598 = tpu.dynamic_gather %add3A_595[%gather3A] in [0] : vector<16xf32>, vector<16xi32> -> vector<16xf32>
        %add3A_599 = arith.addf %add3A_595, %gather3A_598 : vector<16xf32>
        %xor3A_600 = arith.constant 4 : i32
        %xor3A_601 = vector.broadcast %xor3A_600 : i32 to vector<16xi32>
        %xor3A_602 = arith.xori %iota3A, %xor3A_601 : vector<16xi32>
        %reshape3A_603 = vector.shape_cast %xor3A_602 : vector<16xi32> to vector<16x1xi32>
        %gather3A_604 = vector.shape_cast %reshape3A_603 : vector<16x1xi32> to vector<16xi32>
        %gather3A_605 = tpu.dynamic_gather %add3A_599[%gather3A_604] in [0] : vector<16xf32>, vector<16xi32> -> vector<16xf32>
        %add3A_606 = arith.addf %add3A_599, %gather3A_605 : vector<16xf32>
        %xor3A_607 = arith.constant 2 : i32
        %xor3A_608 = vector.broadcast %xor3A_607 : i32 to vector<16xi32>
        %xor3A_609 = arith.xori %iota3A, %xor3A_608 : vector<16xi32>
        %reshape3A_610 = vector.shape_cast %xor3A_609 : vector<16xi32> to vector<16x1xi32>
        %gather3A_611 = vector.shape_cast %reshape3A_610 : vector<16x1xi32> to vector<16xi32>
        %gather3A_612 = tpu.dynamic_gather %add3A_606[%gather3A_611] in [0] : vector<16xf32>, vector<16xi32> -> vector<16xf32>
        %add3A_613 = arith.addf %add3A_606, %gather3A_612 : vector<16xf32>
        %xor3A_614 = arith.constant 1 : i32
        %xor3A_615 = vector.broadcast %xor3A_614 : i32 to vector<16xi32>
        %xor3A_616 = arith.xori %iota3A, %xor3A_615 : vector<16xi32>
        %reshape3A_617 = vector.shape_cast %xor3A_616 : vector<16xi32> to vector<16x1xi32>
        %gather3A_618 = vector.shape_cast %reshape3A_617 : vector<16x1xi32> to vector<16xi32>
        %gather3A_619 = tpu.dynamic_gather %add3A_613[%gather3A_618] in [0] : vector<16xf32>, vector<16xi32> -> vector<16xf32>
        %add3A_620 = arith.addf %add3A_613, %gather3A_619 : vector<16xf32>
        %eq3A = vector.broadcast %scan3A_434 : i32 to vector<16xi32>
        %eq3A_621 = arith.cmpi eq, %iota3A, %eq3A : vector<16xi32>
        %select_n3A = arith.select %eq3A_621, %add3A_620, %scan3A_435 : vector<16xi1>, vector<16xf32>
        scf.yield %select_n3A : vector<16xf32>
      }
      %scan3A_133 = arith.constant 16 : i32
      %neg3A_134 = arith.constant 0.000000e+00 : f32
      %neg3A_135 = vector.broadcast %neg3A_134 : f32 to vector<16xf32>
      %neg3A_136 = arith.subf %neg3A_135, %scan3A_132 : vector<16xf32>
      %exp3A_137 = math.exp %neg3A_136 : vector<16xf32>
      %add3A_138 = arith.constant 1.000000e+00 : f32
      %add3A_139 = vector.broadcast %add3A_138 : f32 to vector<16xf32>
      %add3A_140 = arith.addf %add3A_139, %exp3A_137 : vector<16xf32>
      %div3A_141 = arith.constant 1.000000e+00 : f32
      %div3A_142 = vector.broadcast %div3A_141 : f32 to vector<16xf32>
      %div3A_143 = arith.divf %div3A_142, %add3A_140 : vector<16xf32>
      %add3A_144 = arith.constant 16 : i32
      %add3A_145 = arith.addi %mul3A_101, %add3A_144 : i32
      %swap3A_146 = arith.index_cast %add3A_145 : i32 to index
      %swap3A_147 = tpu.vector_load %arg8[%swap3A_146] {strides = array<i32>} : memref<5008xf32, #tpu.memory_space<vmem>>, vector<16xf32>,
      %swap3A_148 = vector.shape_cast %swap3A_147 : vector<16xf32> to vector<16xf32>
      %swap3A_149 = vector.shape_cast %div3A_143 : vector<16xf32> to vector<16xf32>
      tpu.vector_store %arg8[%swap3A_146], %swap3A_149 {strides = array<i32>} : memref<5008xf32, #tpu.memory_space<vmem>>, vector<16xf32>,
      %broadcast_in_dim3A_150 = arith.constant 0.000000e+00 : f32
      %broadcast_in_dim3A_151 = vector.broadcast %broadcast_in_dim3A_150 : f32 to vector<16xf32>
      %scan3A_152 = arith.constant 0 : i32
      %scan3A_153 = arith.constant 16 : i32
      %scan3A_154 = arith.addi %scan3A_152, %scan3A_153 : i32
      %scan3A_155 = arith.constant 1 : i32
      %scan3A_156 = scf.for %scan3A_434 = %scan3A_152 to %scan3A_154 step %scan3A_155 iter_args(%scan3A_435 = %broadcast_in_dim3A_151) -> (vector<16xf32>)  : i32 {
        %add3A_436 = arith.constant 32 : i32
        %add3A_437 = arith.addi %add3A_436, %scan3A_434 : i32
        %get3A = arith.index_cast %add3A_437 : i32 to index
        %get3A_438 = arith.constant 0 : index
        %get3A_439 = tpu.vector_load %arg12[%get3A, %get3A_438] {strides = array<i32>} : memref<64x256xf32, #tpu.memory_space<vmem>>, vector<1x16xf32>,
        %get3A_440 = vector.shape_cast %get3A_439 : vector<1x16xf32> to vector<16xf32>
        %get3A_441 = arith.index_cast %add3A_437 : i32 to index
        %get3A_442 = arith.constant 0 : index
        %get3A_443 = tpu.vector_load %arg9[%get3A_441, %get3A_442] {strides = array<i32>} : memref<64x256xf32, #tpu.memory_space<vmem>>, vector<1x16xf32>,
        %get3A_444 = vector.shape_cast %get3A_443 : vector<1x16xf32> to vector<16xf32>
        %mul3A_445 = arith.mulf %get3A_440, %get3A_444 : vector<16xf32>
        %get3A_446 = arith.index_cast %add3A_437 : i32 to index
        %get3A_447 = arith.constant 16 : index
        %get3A_448 = tpu.vector_load %arg12[%get3A_446, %get3A_447] {strides = array<i32>} : memref<64x256xf32, #tpu.memory_space<vmem>>, vector<1x16xf32>,
        %get3A_449 = vector.shape_cast %get3A_448 : vector<1x16xf32> to vector<16xf32>
        %get3A_450 = arith.index_cast %add3A_437 : i32 to index
        %get3A_451 = arith.constant 16 : index
        %get3A_452 = tpu.vector_load %arg9[%get3A_450, %get3A_451] {strides = array<i32>} : memref<64x256xf32, #tpu.memory_space<vmem>>, vector<1x16xf32>,
        %get3A_453 = vector.shape_cast %get3A_452 : vector<1x16xf32> to vector<16xf32>
        %mul3A_454 = arith.mulf %get3A_449, %get3A_453 : vector<16xf32>
        %add3A_455 = arith.addf %mul3A_445, %mul3A_454 : vector<16xf32>
        %get3A_456 = arith.index_cast %add3A_437 : i32 to index
        %get3A_457 = arith.constant 32 : index
        %get3A_458 = tpu.vector_load %arg12[%get3A_456, %get3A_457] {strides = array<i32>} : memref<64x256xf32, #tpu.memory_space<vmem>>, vector<1x16xf32>,
        %get3A_459 = vector.shape_cast %get3A_458 : vector<1x16xf32> to vector<16xf32>
        %get3A_460 = arith.index_cast %add3A_437 : i32 to index
        %get3A_461 = arith.constant 32 : index
        %get3A_462 = tpu.vector_load %arg9[%get3A_460, %get3A_461] {strides = array<i32>} : memref<64x256xf32, #tpu.memory_space<vmem>>, vector<1x16xf32>,
        %get3A_463 = vector.shape_cast %get3A_462 : vector<1x16xf32> to vector<16xf32>
        %mul3A_464 = arith.mulf %get3A_459, %get3A_463 : vector<16xf32>
        %add3A_465 = arith.addf %add3A_455, %mul3A_464 : vector<16xf32>
        %get3A_466 = arith.index_cast %add3A_437 : i32 to index
        %get3A_467 = arith.constant 48 : index
        %get3A_468 = tpu.vector_load %arg12[%get3A_466, %get3A_467] {strides = array<i32>} : memref<64x256xf32, #tpu.memory_space<vmem>>, vector<1x16xf32>,
        %get3A_469 = vector.shape_cast %get3A_468 : vector<1x16xf32> to vector<16xf32>
        %get3A_470 = arith.index_cast %add3A_437 : i32 to index
        %get3A_471 = arith.constant 48 : index
        %get3A_472 = tpu.vector_load %arg9[%get3A_470, %get3A_471] {strides = array<i32>} : memref<64x256xf32, #tpu.memory_space<vmem>>, vector<1x16xf32>,
        %get3A_473 = vector.shape_cast %get3A_472 : vector<1x16xf32> to vector<16xf32>
        %mul3A_474 = arith.mulf %get3A_469, %get3A_473 : vector<16xf32>
        %add3A_475 = arith.addf %add3A_465, %mul3A_474 : vector<16xf32>
        %get3A_476 = arith.index_cast %add3A_437 : i32 to index
        %get3A_477 = arith.constant 64 : index
        %get3A_478 = tpu.vector_load %arg12[%get3A_476, %get3A_477] {strides = array<i32>} : memref<64x256xf32, #tpu.memory_space<vmem>>, vector<1x16xf32>,
        %get3A_479 = vector.shape_cast %get3A_478 : vector<1x16xf32> to vector<16xf32>
        %get3A_480 = arith.index_cast %add3A_437 : i32 to index
        %get3A_481 = arith.constant 64 : index
        %get3A_482 = tpu.vector_load %arg9[%get3A_480, %get3A_481] {strides = array<i32>} : memref<64x256xf32, #tpu.memory_space<vmem>>, vector<1x16xf32>,
        %get3A_483 = vector.shape_cast %get3A_482 : vector<1x16xf32> to vector<16xf32>
        %mul3A_484 = arith.mulf %get3A_479, %get3A_483 : vector<16xf32>
        %add3A_485 = arith.addf %add3A_475, %mul3A_484 : vector<16xf32>
        %get3A_486 = arith.index_cast %add3A_437 : i32 to index
        %get3A_487 = arith.constant 80 : index
        %get3A_488 = tpu.vector_load %arg12[%get3A_486, %get3A_487] {strides = array<i32>} : memref<64x256xf32, #tpu.memory_space<vmem>>, vector<1x16xf32>,
        %get3A_489 = vector.shape_cast %get3A_488 : vector<1x16xf32> to vector<16xf32>
        %get3A_490 = arith.index_cast %add3A_437 : i32 to index
        %get3A_491 = arith.constant 80 : index
        %get3A_492 = tpu.vector_load %arg9[%get3A_490, %get3A_491] {strides = array<i32>} : memref<64x256xf32, #tpu.memory_space<vmem>>, vector<1x16xf32>,
        %get3A_493 = vector.shape_cast %get3A_492 : vector<1x16xf32> to vector<16xf32>
        %mul3A_494 = arith.mulf %get3A_489, %get3A_493 : vector<16xf32>
        %add3A_495 = arith.addf %add3A_485, %mul3A_494 : vector<16xf32>
        %get3A_496 = arith.index_cast %add3A_437 : i32 to index
        %get3A_497 = arith.constant 96 : index
        %get3A_498 = tpu.vector_load %arg12[%get3A_496, %get3A_497] {strides = array<i32>} : memref<64x256xf32, #tpu.memory_space<vmem>>, vector<1x16xf32>,
        %get3A_499 = vector.shape_cast %get3A_498 : vector<1x16xf32> to vector<16xf32>
        %get3A_500 = arith.index_cast %add3A_437 : i32 to index
        %get3A_501 = arith.constant 96 : index
        %get3A_502 = tpu.vector_load %arg9[%get3A_500, %get3A_501] {strides = array<i32>} : memref<64x256xf32, #tpu.memory_space<vmem>>, vector<1x16xf32>,
        %get3A_503 = vector.shape_cast %get3A_502 : vector<1x16xf32> to vector<16xf32>
        %mul3A_504 = arith.mulf %get3A_499, %get3A_503 : vector<16xf32>
        %add3A_505 = arith.addf %add3A_495, %mul3A_504 : vector<16xf32>
        %get3A_506 = arith.index_cast %add3A_437 : i32 to index
        %get3A_507 = arith.constant 112 : index
        %get3A_508 = tpu.vector_load %arg12[%get3A_506, %get3A_507] {strides = array<i32>} : memref<64x256xf32, #tpu.memory_space<vmem>>, vector<1x16xf32>,
        %get3A_509 = vector.shape_cast %get3A_508 : vector<1x16xf32> to vector<16xf32>
        %get3A_510 = arith.index_cast %add3A_437 : i32 to index
        %get3A_511 = arith.constant 112 : index
        %get3A_512 = tpu.vector_load %arg9[%get3A_510, %get3A_511] {strides = array<i32>} : memref<64x256xf32, #tpu.memory_space<vmem>>, vector<1x16xf32>,
        %get3A_513 = vector.shape_cast %get3A_512 : vector<1x16xf32> to vector<16xf32>
        %mul3A_514 = arith.mulf %get3A_509, %get3A_513 : vector<16xf32>
        %add3A_515 = arith.addf %add3A_505, %mul3A_514 : vector<16xf32>
        %get3A_516 = arith.index_cast %add3A_437 : i32 to index
        %get3A_517 = arith.constant 128 : index
        %get3A_518 = tpu.vector_load %arg12[%get3A_516, %get3A_517] {strides = array<i32>} : memref<64x256xf32, #tpu.memory_space<vmem>>, vector<1x16xf32>,
        %get3A_519 = vector.shape_cast %get3A_518 : vector<1x16xf32> to vector<16xf32>
        %get3A_520 = arith.index_cast %add3A_437 : i32 to index
        %get3A_521 = arith.constant 128 : index
        %get3A_522 = tpu.vector_load %arg9[%get3A_520, %get3A_521] {strides = array<i32>} : memref<64x256xf32, #tpu.memory_space<vmem>>, vector<1x16xf32>,
        %get3A_523 = vector.shape_cast %get3A_522 : vector<1x16xf32> to vector<16xf32>
        %mul3A_524 = arith.mulf %get3A_519, %get3A_523 : vector<16xf32>
        %add3A_525 = arith.addf %add3A_515, %mul3A_524 : vector<16xf32>
        %get3A_526 = arith.index_cast %add3A_437 : i32 to index
        %get3A_527 = arith.constant 144 : index
        %get3A_528 = tpu.vector_load %arg12[%get3A_526, %get3A_527] {strides = array<i32>} : memref<64x256xf32, #tpu.memory_space<vmem>>, vector<1x16xf32>,
        %get3A_529 = vector.shape_cast %get3A_528 : vector<1x16xf32> to vector<16xf32>
        %get3A_530 = arith.index_cast %add3A_437 : i32 to index
        %get3A_531 = arith.constant 144 : index
        %get3A_532 = tpu.vector_load %arg9[%get3A_530, %get3A_531] {strides = array<i32>} : memref<64x256xf32, #tpu.memory_space<vmem>>, vector<1x16xf32>,
        %get3A_533 = vector.shape_cast %get3A_532 : vector<1x16xf32> to vector<16xf32>
        %mul3A_534 = arith.mulf %get3A_529, %get3A_533 : vector<16xf32>
        %add3A_535 = arith.addf %add3A_525, %mul3A_534 : vector<16xf32>
        %get3A_536 = arith.index_cast %add3A_437 : i32 to index
        %get3A_537 = arith.constant 160 : index
        %get3A_538 = tpu.vector_load %arg12[%get3A_536, %get3A_537] {strides = array<i32>} : memref<64x256xf32, #tpu.memory_space<vmem>>, vector<1x16xf32>,
        %get3A_539 = vector.shape_cast %get3A_538 : vector<1x16xf32> to vector<16xf32>
        %get3A_540 = arith.index_cast %add3A_437 : i32 to index
        %get3A_541 = arith.constant 160 : index
        %get3A_542 = tpu.vector_load %arg9[%get3A_540, %get3A_541] {strides = array<i32>} : memref<64x256xf32, #tpu.memory_space<vmem>>, vector<1x16xf32>,
        %get3A_543 = vector.shape_cast %get3A_542 : vector<1x16xf32> to vector<16xf32>
        %mul3A_544 = arith.mulf %get3A_539, %get3A_543 : vector<16xf32>
        %add3A_545 = arith.addf %add3A_535, %mul3A_544 : vector<16xf32>
        %get3A_546 = arith.index_cast %add3A_437 : i32 to index
        %get3A_547 = arith.constant 176 : index
        %get3A_548 = tpu.vector_load %arg12[%get3A_546, %get3A_547] {strides = array<i32>} : memref<64x256xf32, #tpu.memory_space<vmem>>, vector<1x16xf32>,
        %get3A_549 = vector.shape_cast %get3A_548 : vector<1x16xf32> to vector<16xf32>
        %get3A_550 = arith.index_cast %add3A_437 : i32 to index
        %get3A_551 = arith.constant 176 : index
        %get3A_552 = tpu.vector_load %arg9[%get3A_550, %get3A_551] {strides = array<i32>} : memref<64x256xf32, #tpu.memory_space<vmem>>, vector<1x16xf32>,
        %get3A_553 = vector.shape_cast %get3A_552 : vector<1x16xf32> to vector<16xf32>
        %mul3A_554 = arith.mulf %get3A_549, %get3A_553 : vector<16xf32>
        %add3A_555 = arith.addf %add3A_545, %mul3A_554 : vector<16xf32>
        %get3A_556 = arith.index_cast %add3A_437 : i32 to index
        %get3A_557 = arith.constant 192 : index
        %get3A_558 = tpu.vector_load %arg12[%get3A_556, %get3A_557] {strides = array<i32>} : memref<64x256xf32, #tpu.memory_space<vmem>>, vector<1x16xf32>,
        %get3A_559 = vector.shape_cast %get3A_558 : vector<1x16xf32> to vector<16xf32>
        %get3A_560 = arith.index_cast %add3A_437 : i32 to index
        %get3A_561 = arith.constant 192 : index
        %get3A_562 = tpu.vector_load %arg9[%get3A_560, %get3A_561] {strides = array<i32>} : memref<64x256xf32, #tpu.memory_space<vmem>>, vector<1x16xf32>,
        %get3A_563 = vector.shape_cast %get3A_562 : vector<1x16xf32> to vector<16xf32>
        %mul3A_564 = arith.mulf %get3A_559, %get3A_563 : vector<16xf32>
        %add3A_565 = arith.addf %add3A_555, %mul3A_564 : vector<16xf32>
        %get3A_566 = arith.index_cast %add3A_437 : i32 to index
        %get3A_567 = arith.constant 208 : index
        %get3A_568 = tpu.vector_load %arg12[%get3A_566, %get3A_567] {strides = array<i32>} : memref<64x256xf32, #tpu.memory_space<vmem>>, vector<1x16xf32>,
        %get3A_569 = vector.shape_cast %get3A_568 : vector<1x16xf32> to vector<16xf32>
        %get3A_570 = arith.index_cast %add3A_437 : i32 to index
        %get3A_571 = arith.constant 208 : index
        %get3A_572 = tpu.vector_load %arg9[%get3A_570, %get3A_571] {strides = array<i32>} : memref<64x256xf32, #tpu.memory_space<vmem>>, vector<1x16xf32>,
        %get3A_573 = vector.shape_cast %get3A_572 : vector<1x16xf32> to vector<16xf32>
        %mul3A_574 = arith.mulf %get3A_569, %get3A_573 : vector<16xf32>
        %add3A_575 = arith.addf %add3A_565, %mul3A_574 : vector<16xf32>
        %get3A_576 = arith.index_cast %add3A_437 : i32 to index
        %get3A_577 = arith.constant 224 : index
        %get3A_578 = tpu.vector_load %arg12[%get3A_576, %get3A_577] {strides = array<i32>} : memref<64x256xf32, #tpu.memory_space<vmem>>, vector<1x16xf32>,
        %get3A_579 = vector.shape_cast %get3A_578 : vector<1x16xf32> to vector<16xf32>
        %get3A_580 = arith.index_cast %add3A_437 : i32 to index
        %get3A_581 = arith.constant 224 : index
        %get3A_582 = tpu.vector_load %arg9[%get3A_580, %get3A_581] {strides = array<i32>} : memref<64x256xf32, #tpu.memory_space<vmem>>, vector<1x16xf32>,
        %get3A_583 = vector.shape_cast %get3A_582 : vector<1x16xf32> to vector<16xf32>
        %mul3A_584 = arith.mulf %get3A_579, %get3A_583 : vector<16xf32>
        %add3A_585 = arith.addf %add3A_575, %mul3A_584 : vector<16xf32>
        %get3A_586 = arith.index_cast %add3A_437 : i32 to index
        %get3A_587 = arith.constant 240 : index
        %get3A_588 = tpu.vector_load %arg12[%get3A_586, %get3A_587] {strides = array<i32>} : memref<64x256xf32, #tpu.memory_space<vmem>>, vector<1x16xf32>,
        %get3A_589 = vector.shape_cast %get3A_588 : vector<1x16xf32> to vector<16xf32>
        %get3A_590 = arith.index_cast %add3A_437 : i32 to index
        %get3A_591 = arith.constant 240 : index
        %get3A_592 = tpu.vector_load %arg9[%get3A_590, %get3A_591] {strides = array<i32>} : memref<64x256xf32, #tpu.memory_space<vmem>>, vector<1x16xf32>,
        %get3A_593 = vector.shape_cast %get3A_592 : vector<1x16xf32> to vector<16xf32>
        %mul3A_594 = arith.mulf %get3A_589, %get3A_593 : vector<16xf32>
        %add3A_595 = arith.addf %add3A_585, %mul3A_594 : vector<16xf32>
        %xor3A = arith.constant 8 : i32
        %xor3A_596 = vector.broadcast %xor3A : i32 to vector<16xi32>
        %xor3A_597 = arith.xori %iota3A, %xor3A_596 : vector<16xi32>
        %reshape3A = vector.shape_cast %xor3A_597 : vector<16xi32> to vector<16x1xi32>
        %gather3A = vector.shape_cast %reshape3A : vector<16x1xi32> to vector<16xi32>
        %gather3A_598 = tpu.dynamic_gather %add3A_595[%gather3A] in [0] : vector<16xf32>, vector<16xi32> -> vector<16xf32>
        %add3A_599 = arith.addf %add3A_595, %gather3A_598 : vector<16xf32>
        %xor3A_600 = arith.constant 4 : i32
        %xor3A_601 = vector.broadcast %xor3A_600 : i32 to vector<16xi32>
        %xor3A_602 = arith.xori %iota3A, %xor3A_601 : vector<16xi32>
        %reshape3A_603 = vector.shape_cast %xor3A_602 : vector<16xi32> to vector<16x1xi32>
        %gather3A_604 = vector.shape_cast %reshape3A_603 : vector<16x1xi32> to vector<16xi32>
        %gather3A_605 = tpu.dynamic_gather %add3A_599[%gather3A_604] in [0] : vector<16xf32>, vector<16xi32> -> vector<16xf32>
        %add3A_606 = arith.addf %add3A_599, %gather3A_605 : vector<16xf32>
        %xor3A_607 = arith.constant 2 : i32
        %xor3A_608 = vector.broadcast %xor3A_607 : i32 to vector<16xi32>
        %xor3A_609 = arith.xori %iota3A, %xor3A_608 : vector<16xi32>
        %reshape3A_610 = vector.shape_cast %xor3A_609 : vector<16xi32> to vector<16x1xi32>
        %gather3A_611 = vector.shape_cast %reshape3A_610 : vector<16x1xi32> to vector<16xi32>
        %gather3A_612 = tpu.dynamic_gather %add3A_606[%gather3A_611] in [0] : vector<16xf32>, vector<16xi32> -> vector<16xf32>
        %add3A_613 = arith.addf %add3A_606, %gather3A_612 : vector<16xf32>
        %xor3A_614 = arith.constant 1 : i32
        %xor3A_615 = vector.broadcast %xor3A_614 : i32 to vector<16xi32>
        %xor3A_616 = arith.xori %iota3A, %xor3A_615 : vector<16xi32>
        %reshape3A_617 = vector.shape_cast %xor3A_616 : vector<16xi32> to vector<16x1xi32>
        %gather3A_618 = vector.shape_cast %reshape3A_617 : vector<16x1xi32> to vector<16xi32>
        %gather3A_619 = tpu.dynamic_gather %add3A_613[%gather3A_618] in [0] : vector<16xf32>, vector<16xi32> -> vector<16xf32>
        %add3A_620 = arith.addf %add3A_613, %gather3A_619 : vector<16xf32>
        %eq3A = vector.broadcast %scan3A_434 : i32 to vector<16xi32>
        %eq3A_621 = arith.cmpi eq, %iota3A, %eq3A : vector<16xi32>
        %select_n3A = arith.select %eq3A_621, %add3A_620, %scan3A_435 : vector<16xi1>, vector<16xf32>
        scf.yield %select_n3A : vector<16xf32>
      }
      %scan3A_157 = arith.constant 16 : i32
      %neg3A_158 = arith.constant 0.000000e+00 : f32
      %neg3A_159 = vector.broadcast %neg3A_158 : f32 to vector<16xf32>
      %neg3A_160 = arith.subf %neg3A_159, %scan3A_156 : vector<16xf32>
      %exp3A_161 = math.exp %neg3A_160 : vector<16xf32>
      %add3A_162 = arith.constant 1.000000e+00 : f32
      %add3A_163 = vector.broadcast %add3A_162 : f32 to vector<16xf32>
      %add3A_164 = arith.addf %add3A_163, %exp3A_161 : vector<16xf32>
      %div3A_165 = arith.constant 1.000000e+00 : f32
      %div3A_166 = vector.broadcast %div3A_165 : f32 to vector<16xf32>
      %div3A_167 = arith.divf %div3A_166, %add3A_164 : vector<16xf32>
      %add3A_168 = arith.constant 32 : i32
      %add3A_169 = arith.addi %mul3A_101, %add3A_168 : i32
      %swap3A_170 = arith.index_cast %add3A_169 : i32 to index
      %swap3A_171 = tpu.vector_load %arg8[%swap3A_170] {strides = array<i32>} : memref<5008xf32, #tpu.memory_space<vmem>>, vector<16xf32>,
      %swap3A_172 = vector.shape_cast %swap3A_171 : vector<16xf32> to vector<16xf32>
      %swap3A_173 = vector.shape_cast %div3A_167 : vector<16xf32> to vector<16xf32>
      tpu.vector_store %arg8[%swap3A_170], %swap3A_173 {strides = array<i32>} : memref<5008xf32, #tpu.memory_space<vmem>>, vector<16xf32>,
      %broadcast_in_dim3A_174 = arith.constant 0.000000e+00 : f32
      %broadcast_in_dim3A_175 = vector.broadcast %broadcast_in_dim3A_174 : f32 to vector<16xf32>
      %scan3A_176 = arith.constant 0 : i32
      %scan3A_177 = arith.constant 16 : i32
      %scan3A_178 = arith.addi %scan3A_176, %scan3A_177 : i32
      %scan3A_179 = arith.constant 1 : i32
      %scan3A_180 = scf.for %scan3A_434 = %scan3A_176 to %scan3A_178 step %scan3A_179 iter_args(%scan3A_435 = %broadcast_in_dim3A_175) -> (vector<16xf32>)  : i32 {
        %add3A_436 = arith.constant 48 : i32
        %add3A_437 = arith.addi %add3A_436, %scan3A_434 : i32
        %get3A = arith.index_cast %add3A_437 : i32 to index
        %get3A_438 = arith.constant 0 : index
        %get3A_439 = tpu.vector_load %arg12[%get3A, %get3A_438] {strides = array<i32>} : memref<64x256xf32, #tpu.memory_space<vmem>>, vector<1x16xf32>,
        %get3A_440 = vector.shape_cast %get3A_439 : vector<1x16xf32> to vector<16xf32>
        %get3A_441 = arith.index_cast %add3A_437 : i32 to index
        %get3A_442 = arith.constant 0 : index
        %get3A_443 = tpu.vector_load %arg9[%get3A_441, %get3A_442] {strides = array<i32>} : memref<64x256xf32, #tpu.memory_space<vmem>>, vector<1x16xf32>,
        %get3A_444 = vector.shape_cast %get3A_443 : vector<1x16xf32> to vector<16xf32>
        %mul3A_445 = arith.mulf %get3A_440, %get3A_444 : vector<16xf32>
        %get3A_446 = arith.index_cast %add3A_437 : i32 to index
        %get3A_447 = arith.constant 16 : index
        %get3A_448 = tpu.vector_load %arg12[%get3A_446, %get3A_447] {strides = array<i32>} : memref<64x256xf32, #tpu.memory_space<vmem>>, vector<1x16xf32>,
        %get3A_449 = vector.shape_cast %get3A_448 : vector<1x16xf32> to vector<16xf32>
        %get3A_450 = arith.index_cast %add3A_437 : i32 to index
        %get3A_451 = arith.constant 16 : index
        %get3A_452 = tpu.vector_load %arg9[%get3A_450, %get3A_451] {strides = array<i32>} : memref<64x256xf32, #tpu.memory_space<vmem>>, vector<1x16xf32>,
        %get3A_453 = vector.shape_cast %get3A_452 : vector<1x16xf32> to vector<16xf32>
        %mul3A_454 = arith.mulf %get3A_449, %get3A_453 : vector<16xf32>
        %add3A_455 = arith.addf %mul3A_445, %mul3A_454 : vector<16xf32>
        %get3A_456 = arith.index_cast %add3A_437 : i32 to index
        %get3A_457 = arith.constant 32 : index
        %get3A_458 = tpu.vector_load %arg12[%get3A_456, %get3A_457] {strides = array<i32>} : memref<64x256xf32, #tpu.memory_space<vmem>>, vector<1x16xf32>,
        %get3A_459 = vector.shape_cast %get3A_458 : vector<1x16xf32> to vector<16xf32>
        %get3A_460 = arith.index_cast %add3A_437 : i32 to index
        %get3A_461 = arith.constant 32 : index
        %get3A_462 = tpu.vector_load %arg9[%get3A_460, %get3A_461] {strides = array<i32>} : memref<64x256xf32, #tpu.memory_space<vmem>>, vector<1x16xf32>,
        %get3A_463 = vector.shape_cast %get3A_462 : vector<1x16xf32> to vector<16xf32>
        %mul3A_464 = arith.mulf %get3A_459, %get3A_463 : vector<16xf32>
        %add3A_465 = arith.addf %add3A_455, %mul3A_464 : vector<16xf32>
        %get3A_466 = arith.index_cast %add3A_437 : i32 to index
        %get3A_467 = arith.constant 48 : index
        %get3A_468 = tpu.vector_load %arg12[%get3A_466, %get3A_467] {strides = array<i32>} : memref<64x256xf32, #tpu.memory_space<vmem>>, vector<1x16xf32>,
        %get3A_469 = vector.shape_cast %get3A_468 : vector<1x16xf32> to vector<16xf32>
        %get3A_470 = arith.index_cast %add3A_437 : i32 to index
        %get3A_471 = arith.constant 48 : index
        %get3A_472 = tpu.vector_load %arg9[%get3A_470, %get3A_471] {strides = array<i32>} : memref<64x256xf32, #tpu.memory_space<vmem>>, vector<1x16xf32>,
        %get3A_473 = vector.shape_cast %get3A_472 : vector<1x16xf32> to vector<16xf32>
        %mul3A_474 = arith.mulf %get3A_469, %get3A_473 : vector<16xf32>
        %add3A_475 = arith.addf %add3A_465, %mul3A_474 : vector<16xf32>
        %get3A_476 = arith.index_cast %add3A_437 : i32 to index
        %get3A_477 = arith.constant 64 : index
        %get3A_478 = tpu.vector_load %arg12[%get3A_476, %get3A_477] {strides = array<i32>} : memref<64x256xf32, #tpu.memory_space<vmem>>, vector<1x16xf32>,
        %get3A_479 = vector.shape_cast %get3A_478 : vector<1x16xf32> to vector<16xf32>
        %get3A_480 = arith.index_cast %add3A_437 : i32 to index
        %get3A_481 = arith.constant 64 : index
        %get3A_482 = tpu.vector_load %arg9[%get3A_480, %get3A_481] {strides = array<i32>} : memref<64x256xf32, #tpu.memory_space<vmem>>, vector<1x16xf32>,
        %get3A_483 = vector.shape_cast %get3A_482 : vector<1x16xf32> to vector<16xf32>
        %mul3A_484 = arith.mulf %get3A_479, %get3A_483 : vector<16xf32>
        %add3A_485 = arith.addf %add3A_475, %mul3A_484 : vector<16xf32>
        %get3A_486 = arith.index_cast %add3A_437 : i32 to index
        %get3A_487 = arith.constant 80 : index
        %get3A_488 = tpu.vector_load %arg12[%get3A_486, %get3A_487] {strides = array<i32>} : memref<64x256xf32, #tpu.memory_space<vmem>>, vector<1x16xf32>,
        %get3A_489 = vector.shape_cast %get3A_488 : vector<1x16xf32> to vector<16xf32>
        %get3A_490 = arith.index_cast %add3A_437 : i32 to index
        %get3A_491 = arith.constant 80 : index
        %get3A_492 = tpu.vector_load %arg9[%get3A_490, %get3A_491] {strides = array<i32>} : memref<64x256xf32, #tpu.memory_space<vmem>>, vector<1x16xf32>,
        %get3A_493 = vector.shape_cast %get3A_492 : vector<1x16xf32> to vector<16xf32>
        %mul3A_494 = arith.mulf %get3A_489, %get3A_493 : vector<16xf32>
        %add3A_495 = arith.addf %add3A_485, %mul3A_494 : vector<16xf32>
        %get3A_496 = arith.index_cast %add3A_437 : i32 to index
        %get3A_497 = arith.constant 96 : index
        %get3A_498 = tpu.vector_load %arg12[%get3A_496, %get3A_497] {strides = array<i32>} : memref<64x256xf32, #tpu.memory_space<vmem>>, vector<1x16xf32>,
        %get3A_499 = vector.shape_cast %get3A_498 : vector<1x16xf32> to vector<16xf32>
        %get3A_500 = arith.index_cast %add3A_437 : i32 to index
        %get3A_501 = arith.constant 96 : index
        %get3A_502 = tpu.vector_load %arg9[%get3A_500, %get3A_501] {strides = array<i32>} : memref<64x256xf32, #tpu.memory_space<vmem>>, vector<1x16xf32>,
        %get3A_503 = vector.shape_cast %get3A_502 : vector<1x16xf32> to vector<16xf32>
        %mul3A_504 = arith.mulf %get3A_499, %get3A_503 : vector<16xf32>
        %add3A_505 = arith.addf %add3A_495, %mul3A_504 : vector<16xf32>
        %get3A_506 = arith.index_cast %add3A_437 : i32 to index
        %get3A_507 = arith.constant 112 : index
        %get3A_508 = tpu.vector_load %arg12[%get3A_506, %get3A_507] {strides = array<i32>} : memref<64x256xf32, #tpu.memory_space<vmem>>, vector<1x16xf32>,
        %get3A_509 = vector.shape_cast %get3A_508 : vector<1x16xf32> to vector<16xf32>
        %get3A_510 = arith.index_cast %add3A_437 : i32 to index
        %get3A_511 = arith.constant 112 : index
        %get3A_512 = tpu.vector_load %arg9[%get3A_510, %get3A_511] {strides = array<i32>} : memref<64x256xf32, #tpu.memory_space<vmem>>, vector<1x16xf32>,
        %get3A_513 = vector.shape_cast %get3A_512 : vector<1x16xf32> to vector<16xf32>
        %mul3A_514 = arith.mulf %get3A_509, %get3A_513 : vector<16xf32>
        %add3A_515 = arith.addf %add3A_505, %mul3A_514 : vector<16xf32>
        %get3A_516 = arith.index_cast %add3A_437 : i32 to index
        %get3A_517 = arith.constant 128 : index
        %get3A_518 = tpu.vector_load %arg12[%get3A_516, %get3A_517] {strides = array<i32>} : memref<64x256xf32, #tpu.memory_space<vmem>>, vector<1x16xf32>,
        %get3A_519 = vector.shape_cast %get3A_518 : vector<1x16xf32> to vector<16xf32>
        %get3A_520 = arith.index_cast %add3A_437 : i32 to index
        %get3A_521 = arith.constant 128 : index
        %get3A_522 = tpu.vector_load %arg9[%get3A_520, %get3A_521] {strides = array<i32>} : memref<64x256xf32, #tpu.memory_space<vmem>>, vector<1x16xf32>,
        %get3A_523 = vector.shape_cast %get3A_522 : vector<1x16xf32> to vector<16xf32>
        %mul3A_524 = arith.mulf %get3A_519, %get3A_523 : vector<16xf32>
        %add3A_525 = arith.addf %add3A_515, %mul3A_524 : vector<16xf32>
        %get3A_526 = arith.index_cast %add3A_437 : i32 to index
        %get3A_527 = arith.constant 144 : index
        %get3A_528 = tpu.vector_load %arg12[%get3A_526, %get3A_527] {strides = array<i32>} : memref<64x256xf32, #tpu.memory_space<vmem>>, vector<1x16xf32>,
        %get3A_529 = vector.shape_cast %get3A_528 : vector<1x16xf32> to vector<16xf32>
        %get3A_530 = arith.index_cast %add3A_437 : i32 to index
        %get3A_531 = arith.constant 144 : index
        %get3A_532 = tpu.vector_load %arg9[%get3A_530, %get3A_531] {strides = array<i32>} : memref<64x256xf32, #tpu.memory_space<vmem>>, vector<1x16xf32>,
        %get3A_533 = vector.shape_cast %get3A_532 : vector<1x16xf32> to vector<16xf32>
        %mul3A_534 = arith.mulf %get3A_529, %get3A_533 : vector<16xf32>
        %add3A_535 = arith.addf %add3A_525, %mul3A_534 : vector<16xf32>
        %get3A_536 = arith.index_cast %add3A_437 : i32 to index
        %get3A_537 = arith.constant 160 : index
        %get3A_538 = tpu.vector_load %arg12[%get3A_536, %get3A_537] {strides = array<i32>} : memref<64x256xf32, #tpu.memory_space<vmem>>, vector<1x16xf32>,
        %get3A_539 = vector.shape_cast %get3A_538 : vector<1x16xf32> to vector<16xf32>
        %get3A_540 = arith.index_cast %add3A_437 : i32 to index
        %get3A_541 = arith.constant 160 : index
        %get3A_542 = tpu.vector_load %arg9[%get3A_540, %get3A_541] {strides = array<i32>} : memref<64x256xf32, #tpu.memory_space<vmem>>, vector<1x16xf32>,
        %get3A_543 = vector.shape_cast %get3A_542 : vector<1x16xf32> to vector<16xf32>
        %mul3A_544 = arith.mulf %get3A_539, %get3A_543 : vector<16xf32>
        %add3A_545 = arith.addf %add3A_535, %mul3A_544 : vector<16xf32>
        %get3A_546 = arith.index_cast %add3A_437 : i32 to index
        %get3A_547 = arith.constant 176 : index
        %get3A_548 = tpu.vector_load %arg12[%get3A_546, %get3A_547] {strides = array<i32>} : memref<64x256xf32, #tpu.memory_space<vmem>>, vector<1x16xf32>,
        %get3A_549 = vector.shape_cast %get3A_548 : vector<1x16xf32> to vector<16xf32>
        %get3A_550 = arith.index_cast %add3A_437 : i32 to index
        %get3A_551 = arith.constant 176 : index
        %get3A_552 = tpu.vector_load %arg9[%get3A_550, %get3A_551] {strides = array<i32>} : memref<64x256xf32, #tpu.memory_space<vmem>>, vector<1x16xf32>,
        %get3A_553 = vector.shape_cast %get3A_552 : vector<1x16xf32> to vector<16xf32>
        %mul3A_554 = arith.mulf %get3A_549, %get3A_553 : vector<16xf32>
        %add3A_555 = arith.addf %add3A_545, %mul3A_554 : vector<16xf32>
        %get3A_556 = arith.index_cast %add3A_437 : i32 to index
        %get3A_557 = arith.constant 192 : index
        %get3A_558 = tpu.vector_load %arg12[%get3A_556, %get3A_557] {strides = array<i32>} : memref<64x256xf32, #tpu.memory_space<vmem>>, vector<1x16xf32>,
        %get3A_559 = vector.shape_cast %get3A_558 : vector<1x16xf32> to vector<16xf32>
        %get3A_560 = arith.index_cast %add3A_437 : i32 to index
        %get3A_561 = arith.constant 192 : index
        %get3A_562 = tpu.vector_load %arg9[%get3A_560, %get3A_561] {strides = array<i32>} : memref<64x256xf32, #tpu.memory_space<vmem>>, vector<1x16xf32>,
        %get3A_563 = vector.shape_cast %get3A_562 : vector<1x16xf32> to vector<16xf32>
        %mul3A_564 = arith.mulf %get3A_559, %get3A_563 : vector<16xf32>
        %add3A_565 = arith.addf %add3A_555, %mul3A_564 : vector<16xf32>
        %get3A_566 = arith.index_cast %add3A_437 : i32 to index
        %get3A_567 = arith.constant 208 : index
        %get3A_568 = tpu.vector_load %arg12[%get3A_566, %get3A_567] {strides = array<i32>} : memref<64x256xf32, #tpu.memory_space<vmem>>, vector<1x16xf32>,
        %get3A_569 = vector.shape_cast %get3A_568 : vector<1x16xf32> to vector<16xf32>
        %get3A_570 = arith.index_cast %add3A_437 : i32 to index
        %get3A_571 = arith.constant 208 : index
        %get3A_572 = tpu.vector_load %arg9[%get3A_570, %get3A_571] {strides = array<i32>} : memref<64x256xf32, #tpu.memory_space<vmem>>, vector<1x16xf32>,
        %get3A_573 = vector.shape_cast %get3A_572 : vector<1x16xf32> to vector<16xf32>
        %mul3A_574 = arith.mulf %get3A_569, %get3A_573 : vector<16xf32>
        %add3A_575 = arith.addf %add3A_565, %mul3A_574 : vector<16xf32>
        %get3A_576 = arith.index_cast %add3A_437 : i32 to index
        %get3A_577 = arith.constant 224 : index
        %get3A_578 = tpu.vector_load %arg12[%get3A_576, %get3A_577] {strides = array<i32>} : memref<64x256xf32, #tpu.memory_space<vmem>>, vector<1x16xf32>,
        %get3A_579 = vector.shape_cast %get3A_578 : vector<1x16xf32> to vector<16xf32>
        %get3A_580 = arith.index_cast %add3A_437 : i32 to index
        %get3A_581 = arith.constant 224 : index
        %get3A_582 = tpu.vector_load %arg9[%get3A_580, %get3A_581] {strides = array<i32>} : memref<64x256xf32, #tpu.memory_space<vmem>>, vector<1x16xf32>,
        %get3A_583 = vector.shape_cast %get3A_582 : vector<1x16xf32> to vector<16xf32>
        %mul3A_584 = arith.mulf %get3A_579, %get3A_583 : vector<16xf32>
        %add3A_585 = arith.addf %add3A_575, %mul3A_584 : vector<16xf32>
        %get3A_586 = arith.index_cast %add3A_437 : i32 to index
        %get3A_587 = arith.constant 240 : index
        %get3A_588 = tpu.vector_load %arg12[%get3A_586, %get3A_587] {strides = array<i32>} : memref<64x256xf32, #tpu.memory_space<vmem>>, vector<1x16xf32>,
        %get3A_589 = vector.shape_cast %get3A_588 : vector<1x16xf32> to vector<16xf32>
        %get3A_590 = arith.index_cast %add3A_437 : i32 to index
        %get3A_591 = arith.constant 240 : index
        %get3A_592 = tpu.vector_load %arg9[%get3A_590, %get3A_591] {strides = array<i32>} : memref<64x256xf32, #tpu.memory_space<vmem>>, vector<1x16xf32>,
        %get3A_593 = vector.shape_cast %get3A_592 : vector<1x16xf32> to vector<16xf32>
        %mul3A_594 = arith.mulf %get3A_589, %get3A_593 : vector<16xf32>
        %add3A_595 = arith.addf %add3A_585, %mul3A_594 : vector<16xf32>
        %xor3A = arith.constant 8 : i32
        %xor3A_596 = vector.broadcast %xor3A : i32 to vector<16xi32>
        %xor3A_597 = arith.xori %iota3A, %xor3A_596 : vector<16xi32>
        %reshape3A = vector.shape_cast %xor3A_597 : vector<16xi32> to vector<16x1xi32>
        %gather3A = vector.shape_cast %reshape3A : vector<16x1xi32> to vector<16xi32>
        %gather3A_598 = tpu.dynamic_gather %add3A_595[%gather3A] in [0] : vector<16xf32>, vector<16xi32> -> vector<16xf32>
        %add3A_599 = arith.addf %add3A_595, %gather3A_598 : vector<16xf32>
        %xor3A_600 = arith.constant 4 : i32
        %xor3A_601 = vector.broadcast %xor3A_600 : i32 to vector<16xi32>
        %xor3A_602 = arith.xori %iota3A, %xor3A_601 : vector<16xi32>
        %reshape3A_603 = vector.shape_cast %xor3A_602 : vector<16xi32> to vector<16x1xi32>
        %gather3A_604 = vector.shape_cast %reshape3A_603 : vector<16x1xi32> to vector<16xi32>
        %gather3A_605 = tpu.dynamic_gather %add3A_599[%gather3A_604] in [0] : vector<16xf32>, vector<16xi32> -> vector<16xf32>
        %add3A_606 = arith.addf %add3A_599, %gather3A_605 : vector<16xf32>
        %xor3A_607 = arith.constant 2 : i32
        %xor3A_608 = vector.broadcast %xor3A_607 : i32 to vector<16xi32>
        %xor3A_609 = arith.xori %iota3A, %xor3A_608 : vector<16xi32>
        %reshape3A_610 = vector.shape_cast %xor3A_609 : vector<16xi32> to vector<16x1xi32>
        %gather3A_611 = vector.shape_cast %reshape3A_610 : vector<16x1xi32> to vector<16xi32>
        %gather3A_612 = tpu.dynamic_gather %add3A_606[%gather3A_611] in [0] : vector<16xf32>, vector<16xi32> -> vector<16xf32>
        %add3A_613 = arith.addf %add3A_606, %gather3A_612 : vector<16xf32>
        %xor3A_614 = arith.constant 1 : i32
        %xor3A_615 = vector.broadcast %xor3A_614 : i32 to vector<16xi32>
        %xor3A_616 = arith.xori %iota3A, %xor3A_615 : vector<16xi32>
        %reshape3A_617 = vector.shape_cast %xor3A_616 : vector<16xi32> to vector<16x1xi32>
        %gather3A_618 = vector.shape_cast %reshape3A_617 : vector<16x1xi32> to vector<16xi32>
        %gather3A_619 = tpu.dynamic_gather %add3A_613[%gather3A_618] in [0] : vector<16xf32>, vector<16xi32> -> vector<16xf32>
        %add3A_620 = arith.addf %add3A_613, %gather3A_619 : vector<16xf32>
        %eq3A = vector.broadcast %scan3A_434 : i32 to vector<16xi32>
        %eq3A_621 = arith.cmpi eq, %iota3A, %eq3A : vector<16xi32>
        %select_n3A = arith.select %eq3A_621, %add3A_620, %scan3A_435 : vector<16xi1>, vector<16xf32>
        scf.yield %select_n3A : vector<16xf32>
      }
      %scan3A_181 = arith.constant 16 : i32
      %neg3A_182 = arith.constant 0.000000e+00 : f32
      %neg3A_183 = vector.broadcast %neg3A_182 : f32 to vector<16xf32>
      %neg3A_184 = arith.subf %neg3A_183, %scan3A_180 : vector<16xf32>
      %exp3A_185 = math.exp %neg3A_184 : vector<16xf32>
      %add3A_186 = arith.constant 1.000000e+00 : f32
      %add3A_187 = vector.broadcast %add3A_186 : f32 to vector<16xf32>
      %add3A_188 = arith.addf %add3A_187, %exp3A_185 : vector<16xf32>
      %div3A_189 = arith.constant 1.000000e+00 : f32
      %div3A_190 = vector.broadcast %div3A_189 : f32 to vector<16xf32>
      %div3A_191 = arith.divf %div3A_190, %add3A_188 : vector<16xf32>
      %add3A_192 = arith.constant 48 : i32
      %add3A_193 = arith.addi %mul3A_101, %add3A_192 : i32
      %swap3A_194 = arith.index_cast %add3A_193 : i32 to index
      %swap3A_195 = tpu.vector_load %arg8[%swap3A_194] {strides = array<i32>} : memref<5008xf32, #tpu.memory_space<vmem>>, vector<16xf32>,
      %swap3A_196 = vector.shape_cast %swap3A_195 : vector<16xf32> to vector<16xf32>
      %swap3A_197 = vector.shape_cast %div3A_191 : vector<16xf32> to vector<16xf32>
      tpu.vector_store %arg8[%swap3A_194], %swap3A_197 {strides = array<i32>} : memref<5008xf32, #tpu.memory_space<vmem>>, vector<16xf32>,
      %lt3A = arith.constant 25 : i32
      %lt3A_198 = arith.cmpi slt, %scan3A_85, %lt3A : i32
      %convert_element_type3A = arith.extui %lt3A_198 : i1 to i32
      %cond3A = arith.constant 0 : i32
      %cond3A_199 = arith.cmpi ne, %convert_element_type3A, %cond3A : i32
      scf.if %cond3A_199 {
        %add3A_434 = arith.constant 3 : i32
        %add3A_435 = arith.addi %add3A_89, %add3A_434 : i32
        %mul3A_436 = arith.constant 64 : i32
        %mul3A_437 = arith.muli %add3A_435, %mul3A_436 : i32
        %dma_start3A_438 = tpu.memref_slice %arg7[%mul3A_437] : memref<5000xi32, #tpu.memory_space<vmem>> -> memref<64xi32, #tpu.memory_space<vmem>>
        %dma_start3A_439 = arith.constant 0 : i32
        %dma_start3A_440 = arith.constant 0 : i32
        %dma_start3A_441 = tpu.memref_slice %arg2[%dma_start3A_439, %dma_start3A_440] : memref<10000x256xf32, #tpu.memory_space<hbm>> -> memref<10000x256xf32, #tpu.memory_space<hbm>>
        tpu.enqueue_indirect_dma source(%dma_start3A_441 : memref<10000x256xf32, #tpu.memory_space<hbm>>) target(%arg12 : memref<64x256xf32, #tpu.memory_space<vmem>>) offsets(%dma_start3A_438 : memref<64xi32, #tpu.memory_space<vmem>>) semaphore(%arg18 : memref<!tpu.dma_semaphore, #tpu.memory_space<semaphore_mem>>)
        %dma_start3A_442 = tpu.memref_slice %arg6[%mul3A_437] : memref<5000xi32, #tpu.memory_space<vmem>> -> memref<64xi32, #tpu.memory_space<vmem>>
        %dma_start3A_443 = arith.constant 0 : i32
        %dma_start3A_444 = arith.constant 0 : i32
        %dma_start3A_445 = tpu.memref_slice %arg2[%dma_start3A_443, %dma_start3A_444] : memref<10000x256xf32, #tpu.memory_space<hbm>> -> memref<10000x256xf32, #tpu.memory_space<hbm>>
        tpu.enqueue_indirect_dma source(%dma_start3A_445 : memref<10000x256xf32, #tpu.memory_space<hbm>>) target(%arg9 : memref<64x256xf32, #tpu.memory_space<vmem>>) offsets(%dma_start3A_442 : memref<64xi32, #tpu.memory_space<vmem>>) semaphore(%arg15 : memref<!tpu.dma_semaphore, #tpu.memory_space<semaphore_mem>>)
      } else {
      }
      %mul3A_200 = arith.constant 3 : i32
      %mul3A_201 = arith.muli %scan3A_85, %mul3A_200 : i32
      %add3A_202 = arith.constant 1 : i32
      %add3A_203 = arith.addi %mul3A_201, %add3A_202 : i32
      %mul3A_204 = arith.constant 64 : i32
      %mul3A_205 = arith.muli %add3A_203, %mul3A_204 : i32
      %dma_wait3A_206 = tpu.memref_slice %arg7[%mul3A_205] : memref<5000xi32, #tpu.memory_space<vmem>> -> memref<64xi32, #tpu.memory_space<vmem>>
      %dma_wait3A_207 = arith.constant 0 : i32
      %dma_wait3A_208 = arith.constant 0 : i32
      %dma_wait3A_209 = tpu.memref_slice %arg2[%dma_wait3A_207, %dma_wait3A_208] : memref<10000x256xf32, #tpu.memory_space<hbm>> -> memref<10000x256xf32, #tpu.memory_space<hbm>>
      tpu.wait_indirect_dma semaphore(%arg19 : memref<!tpu.dma_semaphore, #tpu.memory_space<semaphore_mem>>) src(%dma_wait3A_209 : memref<10000x256xf32, #tpu.memory_space<hbm>>) dst(%arg13 : memref<64x256xf32, #tpu.memory_space<vmem>>)
      %dma_wait3A_210 = tpu.memref_slice %arg6[%mul3A_205] : memref<5000xi32, #tpu.memory_space<vmem>> -> memref<64xi32, #tpu.memory_space<vmem>>
      %dma_wait3A_211 = arith.constant 0 : i32
      %dma_wait3A_212 = arith.constant 0 : i32
      %dma_wait3A_213 = tpu.memref_slice %arg2[%dma_wait3A_211, %dma_wait3A_212] : memref<10000x256xf32, #tpu.memory_space<hbm>> -> memref<10000x256xf32, #tpu.memory_space<hbm>>
      tpu.wait_indirect_dma semaphore(%arg16 : memref<!tpu.dma_semaphore, #tpu.memory_space<semaphore_mem>>) src(%dma_wait3A_213 : memref<10000x256xf32, #tpu.memory_space<hbm>>) dst(%arg10 : memref<64x256xf32, #tpu.memory_space<vmem>>)
      %mul3A_214 = arith.constant 64 : i32
      %mul3A_215 = arith.muli %add3A_203, %mul3A_214 : i32
      %broadcast_in_dim3A_216 = arith.constant 0.000000e+00 : f32
      %broadcast_in_dim3A_217 = vector.broadcast %broadcast_in_dim3A_216 : f32 to vector<16xf32>
      %scan3A_218 = arith.constant 0 : i32
      %scan3A_219 = arith.constant 16 : i32
      %scan3A_220 = arith.addi %scan3A_218, %scan3A_219 : i32
      %scan3A_221 = arith.constant 1 : i32
      %scan3A_222 = scf.for %scan3A_434 = %scan3A_218 to %scan3A_220 step %scan3A_221 iter_args(%scan3A_435 = %broadcast_in_dim3A_217) -> (vector<16xf32>)  : i32 {
        %add3A_436 = arith.constant 0 : i32
        %add3A_437 = arith.addi %add3A_436, %scan3A_434 : i32
        %get3A = arith.index_cast %add3A_437 : i32 to index
        %get3A_438 = arith.constant 0 : index
        %get3A_439 = tpu.vector_load %arg13[%get3A, %get3A_438] {strides = array<i32>} : memref<64x256xf32, #tpu.memory_space<vmem>>, vector<1x16xf32>,
        %get3A_440 = vector.shape_cast %get3A_439 : vector<1x16xf32> to vector<16xf32>
        %get3A_441 = arith.index_cast %add3A_437 : i32 to index
        %get3A_442 = arith.constant 0 : index
        %get3A_443 = tpu.vector_load %arg10[%get3A_441, %get3A_442] {strides = array<i32>} : memref<64x256xf32, #tpu.memory_space<vmem>>, vector<1x16xf32>,
        %get3A_444 = vector.shape_cast %get3A_443 : vector<1x16xf32> to vector<16xf32>
        %mul3A_445 = arith.mulf %get3A_440, %get3A_444 : vector<16xf32>
        %get3A_446 = arith.index_cast %add3A_437 : i32 to index
        %get3A_447 = arith.constant 16 : index
        %get3A_448 = tpu.vector_load %arg13[%get3A_446, %get3A_447] {strides = array<i32>} : memref<64x256xf32, #tpu.memory_space<vmem>>, vector<1x16xf32>,
        %get3A_449 = vector.shape_cast %get3A_448 : vector<1x16xf32> to vector<16xf32>
        %get3A_450 = arith.index_cast %add3A_437 : i32 to index
        %get3A_451 = arith.constant 16 : index
        %get3A_452 = tpu.vector_load %arg10[%get3A_450, %get3A_451] {strides = array<i32>} : memref<64x256xf32, #tpu.memory_space<vmem>>, vector<1x16xf32>,
        %get3A_453 = vector.shape_cast %get3A_452 : vector<1x16xf32> to vector<16xf32>
        %mul3A_454 = arith.mulf %get3A_449, %get3A_453 : vector<16xf32>
        %add3A_455 = arith.addf %mul3A_445, %mul3A_454 : vector<16xf32>
        %get3A_456 = arith.index_cast %add3A_437 : i32 to index
        %get3A_457 = arith.constant 32 : index
        %get3A_458 = tpu.vector_load %arg13[%get3A_456, %get3A_457] {strides = array<i32>} : memref<64x256xf32, #tpu.memory_space<vmem>>, vector<1x16xf32>,
        %get3A_459 = vector.shape_cast %get3A_458 : vector<1x16xf32> to vector<16xf32>
        %get3A_460 = arith.index_cast %add3A_437 : i32 to index
        %get3A_461 = arith.constant 32 : index
        %get3A_462 = tpu.vector_load %arg10[%get3A_460, %get3A_461] {strides = array<i32>} : memref<64x256xf32, #tpu.memory_space<vmem>>, vector<1x16xf32>,
        %get3A_463 = vector.shape_cast %get3A_462 : vector<1x16xf32> to vector<16xf32>
        %mul3A_464 = arith.mulf %get3A_459, %get3A_463 : vector<16xf32>
        %add3A_465 = arith.addf %add3A_455, %mul3A_464 : vector<16xf32>
        %get3A_466 = arith.index_cast %add3A_437 : i32 to index
        %get3A_467 = arith.constant 48 : index
        %get3A_468 = tpu.vector_load %arg13[%get3A_466, %get3A_467] {strides = array<i32>} : memref<64x256xf32, #tpu.memory_space<vmem>>, vector<1x16xf32>,
        %get3A_469 = vector.shape_cast %get3A_468 : vector<1x16xf32> to vector<16xf32>
        %get3A_470 = arith.index_cast %add3A_437 : i32 to index
        %get3A_471 = arith.constant 48 : index
        %get3A_472 = tpu.vector_load %arg10[%get3A_470, %get3A_471] {strides = array<i32>} : memref<64x256xf32, #tpu.memory_space<vmem>>, vector<1x16xf32>,
        %get3A_473 = vector.shape_cast %get3A_472 : vector<1x16xf32> to vector<16xf32>
        %mul3A_474 = arith.mulf %get3A_469, %get3A_473 : vector<16xf32>
        %add3A_475 = arith.addf %add3A_465, %mul3A_474 : vector<16xf32>
        %get3A_476 = arith.index_cast %add3A_437 : i32 to index
        %get3A_477 = arith.constant 64 : index
        %get3A_478 = tpu.vector_load %arg13[%get3A_476, %get3A_477] {strides = array<i32>} : memref<64x256xf32, #tpu.memory_space<vmem>>, vector<1x16xf32>,
        %get3A_479 = vector.shape_cast %get3A_478 : vector<1x16xf32> to vector<16xf32>
        %get3A_480 = arith.index_cast %add3A_437 : i32 to index
        %get3A_481 = arith.constant 64 : index
        %get3A_482 = tpu.vector_load %arg10[%get3A_480, %get3A_481] {strides = array<i32>} : memref<64x256xf32, #tpu.memory_space<vmem>>, vector<1x16xf32>,
        %get3A_483 = vector.shape_cast %get3A_482 : vector<1x16xf32> to vector<16xf32>
        %mul3A_484 = arith.mulf %get3A_479, %get3A_483 : vector<16xf32>
        %add3A_485 = arith.addf %add3A_475, %mul3A_484 : vector<16xf32>
        %get3A_486 = arith.index_cast %add3A_437 : i32 to index
        %get3A_487 = arith.constant 80 : index
        %get3A_488 = tpu.vector_load %arg13[%get3A_486, %get3A_487] {strides = array<i32>} : memref<64x256xf32, #tpu.memory_space<vmem>>, vector<1x16xf32>,
        %get3A_489 = vector.shape_cast %get3A_488 : vector<1x16xf32> to vector<16xf32>
        %get3A_490 = arith.index_cast %add3A_437 : i32 to index
        %get3A_491 = arith.constant 80 : index
        %get3A_492 = tpu.vector_load %arg10[%get3A_490, %get3A_491] {strides = array<i32>} : memref<64x256xf32, #tpu.memory_space<vmem>>, vector<1x16xf32>,
        %get3A_493 = vector.shape_cast %get3A_492 : vector<1x16xf32> to vector<16xf32>
        %mul3A_494 = arith.mulf %get3A_489, %get3A_493 : vector<16xf32>
        %add3A_495 = arith.addf %add3A_485, %mul3A_494 : vector<16xf32>
        %get3A_496 = arith.index_cast %add3A_437 : i32 to index
        %get3A_497 = arith.constant 96 : index
        %get3A_498 = tpu.vector_load %arg13[%get3A_496, %get3A_497] {strides = array<i32>} : memref<64x256xf32, #tpu.memory_space<vmem>>, vector<1x16xf32>,
        %get3A_499 = vector.shape_cast %get3A_498 : vector<1x16xf32> to vector<16xf32>
        %get3A_500 = arith.index_cast %add3A_437 : i32 to index
        %get3A_501 = arith.constant 96 : index
        %get3A_502 = tpu.vector_load %arg10[%get3A_500, %get3A_501] {strides = array<i32>} : memref<64x256xf32, #tpu.memory_space<vmem>>, vector<1x16xf32>,
        %get3A_503 = vector.shape_cast %get3A_502 : vector<1x16xf32> to vector<16xf32>
        %mul3A_504 = arith.mulf %get3A_499, %get3A_503 : vector<16xf32>
        %add3A_505 = arith.addf %add3A_495, %mul3A_504 : vector<16xf32>
        %get3A_506 = arith.index_cast %add3A_437 : i32 to index
        %get3A_507 = arith.constant 112 : index
        %get3A_508 = tpu.vector_load %arg13[%get3A_506, %get3A_507] {strides = array<i32>} : memref<64x256xf32, #tpu.memory_space<vmem>>, vector<1x16xf32>,
        %get3A_509 = vector.shape_cast %get3A_508 : vector<1x16xf32> to vector<16xf32>
        %get3A_510 = arith.index_cast %add3A_437 : i32 to index
        %get3A_511 = arith.constant 112 : index
        %get3A_512 = tpu.vector_load %arg10[%get3A_510, %get3A_511] {strides = array<i32>} : memref<64x256xf32, #tpu.memory_space<vmem>>, vector<1x16xf32>,
        %get3A_513 = vector.shape_cast %get3A_512 : vector<1x16xf32> to vector<16xf32>
        %mul3A_514 = arith.mulf %get3A_509, %get3A_513 : vector<16xf32>
        %add3A_515 = arith.addf %add3A_505, %mul3A_514 : vector<16xf32>
        %get3A_516 = arith.index_cast %add3A_437 : i32 to index
        %get3A_517 = arith.constant 128 : index
        %get3A_518 = tpu.vector_load %arg13[%get3A_516, %get3A_517] {strides = array<i32>} : memref<64x256xf32, #tpu.memory_space<vmem>>, vector<1x16xf32>,
        %get3A_519 = vector.shape_cast %get3A_518 : vector<1x16xf32> to vector<16xf32>
        %get3A_520 = arith.index_cast %add3A_437 : i32 to index
        %get3A_521 = arith.constant 128 : index
        %get3A_522 = tpu.vector_load %arg10[%get3A_520, %get3A_521] {strides = array<i32>} : memref<64x256xf32, #tpu.memory_space<vmem>>, vector<1x16xf32>,
        %get3A_523 = vector.shape_cast %get3A_522 : vector<1x16xf32> to vector<16xf32>
        %mul3A_524 = arith.mulf %get3A_519, %get3A_523 : vector<16xf32>
        %add3A_525 = arith.addf %add3A_515, %mul3A_524 : vector<16xf32>
        %get3A_526 = arith.index_cast %add3A_437 : i32 to index
        %get3A_527 = arith.constant 144 : index
        %get3A_528 = tpu.vector_load %arg13[%get3A_526, %get3A_527] {strides = array<i32>} : memref<64x256xf32, #tpu.memory_space<vmem>>, vector<1x16xf32>,
        %get3A_529 = vector.shape_cast %get3A_528 : vector<1x16xf32> to vector<16xf32>
        %get3A_530 = arith.index_cast %add3A_437 : i32 to index
        %get3A_531 = arith.constant 144 : index
        %get3A_532 = tpu.vector_load %arg10[%get3A_530, %get3A_531] {strides = array<i32>} : memref<64x256xf32, #tpu.memory_space<vmem>>, vector<1x16xf32>,
        %get3A_533 = vector.shape_cast %get3A_532 : vector<1x16xf32> to vector<16xf32>
        %mul3A_534 = arith.mulf %get3A_529, %get3A_533 : vector<16xf32>
        %add3A_535 = arith.addf %add3A_525, %mul3A_534 : vector<16xf32>
        %get3A_536 = arith.index_cast %add3A_437 : i32 to index
        %get3A_537 = arith.constant 160 : index
        %get3A_538 = tpu.vector_load %arg13[%get3A_536, %get3A_537] {strides = array<i32>} : memref<64x256xf32, #tpu.memory_space<vmem>>, vector<1x16xf32>,
        %get3A_539 = vector.shape_cast %get3A_538 : vector<1x16xf32> to vector<16xf32>
        %get3A_540 = arith.index_cast %add3A_437 : i32 to index
        %get3A_541 = arith.constant 160 : index
        %get3A_542 = tpu.vector_load %arg10[%get3A_540, %get3A_541] {strides = array<i32>} : memref<64x256xf32, #tpu.memory_space<vmem>>, vector<1x16xf32>,
        %get3A_543 = vector.shape_cast %get3A_542 : vector<1x16xf32> to vector<16xf32>
        %mul3A_544 = arith.mulf %get3A_539, %get3A_543 : vector<16xf32>
        %add3A_545 = arith.addf %add3A_535, %mul3A_544 : vector<16xf32>
        %get3A_546 = arith.index_cast %add3A_437 : i32 to index
        %get3A_547 = arith.constant 176 : index
        %get3A_548 = tpu.vector_load %arg13[%get3A_546, %get3A_547] {strides = array<i32>} : memref<64x256xf32, #tpu.memory_space<vmem>>, vector<1x16xf32>,
        %get3A_549 = vector.shape_cast %get3A_548 : vector<1x16xf32> to vector<16xf32>
        %get3A_550 = arith.index_cast %add3A_437 : i32 to index
        %get3A_551 = arith.constant 176 : index
        %get3A_552 = tpu.vector_load %arg10[%get3A_550, %get3A_551] {strides = array<i32>} : memref<64x256xf32, #tpu.memory_space<vmem>>, vector<1x16xf32>,
        %get3A_553 = vector.shape_cast %get3A_552 : vector<1x16xf32> to vector<16xf32>
        %mul3A_554 = arith.mulf %get3A_549, %get3A_553 : vector<16xf32>
        %add3A_555 = arith.addf %add3A_545, %mul3A_554 : vector<16xf32>
        %get3A_556 = arith.index_cast %add3A_437 : i32 to index
        %get3A_557 = arith.constant 192 : index
        %get3A_558 = tpu.vector_load %arg13[%get3A_556, %get3A_557] {strides = array<i32>} : memref<64x256xf32, #tpu.memory_space<vmem>>, vector<1x16xf32>,
        %get3A_559 = vector.shape_cast %get3A_558 : vector<1x16xf32> to vector<16xf32>
        %get3A_560 = arith.index_cast %add3A_437 : i32 to index
        %get3A_561 = arith.constant 192 : index
        %get3A_562 = tpu.vector_load %arg10[%get3A_560, %get3A_561] {strides = array<i32>} : memref<64x256xf32, #tpu.memory_space<vmem>>, vector<1x16xf32>,
        %get3A_563 = vector.shape_cast %get3A_562 : vector<1x16xf32> to vector<16xf32>
        %mul3A_564 = arith.mulf %get3A_559, %get3A_563 : vector<16xf32>
        %add3A_565 = arith.addf %add3A_555, %mul3A_564 : vector<16xf32>
        %get3A_566 = arith.index_cast %add3A_437 : i32 to index
        %get3A_567 = arith.constant 208 : index
        %get3A_568 = tpu.vector_load %arg13[%get3A_566, %get3A_567] {strides = array<i32>} : memref<64x256xf32, #tpu.memory_space<vmem>>, vector<1x16xf32>,
        %get3A_569 = vector.shape_cast %get3A_568 : vector<1x16xf32> to vector<16xf32>
        %get3A_570 = arith.index_cast %add3A_437 : i32 to index
        %get3A_571 = arith.constant 208 : index
        %get3A_572 = tpu.vector_load %arg10[%get3A_570, %get3A_571] {strides = array<i32>} : memref<64x256xf32, #tpu.memory_space<vmem>>, vector<1x16xf32>,
        %get3A_573 = vector.shape_cast %get3A_572 : vector<1x16xf32> to vector<16xf32>
        %mul3A_574 = arith.mulf %get3A_569, %get3A_573 : vector<16xf32>
        %add3A_575 = arith.addf %add3A_565, %mul3A_574 : vector<16xf32>
        %get3A_576 = arith.index_cast %add3A_437 : i32 to index
        %get3A_577 = arith.constant 224 : index
        %get3A_578 = tpu.vector_load %arg13[%get3A_576, %get3A_577] {strides = array<i32>} : memref<64x256xf32, #tpu.memory_space<vmem>>, vector<1x16xf32>,
        %get3A_579 = vector.shape_cast %get3A_578 : vector<1x16xf32> to vector<16xf32>
        %get3A_580 = arith.index_cast %add3A_437 : i32 to index
        %get3A_581 = arith.constant 224 : index
        %get3A_582 = tpu.vector_load %arg10[%get3A_580, %get3A_581] {strides = array<i32>} : memref<64x256xf32, #tpu.memory_space<vmem>>, vector<1x16xf32>,
        %get3A_583 = vector.shape_cast %get3A_582 : vector<1x16xf32> to vector<16xf32>
        %mul3A_584 = arith.mulf %get3A_579, %get3A_583 : vector<16xf32>
        %add3A_585 = arith.addf %add3A_575, %mul3A_584 : vector<16xf32>
        %get3A_586 = arith.index_cast %add3A_437 : i32 to index
        %get3A_587 = arith.constant 240 : index
        %get3A_588 = tpu.vector_load %arg13[%get3A_586, %get3A_587] {strides = array<i32>} : memref<64x256xf32, #tpu.memory_space<vmem>>, vector<1x16xf32>,
        %get3A_589 = vector.shape_cast %get3A_588 : vector<1x16xf32> to vector<16xf32>
        %get3A_590 = arith.index_cast %add3A_437 : i32 to index
        %get3A_591 = arith.constant 240 : index
        %get3A_592 = tpu.vector_load %arg10[%get3A_590, %get3A_591] {strides = array<i32>} : memref<64x256xf32, #tpu.memory_space<vmem>>, vector<1x16xf32>,
        %get3A_593 = vector.shape_cast %get3A_592 : vector<1x16xf32> to vector<16xf32>
        %mul3A_594 = arith.mulf %get3A_589, %get3A_593 : vector<16xf32>
        %add3A_595 = arith.addf %add3A_585, %mul3A_594 : vector<16xf32>
        %xor3A = arith.constant 8 : i32
        %xor3A_596 = vector.broadcast %xor3A : i32 to vector<16xi32>
        %xor3A_597 = arith.xori %iota3A, %xor3A_596 : vector<16xi32>
        %reshape3A = vector.shape_cast %xor3A_597 : vector<16xi32> to vector<16x1xi32>
        %gather3A = vector.shape_cast %reshape3A : vector<16x1xi32> to vector<16xi32>
        %gather3A_598 = tpu.dynamic_gather %add3A_595[%gather3A] in [0] : vector<16xf32>, vector<16xi32> -> vector<16xf32>
        %add3A_599 = arith.addf %add3A_595, %gather3A_598 : vector<16xf32>
        %xor3A_600 = arith.constant 4 : i32
        %xor3A_601 = vector.broadcast %xor3A_600 : i32 to vector<16xi32>
        %xor3A_602 = arith.xori %iota3A, %xor3A_601 : vector<16xi32>
        %reshape3A_603 = vector.shape_cast %xor3A_602 : vector<16xi32> to vector<16x1xi32>
        %gather3A_604 = vector.shape_cast %reshape3A_603 : vector<16x1xi32> to vector<16xi32>
        %gather3A_605 = tpu.dynamic_gather %add3A_599[%gather3A_604] in [0] : vector<16xf32>, vector<16xi32> -> vector<16xf32>
        %add3A_606 = arith.addf %add3A_599, %gather3A_605 : vector<16xf32>
        %xor3A_607 = arith.constant 2 : i32
        %xor3A_608 = vector.broadcast %xor3A_607 : i32 to vector<16xi32>
        %xor3A_609 = arith.xori %iota3A, %xor3A_608 : vector<16xi32>
        %reshape3A_610 = vector.shape_cast %xor3A_609 : vector<16xi32> to vector<16x1xi32>
        %gather3A_611 = vector.shape_cast %reshape3A_610 : vector<16x1xi32> to vector<16xi32>
        %gather3A_612 = tpu.dynamic_gather %add3A_606[%gather3A_611] in [0] : vector<16xf32>, vector<16xi32> -> vector<16xf32>
        %add3A_613 = arith.addf %add3A_606, %gather3A_612 : vector<16xf32>
        %xor3A_614 = arith.constant 1 : i32
        %xor3A_615 = vector.broadcast %xor3A_614 : i32 to vector<16xi32>
        %xor3A_616 = arith.xori %iota3A, %xor3A_615 : vector<16xi32>
        %reshape3A_617 = vector.shape_cast %xor3A_616 : vector<16xi32> to vector<16x1xi32>
        %gather3A_618 = vector.shape_cast %reshape3A_617 : vector<16x1xi32> to vector<16xi32>
        %gather3A_619 = tpu.dynamic_gather %add3A_613[%gather3A_618] in [0] : vector<16xf32>, vector<16xi32> -> vector<16xf32>
        %add3A_620 = arith.addf %add3A_613, %gather3A_619 : vector<16xf32>
        %eq3A = vector.broadcast %scan3A_434 : i32 to vector<16xi32>
        %eq3A_621 = arith.cmpi eq, %iota3A, %eq3A : vector<16xi32>
        %select_n3A = arith.select %eq3A_621, %add3A_620, %scan3A_435 : vector<16xi1>, vector<16xf32>
        scf.yield %select_n3A : vector<16xf32>
      }
      %scan3A_223 = arith.constant 16 : i32
      %neg3A_224 = arith.constant 0.000000e+00 : f32
      %neg3A_225 = vector.broadcast %neg3A_224 : f32 to vector<16xf32>
      %neg3A_226 = arith.subf %neg3A_225, %scan3A_222 : vector<16xf32>
      %exp3A_227 = math.exp %neg3A_226 : vector<16xf32>
      %add3A_228 = arith.constant 1.000000e+00 : f32
      %add3A_229 = vector.broadcast %add3A_228 : f32 to vector<16xf32>
      %add3A_230 = arith.addf %add3A_229, %exp3A_227 : vector<16xf32>
      %div3A_231 = arith.constant 1.000000e+00 : f32
      %div3A_232 = vector.broadcast %div3A_231 : f32 to vector<16xf32>
      %div3A_233 = arith.divf %div3A_232, %add3A_230 : vector<16xf32>
      %add3A_234 = arith.constant 0 : i32
      %add3A_235 = arith.addi %mul3A_215, %add3A_234 : i32
      %swap3A_236 = arith.index_cast %add3A_235 : i32 to index
      %swap3A_237 = tpu.vector_load %arg8[%swap3A_236] {strides = array<i32>} : memref<5008xf32, #tpu.memory_space<vmem>>, vector<16xf32>,
      %swap3A_238 = vector.shape_cast %swap3A_237 : vector<16xf32> to vector<16xf32>
      %swap3A_239 = vector.shape_cast %div3A_233 : vector<16xf32> to vector<16xf32>
      tpu.vector_store %arg8[%swap3A_236], %swap3A_239 {strides = array<i32>} : memref<5008xf32, #tpu.memory_space<vmem>>, vector<16xf32>,
      %broadcast_in_dim3A_240 = arith.constant 0.000000e+00 : f32
      %broadcast_in_dim3A_241 = vector.broadcast %broadcast_in_dim3A_240 : f32 to vector<16xf32>
      %scan3A_242 = arith.constant 0 : i32
      %scan3A_243 = arith.constant 16 : i32
      %scan3A_244 = arith.addi %scan3A_242, %scan3A_243 : i32
      %scan3A_245 = arith.constant 1 : i32
      %scan3A_246 = scf.for %scan3A_434 = %scan3A_242 to %scan3A_244 step %scan3A_245 iter_args(%scan3A_435 = %broadcast_in_dim3A_241) -> (vector<16xf32>)  : i32 {
        %add3A_436 = arith.constant 16 : i32
        %add3A_437 = arith.addi %add3A_436, %scan3A_434 : i32
        %get3A = arith.index_cast %add3A_437 : i32 to index
        %get3A_438 = arith.constant 0 : index
        %get3A_439 = tpu.vector_load %arg13[%get3A, %get3A_438] {strides = array<i32>} : memref<64x256xf32, #tpu.memory_space<vmem>>, vector<1x16xf32>,
        %get3A_440 = vector.shape_cast %get3A_439 : vector<1x16xf32> to vector<16xf32>
        %get3A_441 = arith.index_cast %add3A_437 : i32 to index
        %get3A_442 = arith.constant 0 : index
        %get3A_443 = tpu.vector_load %arg10[%get3A_441, %get3A_442] {strides = array<i32>} : memref<64x256xf32, #tpu.memory_space<vmem>>, vector<1x16xf32>,
        %get3A_444 = vector.shape_cast %get3A_443 : vector<1x16xf32> to vector<16xf32>
        %mul3A_445 = arith.mulf %get3A_440, %get3A_444 : vector<16xf32>
        %get3A_446 = arith.index_cast %add3A_437 : i32 to index
        %get3A_447 = arith.constant 16 : index
        %get3A_448 = tpu.vector_load %arg13[%get3A_446, %get3A_447] {strides = array<i32>} : memref<64x256xf32, #tpu.memory_space<vmem>>, vector<1x16xf32>,
        %get3A_449 = vector.shape_cast %get3A_448 : vector<1x16xf32> to vector<16xf32>
        %get3A_450 = arith.index_cast %add3A_437 : i32 to index
        %get3A_451 = arith.constant 16 : index
        %get3A_452 = tpu.vector_load %arg10[%get3A_450, %get3A_451] {strides = array<i32>} : memref<64x256xf32, #tpu.memory_space<vmem>>, vector<1x16xf32>,
        %get3A_453 = vector.shape_cast %get3A_452 : vector<1x16xf32> to vector<16xf32>
        %mul3A_454 = arith.mulf %get3A_449, %get3A_453 : vector<16xf32>
        %add3A_455 = arith.addf %mul3A_445, %mul3A_454 : vector<16xf32>
        %get3A_456 = arith.index_cast %add3A_437 : i32 to index
        %get3A_457 = arith.constant 32 : index
        %get3A_458 = tpu.vector_load %arg13[%get3A_456, %get3A_457] {strides = array<i32>} : memref<64x256xf32, #tpu.memory_space<vmem>>, vector<1x16xf32>,
        %get3A_459 = vector.shape_cast %get3A_458 : vector<1x16xf32> to vector<16xf32>
        %get3A_460 = arith.index_cast %add3A_437 : i32 to index
        %get3A_461 = arith.constant 32 : index
        %get3A_462 = tpu.vector_load %arg10[%get3A_460, %get3A_461] {strides = array<i32>} : memref<64x256xf32, #tpu.memory_space<vmem>>, vector<1x16xf32>,
        %get3A_463 = vector.shape_cast %get3A_462 : vector<1x16xf32> to vector<16xf32>
        %mul3A_464 = arith.mulf %get3A_459, %get3A_463 : vector<16xf32>
        %add3A_465 = arith.addf %add3A_455, %mul3A_464 : vector<16xf32>
        %get3A_466 = arith.index_cast %add3A_437 : i32 to index
        %get3A_467 = arith.constant 48 : index
        %get3A_468 = tpu.vector_load %arg13[%get3A_466, %get3A_467] {strides = array<i32>} : memref<64x256xf32, #tpu.memory_space<vmem>>, vector<1x16xf32>,
        %get3A_469 = vector.shape_cast %get3A_468 : vector<1x16xf32> to vector<16xf32>
        %get3A_470 = arith.index_cast %add3A_437 : i32 to index
        %get3A_471 = arith.constant 48 : index
        %get3A_472 = tpu.vector_load %arg10[%get3A_470, %get3A_471] {strides = array<i32>} : memref<64x256xf32, #tpu.memory_space<vmem>>, vector<1x16xf32>,
        %get3A_473 = vector.shape_cast %get3A_472 : vector<1x16xf32> to vector<16xf32>
        %mul3A_474 = arith.mulf %get3A_469, %get3A_473 : vector<16xf32>
        %add3A_475 = arith.addf %add3A_465, %mul3A_474 : vector<16xf32>
        %get3A_476 = arith.index_cast %add3A_437 : i32 to index
        %get3A_477 = arith.constant 64 : index
        %get3A_478 = tpu.vector_load %arg13[%get3A_476, %get3A_477] {strides = array<i32>} : memref<64x256xf32, #tpu.memory_space<vmem>>, vector<1x16xf32>,
        %get3A_479 = vector.shape_cast %get3A_478 : vector<1x16xf32> to vector<16xf32>
        %get3A_480 = arith.index_cast %add3A_437 : i32 to index
        %get3A_481 = arith.constant 64 : index
        %get3A_482 = tpu.vector_load %arg10[%get3A_480, %get3A_481] {strides = array<i32>} : memref<64x256xf32, #tpu.memory_space<vmem>>, vector<1x16xf32>,
        %get3A_483 = vector.shape_cast %get3A_482 : vector<1x16xf32> to vector<16xf32>
        %mul3A_484 = arith.mulf %get3A_479, %get3A_483 : vector<16xf32>
        %add3A_485 = arith.addf %add3A_475, %mul3A_484 : vector<16xf32>
        %get3A_486 = arith.index_cast %add3A_437 : i32 to index
        %get3A_487 = arith.constant 80 : index
        %get3A_488 = tpu.vector_load %arg13[%get3A_486, %get3A_487] {strides = array<i32>} : memref<64x256xf32, #tpu.memory_space<vmem>>, vector<1x16xf32>,
        %get3A_489 = vector.shape_cast %get3A_488 : vector<1x16xf32> to vector<16xf32>
        %get3A_490 = arith.index_cast %add3A_437 : i32 to index
        %get3A_491 = arith.constant 80 : index
        %get3A_492 = tpu.vector_load %arg10[%get3A_490, %get3A_491] {strides = array<i32>} : memref<64x256xf32, #tpu.memory_space<vmem>>, vector<1x16xf32>,
        %get3A_493 = vector.shape_cast %get3A_492 : vector<1x16xf32> to vector<16xf32>
        %mul3A_494 = arith.mulf %get3A_489, %get3A_493 : vector<16xf32>
        %add3A_495 = arith.addf %add3A_485, %mul3A_494 : vector<16xf32>
        %get3A_496 = arith.index_cast %add3A_437 : i32 to index
        %get3A_497 = arith.constant 96 : index
        %get3A_498 = tpu.vector_load %arg13[%get3A_496, %get3A_497] {strides = array<i32>} : memref<64x256xf32, #tpu.memory_space<vmem>>, vector<1x16xf32>,
        %get3A_499 = vector.shape_cast %get3A_498 : vector<1x16xf32> to vector<16xf32>
        %get3A_500 = arith.index_cast %add3A_437 : i32 to index
        %get3A_501 = arith.constant 96 : index
        %get3A_502 = tpu.vector_load %arg10[%get3A_500, %get3A_501] {strides = array<i32>} : memref<64x256xf32, #tpu.memory_space<vmem>>, vector<1x16xf32>,
        %get3A_503 = vector.shape_cast %get3A_502 : vector<1x16xf32> to vector<16xf32>
        %mul3A_504 = arith.mulf %get3A_499, %get3A_503 : vector<16xf32>
        %add3A_505 = arith.addf %add3A_495, %mul3A_504 : vector<16xf32>
        %get3A_506 = arith.index_cast %add3A_437 : i32 to index
        %get3A_507 = arith.constant 112 : index
        %get3A_508 = tpu.vector_load %arg13[%get3A_506, %get3A_507] {strides = array<i32>} : memref<64x256xf32, #tpu.memory_space<vmem>>, vector<1x16xf32>,
        %get3A_509 = vector.shape_cast %get3A_508 : vector<1x16xf32> to vector<16xf32>
        %get3A_510 = arith.index_cast %add3A_437 : i32 to index
        %get3A_511 = arith.constant 112 : index
        %get3A_512 = tpu.vector_load %arg10[%get3A_510, %get3A_511] {strides = array<i32>} : memref<64x256xf32, #tpu.memory_space<vmem>>, vector<1x16xf32>,
        %get3A_513 = vector.shape_cast %get3A_512 : vector<1x16xf32> to vector<16xf32>
        %mul3A_514 = arith.mulf %get3A_509, %get3A_513 : vector<16xf32>
        %add3A_515 = arith.addf %add3A_505, %mul3A_514 : vector<16xf32>
        %get3A_516 = arith.index_cast %add3A_437 : i32 to index
        %get3A_517 = arith.constant 128 : index
        %get3A_518 = tpu.vector_load %arg13[%get3A_516, %get3A_517] {strides = array<i32>} : memref<64x256xf32, #tpu.memory_space<vmem>>, vector<1x16xf32>,
        %get3A_519 = vector.shape_cast %get3A_518 : vector<1x16xf32> to vector<16xf32>
        %get3A_520 = arith.index_cast %add3A_437 : i32 to index
        %get3A_521 = arith.constant 128 : index
        %get3A_522 = tpu.vector_load %arg10[%get3A_520, %get3A_521] {strides = array<i32>} : memref<64x256xf32, #tpu.memory_space<vmem>>, vector<1x16xf32>,
        %get3A_523 = vector.shape_cast %get3A_522 : vector<1x16xf32> to vector<16xf32>
        %mul3A_524 = arith.mulf %get3A_519, %get3A_523 : vector<16xf32>
        %add3A_525 = arith.addf %add3A_515, %mul3A_524 : vector<16xf32>
        %get3A_526 = arith.index_cast %add3A_437 : i32 to index
        %get3A_527 = arith.constant 144 : index
        %get3A_528 = tpu.vector_load %arg13[%get3A_526, %get3A_527] {strides = array<i32>} : memref<64x256xf32, #tpu.memory_space<vmem>>, vector<1x16xf32>,
        %get3A_529 = vector.shape_cast %get3A_528 : vector<1x16xf32> to vector<16xf32>
        %get3A_530 = arith.index_cast %add3A_437 : i32 to index
        %get3A_531 = arith.constant 144 : index
        %get3A_532 = tpu.vector_load %arg10[%get3A_530, %get3A_531] {strides = array<i32>} : memref<64x256xf32, #tpu.memory_space<vmem>>, vector<1x16xf32>,
        %get3A_533 = vector.shape_cast %get3A_532 : vector<1x16xf32> to vector<16xf32>
        %mul3A_534 = arith.mulf %get3A_529, %get3A_533 : vector<16xf32>
        %add3A_535 = arith.addf %add3A_525, %mul3A_534 : vector<16xf32>
        %get3A_536 = arith.index_cast %add3A_437 : i32 to index
        %get3A_537 = arith.constant 160 : index
        %get3A_538 = tpu.vector_load %arg13[%get3A_536, %get3A_537] {strides = array<i32>} : memref<64x256xf32, #tpu.memory_space<vmem>>, vector<1x16xf32>,
        %get3A_539 = vector.shape_cast %get3A_538 : vector<1x16xf32> to vector<16xf32>
        %get3A_540 = arith.index_cast %add3A_437 : i32 to index
        %get3A_541 = arith.constant 160 : index
        %get3A_542 = tpu.vector_load %arg10[%get3A_540, %get3A_541] {strides = array<i32>} : memref<64x256xf32, #tpu.memory_space<vmem>>, vector<1x16xf32>,
        %get3A_543 = vector.shape_cast %get3A_542 : vector<1x16xf32> to vector<16xf32>
        %mul3A_544 = arith.mulf %get3A_539, %get3A_543 : vector<16xf32>
        %add3A_545 = arith.addf %add3A_535, %mul3A_544 : vector<16xf32>
        %get3A_546 = arith.index_cast %add3A_437 : i32 to index
        %get3A_547 = arith.constant 176 : index
        %get3A_548 = tpu.vector_load %arg13[%get3A_546, %get3A_547] {strides = array<i32>} : memref<64x256xf32, #tpu.memory_space<vmem>>, vector<1x16xf32>,
        %get3A_549 = vector.shape_cast %get3A_548 : vector<1x16xf32> to vector<16xf32>
        %get3A_550 = arith.index_cast %add3A_437 : i32 to index
        %get3A_551 = arith.constant 176 : index
        %get3A_552 = tpu.vector_load %arg10[%get3A_550, %get3A_551] {strides = array<i32>} : memref<64x256xf32, #tpu.memory_space<vmem>>, vector<1x16xf32>,
        %get3A_553 = vector.shape_cast %get3A_552 : vector<1x16xf32> to vector<16xf32>
        %mul3A_554 = arith.mulf %get3A_549, %get3A_553 : vector<16xf32>
        %add3A_555 = arith.addf %add3A_545, %mul3A_554 : vector<16xf32>
        %get3A_556 = arith.index_cast %add3A_437 : i32 to index
        %get3A_557 = arith.constant 192 : index
        %get3A_558 = tpu.vector_load %arg13[%get3A_556, %get3A_557] {strides = array<i32>} : memref<64x256xf32, #tpu.memory_space<vmem>>, vector<1x16xf32>,
        %get3A_559 = vector.shape_cast %get3A_558 : vector<1x16xf32> to vector<16xf32>
        %get3A_560 = arith.index_cast %add3A_437 : i32 to index
        %get3A_561 = arith.constant 192 : index
        %get3A_562 = tpu.vector_load %arg10[%get3A_560, %get3A_561] {strides = array<i32>} : memref<64x256xf32, #tpu.memory_space<vmem>>, vector<1x16xf32>,
        %get3A_563 = vector.shape_cast %get3A_562 : vector<1x16xf32> to vector<16xf32>
        %mul3A_564 = arith.mulf %get3A_559, %get3A_563 : vector<16xf32>
        %add3A_565 = arith.addf %add3A_555, %mul3A_564 : vector<16xf32>
        %get3A_566 = arith.index_cast %add3A_437 : i32 to index
        %get3A_567 = arith.constant 208 : index
        %get3A_568 = tpu.vector_load %arg13[%get3A_566, %get3A_567] {strides = array<i32>} : memref<64x256xf32, #tpu.memory_space<vmem>>, vector<1x16xf32>,
        %get3A_569 = vector.shape_cast %get3A_568 : vector<1x16xf32> to vector<16xf32>
        %get3A_570 = arith.index_cast %add3A_437 : i32 to index
        %get3A_571 = arith.constant 208 : index
        %get3A_572 = tpu.vector_load %arg10[%get3A_570, %get3A_571] {strides = array<i32>} : memref<64x256xf32, #tpu.memory_space<vmem>>, vector<1x16xf32>,
        %get3A_573 = vector.shape_cast %get3A_572 : vector<1x16xf32> to vector<16xf32>
        %mul3A_574 = arith.mulf %get3A_569, %get3A_573 : vector<16xf32>
        %add3A_575 = arith.addf %add3A_565, %mul3A_574 : vector<16xf32>
        %get3A_576 = arith.index_cast %add3A_437 : i32 to index
        %get3A_577 = arith.constant 224 : index
        %get3A_578 = tpu.vector_load %arg13[%get3A_576, %get3A_577] {strides = array<i32>} : memref<64x256xf32, #tpu.memory_space<vmem>>, vector<1x16xf32>,
        %get3A_579 = vector.shape_cast %get3A_578 : vector<1x16xf32> to vector<16xf32>
        %get3A_580 = arith.index_cast %add3A_437 : i32 to index
        %get3A_581 = arith.constant 224 : index
        %get3A_582 = tpu.vector_load %arg10[%get3A_580, %get3A_581] {strides = array<i32>} : memref<64x256xf32, #tpu.memory_space<vmem>>, vector<1x16xf32>,
        %get3A_583 = vector.shape_cast %get3A_582 : vector<1x16xf32> to vector<16xf32>
        %mul3A_584 = arith.mulf %get3A_579, %get3A_583 : vector<16xf32>
        %add3A_585 = arith.addf %add3A_575, %mul3A_584 : vector<16xf32>
        %get3A_586 = arith.index_cast %add3A_437 : i32 to index
        %get3A_587 = arith.constant 240 : index
        %get3A_588 = tpu.vector_load %arg13[%get3A_586, %get3A_587] {strides = array<i32>} : memref<64x256xf32, #tpu.memory_space<vmem>>, vector<1x16xf32>,
        %get3A_589 = vector.shape_cast %get3A_588 : vector<1x16xf32> to vector<16xf32>
        %get3A_590 = arith.index_cast %add3A_437 : i32 to index
        %get3A_591 = arith.constant 240 : index
        %get3A_592 = tpu.vector_load %arg10[%get3A_590, %get3A_591] {strides = array<i32>} : memref<64x256xf32, #tpu.memory_space<vmem>>, vector<1x16xf32>,
        %get3A_593 = vector.shape_cast %get3A_592 : vector<1x16xf32> to vector<16xf32>
        %mul3A_594 = arith.mulf %get3A_589, %get3A_593 : vector<16xf32>
        %add3A_595 = arith.addf %add3A_585, %mul3A_594 : vector<16xf32>
        %xor3A = arith.constant 8 : i32
        %xor3A_596 = vector.broadcast %xor3A : i32 to vector<16xi32>
        %xor3A_597 = arith.xori %iota3A, %xor3A_596 : vector<16xi32>
        %reshape3A = vector.shape_cast %xor3A_597 : vector<16xi32> to vector<16x1xi32>
        %gather3A = vector.shape_cast %reshape3A : vector<16x1xi32> to vector<16xi32>
        %gather3A_598 = tpu.dynamic_gather %add3A_595[%gather3A] in [0] : vector<16xf32>, vector<16xi32> -> vector<16xf32>
        %add3A_599 = arith.addf %add3A_595, %gather3A_598 : vector<16xf32>
        %xor3A_600 = arith.constant 4 : i32
        %xor3A_601 = vector.broadcast %xor3A_600 : i32 to vector<16xi32>
        %xor3A_602 = arith.xori %iota3A, %xor3A_601 : vector<16xi32>
        %reshape3A_603 = vector.shape_cast %xor3A_602 : vector<16xi32> to vector<16x1xi32>
        %gather3A_604 = vector.shape_cast %reshape3A_603 : vector<16x1xi32> to vector<16xi32>
        %gather3A_605 = tpu.dynamic_gather %add3A_599[%gather3A_604] in [0] : vector<16xf32>, vector<16xi32> -> vector<16xf32>
        %add3A_606 = arith.addf %add3A_599, %gather3A_605 : vector<16xf32>
        %xor3A_607 = arith.constant 2 : i32
        %xor3A_608 = vector.broadcast %xor3A_607 : i32 to vector<16xi32>
        %xor3A_609 = arith.xori %iota3A, %xor3A_608 : vector<16xi32>
        %reshape3A_610 = vector.shape_cast %xor3A_609 : vector<16xi32> to vector<16x1xi32>
        %gather3A_611 = vector.shape_cast %reshape3A_610 : vector<16x1xi32> to vector<16xi32>
        %gather3A_612 = tpu.dynamic_gather %add3A_606[%gather3A_611] in [0] : vector<16xf32>, vector<16xi32> -> vector<16xf32>
        %add3A_613 = arith.addf %add3A_606, %gather3A_612 : vector<16xf32>
        %xor3A_614 = arith.constant 1 : i32
        %xor3A_615 = vector.broadcast %xor3A_614 : i32 to vector<16xi32>
        %xor3A_616 = arith.xori %iota3A, %xor3A_615 : vector<16xi32>
        %reshape3A_617 = vector.shape_cast %xor3A_616 : vector<16xi32> to vector<16x1xi32>
        %gather3A_618 = vector.shape_cast %reshape3A_617 : vector<16x1xi32> to vector<16xi32>
        %gather3A_619 = tpu.dynamic_gather %add3A_613[%gather3A_618] in [0] : vector<16xf32>, vector<16xi32> -> vector<16xf32>
        %add3A_620 = arith.addf %add3A_613, %gather3A_619 : vector<16xf32>
        %eq3A = vector.broadcast %scan3A_434 : i32 to vector<16xi32>
        %eq3A_621 = arith.cmpi eq, %iota3A, %eq3A : vector<16xi32>
        %select_n3A = arith.select %eq3A_621, %add3A_620, %scan3A_435 : vector<16xi1>, vector<16xf32>
        scf.yield %select_n3A : vector<16xf32>
      }
      %scan3A_247 = arith.constant 16 : i32
      %neg3A_248 = arith.constant 0.000000e+00 : f32
      %neg3A_249 = vector.broadcast %neg3A_248 : f32 to vector<16xf32>
      %neg3A_250 = arith.subf %neg3A_249, %scan3A_246 : vector<16xf32>
      %exp3A_251 = math.exp %neg3A_250 : vector<16xf32>
      %add3A_252 = arith.constant 1.000000e+00 : f32
      %add3A_253 = vector.broadcast %add3A_252 : f32 to vector<16xf32>
      %add3A_254 = arith.addf %add3A_253, %exp3A_251 : vector<16xf32>
      %div3A_255 = arith.constant 1.000000e+00 : f32
      %div3A_256 = vector.broadcast %div3A_255 : f32 to vector<16xf32>
      %div3A_257 = arith.divf %div3A_256, %add3A_254 : vector<16xf32>
      %add3A_258 = arith.constant 16 : i32
      %add3A_259 = arith.addi %mul3A_215, %add3A_258 : i32
      %swap3A_260 = arith.index_cast %add3A_259 : i32 to index
      %swap3A_261 = tpu.vector_load %arg8[%swap3A_260] {strides = array<i32>} : memref<5008xf32, #tpu.memory_space<vmem>>, vector<16xf32>,
      %swap3A_262 = vector.shape_cast %swap3A_261 : vector<16xf32> to vector<16xf32>
      %swap3A_263 = vector.shape_cast %div3A_257 : vector<16xf32> to vector<16xf32>
      tpu.vector_store %arg8[%swap3A_260], %swap3A_263 {strides = array<i32>} : memref<5008xf32, #tpu.memory_space<vmem>>, vector<16xf32>,
      %broadcast_in_dim3A_264 = arith.constant 0.000000e+00 : f32
      %broadcast_in_dim3A_265 = vector.broadcast %broadcast_in_dim3A_264 : f32 to vector<16xf32>
      %scan3A_266 = arith.constant 0 : i32
      %scan3A_267 = arith.constant 16 : i32
      %scan3A_268 = arith.addi %scan3A_266, %scan3A_267 : i32
      %scan3A_269 = arith.constant 1 : i32
      %scan3A_270 = scf.for %scan3A_434 = %scan3A_266 to %scan3A_268 step %scan3A_269 iter_args(%scan3A_435 = %broadcast_in_dim3A_265) -> (vector<16xf32>)  : i32 {
        %add3A_436 = arith.constant 32 : i32
        %add3A_437 = arith.addi %add3A_436, %scan3A_434 : i32
        %get3A = arith.index_cast %add3A_437 : i32 to index
        %get3A_438 = arith.constant 0 : index
        %get3A_439 = tpu.vector_load %arg13[%get3A, %get3A_438] {strides = array<i32>} : memref<64x256xf32, #tpu.memory_space<vmem>>, vector<1x16xf32>,
        %get3A_440 = vector.shape_cast %get3A_439 : vector<1x16xf32> to vector<16xf32>
        %get3A_441 = arith.index_cast %add3A_437 : i32 to index
        %get3A_442 = arith.constant 0 : index
        %get3A_443 = tpu.vector_load %arg10[%get3A_441, %get3A_442] {strides = array<i32>} : memref<64x256xf32, #tpu.memory_space<vmem>>, vector<1x16xf32>,
        %get3A_444 = vector.shape_cast %get3A_443 : vector<1x16xf32> to vector<16xf32>
        %mul3A_445 = arith.mulf %get3A_440, %get3A_444 : vector<16xf32>
        %get3A_446 = arith.index_cast %add3A_437 : i32 to index
        %get3A_447 = arith.constant 16 : index
        %get3A_448 = tpu.vector_load %arg13[%get3A_446, %get3A_447] {strides = array<i32>} : memref<64x256xf32, #tpu.memory_space<vmem>>, vector<1x16xf32>,
        %get3A_449 = vector.shape_cast %get3A_448 : vector<1x16xf32> to vector<16xf32>
        %get3A_450 = arith.index_cast %add3A_437 : i32 to index
        %get3A_451 = arith.constant 16 : index
        %get3A_452 = tpu.vector_load %arg10[%get3A_450, %get3A_451] {strides = array<i32>} : memref<64x256xf32, #tpu.memory_space<vmem>>, vector<1x16xf32>,
        %get3A_453 = vector.shape_cast %get3A_452 : vector<1x16xf32> to vector<16xf32>
        %mul3A_454 = arith.mulf %get3A_449, %get3A_453 : vector<16xf32>
        %add3A_455 = arith.addf %mul3A_445, %mul3A_454 : vector<16xf32>
        %get3A_456 = arith.index_cast %add3A_437 : i32 to index
        %get3A_457 = arith.constant 32 : index
        %get3A_458 = tpu.vector_load %arg13[%get3A_456, %get3A_457] {strides = array<i32>} : memref<64x256xf32, #tpu.memory_space<vmem>>, vector<1x16xf32>,
        %get3A_459 = vector.shape_cast %get3A_458 : vector<1x16xf32> to vector<16xf32>
        %get3A_460 = arith.index_cast %add3A_437 : i32 to index
        %get3A_461 = arith.constant 32 : index
        %get3A_462 = tpu.vector_load %arg10[%get3A_460, %get3A_461] {strides = array<i32>} : memref<64x256xf32, #tpu.memory_space<vmem>>, vector<1x16xf32>,
        %get3A_463 = vector.shape_cast %get3A_462 : vector<1x16xf32> to vector<16xf32>
        %mul3A_464 = arith.mulf %get3A_459, %get3A_463 : vector<16xf32>
        %add3A_465 = arith.addf %add3A_455, %mul3A_464 : vector<16xf32>
        %get3A_466 = arith.index_cast %add3A_437 : i32 to index
        %get3A_467 = arith.constant 48 : index
        %get3A_468 = tpu.vector_load %arg13[%get3A_466, %get3A_467] {strides = array<i32>} : memref<64x256xf32, #tpu.memory_space<vmem>>, vector<1x16xf32>,
        %get3A_469 = vector.shape_cast %get3A_468 : vector<1x16xf32> to vector<16xf32>
        %get3A_470 = arith.index_cast %add3A_437 : i32 to index
        %get3A_471 = arith.constant 48 : index
        %get3A_472 = tpu.vector_load %arg10[%get3A_470, %get3A_471] {strides = array<i32>} : memref<64x256xf32, #tpu.memory_space<vmem>>, vector<1x16xf32>,
        %get3A_473 = vector.shape_cast %get3A_472 : vector<1x16xf32> to vector<16xf32>
        %mul3A_474 = arith.mulf %get3A_469, %get3A_473 : vector<16xf32>
        %add3A_475 = arith.addf %add3A_465, %mul3A_474 : vector<16xf32>
        %get3A_476 = arith.index_cast %add3A_437 : i32 to index
        %get3A_477 = arith.constant 64 : index
        %get3A_478 = tpu.vector_load %arg13[%get3A_476, %get3A_477] {strides = array<i32>} : memref<64x256xf32, #tpu.memory_space<vmem>>, vector<1x16xf32>,
        %get3A_479 = vector.shape_cast %get3A_478 : vector<1x16xf32> to vector<16xf32>
        %get3A_480 = arith.index_cast %add3A_437 : i32 to index
        %get3A_481 = arith.constant 64 : index
        %get3A_482 = tpu.vector_load %arg10[%get3A_480, %get3A_481] {strides = array<i32>} : memref<64x256xf32, #tpu.memory_space<vmem>>, vector<1x16xf32>,
        %get3A_483 = vector.shape_cast %get3A_482 : vector<1x16xf32> to vector<16xf32>
        %mul3A_484 = arith.mulf %get3A_479, %get3A_483 : vector<16xf32>
        %add3A_485 = arith.addf %add3A_475, %mul3A_484 : vector<16xf32>
        %get3A_486 = arith.index_cast %add3A_437 : i32 to index
        %get3A_487 = arith.constant 80 : index
        %get3A_488 = tpu.vector_load %arg13[%get3A_486, %get3A_487] {strides = array<i32>} : memref<64x256xf32, #tpu.memory_space<vmem>>, vector<1x16xf32>,
        %get3A_489 = vector.shape_cast %get3A_488 : vector<1x16xf32> to vector<16xf32>
        %get3A_490 = arith.index_cast %add3A_437 : i32 to index
        %get3A_491 = arith.constant 80 : index
        %get3A_492 = tpu.vector_load %arg10[%get3A_490, %get3A_491] {strides = array<i32>} : memref<64x256xf32, #tpu.memory_space<vmem>>, vector<1x16xf32>,
        %get3A_493 = vector.shape_cast %get3A_492 : vector<1x16xf32> to vector<16xf32>
        %mul3A_494 = arith.mulf %get3A_489, %get3A_493 : vector<16xf32>
        %add3A_495 = arith.addf %add3A_485, %mul3A_494 : vector<16xf32>
        %get3A_496 = arith.index_cast %add3A_437 : i32 to index
        %get3A_497 = arith.constant 96 : index
        %get3A_498 = tpu.vector_load %arg13[%get3A_496, %get3A_497] {strides = array<i32>} : memref<64x256xf32, #tpu.memory_space<vmem>>, vector<1x16xf32>,
        %get3A_499 = vector.shape_cast %get3A_498 : vector<1x16xf32> to vector<16xf32>
        %get3A_500 = arith.index_cast %add3A_437 : i32 to index
        %get3A_501 = arith.constant 96 : index
        %get3A_502 = tpu.vector_load %arg10[%get3A_500, %get3A_501] {strides = array<i32>} : memref<64x256xf32, #tpu.memory_space<vmem>>, vector<1x16xf32>,
        %get3A_503 = vector.shape_cast %get3A_502 : vector<1x16xf32> to vector<16xf32>
        %mul3A_504 = arith.mulf %get3A_499, %get3A_503 : vector<16xf32>
        %add3A_505 = arith.addf %add3A_495, %mul3A_504 : vector<16xf32>
        %get3A_506 = arith.index_cast %add3A_437 : i32 to index
        %get3A_507 = arith.constant 112 : index
        %get3A_508 = tpu.vector_load %arg13[%get3A_506, %get3A_507] {strides = array<i32>} : memref<64x256xf32, #tpu.memory_space<vmem>>, vector<1x16xf32>,
        %get3A_509 = vector.shape_cast %get3A_508 : vector<1x16xf32> to vector<16xf32>
        %get3A_510 = arith.index_cast %add3A_437 : i32 to index
        %get3A_511 = arith.constant 112 : index
        %get3A_512 = tpu.vector_load %arg10[%get3A_510, %get3A_511] {strides = array<i32>} : memref<64x256xf32, #tpu.memory_space<vmem>>, vector<1x16xf32>,
        %get3A_513 = vector.shape_cast %get3A_512 : vector<1x16xf32> to vector<16xf32>
        %mul3A_514 = arith.mulf %get3A_509, %get3A_513 : vector<16xf32>
        %add3A_515 = arith.addf %add3A_505, %mul3A_514 : vector<16xf32>
        %get3A_516 = arith.index_cast %add3A_437 : i32 to index
        %get3A_517 = arith.constant 128 : index
        %get3A_518 = tpu.vector_load %arg13[%get3A_516, %get3A_517] {strides = array<i32>} : memref<64x256xf32, #tpu.memory_space<vmem>>, vector<1x16xf32>,
        %get3A_519 = vector.shape_cast %get3A_518 : vector<1x16xf32> to vector<16xf32>
        %get3A_520 = arith.index_cast %add3A_437 : i32 to index
        %get3A_521 = arith.constant 128 : index
        %get3A_522 = tpu.vector_load %arg10[%get3A_520, %get3A_521] {strides = array<i32>} : memref<64x256xf32, #tpu.memory_space<vmem>>, vector<1x16xf32>,
        %get3A_523 = vector.shape_cast %get3A_522 : vector<1x16xf32> to vector<16xf32>
        %mul3A_524 = arith.mulf %get3A_519, %get3A_523 : vector<16xf32>
        %add3A_525 = arith.addf %add3A_515, %mul3A_524 : vector<16xf32>
        %get3A_526 = arith.index_cast %add3A_437 : i32 to index
        %get3A_527 = arith.constant 144 : index
        %get3A_528 = tpu.vector_load %arg13[%get3A_526, %get3A_527] {strides = array<i32>} : memref<64x256xf32, #tpu.memory_space<vmem>>, vector<1x16xf32>,
        %get3A_529 = vector.shape_cast %get3A_528 : vector<1x16xf32> to vector<16xf32>
        %get3A_530 = arith.index_cast %add3A_437 : i32 to index
        %get3A_531 = arith.constant 144 : index
        %get3A_532 = tpu.vector_load %arg10[%get3A_530, %get3A_531] {strides = array<i32>} : memref<64x256xf32, #tpu.memory_space<vmem>>, vector<1x16xf32>,
        %get3A_533 = vector.shape_cast %get3A_532 : vector<1x16xf32> to vector<16xf32>
        %mul3A_534 = arith.mulf %get3A_529, %get3A_533 : vector<16xf32>
        %add3A_535 = arith.addf %add3A_525, %mul3A_534 : vector<16xf32>
        %get3A_536 = arith.index_cast %add3A_437 : i32 to index
        %get3A_537 = arith.constant 160 : index
        %get3A_538 = tpu.vector_load %arg13[%get3A_536, %get3A_537] {strides = array<i32>} : memref<64x256xf32, #tpu.memory_space<vmem>>, vector<1x16xf32>,
        %get3A_539 = vector.shape_cast %get3A_538 : vector<1x16xf32> to vector<16xf32>
        %get3A_540 = arith.index_cast %add3A_437 : i32 to index
        %get3A_541 = arith.constant 160 : index
        %get3A_542 = tpu.vector_load %arg10[%get3A_540, %get3A_541] {strides = array<i32>} : memref<64x256xf32, #tpu.memory_space<vmem>>, vector<1x16xf32>,
        %get3A_543 = vector.shape_cast %get3A_542 : vector<1x16xf32> to vector<16xf32>
        %mul3A_544 = arith.mulf %get3A_539, %get3A_543 : vector<16xf32>
        %add3A_545 = arith.addf %add3A_535, %mul3A_544 : vector<16xf32>
        %get3A_546 = arith.index_cast %add3A_437 : i32 to index
        %get3A_547 = arith.constant 176 : index
        %get3A_548 = tpu.vector_load %arg13[%get3A_546, %get3A_547] {strides = array<i32>} : memref<64x256xf32, #tpu.memory_space<vmem>>, vector<1x16xf32>,
        %get3A_549 = vector.shape_cast %get3A_548 : vector<1x16xf32> to vector<16xf32>
        %get3A_550 = arith.index_cast %add3A_437 : i32 to index
        %get3A_551 = arith.constant 176 : index
        %get3A_552 = tpu.vector_load %arg10[%get3A_550, %get3A_551] {strides = array<i32>} : memref<64x256xf32, #tpu.memory_space<vmem>>, vector<1x16xf32>,
        %get3A_553 = vector.shape_cast %get3A_552 : vector<1x16xf32> to vector<16xf32>
        %mul3A_554 = arith.mulf %get3A_549, %get3A_553 : vector<16xf32>
        %add3A_555 = arith.addf %add3A_545, %mul3A_554 : vector<16xf32>
        %get3A_556 = arith.index_cast %add3A_437 : i32 to index
        %get3A_557 = arith.constant 192 : index
        %get3A_558 = tpu.vector_load %arg13[%get3A_556, %get3A_557] {strides = array<i32>} : memref<64x256xf32, #tpu.memory_space<vmem>>, vector<1x16xf32>,
        %get3A_559 = vector.shape_cast %get3A_558 : vector<1x16xf32> to vector<16xf32>
        %get3A_560 = arith.index_cast %add3A_437 : i32 to index
        %get3A_561 = arith.constant 192 : index
        %get3A_562 = tpu.vector_load %arg10[%get3A_560, %get3A_561] {strides = array<i32>} : memref<64x256xf32, #tpu.memory_space<vmem>>, vector<1x16xf32>,
        %get3A_563 = vector.shape_cast %get3A_562 : vector<1x16xf32> to vector<16xf32>
        %mul3A_564 = arith.mulf %get3A_559, %get3A_563 : vector<16xf32>
        %add3A_565 = arith.addf %add3A_555, %mul3A_564 : vector<16xf32>
        %get3A_566 = arith.index_cast %add3A_437 : i32 to index
        %get3A_567 = arith.constant 208 : index
        %get3A_568 = tpu.vector_load %arg13[%get3A_566, %get3A_567] {strides = array<i32>} : memref<64x256xf32, #tpu.memory_space<vmem>>, vector<1x16xf32>,
        %get3A_569 = vector.shape_cast %get3A_568 : vector<1x16xf32> to vector<16xf32>
        %get3A_570 = arith.index_cast %add3A_437 : i32 to index
        %get3A_571 = arith.constant 208 : index
        %get3A_572 = tpu.vector_load %arg10[%get3A_570, %get3A_571] {strides = array<i32>} : memref<64x256xf32, #tpu.memory_space<vmem>>, vector<1x16xf32>,
        %get3A_573 = vector.shape_cast %get3A_572 : vector<1x16xf32> to vector<16xf32>
        %mul3A_574 = arith.mulf %get3A_569, %get3A_573 : vector<16xf32>
        %add3A_575 = arith.addf %add3A_565, %mul3A_574 : vector<16xf32>
        %get3A_576 = arith.index_cast %add3A_437 : i32 to index
        %get3A_577 = arith.constant 224 : index
        %get3A_578 = tpu.vector_load %arg13[%get3A_576, %get3A_577] {strides = array<i32>} : memref<64x256xf32, #tpu.memory_space<vmem>>, vector<1x16xf32>,
        %get3A_579 = vector.shape_cast %get3A_578 : vector<1x16xf32> to vector<16xf32>
        %get3A_580 = arith.index_cast %add3A_437 : i32 to index
        %get3A_581 = arith.constant 224 : index
        %get3A_582 = tpu.vector_load %arg10[%get3A_580, %get3A_581] {strides = array<i32>} : memref<64x256xf32, #tpu.memory_space<vmem>>, vector<1x16xf32>,
        %get3A_583 = vector.shape_cast %get3A_582 : vector<1x16xf32> to vector<16xf32>
        %mul3A_584 = arith.mulf %get3A_579, %get3A_583 : vector<16xf32>
        %add3A_585 = arith.addf %add3A_575, %mul3A_584 : vector<16xf32>
        %get3A_586 = arith.index_cast %add3A_437 : i32 to index
        %get3A_587 = arith.constant 240 : index
        %get3A_588 = tpu.vector_load %arg13[%get3A_586, %get3A_587] {strides = array<i32>} : memref<64x256xf32, #tpu.memory_space<vmem>>, vector<1x16xf32>,
        %get3A_589 = vector.shape_cast %get3A_588 : vector<1x16xf32> to vector<16xf32>
        %get3A_590 = arith.index_cast %add3A_437 : i32 to index
        %get3A_591 = arith.constant 240 : index
        %get3A_592 = tpu.vector_load %arg10[%get3A_590, %get3A_591] {strides = array<i32>} : memref<64x256xf32, #tpu.memory_space<vmem>>, vector<1x16xf32>,
        %get3A_593 = vector.shape_cast %get3A_592 : vector<1x16xf32> to vector<16xf32>
        %mul3A_594 = arith.mulf %get3A_589, %get3A_593 : vector<16xf32>
        %add3A_595 = arith.addf %add3A_585, %mul3A_594 : vector<16xf32>
        %xor3A = arith.constant 8 : i32
        %xor3A_596 = vector.broadcast %xor3A : i32 to vector<16xi32>
        %xor3A_597 = arith.xori %iota3A, %xor3A_596 : vector<16xi32>
        %reshape3A = vector.shape_cast %xor3A_597 : vector<16xi32> to vector<16x1xi32>
        %gather3A = vector.shape_cast %reshape3A : vector<16x1xi32> to vector<16xi32>
        %gather3A_598 = tpu.dynamic_gather %add3A_595[%gather3A] in [0] : vector<16xf32>, vector<16xi32> -> vector<16xf32>
        %add3A_599 = arith.addf %add3A_595, %gather3A_598 : vector<16xf32>
        %xor3A_600 = arith.constant 4 : i32
        %xor3A_601 = vector.broadcast %xor3A_600 : i32 to vector<16xi32>
        %xor3A_602 = arith.xori %iota3A, %xor3A_601 : vector<16xi32>
        %reshape3A_603 = vector.shape_cast %xor3A_602 : vector<16xi32> to vector<16x1xi32>
        %gather3A_604 = vector.shape_cast %reshape3A_603 : vector<16x1xi32> to vector<16xi32>
        %gather3A_605 = tpu.dynamic_gather %add3A_599[%gather3A_604] in [0] : vector<16xf32>, vector<16xi32> -> vector<16xf32>
        %add3A_606 = arith.addf %add3A_599, %gather3A_605 : vector<16xf32>
        %xor3A_607 = arith.constant 2 : i32
        %xor3A_608 = vector.broadcast %xor3A_607 : i32 to vector<16xi32>
        %xor3A_609 = arith.xori %iota3A, %xor3A_608 : vector<16xi32>
        %reshape3A_610 = vector.shape_cast %xor3A_609 : vector<16xi32> to vector<16x1xi32>
        %gather3A_611 = vector.shape_cast %reshape3A_610 : vector<16x1xi32> to vector<16xi32>
        %gather3A_612 = tpu.dynamic_gather %add3A_606[%gather3A_611] in [0] : vector<16xf32>, vector<16xi32> -> vector<16xf32>
        %add3A_613 = arith.addf %add3A_606, %gather3A_612 : vector<16xf32>
        %xor3A_614 = arith.constant 1 : i32
        %xor3A_615 = vector.broadcast %xor3A_614 : i32 to vector<16xi32>
        %xor3A_616 = arith.xori %iota3A, %xor3A_615 : vector<16xi32>
        %reshape3A_617 = vector.shape_cast %xor3A_616 : vector<16xi32> to vector<16x1xi32>
        %gather3A_618 = vector.shape_cast %reshape3A_617 : vector<16x1xi32> to vector<16xi32>
        %gather3A_619 = tpu.dynamic_gather %add3A_613[%gather3A_618] in [0] : vector<16xf32>, vector<16xi32> -> vector<16xf32>
        %add3A_620 = arith.addf %add3A_613, %gather3A_619 : vector<16xf32>
        %eq3A = vector.broadcast %scan3A_434 : i32 to vector<16xi32>
        %eq3A_621 = arith.cmpi eq, %iota3A, %eq3A : vector<16xi32>
        %select_n3A = arith.select %eq3A_621, %add3A_620, %scan3A_435 : vector<16xi1>, vector<16xf32>
        scf.yield %select_n3A : vector<16xf32>
      }
      %scan3A_271 = arith.constant 16 : i32
      %neg3A_272 = arith.constant 0.000000e+00 : f32
      %neg3A_273 = vector.broadcast %neg3A_272 : f32 to vector<16xf32>
      %neg3A_274 = arith.subf %neg3A_273, %scan3A_270 : vector<16xf32>
      %exp3A_275 = math.exp %neg3A_274 : vector<16xf32>
      %add3A_276 = arith.constant 1.000000e+00 : f32
      %add3A_277 = vector.broadcast %add3A_276 : f32 to vector<16xf32>
      %add3A_278 = arith.addf %add3A_277, %exp3A_275 : vector<16xf32>
      %div3A_279 = arith.constant 1.000000e+00 : f32
      %div3A_280 = vector.broadcast %div3A_279 : f32 to vector<16xf32>
      %div3A_281 = arith.divf %div3A_280, %add3A_278 : vector<16xf32>
      %add3A_282 = arith.constant 32 : i32
      %add3A_283 = arith.addi %mul3A_215, %add3A_282 : i32
      %swap3A_284 = arith.index_cast %add3A_283 : i32 to index
      %swap3A_285 = tpu.vector_load %arg8[%swap3A_284] {strides = array<i32>} : memref<5008xf32, #tpu.memory_space<vmem>>, vector<16xf32>,
      %swap3A_286 = vector.shape_cast %swap3A_285 : vector<16xf32> to vector<16xf32>
      %swap3A_287 = vector.shape_cast %div3A_281 : vector<16xf32> to vector<16xf32>
      tpu.vector_store %arg8[%swap3A_284], %swap3A_287 {strides = array<i32>} : memref<5008xf32, #tpu.memory_space<vmem>>, vector<16xf32>,
      %broadcast_in_dim3A_288 = arith.constant 0.000000e+00 : f32
      %broadcast_in_dim3A_289 = vector.broadcast %broadcast_in_dim3A_288 : f32 to vector<16xf32>
      %scan3A_290 = arith.constant 0 : i32
      %scan3A_291 = arith.constant 16 : i32
      %scan3A_292 = arith.addi %scan3A_290, %scan3A_291 : i32
      %scan3A_293 = arith.constant 1 : i32
      %scan3A_294 = scf.for %scan3A_434 = %scan3A_290 to %scan3A_292 step %scan3A_293 iter_args(%scan3A_435 = %broadcast_in_dim3A_289) -> (vector<16xf32>)  : i32 {
        %add3A_436 = arith.constant 48 : i32
        %add3A_437 = arith.addi %add3A_436, %scan3A_434 : i32
        %get3A = arith.index_cast %add3A_437 : i32 to index
        %get3A_438 = arith.constant 0 : index
        %get3A_439 = tpu.vector_load %arg13[%get3A, %get3A_438] {strides = array<i32>} : memref<64x256xf32, #tpu.memory_space<vmem>>, vector<1x16xf32>,
        %get3A_440 = vector.shape_cast %get3A_439 : vector<1x16xf32> to vector<16xf32>
        %get3A_441 = arith.index_cast %add3A_437 : i32 to index
        %get3A_442 = arith.constant 0 : index
        %get3A_443 = tpu.vector_load %arg10[%get3A_441, %get3A_442] {strides = array<i32>} : memref<64x256xf32, #tpu.memory_space<vmem>>, vector<1x16xf32>,
        %get3A_444 = vector.shape_cast %get3A_443 : vector<1x16xf32> to vector<16xf32>
        %mul3A_445 = arith.mulf %get3A_440, %get3A_444 : vector<16xf32>
        %get3A_446 = arith.index_cast %add3A_437 : i32 to index
        %get3A_447 = arith.constant 16 : index
        %get3A_448 = tpu.vector_load %arg13[%get3A_446, %get3A_447] {strides = array<i32>} : memref<64x256xf32, #tpu.memory_space<vmem>>, vector<1x16xf32>,
        %get3A_449 = vector.shape_cast %get3A_448 : vector<1x16xf32> to vector<16xf32>
        %get3A_450 = arith.index_cast %add3A_437 : i32 to index
        %get3A_451 = arith.constant 16 : index
        %get3A_452 = tpu.vector_load %arg10[%get3A_450, %get3A_451] {strides = array<i32>} : memref<64x256xf32, #tpu.memory_space<vmem>>, vector<1x16xf32>,
        %get3A_453 = vector.shape_cast %get3A_452 : vector<1x16xf32> to vector<16xf32>
        %mul3A_454 = arith.mulf %get3A_449, %get3A_453 : vector<16xf32>
        %add3A_455 = arith.addf %mul3A_445, %mul3A_454 : vector<16xf32>
        %get3A_456 = arith.index_cast %add3A_437 : i32 to index
        %get3A_457 = arith.constant 32 : index
        %get3A_458 = tpu.vector_load %arg13[%get3A_456, %get3A_457] {strides = array<i32>} : memref<64x256xf32, #tpu.memory_space<vmem>>, vector<1x16xf32>,
        %get3A_459 = vector.shape_cast %get3A_458 : vector<1x16xf32> to vector<16xf32>
        %get3A_460 = arith.index_cast %add3A_437 : i32 to index
        %get3A_461 = arith.constant 32 : index
        %get3A_462 = tpu.vector_load %arg10[%get3A_460, %get3A_461] {strides = array<i32>} : memref<64x256xf32, #tpu.memory_space<vmem>>, vector<1x16xf32>,
        %get3A_463 = vector.shape_cast %get3A_462 : vector<1x16xf32> to vector<16xf32>
        %mul3A_464 = arith.mulf %get3A_459, %get3A_463 : vector<16xf32>
        %add3A_465 = arith.addf %add3A_455, %mul3A_464 : vector<16xf32>
        %get3A_466 = arith.index_cast %add3A_437 : i32 to index
        %get3A_467 = arith.constant 48 : index
        %get3A_468 = tpu.vector_load %arg13[%get3A_466, %get3A_467] {strides = array<i32>} : memref<64x256xf32, #tpu.memory_space<vmem>>, vector<1x16xf32>,
        %get3A_469 = vector.shape_cast %get3A_468 : vector<1x16xf32> to vector<16xf32>
        %get3A_470 = arith.index_cast %add3A_437 : i32 to index
        %get3A_471 = arith.constant 48 : index
        %get3A_472 = tpu.vector_load %arg10[%get3A_470, %get3A_471] {strides = array<i32>} : memref<64x256xf32, #tpu.memory_space<vmem>>, vector<1x16xf32>,
        %get3A_473 = vector.shape_cast %get3A_472 : vector<1x16xf32> to vector<16xf32>
        %mul3A_474 = arith.mulf %get3A_469, %get3A_473 : vector<16xf32>
        %add3A_475 = arith.addf %add3A_465, %mul3A_474 : vector<16xf32>
        %get3A_476 = arith.index_cast %add3A_437 : i32 to index
        %get3A_477 = arith.constant 64 : index
        %get3A_478 = tpu.vector_load %arg13[%get3A_476, %get3A_477] {strides = array<i32>} : memref<64x256xf32, #tpu.memory_space<vmem>>, vector<1x16xf32>,
        %get3A_479 = vector.shape_cast %get3A_478 : vector<1x16xf32> to vector<16xf32>
        %get3A_480 = arith.index_cast %add3A_437 : i32 to index
        %get3A_481 = arith.constant 64 : index
        %get3A_482 = tpu.vector_load %arg10[%get3A_480, %get3A_481] {strides = array<i32>} : memref<64x256xf32, #tpu.memory_space<vmem>>, vector<1x16xf32>,
        %get3A_483 = vector.shape_cast %get3A_482 : vector<1x16xf32> to vector<16xf32>
        %mul3A_484 = arith.mulf %get3A_479, %get3A_483 : vector<16xf32>
        %add3A_485 = arith.addf %add3A_475, %mul3A_484 : vector<16xf32>
        %get3A_486 = arith.index_cast %add3A_437 : i32 to index
        %get3A_487 = arith.constant 80 : index
        %get3A_488 = tpu.vector_load %arg13[%get3A_486, %get3A_487] {strides = array<i32>} : memref<64x256xf32, #tpu.memory_space<vmem>>, vector<1x16xf32>,
        %get3A_489 = vector.shape_cast %get3A_488 : vector<1x16xf32> to vector<16xf32>
        %get3A_490 = arith.index_cast %add3A_437 : i32 to index
        %get3A_491 = arith.constant 80 : index
        %get3A_492 = tpu.vector_load %arg10[%get3A_490, %get3A_491] {strides = array<i32>} : memref<64x256xf32, #tpu.memory_space<vmem>>, vector<1x16xf32>,
        %get3A_493 = vector.shape_cast %get3A_492 : vector<1x16xf32> to vector<16xf32>
        %mul3A_494 = arith.mulf %get3A_489, %get3A_493 : vector<16xf32>
        %add3A_495 = arith.addf %add3A_485, %mul3A_494 : vector<16xf32>
        %get3A_496 = arith.index_cast %add3A_437 : i32 to index
        %get3A_497 = arith.constant 96 : index
        %get3A_498 = tpu.vector_load %arg13[%get3A_496, %get3A_497] {strides = array<i32>} : memref<64x256xf32, #tpu.memory_space<vmem>>, vector<1x16xf32>,
        %get3A_499 = vector.shape_cast %get3A_498 : vector<1x16xf32> to vector<16xf32>
        %get3A_500 = arith.index_cast %add3A_437 : i32 to index
        %get3A_501 = arith.constant 96 : index
        %get3A_502 = tpu.vector_load %arg10[%get3A_500, %get3A_501] {strides = array<i32>} : memref<64x256xf32, #tpu.memory_space<vmem>>, vector<1x16xf32>,
        %get3A_503 = vector.shape_cast %get3A_502 : vector<1x16xf32> to vector<16xf32>
        %mul3A_504 = arith.mulf %get3A_499, %get3A_503 : vector<16xf32>
        %add3A_505 = arith.addf %add3A_495, %mul3A_504 : vector<16xf32>
        %get3A_506 = arith.index_cast %add3A_437 : i32 to index
        %get3A_507 = arith.constant 112 : index
        %get3A_508 = tpu.vector_load %arg13[%get3A_506, %get3A_507] {strides = array<i32>} : memref<64x256xf32, #tpu.memory_space<vmem>>, vector<1x16xf32>,
        %get3A_509 = vector.shape_cast %get3A_508 : vector<1x16xf32> to vector<16xf32>
        %get3A_510 = arith.index_cast %add3A_437 : i32 to index
        %get3A_511 = arith.constant 112 : index
        %get3A_512 = tpu.vector_load %arg10[%get3A_510, %get3A_511] {strides = array<i32>} : memref<64x256xf32, #tpu.memory_space<vmem>>, vector<1x16xf32>,
        %get3A_513 = vector.shape_cast %get3A_512 : vector<1x16xf32> to vector<16xf32>
        %mul3A_514 = arith.mulf %get3A_509, %get3A_513 : vector<16xf32>
        %add3A_515 = arith.addf %add3A_505, %mul3A_514 : vector<16xf32>
        %get3A_516 = arith.index_cast %add3A_437 : i32 to index
        %get3A_517 = arith.constant 128 : index
        %get3A_518 = tpu.vector_load %arg13[%get3A_516, %get3A_517] {strides = array<i32>} : memref<64x256xf32, #tpu.memory_space<vmem>>, vector<1x16xf32>,
        %get3A_519 = vector.shape_cast %get3A_518 : vector<1x16xf32> to vector<16xf32>
        %get3A_520 = arith.index_cast %add3A_437 : i32 to index
        %get3A_521 = arith.constant 128 : index
        %get3A_522 = tpu.vector_load %arg10[%get3A_520, %get3A_521] {strides = array<i32>} : memref<64x256xf32, #tpu.memory_space<vmem>>, vector<1x16xf32>,
        %get3A_523 = vector.shape_cast %get3A_522 : vector<1x16xf32> to vector<16xf32>
        %mul3A_524 = arith.mulf %get3A_519, %get3A_523 : vector<16xf32>
        %add3A_525 = arith.addf %add3A_515, %mul3A_524 : vector<16xf32>
        %get3A_526 = arith.index_cast %add3A_437 : i32 to index
        %get3A_527 = arith.constant 144 : index
        %get3A_528 = tpu.vector_load %arg13[%get3A_526, %get3A_527] {strides = array<i32>} : memref<64x256xf32, #tpu.memory_space<vmem>>, vector<1x16xf32>,
        %get3A_529 = vector.shape_cast %get3A_528 : vector<1x16xf32> to vector<16xf32>
        %get3A_530 = arith.index_cast %add3A_437 : i32 to index
        %get3A_531 = arith.constant 144 : index
        %get3A_532 = tpu.vector_load %arg10[%get3A_530, %get3A_531] {strides = array<i32>} : memref<64x256xf32, #tpu.memory_space<vmem>>, vector<1x16xf32>,
        %get3A_533 = vector.shape_cast %get3A_532 : vector<1x16xf32> to vector<16xf32>
        %mul3A_534 = arith.mulf %get3A_529, %get3A_533 : vector<16xf32>
        %add3A_535 = arith.addf %add3A_525, %mul3A_534 : vector<16xf32>
        %get3A_536 = arith.index_cast %add3A_437 : i32 to index
        %get3A_537 = arith.constant 160 : index
        %get3A_538 = tpu.vector_load %arg13[%get3A_536, %get3A_537] {strides = array<i32>} : memref<64x256xf32, #tpu.memory_space<vmem>>, vector<1x16xf32>,
        %get3A_539 = vector.shape_cast %get3A_538 : vector<1x16xf32> to vector<16xf32>
        %get3A_540 = arith.index_cast %add3A_437 : i32 to index
        %get3A_541 = arith.constant 160 : index
        %get3A_542 = tpu.vector_load %arg10[%get3A_540, %get3A_541] {strides = array<i32>} : memref<64x256xf32, #tpu.memory_space<vmem>>, vector<1x16xf32>,
        %get3A_543 = vector.shape_cast %get3A_542 : vector<1x16xf32> to vector<16xf32>
        %mul3A_544 = arith.mulf %get3A_539, %get3A_543 : vector<16xf32>
        %add3A_545 = arith.addf %add3A_535, %mul3A_544 : vector<16xf32>
        %get3A_546 = arith.index_cast %add3A_437 : i32 to index
        %get3A_547 = arith.constant 176 : index
        %get3A_548 = tpu.vector_load %arg13[%get3A_546, %get3A_547] {strides = array<i32>} : memref<64x256xf32, #tpu.memory_space<vmem>>, vector<1x16xf32>,
        %get3A_549 = vector.shape_cast %get3A_548 : vector<1x16xf32> to vector<16xf32>
        %get3A_550 = arith.index_cast %add3A_437 : i32 to index
        %get3A_551 = arith.constant 176 : index
        %get3A_552 = tpu.vector_load %arg10[%get3A_550, %get3A_551] {strides = array<i32>} : memref<64x256xf32, #tpu.memory_space<vmem>>, vector<1x16xf32>,
        %get3A_553 = vector.shape_cast %get3A_552 : vector<1x16xf32> to vector<16xf32>
        %mul3A_554 = arith.mulf %get3A_549, %get3A_553 : vector<16xf32>
        %add3A_555 = arith.addf %add3A_545, %mul3A_554 : vector<16xf32>
        %get3A_556 = arith.index_cast %add3A_437 : i32 to index
        %get3A_557 = arith.constant 192 : index
        %get3A_558 = tpu.vector_load %arg13[%get3A_556, %get3A_557] {strides = array<i32>} : memref<64x256xf32, #tpu.memory_space<vmem>>, vector<1x16xf32>,
        %get3A_559 = vector.shape_cast %get3A_558 : vector<1x16xf32> to vector<16xf32>
        %get3A_560 = arith.index_cast %add3A_437 : i32 to index
        %get3A_561 = arith.constant 192 : index
        %get3A_562 = tpu.vector_load %arg10[%get3A_560, %get3A_561] {strides = array<i32>} : memref<64x256xf32, #tpu.memory_space<vmem>>, vector<1x16xf32>,
        %get3A_563 = vector.shape_cast %get3A_562 : vector<1x16xf32> to vector<16xf32>
        %mul3A_564 = arith.mulf %get3A_559, %get3A_563 : vector<16xf32>
        %add3A_565 = arith.addf %add3A_555, %mul3A_564 : vector<16xf32>
        %get3A_566 = arith.index_cast %add3A_437 : i32 to index
        %get3A_567 = arith.constant 208 : index
        %get3A_568 = tpu.vector_load %arg13[%get3A_566, %get3A_567] {strides = array<i32>} : memref<64x256xf32, #tpu.memory_space<vmem>>, vector<1x16xf32>,
        %get3A_569 = vector.shape_cast %get3A_568 : vector<1x16xf32> to vector<16xf32>
        %get3A_570 = arith.index_cast %add3A_437 : i32 to index
        %get3A_571 = arith.constant 208 : index
        %get3A_572 = tpu.vector_load %arg10[%get3A_570, %get3A_571] {strides = array<i32>} : memref<64x256xf32, #tpu.memory_space<vmem>>, vector<1x16xf32>,
        %get3A_573 = vector.shape_cast %get3A_572 : vector<1x16xf32> to vector<16xf32>
        %mul3A_574 = arith.mulf %get3A_569, %get3A_573 : vector<16xf32>
        %add3A_575 = arith.addf %add3A_565, %mul3A_574 : vector<16xf32>
        %get3A_576 = arith.index_cast %add3A_437 : i32 to index
        %get3A_577 = arith.constant 224 : index
        %get3A_578 = tpu.vector_load %arg13[%get3A_576, %get3A_577] {strides = array<i32>} : memref<64x256xf32, #tpu.memory_space<vmem>>, vector<1x16xf32>,
        %get3A_579 = vector.shape_cast %get3A_578 : vector<1x16xf32> to vector<16xf32>
        %get3A_580 = arith.index_cast %add3A_437 : i32 to index
        %get3A_581 = arith.constant 224 : index
        %get3A_582 = tpu.vector_load %arg10[%get3A_580, %get3A_581] {strides = array<i32>} : memref<64x256xf32, #tpu.memory_space<vmem>>, vector<1x16xf32>,
        %get3A_583 = vector.shape_cast %get3A_582 : vector<1x16xf32> to vector<16xf32>
        %mul3A_584 = arith.mulf %get3A_579, %get3A_583 : vector<16xf32>
        %add3A_585 = arith.addf %add3A_575, %mul3A_584 : vector<16xf32>
        %get3A_586 = arith.index_cast %add3A_437 : i32 to index
        %get3A_587 = arith.constant 240 : index
        %get3A_588 = tpu.vector_load %arg13[%get3A_586, %get3A_587] {strides = array<i32>} : memref<64x256xf32, #tpu.memory_space<vmem>>, vector<1x16xf32>,
        %get3A_589 = vector.shape_cast %get3A_588 : vector<1x16xf32> to vector<16xf32>
        %get3A_590 = arith.index_cast %add3A_437 : i32 to index
        %get3A_591 = arith.constant 240 : index
        %get3A_592 = tpu.vector_load %arg10[%get3A_590, %get3A_591] {strides = array<i32>} : memref<64x256xf32, #tpu.memory_space<vmem>>, vector<1x16xf32>,
        %get3A_593 = vector.shape_cast %get3A_592 : vector<1x16xf32> to vector<16xf32>
        %mul3A_594 = arith.mulf %get3A_589, %get3A_593 : vector<16xf32>
        %add3A_595 = arith.addf %add3A_585, %mul3A_594 : vector<16xf32>
        %xor3A = arith.constant 8 : i32
        %xor3A_596 = vector.broadcast %xor3A : i32 to vector<16xi32>
        %xor3A_597 = arith.xori %iota3A, %xor3A_596 : vector<16xi32>
        %reshape3A = vector.shape_cast %xor3A_597 : vector<16xi32> to vector<16x1xi32>
        %gather3A = vector.shape_cast %reshape3A : vector<16x1xi32> to vector<16xi32>
        %gather3A_598 = tpu.dynamic_gather %add3A_595[%gather3A] in [0] : vector<16xf32>, vector<16xi32> -> vector<16xf32>
        %add3A_599 = arith.addf %add3A_595, %gather3A_598 : vector<16xf32>
        %xor3A_600 = arith.constant 4 : i32
        %xor3A_601 = vector.broadcast %xor3A_600 : i32 to vector<16xi32>
        %xor3A_602 = arith.xori %iota3A, %xor3A_601 : vector<16xi32>
        %reshape3A_603 = vector.shape_cast %xor3A_602 : vector<16xi32> to vector<16x1xi32>
        %gather3A_604 = vector.shape_cast %reshape3A_603 : vector<16x1xi32> to vector<16xi32>
        %gather3A_605 = tpu.dynamic_gather %add3A_599[%gather3A_604] in [0] : vector<16xf32>, vector<16xi32> -> vector<16xf32>
        %add3A_606 = arith.addf %add3A_599, %gather3A_605 : vector<16xf32>
        %xor3A_607 = arith.constant 2 : i32
        %xor3A_608 = vector.broadcast %xor3A_607 : i32 to vector<16xi32>
        %xor3A_609 = arith.xori %iota3A, %xor3A_608 : vector<16xi32>
        %reshape3A_610 = vector.shape_cast %xor3A_609 : vector<16xi32> to vector<16x1xi32>
        %gather3A_611 = vector.shape_cast %reshape3A_610 : vector<16x1xi32> to vector<16xi32>
        %gather3A_612 = tpu.dynamic_gather %add3A_606[%gather3A_611] in [0] : vector<16xf32>, vector<16xi32> -> vector<16xf32>
        %add3A_613 = arith.addf %add3A_606, %gather3A_612 : vector<16xf32>
        %xor3A_614 = arith.constant 1 : i32
        %xor3A_615 = vector.broadcast %xor3A_614 : i32 to vector<16xi32>
        %xor3A_616 = arith.xori %iota3A, %xor3A_615 : vector<16xi32>
        %reshape3A_617 = vector.shape_cast %xor3A_616 : vector<16xi32> to vector<16x1xi32>
        %gather3A_618 = vector.shape_cast %reshape3A_617 : vector<16x1xi32> to vector<16xi32>
        %gather3A_619 = tpu.dynamic_gather %add3A_613[%gather3A_618] in [0] : vector<16xf32>, vector<16xi32> -> vector<16xf32>
        %add3A_620 = arith.addf %add3A_613, %gather3A_619 : vector<16xf32>
        %eq3A = vector.broadcast %scan3A_434 : i32 to vector<16xi32>
        %eq3A_621 = arith.cmpi eq, %iota3A, %eq3A : vector<16xi32>
        %select_n3A = arith.select %eq3A_621, %add3A_620, %scan3A_435 : vector<16xi1>, vector<16xf32>
        scf.yield %select_n3A : vector<16xf32>
      }
      %scan3A_295 = arith.constant 16 : i32
      %neg3A_296 = arith.constant 0.000000e+00 : f32
      %neg3A_297 = vector.broadcast %neg3A_296 : f32 to vector<16xf32>
      %neg3A_298 = arith.subf %neg3A_297, %scan3A_294 : vector<16xf32>
      %exp3A_299 = math.exp %neg3A_298 : vector<16xf32>
      %add3A_300 = arith.constant 1.000000e+00 : f32
      %add3A_301 = vector.broadcast %add3A_300 : f32 to vector<16xf32>
      %add3A_302 = arith.addf %add3A_301, %exp3A_299 : vector<16xf32>
      %div3A_303 = arith.constant 1.000000e+00 : f32
      %div3A_304 = vector.broadcast %div3A_303 : f32 to vector<16xf32>
      %div3A_305 = arith.divf %div3A_304, %add3A_302 : vector<16xf32>
      %add3A_306 = arith.constant 48 : i32
      %add3A_307 = arith.addi %mul3A_215, %add3A_306 : i32
      %swap3A_308 = arith.index_cast %add3A_307 : i32 to index
      %swap3A_309 = tpu.vector_load %arg8[%swap3A_308] {strides = array<i32>} : memref<5008xf32, #tpu.memory_space<vmem>>, vector<16xf32>,
      %swap3A_310 = vector.shape_cast %swap3A_309 : vector<16xf32> to vector<16xf32>
      %swap3A_311 = vector.shape_cast %div3A_305 : vector<16xf32> to vector<16xf32>
      tpu.vector_store %arg8[%swap3A_308], %swap3A_311 {strides = array<i32>} : memref<5008xf32, #tpu.memory_space<vmem>>, vector<16xf32>,
      %lt3A_312 = arith.constant 25 : i32
      %lt3A_313 = arith.cmpi slt, %scan3A_85, %lt3A_312 : i32
      %convert_element_type3A_314 = arith.extui %lt3A_313 : i1 to i32
      %cond3A_315 = arith.constant 0 : i32
      %cond3A_316 = arith.cmpi ne, %convert_element_type3A_314, %cond3A_315 : i32
      scf.if %cond3A_316 {
        %add3A_434 = arith.constant 3 : i32
        %add3A_435 = arith.addi %add3A_203, %add3A_434 : i32
        %mul3A_436 = arith.constant 64 : i32
        %mul3A_437 = arith.muli %add3A_435, %mul3A_436 : i32
        %dma_start3A_438 = tpu.memref_slice %arg7[%mul3A_437] : memref<5000xi32, #tpu.memory_space<vmem>> -> memref<64xi32, #tpu.memory_space<vmem>>
        %dma_start3A_439 = arith.constant 0 : i32
        %dma_start3A_440 = arith.constant 0 : i32
        %dma_start3A_441 = tpu.memref_slice %arg2[%dma_start3A_439, %dma_start3A_440] : memref<10000x256xf32, #tpu.memory_space<hbm>> -> memref<10000x256xf32, #tpu.memory_space<hbm>>
        tpu.enqueue_indirect_dma source(%dma_start3A_441 : memref<10000x256xf32, #tpu.memory_space<hbm>>) target(%arg13 : memref<64x256xf32, #tpu.memory_space<vmem>>) offsets(%dma_start3A_438 : memref<64xi32, #tpu.memory_space<vmem>>) semaphore(%arg19 : memref<!tpu.dma_semaphore, #tpu.memory_space<semaphore_mem>>)
        %dma_start3A_442 = tpu.memref_slice %arg6[%mul3A_437] : memref<5000xi32, #tpu.memory_space<vmem>> -> memref<64xi32, #tpu.memory_space<vmem>>
        %dma_start3A_443 = arith.constant 0 : i32
        %dma_start3A_444 = arith.constant 0 : i32
        %dma_start3A_445 = tpu.memref_slice %arg2[%dma_start3A_443, %dma_start3A_444] : memref<10000x256xf32, #tpu.memory_space<hbm>> -> memref<10000x256xf32, #tpu.memory_space<hbm>>
        tpu.enqueue_indirect_dma source(%dma_start3A_445 : memref<10000x256xf32, #tpu.memory_space<hbm>>) target(%arg10 : memref<64x256xf32, #tpu.memory_space<vmem>>) offsets(%dma_start3A_442 : memref<64xi32, #tpu.memory_space<vmem>>) semaphore(%arg16 : memref<!tpu.dma_semaphore, #tpu.memory_space<semaphore_mem>>)
      } else {
      }
      %mul3A_317 = arith.constant 3 : i32
      %mul3A_318 = arith.muli %scan3A_85, %mul3A_317 : i32
      %add3A_319 = arith.constant 2 : i32
      %add3A_320 = arith.addi %mul3A_318, %add3A_319 : i32
      %mul3A_321 = arith.constant 64 : i32
      %mul3A_322 = arith.muli %add3A_320, %mul3A_321 : i32
      %dma_wait3A_323 = tpu.memref_slice %arg7[%mul3A_322] : memref<5000xi32, #tpu.memory_space<vmem>> -> memref<64xi32, #tpu.memory_space<vmem>>
      %dma_wait3A_324 = arith.constant 0 : i32
      %dma_wait3A_325 = arith.constant 0 : i32
      %dma_wait3A_326 = tpu.memref_slice %arg2[%dma_wait3A_324, %dma_wait3A_325] : memref<10000x256xf32, #tpu.memory_space<hbm>> -> memref<10000x256xf32, #tpu.memory_space<hbm>>
      tpu.wait_indirect_dma semaphore(%arg20 : memref<!tpu.dma_semaphore, #tpu.memory_space<semaphore_mem>>) src(%dma_wait3A_326 : memref<10000x256xf32, #tpu.memory_space<hbm>>) dst(%arg14 : memref<64x256xf32, #tpu.memory_space<vmem>>)
      %dma_wait3A_327 = tpu.memref_slice %arg6[%mul3A_322] : memref<5000xi32, #tpu.memory_space<vmem>> -> memref<64xi32, #tpu.memory_space<vmem>>
      %dma_wait3A_328 = arith.constant 0 : i32
      %dma_wait3A_329 = arith.constant 0 : i32
      %dma_wait3A_330 = tpu.memref_slice %arg2[%dma_wait3A_328, %dma_wait3A_329] : memref<10000x256xf32, #tpu.memory_space<hbm>> -> memref<10000x256xf32, #tpu.memory_space<hbm>>
      tpu.wait_indirect_dma semaphore(%arg17 : memref<!tpu.dma_semaphore, #tpu.memory_space<semaphore_mem>>) src(%dma_wait3A_330 : memref<10000x256xf32, #tpu.memory_space<hbm>>) dst(%arg11 : memref<64x256xf32, #tpu.memory_space<vmem>>)
      %mul3A_331 = arith.constant 64 : i32
      %mul3A_332 = arith.muli %add3A_320, %mul3A_331 : i32
      %broadcast_in_dim3A_333 = arith.constant 0.000000e+00 : f32
      %broadcast_in_dim3A_334 = vector.broadcast %broadcast_in_dim3A_333 : f32 to vector<16xf32>
      %scan3A_335 = arith.constant 0 : i32
      %scan3A_336 = arith.constant 16 : i32
      %scan3A_337 = arith.addi %scan3A_335, %scan3A_336 : i32
      %scan3A_338 = arith.constant 1 : i32
      %scan3A_339 = scf.for %scan3A_434 = %scan3A_335 to %scan3A_337 step %scan3A_338 iter_args(%scan3A_435 = %broadcast_in_dim3A_334) -> (vector<16xf32>)  : i32 {
        %add3A_436 = arith.constant 0 : i32
        %add3A_437 = arith.addi %add3A_436, %scan3A_434 : i32
        %get3A = arith.index_cast %add3A_437 : i32 to index
        %get3A_438 = arith.constant 0 : index
        %get3A_439 = tpu.vector_load %arg14[%get3A, %get3A_438] {strides = array<i32>} : memref<64x256xf32, #tpu.memory_space<vmem>>, vector<1x16xf32>,
        %get3A_440 = vector.shape_cast %get3A_439 : vector<1x16xf32> to vector<16xf32>
        %get3A_441 = arith.index_cast %add3A_437 : i32 to index
        %get3A_442 = arith.constant 0 : index
        %get3A_443 = tpu.vector_load %arg11[%get3A_441, %get3A_442] {strides = array<i32>} : memref<64x256xf32, #tpu.memory_space<vmem>>, vector<1x16xf32>,
        %get3A_444 = vector.shape_cast %get3A_443 : vector<1x16xf32> to vector<16xf32>
        %mul3A_445 = arith.mulf %get3A_440, %get3A_444 : vector<16xf32>
        %get3A_446 = arith.index_cast %add3A_437 : i32 to index
        %get3A_447 = arith.constant 16 : index
        %get3A_448 = tpu.vector_load %arg14[%get3A_446, %get3A_447] {strides = array<i32>} : memref<64x256xf32, #tpu.memory_space<vmem>>, vector<1x16xf32>,
        %get3A_449 = vector.shape_cast %get3A_448 : vector<1x16xf32> to vector<16xf32>
        %get3A_450 = arith.index_cast %add3A_437 : i32 to index
        %get3A_451 = arith.constant 16 : index
        %get3A_452 = tpu.vector_load %arg11[%get3A_450, %get3A_451] {strides = array<i32>} : memref<64x256xf32, #tpu.memory_space<vmem>>, vector<1x16xf32>,
        %get3A_453 = vector.shape_cast %get3A_452 : vector<1x16xf32> to vector<16xf32>
        %mul3A_454 = arith.mulf %get3A_449, %get3A_453 : vector<16xf32>
        %add3A_455 = arith.addf %mul3A_445, %mul3A_454 : vector<16xf32>
        %get3A_456 = arith.index_cast %add3A_437 : i32 to index
        %get3A_457 = arith.constant 32 : index
        %get3A_458 = tpu.vector_load %arg14[%get3A_456, %get3A_457] {strides = array<i32>} : memref<64x256xf32, #tpu.memory_space<vmem>>, vector<1x16xf32>,
        %get3A_459 = vector.shape_cast %get3A_458 : vector<1x16xf32> to vector<16xf32>
        %get3A_460 = arith.index_cast %add3A_437 : i32 to index
        %get3A_461 = arith.constant 32 : index
        %get3A_462 = tpu.vector_load %arg11[%get3A_460, %get3A_461] {strides = array<i32>} : memref<64x256xf32, #tpu.memory_space<vmem>>, vector<1x16xf32>,
        %get3A_463 = vector.shape_cast %get3A_462 : vector<1x16xf32> to vector<16xf32>
        %mul3A_464 = arith.mulf %get3A_459, %get3A_463 : vector<16xf32>
        %add3A_465 = arith.addf %add3A_455, %mul3A_464 : vector<16xf32>
        %get3A_466 = arith.index_cast %add3A_437 : i32 to index
        %get3A_467 = arith.constant 48 : index
        %get3A_468 = tpu.vector_load %arg14[%get3A_466, %get3A_467] {strides = array<i32>} : memref<64x256xf32, #tpu.memory_space<vmem>>, vector<1x16xf32>,
        %get3A_469 = vector.shape_cast %get3A_468 : vector<1x16xf32> to vector<16xf32>
        %get3A_470 = arith.index_cast %add3A_437 : i32 to index
        %get3A_471 = arith.constant 48 : index
        %get3A_472 = tpu.vector_load %arg11[%get3A_470, %get3A_471] {strides = array<i32>} : memref<64x256xf32, #tpu.memory_space<vmem>>, vector<1x16xf32>,
        %get3A_473 = vector.shape_cast %get3A_472 : vector<1x16xf32> to vector<16xf32>
        %mul3A_474 = arith.mulf %get3A_469, %get3A_473 : vector<16xf32>
        %add3A_475 = arith.addf %add3A_465, %mul3A_474 : vector<16xf32>
        %get3A_476 = arith.index_cast %add3A_437 : i32 to index
        %get3A_477 = arith.constant 64 : index
        %get3A_478 = tpu.vector_load %arg14[%get3A_476, %get3A_477] {strides = array<i32>} : memref<64x256xf32, #tpu.memory_space<vmem>>, vector<1x16xf32>,
        %get3A_479 = vector.shape_cast %get3A_478 : vector<1x16xf32> to vector<16xf32>
        %get3A_480 = arith.index_cast %add3A_437 : i32 to index
        %get3A_481 = arith.constant 64 : index
        %get3A_482 = tpu.vector_load %arg11[%get3A_480, %get3A_481] {strides = array<i32>} : memref<64x256xf32, #tpu.memory_space<vmem>>, vector<1x16xf32>,
        %get3A_483 = vector.shape_cast %get3A_482 : vector<1x16xf32> to vector<16xf32>
        %mul3A_484 = arith.mulf %get3A_479, %get3A_483 : vector<16xf32>
        %add3A_485 = arith.addf %add3A_475, %mul3A_484 : vector<16xf32>
        %get3A_486 = arith.index_cast %add3A_437 : i32 to index
        %get3A_487 = arith.constant 80 : index
        %get3A_488 = tpu.vector_load %arg14[%get3A_486, %get3A_487] {strides = array<i32>} : memref<64x256xf32, #tpu.memory_space<vmem>>, vector<1x16xf32>,
        %get3A_489 = vector.shape_cast %get3A_488 : vector<1x16xf32> to vector<16xf32>
        %get3A_490 = arith.index_cast %add3A_437 : i32 to index
        %get3A_491 = arith.constant 80 : index
        %get3A_492 = tpu.vector_load %arg11[%get3A_490, %get3A_491] {strides = array<i32>} : memref<64x256xf32, #tpu.memory_space<vmem>>, vector<1x16xf32>,
        %get3A_493 = vector.shape_cast %get3A_492 : vector<1x16xf32> to vector<16xf32>
        %mul3A_494 = arith.mulf %get3A_489, %get3A_493 : vector<16xf32>
        %add3A_495 = arith.addf %add3A_485, %mul3A_494 : vector<16xf32>
        %get3A_496 = arith.index_cast %add3A_437 : i32 to index
        %get3A_497 = arith.constant 96 : index
        %get3A_498 = tpu.vector_load %arg14[%get3A_496, %get3A_497] {strides = array<i32>} : memref<64x256xf32, #tpu.memory_space<vmem>>, vector<1x16xf32>,
        %get3A_499 = vector.shape_cast %get3A_498 : vector<1x16xf32> to vector<16xf32>
        %get3A_500 = arith.index_cast %add3A_437 : i32 to index
        %get3A_501 = arith.constant 96 : index
        %get3A_502 = tpu.vector_load %arg11[%get3A_500, %get3A_501] {strides = array<i32>} : memref<64x256xf32, #tpu.memory_space<vmem>>, vector<1x16xf32>,
        %get3A_503 = vector.shape_cast %get3A_502 : vector<1x16xf32> to vector<16xf32>
        %mul3A_504 = arith.mulf %get3A_499, %get3A_503 : vector<16xf32>
        %add3A_505 = arith.addf %add3A_495, %mul3A_504 : vector<16xf32>
        %get3A_506 = arith.index_cast %add3A_437 : i32 to index
        %get3A_507 = arith.constant 112 : index
        %get3A_508 = tpu.vector_load %arg14[%get3A_506, %get3A_507] {strides = array<i32>} : memref<64x256xf32, #tpu.memory_space<vmem>>, vector<1x16xf32>,
        %get3A_509 = vector.shape_cast %get3A_508 : vector<1x16xf32> to vector<16xf32>
        %get3A_510 = arith.index_cast %add3A_437 : i32 to index
        %get3A_511 = arith.constant 112 : index
        %get3A_512 = tpu.vector_load %arg11[%get3A_510, %get3A_511] {strides = array<i32>} : memref<64x256xf32, #tpu.memory_space<vmem>>, vector<1x16xf32>,
        %get3A_513 = vector.shape_cast %get3A_512 : vector<1x16xf32> to vector<16xf32>
        %mul3A_514 = arith.mulf %get3A_509, %get3A_513 : vector<16xf32>
        %add3A_515 = arith.addf %add3A_505, %mul3A_514 : vector<16xf32>
        %get3A_516 = arith.index_cast %add3A_437 : i32 to index
        %get3A_517 = arith.constant 128 : index
        %get3A_518 = tpu.vector_load %arg14[%get3A_516, %get3A_517] {strides = array<i32>} : memref<64x256xf32, #tpu.memory_space<vmem>>, vector<1x16xf32>,
        %get3A_519 = vector.shape_cast %get3A_518 : vector<1x16xf32> to vector<16xf32>
        %get3A_520 = arith.index_cast %add3A_437 : i32 to index
        %get3A_521 = arith.constant 128 : index
        %get3A_522 = tpu.vector_load %arg11[%get3A_520, %get3A_521] {strides = array<i32>} : memref<64x256xf32, #tpu.memory_space<vmem>>, vector<1x16xf32>,
        %get3A_523 = vector.shape_cast %get3A_522 : vector<1x16xf32> to vector<16xf32>
        %mul3A_524 = arith.mulf %get3A_519, %get3A_523 : vector<16xf32>
        %add3A_525 = arith.addf %add3A_515, %mul3A_524 : vector<16xf32>
        %get3A_526 = arith.index_cast %add3A_437 : i32 to index
        %get3A_527 = arith.constant 144 : index
        %get3A_528 = tpu.vector_load %arg14[%get3A_526, %get3A_527] {strides = array<i32>} : memref<64x256xf32, #tpu.memory_space<vmem>>, vector<1x16xf32>,
        %get3A_529 = vector.shape_cast %get3A_528 : vector<1x16xf32> to vector<16xf32>
        %get3A_530 = arith.index_cast %add3A_437 : i32 to index
        %get3A_531 = arith.constant 144 : index
        %get3A_532 = tpu.vector_load %arg11[%get3A_530, %get3A_531] {strides = array<i32>} : memref<64x256xf32, #tpu.memory_space<vmem>>, vector<1x16xf32>,
        %get3A_533 = vector.shape_cast %get3A_532 : vector<1x16xf32> to vector<16xf32>
        %mul3A_534 = arith.mulf %get3A_529, %get3A_533 : vector<16xf32>
        %add3A_535 = arith.addf %add3A_525, %mul3A_534 : vector<16xf32>
        %get3A_536 = arith.index_cast %add3A_437 : i32 to index
        %get3A_537 = arith.constant 160 : index
        %get3A_538 = tpu.vector_load %arg14[%get3A_536, %get3A_537] {strides = array<i32>} : memref<64x256xf32, #tpu.memory_space<vmem>>, vector<1x16xf32>,
        %get3A_539 = vector.shape_cast %get3A_538 : vector<1x16xf32> to vector<16xf32>
        %get3A_540 = arith.index_cast %add3A_437 : i32 to index
        %get3A_541 = arith.constant 160 : index
        %get3A_542 = tpu.vector_load %arg11[%get3A_540, %get3A_541] {strides = array<i32>} : memref<64x256xf32, #tpu.memory_space<vmem>>, vector<1x16xf32>,
        %get3A_543 = vector.shape_cast %get3A_542 : vector<1x16xf32> to vector<16xf32>
        %mul3A_544 = arith.mulf %get3A_539, %get3A_543 : vector<16xf32>
        %add3A_545 = arith.addf %add3A_535, %mul3A_544 : vector<16xf32>
        %get3A_546 = arith.index_cast %add3A_437 : i32 to index
        %get3A_547 = arith.constant 176 : index
        %get3A_548 = tpu.vector_load %arg14[%get3A_546, %get3A_547] {strides = array<i32>} : memref<64x256xf32, #tpu.memory_space<vmem>>, vector<1x16xf32>,
        %get3A_549 = vector.shape_cast %get3A_548 : vector<1x16xf32> to vector<16xf32>
        %get3A_550 = arith.index_cast %add3A_437 : i32 to index
        %get3A_551 = arith.constant 176 : index
        %get3A_552 = tpu.vector_load %arg11[%get3A_550, %get3A_551] {strides = array<i32>} : memref<64x256xf32, #tpu.memory_space<vmem>>, vector<1x16xf32>,
        %get3A_553 = vector.shape_cast %get3A_552 : vector<1x16xf32> to vector<16xf32>
        %mul3A_554 = arith.mulf %get3A_549, %get3A_553 : vector<16xf32>
        %add3A_555 = arith.addf %add3A_545, %mul3A_554 : vector<16xf32>
        %get3A_556 = arith.index_cast %add3A_437 : i32 to index
        %get3A_557 = arith.constant 192 : index
        %get3A_558 = tpu.vector_load %arg14[%get3A_556, %get3A_557] {strides = array<i32>} : memref<64x256xf32, #tpu.memory_space<vmem>>, vector<1x16xf32>,
        %get3A_559 = vector.shape_cast %get3A_558 : vector<1x16xf32> to vector<16xf32>
        %get3A_560 = arith.index_cast %add3A_437 : i32 to index
        %get3A_561 = arith.constant 192 : index
        %get3A_562 = tpu.vector_load %arg11[%get3A_560, %get3A_561] {strides = array<i32>} : memref<64x256xf32, #tpu.memory_space<vmem>>, vector<1x16xf32>,
        %get3A_563 = vector.shape_cast %get3A_562 : vector<1x16xf32> to vector<16xf32>
        %mul3A_564 = arith.mulf %get3A_559, %get3A_563 : vector<16xf32>
        %add3A_565 = arith.addf %add3A_555, %mul3A_564 : vector<16xf32>
        %get3A_566 = arith.index_cast %add3A_437 : i32 to index
        %get3A_567 = arith.constant 208 : index
        %get3A_568 = tpu.vector_load %arg14[%get3A_566, %get3A_567] {strides = array<i32>} : memref<64x256xf32, #tpu.memory_space<vmem>>, vector<1x16xf32>,
        %get3A_569 = vector.shape_cast %get3A_568 : vector<1x16xf32> to vector<16xf32>
        %get3A_570 = arith.index_cast %add3A_437 : i32 to index
        %get3A_571 = arith.constant 208 : index
        %get3A_572 = tpu.vector_load %arg11[%get3A_570, %get3A_571] {strides = array<i32>} : memref<64x256xf32, #tpu.memory_space<vmem>>, vector<1x16xf32>,
        %get3A_573 = vector.shape_cast %get3A_572 : vector<1x16xf32> to vector<16xf32>
        %mul3A_574 = arith.mulf %get3A_569, %get3A_573 : vector<16xf32>
        %add3A_575 = arith.addf %add3A_565, %mul3A_574 : vector<16xf32>
        %get3A_576 = arith.index_cast %add3A_437 : i32 to index
        %get3A_577 = arith.constant 224 : index
        %get3A_578 = tpu.vector_load %arg14[%get3A_576, %get3A_577] {strides = array<i32>} : memref<64x256xf32, #tpu.memory_space<vmem>>, vector<1x16xf32>,
        %get3A_579 = vector.shape_cast %get3A_578 : vector<1x16xf32> to vector<16xf32>
        %get3A_580 = arith.index_cast %add3A_437 : i32 to index
        %get3A_581 = arith.constant 224 : index
        %get3A_582 = tpu.vector_load %arg11[%get3A_580, %get3A_581] {strides = array<i32>} : memref<64x256xf32, #tpu.memory_space<vmem>>, vector<1x16xf32>,
        %get3A_583 = vector.shape_cast %get3A_582 : vector<1x16xf32> to vector<16xf32>
        %mul3A_584 = arith.mulf %get3A_579, %get3A_583 : vector<16xf32>
        %add3A_585 = arith.addf %add3A_575, %mul3A_584 : vector<16xf32>
        %get3A_586 = arith.index_cast %add3A_437 : i32 to index
        %get3A_587 = arith.constant 240 : index
        %get3A_588 = tpu.vector_load %arg14[%get3A_586, %get3A_587] {strides = array<i32>} : memref<64x256xf32, #tpu.memory_space<vmem>>, vector<1x16xf32>,
        %get3A_589 = vector.shape_cast %get3A_588 : vector<1x16xf32> to vector<16xf32>
        %get3A_590 = arith.index_cast %add3A_437 : i32 to index
        %get3A_591 = arith.constant 240 : index
        %get3A_592 = tpu.vector_load %arg11[%get3A_590, %get3A_591] {strides = array<i32>} : memref<64x256xf32, #tpu.memory_space<vmem>>, vector<1x16xf32>,
        %get3A_593 = vector.shape_cast %get3A_592 : vector<1x16xf32> to vector<16xf32>
        %mul3A_594 = arith.mulf %get3A_589, %get3A_593 : vector<16xf32>
        %add3A_595 = arith.addf %add3A_585, %mul3A_594 : vector<16xf32>
        %xor3A = arith.constant 8 : i32
        %xor3A_596 = vector.broadcast %xor3A : i32 to vector<16xi32>
        %xor3A_597 = arith.xori %iota3A, %xor3A_596 : vector<16xi32>
        %reshape3A = vector.shape_cast %xor3A_597 : vector<16xi32> to vector<16x1xi32>
        %gather3A = vector.shape_cast %reshape3A : vector<16x1xi32> to vector<16xi32>
        %gather3A_598 = tpu.dynamic_gather %add3A_595[%gather3A] in [0] : vector<16xf32>, vector<16xi32> -> vector<16xf32>
        %add3A_599 = arith.addf %add3A_595, %gather3A_598 : vector<16xf32>
        %xor3A_600 = arith.constant 4 : i32
        %xor3A_601 = vector.broadcast %xor3A_600 : i32 to vector<16xi32>
        %xor3A_602 = arith.xori %iota3A, %xor3A_601 : vector<16xi32>
        %reshape3A_603 = vector.shape_cast %xor3A_602 : vector<16xi32> to vector<16x1xi32>
        %gather3A_604 = vector.shape_cast %reshape3A_603 : vector<16x1xi32> to vector<16xi32>
        %gather3A_605 = tpu.dynamic_gather %add3A_599[%gather3A_604] in [0] : vector<16xf32>, vector<16xi32> -> vector<16xf32>
        %add3A_606 = arith.addf %add3A_599, %gather3A_605 : vector<16xf32>
        %xor3A_607 = arith.constant 2 : i32
        %xor3A_608 = vector.broadcast %xor3A_607 : i32 to vector<16xi32>
        %xor3A_609 = arith.xori %iota3A, %xor3A_608 : vector<16xi32>
        %reshape3A_610 = vector.shape_cast %xor3A_609 : vector<16xi32> to vector<16x1xi32>
        %gather3A_611 = vector.shape_cast %reshape3A_610 : vector<16x1xi32> to vector<16xi32>
        %gather3A_612 = tpu.dynamic_gather %add3A_606[%gather3A_611] in [0] : vector<16xf32>, vector<16xi32> -> vector<16xf32>
        %add3A_613 = arith.addf %add3A_606, %gather3A_612 : vector<16xf32>
        %xor3A_614 = arith.constant 1 : i32
        %xor3A_615 = vector.broadcast %xor3A_614 : i32 to vector<16xi32>
        %xor3A_616 = arith.xori %iota3A, %xor3A_615 : vector<16xi32>
        %reshape3A_617 = vector.shape_cast %xor3A_616 : vector<16xi32> to vector<16x1xi32>
        %gather3A_618 = vector.shape_cast %reshape3A_617 : vector<16x1xi32> to vector<16xi32>
        %gather3A_619 = tpu.dynamic_gather %add3A_613[%gather3A_618] in [0] : vector<16xf32>, vector<16xi32> -> vector<16xf32>
        %add3A_620 = arith.addf %add3A_613, %gather3A_619 : vector<16xf32>
        %eq3A = vector.broadcast %scan3A_434 : i32 to vector<16xi32>
        %eq3A_621 = arith.cmpi eq, %iota3A, %eq3A : vector<16xi32>
        %select_n3A = arith.select %eq3A_621, %add3A_620, %scan3A_435 : vector<16xi1>, vector<16xf32>
        scf.yield %select_n3A : vector<16xf32>
      }
      %scan3A_340 = arith.constant 16 : i32
      %neg3A_341 = arith.constant 0.000000e+00 : f32
      %neg3A_342 = vector.broadcast %neg3A_341 : f32 to vector<16xf32>
      %neg3A_343 = arith.subf %neg3A_342, %scan3A_339 : vector<16xf32>
      %exp3A_344 = math.exp %neg3A_343 : vector<16xf32>
      %add3A_345 = arith.constant 1.000000e+00 : f32
      %add3A_346 = vector.broadcast %add3A_345 : f32 to vector<16xf32>
      %add3A_347 = arith.addf %add3A_346, %exp3A_344 : vector<16xf32>
      %div3A_348 = arith.constant 1.000000e+00 : f32
      %div3A_349 = vector.broadcast %div3A_348 : f32 to vector<16xf32>
      %div3A_350 = arith.divf %div3A_349, %add3A_347 : vector<16xf32>
      %add3A_351 = arith.constant 0 : i32
      %add3A_352 = arith.addi %mul3A_332, %add3A_351 : i32
      %swap3A_353 = arith.index_cast %add3A_352 : i32 to index
      %swap3A_354 = tpu.vector_load %arg8[%swap3A_353] {strides = array<i32>} : memref<5008xf32, #tpu.memory_space<vmem>>, vector<16xf32>,
      %swap3A_355 = vector.shape_cast %swap3A_354 : vector<16xf32> to vector<16xf32>
      %swap3A_356 = vector.shape_cast %div3A_350 : vector<16xf32> to vector<16xf32>
      tpu.vector_store %arg8[%swap3A_353], %swap3A_356 {strides = array<i32>} : memref<5008xf32, #tpu.memory_space<vmem>>, vector<16xf32>,
      %broadcast_in_dim3A_357 = arith.constant 0.000000e+00 : f32
      %broadcast_in_dim3A_358 = vector.broadcast %broadcast_in_dim3A_357 : f32 to vector<16xf32>
      %scan3A_359 = arith.constant 0 : i32
      %scan3A_360 = arith.constant 16 : i32
      %scan3A_361 = arith.addi %scan3A_359, %scan3A_360 : i32
      %scan3A_362 = arith.constant 1 : i32
      %scan3A_363 = scf.for %scan3A_434 = %scan3A_359 to %scan3A_361 step %scan3A_362 iter_args(%scan3A_435 = %broadcast_in_dim3A_358) -> (vector<16xf32>)  : i32 {
        %add3A_436 = arith.constant 16 : i32
        %add3A_437 = arith.addi %add3A_436, %scan3A_434 : i32
        %get3A = arith.index_cast %add3A_437 : i32 to index
        %get3A_438 = arith.constant 0 : index
        %get3A_439 = tpu.vector_load %arg14[%get3A, %get3A_438] {strides = array<i32>} : memref<64x256xf32, #tpu.memory_space<vmem>>, vector<1x16xf32>,
        %get3A_440 = vector.shape_cast %get3A_439 : vector<1x16xf32> to vector<16xf32>
        %get3A_441 = arith.index_cast %add3A_437 : i32 to index
        %get3A_442 = arith.constant 0 : index
        %get3A_443 = tpu.vector_load %arg11[%get3A_441, %get3A_442] {strides = array<i32>} : memref<64x256xf32, #tpu.memory_space<vmem>>, vector<1x16xf32>,
        %get3A_444 = vector.shape_cast %get3A_443 : vector<1x16xf32> to vector<16xf32>
        %mul3A_445 = arith.mulf %get3A_440, %get3A_444 : vector<16xf32>
        %get3A_446 = arith.index_cast %add3A_437 : i32 to index
        %get3A_447 = arith.constant 16 : index
        %get3A_448 = tpu.vector_load %arg14[%get3A_446, %get3A_447] {strides = array<i32>} : memref<64x256xf32, #tpu.memory_space<vmem>>, vector<1x16xf32>,
        %get3A_449 = vector.shape_cast %get3A_448 : vector<1x16xf32> to vector<16xf32>
        %get3A_450 = arith.index_cast %add3A_437 : i32 to index
        %get3A_451 = arith.constant 16 : index
        %get3A_452 = tpu.vector_load %arg11[%get3A_450, %get3A_451] {strides = array<i32>} : memref<64x256xf32, #tpu.memory_space<vmem>>, vector<1x16xf32>,
        %get3A_453 = vector.shape_cast %get3A_452 : vector<1x16xf32> to vector<16xf32>
        %mul3A_454 = arith.mulf %get3A_449, %get3A_453 : vector<16xf32>
        %add3A_455 = arith.addf %mul3A_445, %mul3A_454 : vector<16xf32>
        %get3A_456 = arith.index_cast %add3A_437 : i32 to index
        %get3A_457 = arith.constant 32 : index
        %get3A_458 = tpu.vector_load %arg14[%get3A_456, %get3A_457] {strides = array<i32>} : memref<64x256xf32, #tpu.memory_space<vmem>>, vector<1x16xf32>,
        %get3A_459 = vector.shape_cast %get3A_458 : vector<1x16xf32> to vector<16xf32>
        %get3A_460 = arith.index_cast %add3A_437 : i32 to index
        %get3A_461 = arith.constant 32 : index
        %get3A_462 = tpu.vector_load %arg11[%get3A_460, %get3A_461] {strides = array<i32>} : memref<64x256xf32, #tpu.memory_space<vmem>>, vector<1x16xf32>,
        %get3A_463 = vector.shape_cast %get3A_462 : vector<1x16xf32> to vector<16xf32>
        %mul3A_464 = arith.mulf %get3A_459, %get3A_463 : vector<16xf32>
        %add3A_465 = arith.addf %add3A_455, %mul3A_464 : vector<16xf32>
        %get3A_466 = arith.index_cast %add3A_437 : i32 to index
        %get3A_467 = arith.constant 48 : index
        %get3A_468 = tpu.vector_load %arg14[%get3A_466, %get3A_467] {strides = array<i32>} : memref<64x256xf32, #tpu.memory_space<vmem>>, vector<1x16xf32>,
        %get3A_469 = vector.shape_cast %get3A_468 : vector<1x16xf32> to vector<16xf32>
        %get3A_470 = arith.index_cast %add3A_437 : i32 to index
        %get3A_471 = arith.constant 48 : index
        %get3A_472 = tpu.vector_load %arg11[%get3A_470, %get3A_471] {strides = array<i32>} : memref<64x256xf32, #tpu.memory_space<vmem>>, vector<1x16xf32>,
        %get3A_473 = vector.shape_cast %get3A_472 : vector<1x16xf32> to vector<16xf32>
        %mul3A_474 = arith.mulf %get3A_469, %get3A_473 : vector<16xf32>
        %add3A_475 = arith.addf %add3A_465, %mul3A_474 : vector<16xf32>
        %get3A_476 = arith.index_cast %add3A_437 : i32 to index
        %get3A_477 = arith.constant 64 : index
        %get3A_478 = tpu.vector_load %arg14[%get3A_476, %get3A_477] {strides = array<i32>} : memref<64x256xf32, #tpu.memory_space<vmem>>, vector<1x16xf32>,
        %get3A_479 = vector.shape_cast %get3A_478 : vector<1x16xf32> to vector<16xf32>
        %get3A_480 = arith.index_cast %add3A_437 : i32 to index
        %get3A_481 = arith.constant 64 : index
        %get3A_482 = tpu.vector_load %arg11[%get3A_480, %get3A_481] {strides = array<i32>} : memref<64x256xf32, #tpu.memory_space<vmem>>, vector<1x16xf32>,
        %get3A_483 = vector.shape_cast %get3A_482 : vector<1x16xf32> to vector<16xf32>
        %mul3A_484 = arith.mulf %get3A_479, %get3A_483 : vector<16xf32>
        %add3A_485 = arith.addf %add3A_475, %mul3A_484 : vector<16xf32>
        %get3A_486 = arith.index_cast %add3A_437 : i32 to index
        %get3A_487 = arith.constant 80 : index
        %get3A_488 = tpu.vector_load %arg14[%get3A_486, %get3A_487] {strides = array<i32>} : memref<64x256xf32, #tpu.memory_space<vmem>>, vector<1x16xf32>,
        %get3A_489 = vector.shape_cast %get3A_488 : vector<1x16xf32> to vector<16xf32>
        %get3A_490 = arith.index_cast %add3A_437 : i32 to index
        %get3A_491 = arith.constant 80 : index
        %get3A_492 = tpu.vector_load %arg11[%get3A_490, %get3A_491] {strides = array<i32>} : memref<64x256xf32, #tpu.memory_space<vmem>>, vector<1x16xf32>,
        %get3A_493 = vector.shape_cast %get3A_492 : vector<1x16xf32> to vector<16xf32>
        %mul3A_494 = arith.mulf %get3A_489, %get3A_493 : vector<16xf32>
        %add3A_495 = arith.addf %add3A_485, %mul3A_494 : vector<16xf32>
        %get3A_496 = arith.index_cast %add3A_437 : i32 to index
        %get3A_497 = arith.constant 96 : index
        %get3A_498 = tpu.vector_load %arg14[%get3A_496, %get3A_497] {strides = array<i32>} : memref<64x256xf32, #tpu.memory_space<vmem>>, vector<1x16xf32>,
        %get3A_499 = vector.shape_cast %get3A_498 : vector<1x16xf32> to vector<16xf32>
        %get3A_500 = arith.index_cast %add3A_437 : i32 to index
        %get3A_501 = arith.constant 96 : index
        %get3A_502 = tpu.vector_load %arg11[%get3A_500, %get3A_501] {strides = array<i32>} : memref<64x256xf32, #tpu.memory_space<vmem>>, vector<1x16xf32>,
        %get3A_503 = vector.shape_cast %get3A_502 : vector<1x16xf32> to vector<16xf32>
        %mul3A_504 = arith.mulf %get3A_499, %get3A_503 : vector<16xf32>
        %add3A_505 = arith.addf %add3A_495, %mul3A_504 : vector<16xf32>
        %get3A_506 = arith.index_cast %add3A_437 : i32 to index
        %get3A_507 = arith.constant 112 : index
        %get3A_508 = tpu.vector_load %arg14[%get3A_506, %get3A_507] {strides = array<i32>} : memref<64x256xf32, #tpu.memory_space<vmem>>, vector<1x16xf32>,
        %get3A_509 = vector.shape_cast %get3A_508 : vector<1x16xf32> to vector<16xf32>
        %get3A_510 = arith.index_cast %add3A_437 : i32 to index
        %get3A_511 = arith.constant 112 : index
        %get3A_512 = tpu.vector_load %arg11[%get3A_510, %get3A_511] {strides = array<i32>} : memref<64x256xf32, #tpu.memory_space<vmem>>, vector<1x16xf32>,
        %get3A_513 = vector.shape_cast %get3A_512 : vector<1x16xf32> to vector<16xf32>
        %mul3A_514 = arith.mulf %get3A_509, %get3A_513 : vector<16xf32>
        %add3A_515 = arith.addf %add3A_505, %mul3A_514 : vector<16xf32>
        %get3A_516 = arith.index_cast %add3A_437 : i32 to index
        %get3A_517 = arith.constant 128 : index
        %get3A_518 = tpu.vector_load %arg14[%get3A_516, %get3A_517] {strides = array<i32>} : memref<64x256xf32, #tpu.memory_space<vmem>>, vector<1x16xf32>,
        %get3A_519 = vector.shape_cast %get3A_518 : vector<1x16xf32> to vector<16xf32>
        %get3A_520 = arith.index_cast %add3A_437 : i32 to index
        %get3A_521 = arith.constant 128 : index
        %get3A_522 = tpu.vector_load %arg11[%get3A_520, %get3A_521] {strides = array<i32>} : memref<64x256xf32, #tpu.memory_space<vmem>>, vector<1x16xf32>,
        %get3A_523 = vector.shape_cast %get3A_522 : vector<1x16xf32> to vector<16xf32>
        %mul3A_524 = arith.mulf %get3A_519, %get3A_523 : vector<16xf32>
        %add3A_525 = arith.addf %add3A_515, %mul3A_524 : vector<16xf32>
        %get3A_526 = arith.index_cast %add3A_437 : i32 to index
        %get3A_527 = arith.constant 144 : index
        %get3A_528 = tpu.vector_load %arg14[%get3A_526, %get3A_527] {strides = array<i32>} : memref<64x256xf32, #tpu.memory_space<vmem>>, vector<1x16xf32>,
        %get3A_529 = vector.shape_cast %get3A_528 : vector<1x16xf32> to vector<16xf32>
        %get3A_530 = arith.index_cast %add3A_437 : i32 to index
        %get3A_531 = arith.constant 144 : index
        %get3A_532 = tpu.vector_load %arg11[%get3A_530, %get3A_531] {strides = array<i32>} : memref<64x256xf32, #tpu.memory_space<vmem>>, vector<1x16xf32>,
        %get3A_533 = vector.shape_cast %get3A_532 : vector<1x16xf32> to vector<16xf32>
        %mul3A_534 = arith.mulf %get3A_529, %get3A_533 : vector<16xf32>
        %add3A_535 = arith.addf %add3A_525, %mul3A_534 : vector<16xf32>
        %get3A_536 = arith.index_cast %add3A_437 : i32 to index
        %get3A_537 = arith.constant 160 : index
        %get3A_538 = tpu.vector_load %arg14[%get3A_536, %get3A_537] {strides = array<i32>} : memref<64x256xf32, #tpu.memory_space<vmem>>, vector<1x16xf32>,
        %get3A_539 = vector.shape_cast %get3A_538 : vector<1x16xf32> to vector<16xf32>
        %get3A_540 = arith.index_cast %add3A_437 : i32 to index
        %get3A_541 = arith.constant 160 : index
        %get3A_542 = tpu.vector_load %arg11[%get3A_540, %get3A_541] {strides = array<i32>} : memref<64x256xf32, #tpu.memory_space<vmem>>, vector<1x16xf32>,
        %get3A_543 = vector.shape_cast %get3A_542 : vector<1x16xf32> to vector<16xf32>
        %mul3A_544 = arith.mulf %get3A_539, %get3A_543 : vector<16xf32>
        %add3A_545 = arith.addf %add3A_535, %mul3A_544 : vector<16xf32>
        %get3A_546 = arith.index_cast %add3A_437 : i32 to index
        %get3A_547 = arith.constant 176 : index
        %get3A_548 = tpu.vector_load %arg14[%get3A_546, %get3A_547] {strides = array<i32>} : memref<64x256xf32, #tpu.memory_space<vmem>>, vector<1x16xf32>,
        %get3A_549 = vector.shape_cast %get3A_548 : vector<1x16xf32> to vector<16xf32>
        %get3A_550 = arith.index_cast %add3A_437 : i32 to index
        %get3A_551 = arith.constant 176 : index
        %get3A_552 = tpu.vector_load %arg11[%get3A_550, %get3A_551] {strides = array<i32>} : memref<64x256xf32, #tpu.memory_space<vmem>>, vector<1x16xf32>,
        %get3A_553 = vector.shape_cast %get3A_552 : vector<1x16xf32> to vector<16xf32>
        %mul3A_554 = arith.mulf %get3A_549, %get3A_553 : vector<16xf32>
        %add3A_555 = arith.addf %add3A_545, %mul3A_554 : vector<16xf32>
        %get3A_556 = arith.index_cast %add3A_437 : i32 to index
        %get3A_557 = arith.constant 192 : index
        %get3A_558 = tpu.vector_load %arg14[%get3A_556, %get3A_557] {strides = array<i32>} : memref<64x256xf32, #tpu.memory_space<vmem>>, vector<1x16xf32>,
        %get3A_559 = vector.shape_cast %get3A_558 : vector<1x16xf32> to vector<16xf32>
        %get3A_560 = arith.index_cast %add3A_437 : i32 to index
        %get3A_561 = arith.constant 192 : index
        %get3A_562 = tpu.vector_load %arg11[%get3A_560, %get3A_561] {strides = array<i32>} : memref<64x256xf32, #tpu.memory_space<vmem>>, vector<1x16xf32>,
        %get3A_563 = vector.shape_cast %get3A_562 : vector<1x16xf32> to vector<16xf32>
        %mul3A_564 = arith.mulf %get3A_559, %get3A_563 : vector<16xf32>
        %add3A_565 = arith.addf %add3A_555, %mul3A_564 : vector<16xf32>
        %get3A_566 = arith.index_cast %add3A_437 : i32 to index
        %get3A_567 = arith.constant 208 : index
        %get3A_568 = tpu.vector_load %arg14[%get3A_566, %get3A_567] {strides = array<i32>} : memref<64x256xf32, #tpu.memory_space<vmem>>, vector<1x16xf32>,
        %get3A_569 = vector.shape_cast %get3A_568 : vector<1x16xf32> to vector<16xf32>
        %get3A_570 = arith.index_cast %add3A_437 : i32 to index
        %get3A_571 = arith.constant 208 : index
        %get3A_572 = tpu.vector_load %arg11[%get3A_570, %get3A_571] {strides = array<i32>} : memref<64x256xf32, #tpu.memory_space<vmem>>, vector<1x16xf32>,
        %get3A_573 = vector.shape_cast %get3A_572 : vector<1x16xf32> to vector<16xf32>
        %mul3A_574 = arith.mulf %get3A_569, %get3A_573 : vector<16xf32>
        %add3A_575 = arith.addf %add3A_565, %mul3A_574 : vector<16xf32>
        %get3A_576 = arith.index_cast %add3A_437 : i32 to index
        %get3A_577 = arith.constant 224 : index
        %get3A_578 = tpu.vector_load %arg14[%get3A_576, %get3A_577] {strides = array<i32>} : memref<64x256xf32, #tpu.memory_space<vmem>>, vector<1x16xf32>,
        %get3A_579 = vector.shape_cast %get3A_578 : vector<1x16xf32> to vector<16xf32>
        %get3A_580 = arith.index_cast %add3A_437 : i32 to index
        %get3A_581 = arith.constant 224 : index
        %get3A_582 = tpu.vector_load %arg11[%get3A_580, %get3A_581] {strides = array<i32>} : memref<64x256xf32, #tpu.memory_space<vmem>>, vector<1x16xf32>,
        %get3A_583 = vector.shape_cast %get3A_582 : vector<1x16xf32> to vector<16xf32>
        %mul3A_584 = arith.mulf %get3A_579, %get3A_583 : vector<16xf32>
        %add3A_585 = arith.addf %add3A_575, %mul3A_584 : vector<16xf32>
        %get3A_586 = arith.index_cast %add3A_437 : i32 to index
        %get3A_587 = arith.constant 240 : index
        %get3A_588 = tpu.vector_load %arg14[%get3A_586, %get3A_587] {strides = array<i32>} : memref<64x256xf32, #tpu.memory_space<vmem>>, vector<1x16xf32>,
        %get3A_589 = vector.shape_cast %get3A_588 : vector<1x16xf32> to vector<16xf32>
        %get3A_590 = arith.index_cast %add3A_437 : i32 to index
        %get3A_591 = arith.constant 240 : index
        %get3A_592 = tpu.vector_load %arg11[%get3A_590, %get3A_591] {strides = array<i32>} : memref<64x256xf32, #tpu.memory_space<vmem>>, vector<1x16xf32>,
        %get3A_593 = vector.shape_cast %get3A_592 : vector<1x16xf32> to vector<16xf32>
        %mul3A_594 = arith.mulf %get3A_589, %get3A_593 : vector<16xf32>
        %add3A_595 = arith.addf %add3A_585, %mul3A_594 : vector<16xf32>
        %xor3A = arith.constant 8 : i32
        %xor3A_596 = vector.broadcast %xor3A : i32 to vector<16xi32>
        %xor3A_597 = arith.xori %iota3A, %xor3A_596 : vector<16xi32>
        %reshape3A = vector.shape_cast %xor3A_597 : vector<16xi32> to vector<16x1xi32>
        %gather3A = vector.shape_cast %reshape3A : vector<16x1xi32> to vector<16xi32>
        %gather3A_598 = tpu.dynamic_gather %add3A_595[%gather3A] in [0] : vector<16xf32>, vector<16xi32> -> vector<16xf32>
        %add3A_599 = arith.addf %add3A_595, %gather3A_598 : vector<16xf32>
        %xor3A_600 = arith.constant 4 : i32
        %xor3A_601 = vector.broadcast %xor3A_600 : i32 to vector<16xi32>
        %xor3A_602 = arith.xori %iota3A, %xor3A_601 : vector<16xi32>
        %reshape3A_603 = vector.shape_cast %xor3A_602 : vector<16xi32> to vector<16x1xi32>
        %gather3A_604 = vector.shape_cast %reshape3A_603 : vector<16x1xi32> to vector<16xi32>
        %gather3A_605 = tpu.dynamic_gather %add3A_599[%gather3A_604] in [0] : vector<16xf32>, vector<16xi32> -> vector<16xf32>
        %add3A_606 = arith.addf %add3A_599, %gather3A_605 : vector<16xf32>
        %xor3A_607 = arith.constant 2 : i32
        %xor3A_608 = vector.broadcast %xor3A_607 : i32 to vector<16xi32>
        %xor3A_609 = arith.xori %iota3A, %xor3A_608 : vector<16xi32>
        %reshape3A_610 = vector.shape_cast %xor3A_609 : vector<16xi32> to vector<16x1xi32>
        %gather3A_611 = vector.shape_cast %reshape3A_610 : vector<16x1xi32> to vector<16xi32>
        %gather3A_612 = tpu.dynamic_gather %add3A_606[%gather3A_611] in [0] : vector<16xf32>, vector<16xi32> -> vector<16xf32>
        %add3A_613 = arith.addf %add3A_606, %gather3A_612 : vector<16xf32>
        %xor3A_614 = arith.constant 1 : i32
        %xor3A_615 = vector.broadcast %xor3A_614 : i32 to vector<16xi32>
        %xor3A_616 = arith.xori %iota3A, %xor3A_615 : vector<16xi32>
        %reshape3A_617 = vector.shape_cast %xor3A_616 : vector<16xi32> to vector<16x1xi32>
        %gather3A_618 = vector.shape_cast %reshape3A_617 : vector<16x1xi32> to vector<16xi32>
        %gather3A_619 = tpu.dynamic_gather %add3A_613[%gather3A_618] in [0] : vector<16xf32>, vector<16xi32> -> vector<16xf32>
        %add3A_620 = arith.addf %add3A_613, %gather3A_619 : vector<16xf32>
        %eq3A = vector.broadcast %scan3A_434 : i32 to vector<16xi32>
        %eq3A_621 = arith.cmpi eq, %iota3A, %eq3A : vector<16xi32>
        %select_n3A = arith.select %eq3A_621, %add3A_620, %scan3A_435 : vector<16xi1>, vector<16xf32>
        scf.yield %select_n3A : vector<16xf32>
      }
      %scan3A_364 = arith.constant 16 : i32
      %neg3A_365 = arith.constant 0.000000e+00 : f32
      %neg3A_366 = vector.broadcast %neg3A_365 : f32 to vector<16xf32>
      %neg3A_367 = arith.subf %neg3A_366, %scan3A_363 : vector<16xf32>
      %exp3A_368 = math.exp %neg3A_367 : vector<16xf32>
      %add3A_369 = arith.constant 1.000000e+00 : f32
      %add3A_370 = vector.broadcast %add3A_369 : f32 to vector<16xf32>
      %add3A_371 = arith.addf %add3A_370, %exp3A_368 : vector<16xf32>
      %div3A_372 = arith.constant 1.000000e+00 : f32
      %div3A_373 = vector.broadcast %div3A_372 : f32 to vector<16xf32>
      %div3A_374 = arith.divf %div3A_373, %add3A_371 : vector<16xf32>
      %add3A_375 = arith.constant 16 : i32
      %add3A_376 = arith.addi %mul3A_332, %add3A_375 : i32
      %swap3A_377 = arith.index_cast %add3A_376 : i32 to index
      %swap3A_378 = tpu.vector_load %arg8[%swap3A_377] {strides = array<i32>} : memref<5008xf32, #tpu.memory_space<vmem>>, vector<16xf32>,
      %swap3A_379 = vector.shape_cast %swap3A_378 : vector<16xf32> to vector<16xf32>
      %swap3A_380 = vector.shape_cast %div3A_374 : vector<16xf32> to vector<16xf32>
      tpu.vector_store %arg8[%swap3A_377], %swap3A_380 {strides = array<i32>} : memref<5008xf32, #tpu.memory_space<vmem>>, vector<16xf32>,
      %broadcast_in_dim3A_381 = arith.constant 0.000000e+00 : f32
      %broadcast_in_dim3A_382 = vector.broadcast %broadcast_in_dim3A_381 : f32 to vector<16xf32>
      %scan3A_383 = arith.constant 0 : i32
      %scan3A_384 = arith.constant 16 : i32
      %scan3A_385 = arith.addi %scan3A_383, %scan3A_384 : i32
      %scan3A_386 = arith.constant 1 : i32
      %scan3A_387 = scf.for %scan3A_434 = %scan3A_383 to %scan3A_385 step %scan3A_386 iter_args(%scan3A_435 = %broadcast_in_dim3A_382) -> (vector<16xf32>)  : i32 {
        %add3A_436 = arith.constant 32 : i32
        %add3A_437 = arith.addi %add3A_436, %scan3A_434 : i32
        %get3A = arith.index_cast %add3A_437 : i32 to index
        %get3A_438 = arith.constant 0 : index
        %get3A_439 = tpu.vector_load %arg14[%get3A, %get3A_438] {strides = array<i32>} : memref<64x256xf32, #tpu.memory_space<vmem>>, vector<1x16xf32>,
        %get3A_440 = vector.shape_cast %get3A_439 : vector<1x16xf32> to vector<16xf32>
        %get3A_441 = arith.index_cast %add3A_437 : i32 to index
        %get3A_442 = arith.constant 0 : index
        %get3A_443 = tpu.vector_load %arg11[%get3A_441, %get3A_442] {strides = array<i32>} : memref<64x256xf32, #tpu.memory_space<vmem>>, vector<1x16xf32>,
        %get3A_444 = vector.shape_cast %get3A_443 : vector<1x16xf32> to vector<16xf32>
        %mul3A_445 = arith.mulf %get3A_440, %get3A_444 : vector<16xf32>
        %get3A_446 = arith.index_cast %add3A_437 : i32 to index
        %get3A_447 = arith.constant 16 : index
        %get3A_448 = tpu.vector_load %arg14[%get3A_446, %get3A_447] {strides = array<i32>} : memref<64x256xf32, #tpu.memory_space<vmem>>, vector<1x16xf32>,
        %get3A_449 = vector.shape_cast %get3A_448 : vector<1x16xf32> to vector<16xf32>
        %get3A_450 = arith.index_cast %add3A_437 : i32 to index
        %get3A_451 = arith.constant 16 : index
        %get3A_452 = tpu.vector_load %arg11[%get3A_450, %get3A_451] {strides = array<i32>} : memref<64x256xf32, #tpu.memory_space<vmem>>, vector<1x16xf32>,
        %get3A_453 = vector.shape_cast %get3A_452 : vector<1x16xf32> to vector<16xf32>
        %mul3A_454 = arith.mulf %get3A_449, %get3A_453 : vector<16xf32>
        %add3A_455 = arith.addf %mul3A_445, %mul3A_454 : vector<16xf32>
        %get3A_456 = arith.index_cast %add3A_437 : i32 to index
        %get3A_457 = arith.constant 32 : index
        %get3A_458 = tpu.vector_load %arg14[%get3A_456, %get3A_457] {strides = array<i32>} : memref<64x256xf32, #tpu.memory_space<vmem>>, vector<1x16xf32>,
        %get3A_459 = vector.shape_cast %get3A_458 : vector<1x16xf32> to vector<16xf32>
        %get3A_460 = arith.index_cast %add3A_437 : i32 to index
        %get3A_461 = arith.constant 32 : index
        %get3A_462 = tpu.vector_load %arg11[%get3A_460, %get3A_461] {strides = array<i32>} : memref<64x256xf32, #tpu.memory_space<vmem>>, vector<1x16xf32>,
        %get3A_463 = vector.shape_cast %get3A_462 : vector<1x16xf32> to vector<16xf32>
        %mul3A_464 = arith.mulf %get3A_459, %get3A_463 : vector<16xf32>
        %add3A_465 = arith.addf %add3A_455, %mul3A_464 : vector<16xf32>
        %get3A_466 = arith.index_cast %add3A_437 : i32 to index
        %get3A_467 = arith.constant 48 : index
        %get3A_468 = tpu.vector_load %arg14[%get3A_466, %get3A_467] {strides = array<i32>} : memref<64x256xf32, #tpu.memory_space<vmem>>, vector<1x16xf32>,
        %get3A_469 = vector.shape_cast %get3A_468 : vector<1x16xf32> to vector<16xf32>
        %get3A_470 = arith.index_cast %add3A_437 : i32 to index
        %get3A_471 = arith.constant 48 : index
        %get3A_472 = tpu.vector_load %arg11[%get3A_470, %get3A_471] {strides = array<i32>} : memref<64x256xf32, #tpu.memory_space<vmem>>, vector<1x16xf32>,
        %get3A_473 = vector.shape_cast %get3A_472 : vector<1x16xf32> to vector<16xf32>
        %mul3A_474 = arith.mulf %get3A_469, %get3A_473 : vector<16xf32>
        %add3A_475 = arith.addf %add3A_465, %mul3A_474 : vector<16xf32>
        %get3A_476 = arith.index_cast %add3A_437 : i32 to index
        %get3A_477 = arith.constant 64 : index
        %get3A_478 = tpu.vector_load %arg14[%get3A_476, %get3A_477] {strides = array<i32>} : memref<64x256xf32, #tpu.memory_space<vmem>>, vector<1x16xf32>,
        %get3A_479 = vector.shape_cast %get3A_478 : vector<1x16xf32> to vector<16xf32>
        %get3A_480 = arith.index_cast %add3A_437 : i32 to index
        %get3A_481 = arith.constant 64 : index
        %get3A_482 = tpu.vector_load %arg11[%get3A_480, %get3A_481] {strides = array<i32>} : memref<64x256xf32, #tpu.memory_space<vmem>>, vector<1x16xf32>,
        %get3A_483 = vector.shape_cast %get3A_482 : vector<1x16xf32> to vector<16xf32>
        %mul3A_484 = arith.mulf %get3A_479, %get3A_483 : vector<16xf32>
        %add3A_485 = arith.addf %add3A_475, %mul3A_484 : vector<16xf32>
        %get3A_486 = arith.index_cast %add3A_437 : i32 to index
        %get3A_487 = arith.constant 80 : index
        %get3A_488 = tpu.vector_load %arg14[%get3A_486, %get3A_487] {strides = array<i32>} : memref<64x256xf32, #tpu.memory_space<vmem>>, vector<1x16xf32>,
        %get3A_489 = vector.shape_cast %get3A_488 : vector<1x16xf32> to vector<16xf32>
        %get3A_490 = arith.index_cast %add3A_437 : i32 to index
        %get3A_491 = arith.constant 80 : index
        %get3A_492 = tpu.vector_load %arg11[%get3A_490, %get3A_491] {strides = array<i32>} : memref<64x256xf32, #tpu.memory_space<vmem>>, vector<1x16xf32>,
        %get3A_493 = vector.shape_cast %get3A_492 : vector<1x16xf32> to vector<16xf32>
        %mul3A_494 = arith.mulf %get3A_489, %get3A_493 : vector<16xf32>
        %add3A_495 = arith.addf %add3A_485, %mul3A_494 : vector<16xf32>
        %get3A_496 = arith.index_cast %add3A_437 : i32 to index
        %get3A_497 = arith.constant 96 : index
        %get3A_498 = tpu.vector_load %arg14[%get3A_496, %get3A_497] {strides = array<i32>} : memref<64x256xf32, #tpu.memory_space<vmem>>, vector<1x16xf32>,
        %get3A_499 = vector.shape_cast %get3A_498 : vector<1x16xf32> to vector<16xf32>
        %get3A_500 = arith.index_cast %add3A_437 : i32 to index
        %get3A_501 = arith.constant 96 : index
        %get3A_502 = tpu.vector_load %arg11[%get3A_500, %get3A_501] {strides = array<i32>} : memref<64x256xf32, #tpu.memory_space<vmem>>, vector<1x16xf32>,
        %get3A_503 = vector.shape_cast %get3A_502 : vector<1x16xf32> to vector<16xf32>
        %mul3A_504 = arith.mulf %get3A_499, %get3A_503 : vector<16xf32>
        %add3A_505 = arith.addf %add3A_495, %mul3A_504 : vector<16xf32>
        %get3A_506 = arith.index_cast %add3A_437 : i32 to index
        %get3A_507 = arith.constant 112 : index
        %get3A_508 = tpu.vector_load %arg14[%get3A_506, %get3A_507] {strides = array<i32>} : memref<64x256xf32, #tpu.memory_space<vmem>>, vector<1x16xf32>,
        %get3A_509 = vector.shape_cast %get3A_508 : vector<1x16xf32> to vector<16xf32>
        %get3A_510 = arith.index_cast %add3A_437 : i32 to index
        %get3A_511 = arith.constant 112 : index
        %get3A_512 = tpu.vector_load %arg11[%get3A_510, %get3A_511] {strides = array<i32>} : memref<64x256xf32, #tpu.memory_space<vmem>>, vector<1x16xf32>,
        %get3A_513 = vector.shape_cast %get3A_512 : vector<1x16xf32> to vector<16xf32>
        %mul3A_514 = arith.mulf %get3A_509, %get3A_513 : vector<16xf32>
        %add3A_515 = arith.addf %add3A_505, %mul3A_514 : vector<16xf32>
        %get3A_516 = arith.index_cast %add3A_437 : i32 to index
        %get3A_517 = arith.constant 128 : index
        %get3A_518 = tpu.vector_load %arg14[%get3A_516, %get3A_517] {strides = array<i32>} : memref<64x256xf32, #tpu.memory_space<vmem>>, vector<1x16xf32>,
        %get3A_519 = vector.shape_cast %get3A_518 : vector<1x16xf32> to vector<16xf32>
        %get3A_520 = arith.index_cast %add3A_437 : i32 to index
        %get3A_521 = arith.constant 128 : index
        %get3A_522 = tpu.vector_load %arg11[%get3A_520, %get3A_521] {strides = array<i32>} : memref<64x256xf32, #tpu.memory_space<vmem>>, vector<1x16xf32>,
        %get3A_523 = vector.shape_cast %get3A_522 : vector<1x16xf32> to vector<16xf32>
        %mul3A_524 = arith.mulf %get3A_519, %get3A_523 : vector<16xf32>
        %add3A_525 = arith.addf %add3A_515, %mul3A_524 : vector<16xf32>
        %get3A_526 = arith.index_cast %add3A_437 : i32 to index
        %get3A_527 = arith.constant 144 : index
        %get3A_528 = tpu.vector_load %arg14[%get3A_526, %get3A_527] {strides = array<i32>} : memref<64x256xf32, #tpu.memory_space<vmem>>, vector<1x16xf32>,
        %get3A_529 = vector.shape_cast %get3A_528 : vector<1x16xf32> to vector<16xf32>
        %get3A_530 = arith.index_cast %add3A_437 : i32 to index
        %get3A_531 = arith.constant 144 : index
        %get3A_532 = tpu.vector_load %arg11[%get3A_530, %get3A_531] {strides = array<i32>} : memref<64x256xf32, #tpu.memory_space<vmem>>, vector<1x16xf32>,
        %get3A_533 = vector.shape_cast %get3A_532 : vector<1x16xf32> to vector<16xf32>
        %mul3A_534 = arith.mulf %get3A_529, %get3A_533 : vector<16xf32>
        %add3A_535 = arith.addf %add3A_525, %mul3A_534 : vector<16xf32>
        %get3A_536 = arith.index_cast %add3A_437 : i32 to index
        %get3A_537 = arith.constant 160 : index
        %get3A_538 = tpu.vector_load %arg14[%get3A_536, %get3A_537] {strides = array<i32>} : memref<64x256xf32, #tpu.memory_space<vmem>>, vector<1x16xf32>,
        %get3A_539 = vector.shape_cast %get3A_538 : vector<1x16xf32> to vector<16xf32>
        %get3A_540 = arith.index_cast %add3A_437 : i32 to index
        %get3A_541 = arith.constant 160 : index
        %get3A_542 = tpu.vector_load %arg11[%get3A_540, %get3A_541] {strides = array<i32>} : memref<64x256xf32, #tpu.memory_space<vmem>>, vector<1x16xf32>,
        %get3A_543 = vector.shape_cast %get3A_542 : vector<1x16xf32> to vector<16xf32>
        %mul3A_544 = arith.mulf %get3A_539, %get3A_543 : vector<16xf32>
        %add3A_545 = arith.addf %add3A_535, %mul3A_544 : vector<16xf32>
        %get3A_546 = arith.index_cast %add3A_437 : i32 to index
        %get3A_547 = arith.constant 176 : index
        %get3A_548 = tpu.vector_load %arg14[%get3A_546, %get3A_547] {strides = array<i32>} : memref<64x256xf32, #tpu.memory_space<vmem>>, vector<1x16xf32>,
        %get3A_549 = vector.shape_cast %get3A_548 : vector<1x16xf32> to vector<16xf32>
        %get3A_550 = arith.index_cast %add3A_437 : i32 to index
        %get3A_551 = arith.constant 176 : index
        %get3A_552 = tpu.vector_load %arg11[%get3A_550, %get3A_551] {strides = array<i32>} : memref<64x256xf32, #tpu.memory_space<vmem>>, vector<1x16xf32>,
        %get3A_553 = vector.shape_cast %get3A_552 : vector<1x16xf32> to vector<16xf32>
        %mul3A_554 = arith.mulf %get3A_549, %get3A_553 : vector<16xf32>
        %add3A_555 = arith.addf %add3A_545, %mul3A_554 : vector<16xf32>
        %get3A_556 = arith.index_cast %add3A_437 : i32 to index
        %get3A_557 = arith.constant 192 : index
        %get3A_558 = tpu.vector_load %arg14[%get3A_556, %get3A_557] {strides = array<i32>} : memref<64x256xf32, #tpu.memory_space<vmem>>, vector<1x16xf32>,
        %get3A_559 = vector.shape_cast %get3A_558 : vector<1x16xf32> to vector<16xf32>
        %get3A_560 = arith.index_cast %add3A_437 : i32 to index
        %get3A_561 = arith.constant 192 : index
        %get3A_562 = tpu.vector_load %arg11[%get3A_560, %get3A_561] {strides = array<i32>} : memref<64x256xf32, #tpu.memory_space<vmem>>, vector<1x16xf32>,
        %get3A_563 = vector.shape_cast %get3A_562 : vector<1x16xf32> to vector<16xf32>
        %mul3A_564 = arith.mulf %get3A_559, %get3A_563 : vector<16xf32>
        %add3A_565 = arith.addf %add3A_555, %mul3A_564 : vector<16xf32>
        %get3A_566 = arith.index_cast %add3A_437 : i32 to index
        %get3A_567 = arith.constant 208 : index
        %get3A_568 = tpu.vector_load %arg14[%get3A_566, %get3A_567] {strides = array<i32>} : memref<64x256xf32, #tpu.memory_space<vmem>>, vector<1x16xf32>,
        %get3A_569 = vector.shape_cast %get3A_568 : vector<1x16xf32> to vector<16xf32>
        %get3A_570 = arith.index_cast %add3A_437 : i32 to index
        %get3A_571 = arith.constant 208 : index
        %get3A_572 = tpu.vector_load %arg11[%get3A_570, %get3A_571] {strides = array<i32>} : memref<64x256xf32, #tpu.memory_space<vmem>>, vector<1x16xf32>,
        %get3A_573 = vector.shape_cast %get3A_572 : vector<1x16xf32> to vector<16xf32>
        %mul3A_574 = arith.mulf %get3A_569, %get3A_573 : vector<16xf32>
        %add3A_575 = arith.addf %add3A_565, %mul3A_574 : vector<16xf32>
        %get3A_576 = arith.index_cast %add3A_437 : i32 to index
        %get3A_577 = arith.constant 224 : index
        %get3A_578 = tpu.vector_load %arg14[%get3A_576, %get3A_577] {strides = array<i32>} : memref<64x256xf32, #tpu.memory_space<vmem>>, vector<1x16xf32>,
        %get3A_579 = vector.shape_cast %get3A_578 : vector<1x16xf32> to vector<16xf32>
        %get3A_580 = arith.index_cast %add3A_437 : i32 to index
        %get3A_581 = arith.constant 224 : index
        %get3A_582 = tpu.vector_load %arg11[%get3A_580, %get3A_581] {strides = array<i32>} : memref<64x256xf32, #tpu.memory_space<vmem>>, vector<1x16xf32>,
        %get3A_583 = vector.shape_cast %get3A_582 : vector<1x16xf32> to vector<16xf32>
        %mul3A_584 = arith.mulf %get3A_579, %get3A_583 : vector<16xf32>
        %add3A_585 = arith.addf %add3A_575, %mul3A_584 : vector<16xf32>
        %get3A_586 = arith.index_cast %add3A_437 : i32 to index
        %get3A_587 = arith.constant 240 : index
        %get3A_588 = tpu.vector_load %arg14[%get3A_586, %get3A_587] {strides = array<i32>} : memref<64x256xf32, #tpu.memory_space<vmem>>, vector<1x16xf32>,
        %get3A_589 = vector.shape_cast %get3A_588 : vector<1x16xf32> to vector<16xf32>
        %get3A_590 = arith.index_cast %add3A_437 : i32 to index
        %get3A_591 = arith.constant 240 : index
        %get3A_592 = tpu.vector_load %arg11[%get3A_590, %get3A_591] {strides = array<i32>} : memref<64x256xf32, #tpu.memory_space<vmem>>, vector<1x16xf32>,
        %get3A_593 = vector.shape_cast %get3A_592 : vector<1x16xf32> to vector<16xf32>
        %mul3A_594 = arith.mulf %get3A_589, %get3A_593 : vector<16xf32>
        %add3A_595 = arith.addf %add3A_585, %mul3A_594 : vector<16xf32>
        %xor3A = arith.constant 8 : i32
        %xor3A_596 = vector.broadcast %xor3A : i32 to vector<16xi32>
        %xor3A_597 = arith.xori %iota3A, %xor3A_596 : vector<16xi32>
        %reshape3A = vector.shape_cast %xor3A_597 : vector<16xi32> to vector<16x1xi32>
        %gather3A = vector.shape_cast %reshape3A : vector<16x1xi32> to vector<16xi32>
        %gather3A_598 = tpu.dynamic_gather %add3A_595[%gather3A] in [0] : vector<16xf32>, vector<16xi32> -> vector<16xf32>
        %add3A_599 = arith.addf %add3A_595, %gather3A_598 : vector<16xf32>
        %xor3A_600 = arith.constant 4 : i32
        %xor3A_601 = vector.broadcast %xor3A_600 : i32 to vector<16xi32>
        %xor3A_602 = arith.xori %iota3A, %xor3A_601 : vector<16xi32>
        %reshape3A_603 = vector.shape_cast %xor3A_602 : vector<16xi32> to vector<16x1xi32>
        %gather3A_604 = vector.shape_cast %reshape3A_603 : vector<16x1xi32> to vector<16xi32>
        %gather3A_605 = tpu.dynamic_gather %add3A_599[%gather3A_604] in [0] : vector<16xf32>, vector<16xi32> -> vector<16xf32>
        %add3A_606 = arith.addf %add3A_599, %gather3A_605 : vector<16xf32>
        %xor3A_607 = arith.constant 2 : i32
        %xor3A_608 = vector.broadcast %xor3A_607 : i32 to vector<16xi32>
        %xor3A_609 = arith.xori %iota3A, %xor3A_608 : vector<16xi32>
        %reshape3A_610 = vector.shape_cast %xor3A_609 : vector<16xi32> to vector<16x1xi32>
        %gather3A_611 = vector.shape_cast %reshape3A_610 : vector<16x1xi32> to vector<16xi32>
        %gather3A_612 = tpu.dynamic_gather %add3A_606[%gather3A_611] in [0] : vector<16xf32>, vector<16xi32> -> vector<16xf32>
        %add3A_613 = arith.addf %add3A_606, %gather3A_612 : vector<16xf32>
        %xor3A_614 = arith.constant 1 : i32
        %xor3A_615 = vector.broadcast %xor3A_614 : i32 to vector<16xi32>
        %xor3A_616 = arith.xori %iota3A, %xor3A_615 : vector<16xi32>
        %reshape3A_617 = vector.shape_cast %xor3A_616 : vector<16xi32> to vector<16x1xi32>
        %gather3A_618 = vector.shape_cast %reshape3A_617 : vector<16x1xi32> to vector<16xi32>
        %gather3A_619 = tpu.dynamic_gather %add3A_613[%gather3A_618] in [0] : vector<16xf32>, vector<16xi32> -> vector<16xf32>
        %add3A_620 = arith.addf %add3A_613, %gather3A_619 : vector<16xf32>
        %eq3A = vector.broadcast %scan3A_434 : i32 to vector<16xi32>
        %eq3A_621 = arith.cmpi eq, %iota3A, %eq3A : vector<16xi32>
        %select_n3A = arith.select %eq3A_621, %add3A_620, %scan3A_435 : vector<16xi1>, vector<16xf32>
        scf.yield %select_n3A : vector<16xf32>
      }
      %scan3A_388 = arith.constant 16 : i32
      %neg3A_389 = arith.constant 0.000000e+00 : f32
      %neg3A_390 = vector.broadcast %neg3A_389 : f32 to vector<16xf32>
      %neg3A_391 = arith.subf %neg3A_390, %scan3A_387 : vector<16xf32>
      %exp3A_392 = math.exp %neg3A_391 : vector<16xf32>
      %add3A_393 = arith.constant 1.000000e+00 : f32
      %add3A_394 = vector.broadcast %add3A_393 : f32 to vector<16xf32>
      %add3A_395 = arith.addf %add3A_394, %exp3A_392 : vector<16xf32>
      %div3A_396 = arith.constant 1.000000e+00 : f32
      %div3A_397 = vector.broadcast %div3A_396 : f32 to vector<16xf32>
      %div3A_398 = arith.divf %div3A_397, %add3A_395 : vector<16xf32>
      %add3A_399 = arith.constant 32 : i32
      %add3A_400 = arith.addi %mul3A_332, %add3A_399 : i32
      %swap3A_401 = arith.index_cast %add3A_400 : i32 to index
      %swap3A_402 = tpu.vector_load %arg8[%swap3A_401] {strides = array<i32>} : memref<5008xf32, #tpu.memory_space<vmem>>, vector<16xf32>,
      %swap3A_403 = vector.shape_cast %swap3A_402 : vector<16xf32> to vector<16xf32>
      %swap3A_404 = vector.shape_cast %div3A_398 : vector<16xf32> to vector<16xf32>
      tpu.vector_store %arg8[%swap3A_401], %swap3A_404 {strides = array<i32>} : memref<5008xf32, #tpu.memory_space<vmem>>, vector<16xf32>,
      %broadcast_in_dim3A_405 = arith.constant 0.000000e+00 : f32
      %broadcast_in_dim3A_406 = vector.broadcast %broadcast_in_dim3A_405 : f32 to vector<16xf32>
      %scan3A_407 = arith.constant 0 : i32
      %scan3A_408 = arith.constant 16 : i32
      %scan3A_409 = arith.addi %scan3A_407, %scan3A_408 : i32
      %scan3A_410 = arith.constant 1 : i32
      %scan3A_411 = scf.for %scan3A_434 = %scan3A_407 to %scan3A_409 step %scan3A_410 iter_args(%scan3A_435 = %broadcast_in_dim3A_406) -> (vector<16xf32>)  : i32 {
        %add3A_436 = arith.constant 48 : i32
        %add3A_437 = arith.addi %add3A_436, %scan3A_434 : i32
        %get3A = arith.index_cast %add3A_437 : i32 to index
        %get3A_438 = arith.constant 0 : index
        %get3A_439 = tpu.vector_load %arg14[%get3A, %get3A_438] {strides = array<i32>} : memref<64x256xf32, #tpu.memory_space<vmem>>, vector<1x16xf32>,
        %get3A_440 = vector.shape_cast %get3A_439 : vector<1x16xf32> to vector<16xf32>
        %get3A_441 = arith.index_cast %add3A_437 : i32 to index
        %get3A_442 = arith.constant 0 : index
        %get3A_443 = tpu.vector_load %arg11[%get3A_441, %get3A_442] {strides = array<i32>} : memref<64x256xf32, #tpu.memory_space<vmem>>, vector<1x16xf32>,
        %get3A_444 = vector.shape_cast %get3A_443 : vector<1x16xf32> to vector<16xf32>
        %mul3A_445 = arith.mulf %get3A_440, %get3A_444 : vector<16xf32>
        %get3A_446 = arith.index_cast %add3A_437 : i32 to index
        %get3A_447 = arith.constant 16 : index
        %get3A_448 = tpu.vector_load %arg14[%get3A_446, %get3A_447] {strides = array<i32>} : memref<64x256xf32, #tpu.memory_space<vmem>>, vector<1x16xf32>,
        %get3A_449 = vector.shape_cast %get3A_448 : vector<1x16xf32> to vector<16xf32>
        %get3A_450 = arith.index_cast %add3A_437 : i32 to index
        %get3A_451 = arith.constant 16 : index
        %get3A_452 = tpu.vector_load %arg11[%get3A_450, %get3A_451] {strides = array<i32>} : memref<64x256xf32, #tpu.memory_space<vmem>>, vector<1x16xf32>,
        %get3A_453 = vector.shape_cast %get3A_452 : vector<1x16xf32> to vector<16xf32>
        %mul3A_454 = arith.mulf %get3A_449, %get3A_453 : vector<16xf32>
        %add3A_455 = arith.addf %mul3A_445, %mul3A_454 : vector<16xf32>
        %get3A_456 = arith.index_cast %add3A_437 : i32 to index
        %get3A_457 = arith.constant 32 : index
        %get3A_458 = tpu.vector_load %arg14[%get3A_456, %get3A_457] {strides = array<i32>} : memref<64x256xf32, #tpu.memory_space<vmem>>, vector<1x16xf32>,
        %get3A_459 = vector.shape_cast %get3A_458 : vector<1x16xf32> to vector<16xf32>
        %get3A_460 = arith.index_cast %add3A_437 : i32 to index
        %get3A_461 = arith.constant 32 : index
        %get3A_462 = tpu.vector_load %arg11[%get3A_460, %get3A_461] {strides = array<i32>} : memref<64x256xf32, #tpu.memory_space<vmem>>, vector<1x16xf32>,
        %get3A_463 = vector.shape_cast %get3A_462 : vector<1x16xf32> to vector<16xf32>
        %mul3A_464 = arith.mulf %get3A_459, %get3A_463 : vector<16xf32>
        %add3A_465 = arith.addf %add3A_455, %mul3A_464 : vector<16xf32>
        %get3A_466 = arith.index_cast %add3A_437 : i32 to index
        %get3A_467 = arith.constant 48 : index
        %get3A_468 = tpu.vector_load %arg14[%get3A_466, %get3A_467] {strides = array<i32>} : memref<64x256xf32, #tpu.memory_space<vmem>>, vector<1x16xf32>,
        %get3A_469 = vector.shape_cast %get3A_468 : vector<1x16xf32> to vector<16xf32>
        %get3A_470 = arith.index_cast %add3A_437 : i32 to index
        %get3A_471 = arith.constant 48 : index
        %get3A_472 = tpu.vector_load %arg11[%get3A_470, %get3A_471] {strides = array<i32>} : memref<64x256xf32, #tpu.memory_space<vmem>>, vector<1x16xf32>,
        %get3A_473 = vector.shape_cast %get3A_472 : vector<1x16xf32> to vector<16xf32>
        %mul3A_474 = arith.mulf %get3A_469, %get3A_473 : vector<16xf32>
        %add3A_475 = arith.addf %add3A_465, %mul3A_474 : vector<16xf32>
        %get3A_476 = arith.index_cast %add3A_437 : i32 to index
        %get3A_477 = arith.constant 64 : index
        %get3A_478 = tpu.vector_load %arg14[%get3A_476, %get3A_477] {strides = array<i32>} : memref<64x256xf32, #tpu.memory_space<vmem>>, vector<1x16xf32>,
        %get3A_479 = vector.shape_cast %get3A_478 : vector<1x16xf32> to vector<16xf32>
        %get3A_480 = arith.index_cast %add3A_437 : i32 to index
        %get3A_481 = arith.constant 64 : index
        %get3A_482 = tpu.vector_load %arg11[%get3A_480, %get3A_481] {strides = array<i32>} : memref<64x256xf32, #tpu.memory_space<vmem>>, vector<1x16xf32>,
        %get3A_483 = vector.shape_cast %get3A_482 : vector<1x16xf32> to vector<16xf32>
        %mul3A_484 = arith.mulf %get3A_479, %get3A_483 : vector<16xf32>
        %add3A_485 = arith.addf %add3A_475, %mul3A_484 : vector<16xf32>
        %get3A_486 = arith.index_cast %add3A_437 : i32 to index
        %get3A_487 = arith.constant 80 : index
        %get3A_488 = tpu.vector_load %arg14[%get3A_486, %get3A_487] {strides = array<i32>} : memref<64x256xf32, #tpu.memory_space<vmem>>, vector<1x16xf32>,
        %get3A_489 = vector.shape_cast %get3A_488 : vector<1x16xf32> to vector<16xf32>
        %get3A_490 = arith.index_cast %add3A_437 : i32 to index
        %get3A_491 = arith.constant 80 : index
        %get3A_492 = tpu.vector_load %arg11[%get3A_490, %get3A_491] {strides = array<i32>} : memref<64x256xf32, #tpu.memory_space<vmem>>, vector<1x16xf32>,
        %get3A_493 = vector.shape_cast %get3A_492 : vector<1x16xf32> to vector<16xf32>
        %mul3A_494 = arith.mulf %get3A_489, %get3A_493 : vector<16xf32>
        %add3A_495 = arith.addf %add3A_485, %mul3A_494 : vector<16xf32>
        %get3A_496 = arith.index_cast %add3A_437 : i32 to index
        %get3A_497 = arith.constant 96 : index
        %get3A_498 = tpu.vector_load %arg14[%get3A_496, %get3A_497] {strides = array<i32>} : memref<64x256xf32, #tpu.memory_space<vmem>>, vector<1x16xf32>,
        %get3A_499 = vector.shape_cast %get3A_498 : vector<1x16xf32> to vector<16xf32>
        %get3A_500 = arith.index_cast %add3A_437 : i32 to index
        %get3A_501 = arith.constant 96 : index
        %get3A_502 = tpu.vector_load %arg11[%get3A_500, %get3A_501] {strides = array<i32>} : memref<64x256xf32, #tpu.memory_space<vmem>>, vector<1x16xf32>,
        %get3A_503 = vector.shape_cast %get3A_502 : vector<1x16xf32> to vector<16xf32>
        %mul3A_504 = arith.mulf %get3A_499, %get3A_503 : vector<16xf32>
        %add3A_505 = arith.addf %add3A_495, %mul3A_504 : vector<16xf32>
        %get3A_506 = arith.index_cast %add3A_437 : i32 to index
        %get3A_507 = arith.constant 112 : index
        %get3A_508 = tpu.vector_load %arg14[%get3A_506, %get3A_507] {strides = array<i32>} : memref<64x256xf32, #tpu.memory_space<vmem>>, vector<1x16xf32>,
        %get3A_509 = vector.shape_cast %get3A_508 : vector<1x16xf32> to vector<16xf32>
        %get3A_510 = arith.index_cast %add3A_437 : i32 to index
        %get3A_511 = arith.constant 112 : index
        %get3A_512 = tpu.vector_load %arg11[%get3A_510, %get3A_511] {strides = array<i32>} : memref<64x256xf32, #tpu.memory_space<vmem>>, vector<1x16xf32>,
        %get3A_513 = vector.shape_cast %get3A_512 : vector<1x16xf32> to vector<16xf32>
        %mul3A_514 = arith.mulf %get3A_509, %get3A_513 : vector<16xf32>
        %add3A_515 = arith.addf %add3A_505, %mul3A_514 : vector<16xf32>
        %get3A_516 = arith.index_cast %add3A_437 : i32 to index
        %get3A_517 = arith.constant 128 : index
        %get3A_518 = tpu.vector_load %arg14[%get3A_516, %get3A_517] {strides = array<i32>} : memref<64x256xf32, #tpu.memory_space<vmem>>, vector<1x16xf32>,
        %get3A_519 = vector.shape_cast %get3A_518 : vector<1x16xf32> to vector<16xf32>
        %get3A_520 = arith.index_cast %add3A_437 : i32 to index
        %get3A_521 = arith.constant 128 : index
        %get3A_522 = tpu.vector_load %arg11[%get3A_520, %get3A_521] {strides = array<i32>} : memref<64x256xf32, #tpu.memory_space<vmem>>, vector<1x16xf32>,
        %get3A_523 = vector.shape_cast %get3A_522 : vector<1x16xf32> to vector<16xf32>
        %mul3A_524 = arith.mulf %get3A_519, %get3A_523 : vector<16xf32>
        %add3A_525 = arith.addf %add3A_515, %mul3A_524 : vector<16xf32>
        %get3A_526 = arith.index_cast %add3A_437 : i32 to index
        %get3A_527 = arith.constant 144 : index
        %get3A_528 = tpu.vector_load %arg14[%get3A_526, %get3A_527] {strides = array<i32>} : memref<64x256xf32, #tpu.memory_space<vmem>>, vector<1x16xf32>,
        %get3A_529 = vector.shape_cast %get3A_528 : vector<1x16xf32> to vector<16xf32>
        %get3A_530 = arith.index_cast %add3A_437 : i32 to index
        %get3A_531 = arith.constant 144 : index
        %get3A_532 = tpu.vector_load %arg11[%get3A_530, %get3A_531] {strides = array<i32>} : memref<64x256xf32, #tpu.memory_space<vmem>>, vector<1x16xf32>,
        %get3A_533 = vector.shape_cast %get3A_532 : vector<1x16xf32> to vector<16xf32>
        %mul3A_534 = arith.mulf %get3A_529, %get3A_533 : vector<16xf32>
        %add3A_535 = arith.addf %add3A_525, %mul3A_534 : vector<16xf32>
        %get3A_536 = arith.index_cast %add3A_437 : i32 to index
        %get3A_537 = arith.constant 160 : index
        %get3A_538 = tpu.vector_load %arg14[%get3A_536, %get3A_537] {strides = array<i32>} : memref<64x256xf32, #tpu.memory_space<vmem>>, vector<1x16xf32>,
        %get3A_539 = vector.shape_cast %get3A_538 : vector<1x16xf32> to vector<16xf32>
        %get3A_540 = arith.index_cast %add3A_437 : i32 to index
        %get3A_541 = arith.constant 160 : index
        %get3A_542 = tpu.vector_load %arg11[%get3A_540, %get3A_541] {strides = array<i32>} : memref<64x256xf32, #tpu.memory_space<vmem>>, vector<1x16xf32>,
        %get3A_543 = vector.shape_cast %get3A_542 : vector<1x16xf32> to vector<16xf32>
        %mul3A_544 = arith.mulf %get3A_539, %get3A_543 : vector<16xf32>
        %add3A_545 = arith.addf %add3A_535, %mul3A_544 : vector<16xf32>
        %get3A_546 = arith.index_cast %add3A_437 : i32 to index
        %get3A_547 = arith.constant 176 : index
        %get3A_548 = tpu.vector_load %arg14[%get3A_546, %get3A_547] {strides = array<i32>} : memref<64x256xf32, #tpu.memory_space<vmem>>, vector<1x16xf32>,
        %get3A_549 = vector.shape_cast %get3A_548 : vector<1x16xf32> to vector<16xf32>
        %get3A_550 = arith.index_cast %add3A_437 : i32 to index
        %get3A_551 = arith.constant 176 : index
        %get3A_552 = tpu.vector_load %arg11[%get3A_550, %get3A_551] {strides = array<i32>} : memref<64x256xf32, #tpu.memory_space<vmem>>, vector<1x16xf32>,
        %get3A_553 = vector.shape_cast %get3A_552 : vector<1x16xf32> to vector<16xf32>
        %mul3A_554 = arith.mulf %get3A_549, %get3A_553 : vector<16xf32>
        %add3A_555 = arith.addf %add3A_545, %mul3A_554 : vector<16xf32>
        %get3A_556 = arith.index_cast %add3A_437 : i32 to index
        %get3A_557 = arith.constant 192 : index
        %get3A_558 = tpu.vector_load %arg14[%get3A_556, %get3A_557] {strides = array<i32>} : memref<64x256xf32, #tpu.memory_space<vmem>>, vector<1x16xf32>,
        %get3A_559 = vector.shape_cast %get3A_558 : vector<1x16xf32> to vector<16xf32>
        %get3A_560 = arith.index_cast %add3A_437 : i32 to index
        %get3A_561 = arith.constant 192 : index
        %get3A_562 = tpu.vector_load %arg11[%get3A_560, %get3A_561] {strides = array<i32>} : memref<64x256xf32, #tpu.memory_space<vmem>>, vector<1x16xf32>,
        %get3A_563 = vector.shape_cast %get3A_562 : vector<1x16xf32> to vector<16xf32>
        %mul3A_564 = arith.mulf %get3A_559, %get3A_563 : vector<16xf32>
        %add3A_565 = arith.addf %add3A_555, %mul3A_564 : vector<16xf32>
        %get3A_566 = arith.index_cast %add3A_437 : i32 to index
        %get3A_567 = arith.constant 208 : index
        %get3A_568 = tpu.vector_load %arg14[%get3A_566, %get3A_567] {strides = array<i32>} : memref<64x256xf32, #tpu.memory_space<vmem>>, vector<1x16xf32>,
        %get3A_569 = vector.shape_cast %get3A_568 : vector<1x16xf32> to vector<16xf32>
        %get3A_570 = arith.index_cast %add3A_437 : i32 to index
        %get3A_571 = arith.constant 208 : index
        %get3A_572 = tpu.vector_load %arg11[%get3A_570, %get3A_571] {strides = array<i32>} : memref<64x256xf32, #tpu.memory_space<vmem>>, vector<1x16xf32>,
        %get3A_573 = vector.shape_cast %get3A_572 : vector<1x16xf32> to vector<16xf32>
        %mul3A_574 = arith.mulf %get3A_569, %get3A_573 : vector<16xf32>
        %add3A_575 = arith.addf %add3A_565, %mul3A_574 : vector<16xf32>
        %get3A_576 = arith.index_cast %add3A_437 : i32 to index
        %get3A_577 = arith.constant 224 : index
        %get3A_578 = tpu.vector_load %arg14[%get3A_576, %get3A_577] {strides = array<i32>} : memref<64x256xf32, #tpu.memory_space<vmem>>, vector<1x16xf32>,
        %get3A_579 = vector.shape_cast %get3A_578 : vector<1x16xf32> to vector<16xf32>
        %get3A_580 = arith.index_cast %add3A_437 : i32 to index
        %get3A_581 = arith.constant 224 : index
        %get3A_582 = tpu.vector_load %arg11[%get3A_580, %get3A_581] {strides = array<i32>} : memref<64x256xf32, #tpu.memory_space<vmem>>, vector<1x16xf32>,
        %get3A_583 = vector.shape_cast %get3A_582 : vector<1x16xf32> to vector<16xf32>
        %mul3A_584 = arith.mulf %get3A_579, %get3A_583 : vector<16xf32>
        %add3A_585 = arith.addf %add3A_575, %mul3A_584 : vector<16xf32>
        %get3A_586 = arith.index_cast %add3A_437 : i32 to index
        %get3A_587 = arith.constant 240 : index
        %get3A_588 = tpu.vector_load %arg14[%get3A_586, %get3A_587] {strides = array<i32>} : memref<64x256xf32, #tpu.memory_space<vmem>>, vector<1x16xf32>,
        %get3A_589 = vector.shape_cast %get3A_588 : vector<1x16xf32> to vector<16xf32>
        %get3A_590 = arith.index_cast %add3A_437 : i32 to index
        %get3A_591 = arith.constant 240 : index
        %get3A_592 = tpu.vector_load %arg11[%get3A_590, %get3A_591] {strides = array<i32>} : memref<64x256xf32, #tpu.memory_space<vmem>>, vector<1x16xf32>,
        %get3A_593 = vector.shape_cast %get3A_592 : vector<1x16xf32> to vector<16xf32>
        %mul3A_594 = arith.mulf %get3A_589, %get3A_593 : vector<16xf32>
        %add3A_595 = arith.addf %add3A_585, %mul3A_594 : vector<16xf32>
        %xor3A = arith.constant 8 : i32
        %xor3A_596 = vector.broadcast %xor3A : i32 to vector<16xi32>
        %xor3A_597 = arith.xori %iota3A, %xor3A_596 : vector<16xi32>
        %reshape3A = vector.shape_cast %xor3A_597 : vector<16xi32> to vector<16x1xi32>
        %gather3A = vector.shape_cast %reshape3A : vector<16x1xi32> to vector<16xi32>
        %gather3A_598 = tpu.dynamic_gather %add3A_595[%gather3A] in [0] : vector<16xf32>, vector<16xi32> -> vector<16xf32>
        %add3A_599 = arith.addf %add3A_595, %gather3A_598 : vector<16xf32>
        %xor3A_600 = arith.constant 4 : i32
        %xor3A_601 = vector.broadcast %xor3A_600 : i32 to vector<16xi32>
        %xor3A_602 = arith.xori %iota3A, %xor3A_601 : vector<16xi32>
        %reshape3A_603 = vector.shape_cast %xor3A_602 : vector<16xi32> to vector<16x1xi32>
        %gather3A_604 = vector.shape_cast %reshape3A_603 : vector<16x1xi32> to vector<16xi32>
        %gather3A_605 = tpu.dynamic_gather %add3A_599[%gather3A_604] in [0] : vector<16xf32>, vector<16xi32> -> vector<16xf32>
        %add3A_606 = arith.addf %add3A_599, %gather3A_605 : vector<16xf32>
        %xor3A_607 = arith.constant 2 : i32
        %xor3A_608 = vector.broadcast %xor3A_607 : i32 to vector<16xi32>
        %xor3A_609 = arith.xori %iota3A, %xor3A_608 : vector<16xi32>
        %reshape3A_610 = vector.shape_cast %xor3A_609 : vector<16xi32> to vector<16x1xi32>
        %gather3A_611 = vector.shape_cast %reshape3A_610 : vector<16x1xi32> to vector<16xi32>
        %gather3A_612 = tpu.dynamic_gather %add3A_606[%gather3A_611] in [0] : vector<16xf32>, vector<16xi32> -> vector<16xf32>
        %add3A_613 = arith.addf %add3A_606, %gather3A_612 : vector<16xf32>
        %xor3A_614 = arith.constant 1 : i32
        %xor3A_615 = vector.broadcast %xor3A_614 : i32 to vector<16xi32>
        %xor3A_616 = arith.xori %iota3A, %xor3A_615 : vector<16xi32>
        %reshape3A_617 = vector.shape_cast %xor3A_616 : vector<16xi32> to vector<16x1xi32>
        %gather3A_618 = vector.shape_cast %reshape3A_617 : vector<16x1xi32> to vector<16xi32>
        %gather3A_619 = tpu.dynamic_gather %add3A_613[%gather3A_618] in [0] : vector<16xf32>, vector<16xi32> -> vector<16xf32>
        %add3A_620 = arith.addf %add3A_613, %gather3A_619 : vector<16xf32>
        %eq3A = vector.broadcast %scan3A_434 : i32 to vector<16xi32>
        %eq3A_621 = arith.cmpi eq, %iota3A, %eq3A : vector<16xi32>
        %select_n3A = arith.select %eq3A_621, %add3A_620, %scan3A_435 : vector<16xi1>, vector<16xf32>
        scf.yield %select_n3A : vector<16xf32>
      }
      %scan3A_412 = arith.constant 16 : i32
      %neg3A_413 = arith.constant 0.000000e+00 : f32
      %neg3A_414 = vector.broadcast %neg3A_413 : f32 to vector<16xf32>
      %neg3A_415 = arith.subf %neg3A_414, %scan3A_411 : vector<16xf32>
      %exp3A_416 = math.exp %neg3A_415 : vector<16xf32>
      %add3A_417 = arith.constant 1.000000e+00 : f32
      %add3A_418 = vector.broadcast %add3A_417 : f32 to vector<16xf32>
      %add3A_419 = arith.addf %add3A_418, %exp3A_416 : vector<16xf32>
      %div3A_420 = arith.constant 1.000000e+00 : f32
      %div3A_421 = vector.broadcast %div3A_420 : f32 to vector<16xf32>
      %div3A_422 = arith.divf %div3A_421, %add3A_419 : vector<16xf32>
      %add3A_423 = arith.constant 48 : i32
      %add3A_424 = arith.addi %mul3A_332, %add3A_423 : i32
      %swap3A_425 = arith.index_cast %add3A_424 : i32 to index
      %swap3A_426 = tpu.vector_load %arg8[%swap3A_425] {strides = array<i32>} : memref<5008xf32, #tpu.memory_space<vmem>>, vector<16xf32>,
      %swap3A_427 = vector.shape_cast %swap3A_426 : vector<16xf32> to vector<16xf32>
      %swap3A_428 = vector.shape_cast %div3A_422 : vector<16xf32> to vector<16xf32>
      tpu.vector_store %arg8[%swap3A_425], %swap3A_428 {strides = array<i32>} : memref<5008xf32, #tpu.memory_space<vmem>>, vector<16xf32>,
      %lt3A_429 = arith.constant 25 : i32
      %lt3A_430 = arith.cmpi slt, %scan3A_85, %lt3A_429 : i32
      %convert_element_type3A_431 = arith.extui %lt3A_430 : i1 to i32
      %cond3A_432 = arith.constant 0 : i32
      %cond3A_433 = arith.cmpi ne, %convert_element_type3A_431, %cond3A_432 : i32
      scf.if %cond3A_433 {
        %add3A_434 = arith.constant 3 : i32
        %add3A_435 = arith.addi %add3A_320, %add3A_434 : i32
        %mul3A_436 = arith.constant 64 : i32
        %mul3A_437 = arith.muli %add3A_435, %mul3A_436 : i32
        %dma_start3A_438 = tpu.memref_slice %arg7[%mul3A_437] : memref<5000xi32, #tpu.memory_space<vmem>> -> memref<64xi32, #tpu.memory_space<vmem>>
        %dma_start3A_439 = arith.constant 0 : i32
        %dma_start3A_440 = arith.constant 0 : i32
        %dma_start3A_441 = tpu.memref_slice %arg2[%dma_start3A_439, %dma_start3A_440] : memref<10000x256xf32, #tpu.memory_space<hbm>> -> memref<10000x256xf32, #tpu.memory_space<hbm>>
        tpu.enqueue_indirect_dma source(%dma_start3A_441 : memref<10000x256xf32, #tpu.memory_space<hbm>>) target(%arg14 : memref<64x256xf32, #tpu.memory_space<vmem>>) offsets(%dma_start3A_438 : memref<64xi32, #tpu.memory_space<vmem>>) semaphore(%arg20 : memref<!tpu.dma_semaphore, #tpu.memory_space<semaphore_mem>>)
        %dma_start3A_442 = tpu.memref_slice %arg6[%mul3A_437] : memref<5000xi32, #tpu.memory_space<vmem>> -> memref<64xi32, #tpu.memory_space<vmem>>
        %dma_start3A_443 = arith.constant 0 : i32
        %dma_start3A_444 = arith.constant 0 : i32
        %dma_start3A_445 = tpu.memref_slice %arg2[%dma_start3A_443, %dma_start3A_444] : memref<10000x256xf32, #tpu.memory_space<hbm>> -> memref<10000x256xf32, #tpu.memory_space<hbm>>
        tpu.enqueue_indirect_dma source(%dma_start3A_445 : memref<10000x256xf32, #tpu.memory_space<hbm>>) target(%arg11 : memref<64x256xf32, #tpu.memory_space<vmem>>) offsets(%dma_start3A_442 : memref<64xi32, #tpu.memory_space<vmem>>) semaphore(%arg17 : memref<!tpu.dma_semaphore, #tpu.memory_space<semaphore_mem>>)
      } else {
      }
    }
    %scan3A_36 = arith.constant 26 : i32
    %dma_start3A_37 = arith.constant 0 : i32
    %dma_start3A_38 = arith.constant 0 : i32
    %dma_start3A_39 = tpu.memref_slice %arg12[%dma_start3A_37, %dma_start3A_38] : memref<64x256xf32, #tpu.memory_space<vmem>> -> memref<8x256xf32, #tpu.memory_space<vmem>>
    %dma_start3A_40 = arith.constant 4992 : i32
    %dma_start3A_41 = tpu.memref_slice %arg7[%dma_start3A_40] : memref<5000xi32, #tpu.memory_space<vmem>> -> memref<8xi32, #tpu.memory_space<vmem>>
    %dma_start3A_42 = arith.constant 0 : i32
    %dma_start3A_43 = arith.constant 0 : i32
    %dma_start3A_44 = tpu.memref_slice %arg2[%dma_start3A_42, %dma_start3A_43] : memref<10000x256xf32, #tpu.memory_space<hbm>> -> memref<10000x256xf32, #tpu.memory_space<hbm>>
    tpu.enqueue_indirect_dma source(%dma_start3A_44 : memref<10000x256xf32, #tpu.memory_space<hbm>>) target(%dma_start3A_39 : memref<8x256xf32, #tpu.memory_space<vmem>>) offsets(%dma_start3A_41 : memref<8xi32, #tpu.memory_space<vmem>>) semaphore(%arg18 : memref<!tpu.dma_semaphore, #tpu.memory_space<semaphore_mem>>)
    %dma_start3A_45 = arith.constant 0 : i32
    %dma_start3A_46 = arith.constant 0 : i32
    %dma_start3A_47 = tpu.memref_slice %arg9[%dma_start3A_45, %dma_start3A_46] : memref<64x256xf32, #tpu.memory_space<vmem>> -> memref<8x256xf32, #tpu.memory_space<vmem>>
    %dma_start3A_48 = arith.constant 4992 : i32
    %dma_start3A_49 = tpu.memref_slice %arg6[%dma_start3A_48] : memref<5000xi32, #tpu.memory_space<vmem>> -> memref<8xi32, #tpu.memory_space<vmem>>
    %dma_start3A_50 = arith.constant 0 : i32
    %dma_start3A_51 = arith.constant 0 : i32
    %dma_start3A_52 = tpu.memref_slice %arg2[%dma_start3A_50, %dma_start3A_51] : memref<10000x256xf32, #tpu.memory_space<hbm>> -> memref<10000x256xf32, #tpu.memory_space<hbm>>
    tpu.enqueue_indirect_dma source(%dma_start3A_52 : memref<10000x256xf32, #tpu.memory_space<hbm>>) target(%dma_start3A_47 : memref<8x256xf32, #tpu.memory_space<vmem>>) offsets(%dma_start3A_49 : memref<8xi32, #tpu.memory_space<vmem>>) semaphore(%arg15 : memref<!tpu.dma_semaphore, #tpu.memory_space<semaphore_mem>>)
    %dma_wait3A = arith.constant 0 : i32
    %dma_wait3A_53 = arith.constant 0 : i32
    %dma_wait3A_54 = tpu.memref_slice %arg12[%dma_wait3A, %dma_wait3A_53] : memref<64x256xf32, #tpu.memory_space<vmem>> -> memref<8x256xf32, #tpu.memory_space<vmem>>
    %dma_wait3A_55 = arith.constant 4992 : i32
    %dma_wait3A_56 = tpu.memref_slice %arg7[%dma_wait3A_55] : memref<5000xi32, #tpu.memory_space<vmem>> -> memref<8xi32, #tpu.memory_space<vmem>>
    %dma_wait3A_57 = arith.constant 0 : i32
    %dma_wait3A_58 = arith.constant 0 : i32
    %dma_wait3A_59 = tpu.memref_slice %arg2[%dma_wait3A_57, %dma_wait3A_58] : memref<10000x256xf32, #tpu.memory_space<hbm>> -> memref<10000x256xf32, #tpu.memory_space<hbm>>
    tpu.wait_indirect_dma semaphore(%arg18 : memref<!tpu.dma_semaphore, #tpu.memory_space<semaphore_mem>>) src(%dma_wait3A_59 : memref<10000x256xf32, #tpu.memory_space<hbm>>) dst(%dma_wait3A_54 : memref<8x256xf32, #tpu.memory_space<vmem>>)
    %dma_wait3A_60 = arith.constant 0 : i32
    %dma_wait3A_61 = arith.constant 0 : i32
    %dma_wait3A_62 = tpu.memref_slice %arg9[%dma_wait3A_60, %dma_wait3A_61] : memref<64x256xf32, #tpu.memory_space<vmem>> -> memref<8x256xf32, #tpu.memory_space<vmem>>
    %dma_wait3A_63 = arith.constant 4992 : i32
    %dma_wait3A_64 = tpu.memref_slice %arg6[%dma_wait3A_63] : memref<5000xi32, #tpu.memory_space<vmem>> -> memref<8xi32, #tpu.memory_space<vmem>>
    %dma_wait3A_65 = arith.constant 0 : i32
    %dma_wait3A_66 = arith.constant 0 : i32
    %dma_wait3A_67 = tpu.memref_slice %arg2[%dma_wait3A_65, %dma_wait3A_66] : memref<10000x256xf32, #tpu.memory_space<hbm>> -> memref<10000x256xf32, #tpu.memory_space<hbm>>
    tpu.wait_indirect_dma semaphore(%arg15 : memref<!tpu.dma_semaphore, #tpu.memory_space<semaphore_mem>>) src(%dma_wait3A_67 : memref<10000x256xf32, #tpu.memory_space<hbm>>) dst(%dma_wait3A_62 : memref<8x256xf32, #tpu.memory_space<vmem>>)
    %broadcast_in_dim3A = arith.constant 0.000000e+00 : f32
    %broadcast_in_dim3A_68 = vector.broadcast %broadcast_in_dim3A : f32 to vector<16xf32>
    %scan3A_69 = arith.constant 0 : i32
    %scan3A_70 = arith.constant 8 : i32
    %scan3A_71 = arith.addi %scan3A_69, %scan3A_70 : i32
    %scan3A_72 = arith.constant 1 : i32
    %scan3A_73 = scf.for %scan3A_85 = %scan3A_69 to %scan3A_71 step %scan3A_72 iter_args(%scan3A_86 = %broadcast_in_dim3A_68) -> (vector<16xf32>)  : i32 {
      %add3A_87 = arith.constant 0 : i32
      %add3A_88 = arith.addi %add3A_87, %scan3A_85 : i32
      %get3A = arith.index_cast %add3A_88 : i32 to index
      %get3A_89 = arith.constant 0 : index
      %get3A_90 = tpu.vector_load %arg12[%get3A, %get3A_89] {strides = array<i32>} : memref<64x256xf32, #tpu.memory_space<vmem>>, vector<1x16xf32>,
      %get3A_91 = vector.shape_cast %get3A_90 : vector<1x16xf32> to vector<16xf32>
      %get3A_92 = arith.index_cast %add3A_88 : i32 to index
      %get3A_93 = arith.constant 0 : index
      %get3A_94 = tpu.vector_load %arg9[%get3A_92, %get3A_93] {strides = array<i32>} : memref<64x256xf32, #tpu.memory_space<vmem>>, vector<1x16xf32>,
      %get3A_95 = vector.shape_cast %get3A_94 : vector<1x16xf32> to vector<16xf32>
      %mul3A_96 = arith.mulf %get3A_91, %get3A_95 : vector<16xf32>
      %get3A_97 = arith.index_cast %add3A_88 : i32 to index
      %get3A_98 = arith.constant 16 : index
      %get3A_99 = tpu.vector_load %arg12[%get3A_97, %get3A_98] {strides = array<i32>} : memref<64x256xf32, #tpu.memory_space<vmem>>, vector<1x16xf32>,
      %get3A_100 = vector.shape_cast %get3A_99 : vector<1x16xf32> to vector<16xf32>
      %get3A_101 = arith.index_cast %add3A_88 : i32 to index
      %get3A_102 = arith.constant 16 : index
      %get3A_103 = tpu.vector_load %arg9[%get3A_101, %get3A_102] {strides = array<i32>} : memref<64x256xf32, #tpu.memory_space<vmem>>, vector<1x16xf32>,
      %get3A_104 = vector.shape_cast %get3A_103 : vector<1x16xf32> to vector<16xf32>
      %mul3A_105 = arith.mulf %get3A_100, %get3A_104 : vector<16xf32>
      %add3A_106 = arith.addf %mul3A_96, %mul3A_105 : vector<16xf32>
      %get3A_107 = arith.index_cast %add3A_88 : i32 to index
      %get3A_108 = arith.constant 32 : index
      %get3A_109 = tpu.vector_load %arg12[%get3A_107, %get3A_108] {strides = array<i32>} : memref<64x256xf32, #tpu.memory_space<vmem>>, vector<1x16xf32>,
      %get3A_110 = vector.shape_cast %get3A_109 : vector<1x16xf32> to vector<16xf32>
      %get3A_111 = arith.index_cast %add3A_88 : i32 to index
      %get3A_112 = arith.constant 32 : index
      %get3A_113 = tpu.vector_load %arg9[%get3A_111, %get3A_112] {strides = array<i32>} : memref<64x256xf32, #tpu.memory_space<vmem>>, vector<1x16xf32>,
      %get3A_114 = vector.shape_cast %get3A_113 : vector<1x16xf32> to vector<16xf32>
      %mul3A_115 = arith.mulf %get3A_110, %get3A_114 : vector<16xf32>
      %add3A_116 = arith.addf %add3A_106, %mul3A_115 : vector<16xf32>
      %get3A_117 = arith.index_cast %add3A_88 : i32 to index
      %get3A_118 = arith.constant 48 : index
      %get3A_119 = tpu.vector_load %arg12[%get3A_117, %get3A_118] {strides = array<i32>} : memref<64x256xf32, #tpu.memory_space<vmem>>, vector<1x16xf32>,
      %get3A_120 = vector.shape_cast %get3A_119 : vector<1x16xf32> to vector<16xf32>
      %get3A_121 = arith.index_cast %add3A_88 : i32 to index
      %get3A_122 = arith.constant 48 : index
      %get3A_123 = tpu.vector_load %arg9[%get3A_121, %get3A_122] {strides = array<i32>} : memref<64x256xf32, #tpu.memory_space<vmem>>, vector<1x16xf32>,
      %get3A_124 = vector.shape_cast %get3A_123 : vector<1x16xf32> to vector<16xf32>
      %mul3A_125 = arith.mulf %get3A_120, %get3A_124 : vector<16xf32>
      %add3A_126 = arith.addf %add3A_116, %mul3A_125 : vector<16xf32>
      %get3A_127 = arith.index_cast %add3A_88 : i32 to index
      %get3A_128 = arith.constant 64 : index
      %get3A_129 = tpu.vector_load %arg12[%get3A_127, %get3A_128] {strides = array<i32>} : memref<64x256xf32, #tpu.memory_space<vmem>>, vector<1x16xf32>,
      %get3A_130 = vector.shape_cast %get3A_129 : vector<1x16xf32> to vector<16xf32>
      %get3A_131 = arith.index_cast %add3A_88 : i32 to index
      %get3A_132 = arith.constant 64 : index
      %get3A_133 = tpu.vector_load %arg9[%get3A_131, %get3A_132] {strides = array<i32>} : memref<64x256xf32, #tpu.memory_space<vmem>>, vector<1x16xf32>,
      %get3A_134 = vector.shape_cast %get3A_133 : vector<1x16xf32> to vector<16xf32>
      %mul3A_135 = arith.mulf %get3A_130, %get3A_134 : vector<16xf32>
      %add3A_136 = arith.addf %add3A_126, %mul3A_135 : vector<16xf32>
      %get3A_137 = arith.index_cast %add3A_88 : i32 to index
      %get3A_138 = arith.constant 80 : index
      %get3A_139 = tpu.vector_load %arg12[%get3A_137, %get3A_138] {strides = array<i32>} : memref<64x256xf32, #tpu.memory_space<vmem>>, vector<1x16xf32>,
      %get3A_140 = vector.shape_cast %get3A_139 : vector<1x16xf32> to vector<16xf32>
      %get3A_141 = arith.index_cast %add3A_88 : i32 to index
      %get3A_142 = arith.constant 80 : index
      %get3A_143 = tpu.vector_load %arg9[%get3A_141, %get3A_142] {strides = array<i32>} : memref<64x256xf32, #tpu.memory_space<vmem>>, vector<1x16xf32>,
      %get3A_144 = vector.shape_cast %get3A_143 : vector<1x16xf32> to vector<16xf32>
      %mul3A_145 = arith.mulf %get3A_140, %get3A_144 : vector<16xf32>
      %add3A_146 = arith.addf %add3A_136, %mul3A_145 : vector<16xf32>
      %get3A_147 = arith.index_cast %add3A_88 : i32 to index
      %get3A_148 = arith.constant 96 : index
      %get3A_149 = tpu.vector_load %arg12[%get3A_147, %get3A_148] {strides = array<i32>} : memref<64x256xf32, #tpu.memory_space<vmem>>, vector<1x16xf32>,
      %get3A_150 = vector.shape_cast %get3A_149 : vector<1x16xf32> to vector<16xf32>
      %get3A_151 = arith.index_cast %add3A_88 : i32 to index
      %get3A_152 = arith.constant 96 : index
      %get3A_153 = tpu.vector_load %arg9[%get3A_151, %get3A_152] {strides = array<i32>} : memref<64x256xf32, #tpu.memory_space<vmem>>, vector<1x16xf32>,
      %get3A_154 = vector.shape_cast %get3A_153 : vector<1x16xf32> to vector<16xf32>
      %mul3A_155 = arith.mulf %get3A_150, %get3A_154 : vector<16xf32>
      %add3A_156 = arith.addf %add3A_146, %mul3A_155 : vector<16xf32>
      %get3A_157 = arith.index_cast %add3A_88 : i32 to index
      %get3A_158 = arith.constant 112 : index
      %get3A_159 = tpu.vector_load %arg12[%get3A_157, %get3A_158] {strides = array<i32>} : memref<64x256xf32, #tpu.memory_space<vmem>>, vector<1x16xf32>,
      %get3A_160 = vector.shape_cast %get3A_159 : vector<1x16xf32> to vector<16xf32>
      %get3A_161 = arith.index_cast %add3A_88 : i32 to index
      %get3A_162 = arith.constant 112 : index
      %get3A_163 = tpu.vector_load %arg9[%get3A_161, %get3A_162] {strides = array<i32>} : memref<64x256xf32, #tpu.memory_space<vmem>>, vector<1x16xf32>,
      %get3A_164 = vector.shape_cast %get3A_163 : vector<1x16xf32> to vector<16xf32>
      %mul3A_165 = arith.mulf %get3A_160, %get3A_164 : vector<16xf32>
      %add3A_166 = arith.addf %add3A_156, %mul3A_165 : vector<16xf32>
      %get3A_167 = arith.index_cast %add3A_88 : i32 to index
      %get3A_168 = arith.constant 128 : index
      %get3A_169 = tpu.vector_load %arg12[%get3A_167, %get3A_168] {strides = array<i32>} : memref<64x256xf32, #tpu.memory_space<vmem>>, vector<1x16xf32>,
      %get3A_170 = vector.shape_cast %get3A_169 : vector<1x16xf32> to vector<16xf32>
      %get3A_171 = arith.index_cast %add3A_88 : i32 to index
      %get3A_172 = arith.constant 128 : index
      %get3A_173 = tpu.vector_load %arg9[%get3A_171, %get3A_172] {strides = array<i32>} : memref<64x256xf32, #tpu.memory_space<vmem>>, vector<1x16xf32>,
      %get3A_174 = vector.shape_cast %get3A_173 : vector<1x16xf32> to vector<16xf32>
      %mul3A_175 = arith.mulf %get3A_170, %get3A_174 : vector<16xf32>
      %add3A_176 = arith.addf %add3A_166, %mul3A_175 : vector<16xf32>
      %get3A_177 = arith.index_cast %add3A_88 : i32 to index
      %get3A_178 = arith.constant 144 : index
      %get3A_179 = tpu.vector_load %arg12[%get3A_177, %get3A_178] {strides = array<i32>} : memref<64x256xf32, #tpu.memory_space<vmem>>, vector<1x16xf32>,
      %get3A_180 = vector.shape_cast %get3A_179 : vector<1x16xf32> to vector<16xf32>
      %get3A_181 = arith.index_cast %add3A_88 : i32 to index
      %get3A_182 = arith.constant 144 : index
      %get3A_183 = tpu.vector_load %arg9[%get3A_181, %get3A_182] {strides = array<i32>} : memref<64x256xf32, #tpu.memory_space<vmem>>, vector<1x16xf32>,
      %get3A_184 = vector.shape_cast %get3A_183 : vector<1x16xf32> to vector<16xf32>
      %mul3A_185 = arith.mulf %get3A_180, %get3A_184 : vector<16xf32>
      %add3A_186 = arith.addf %add3A_176, %mul3A_185 : vector<16xf32>
      %get3A_187 = arith.index_cast %add3A_88 : i32 to index
      %get3A_188 = arith.constant 160 : index
      %get3A_189 = tpu.vector_load %arg12[%get3A_187, %get3A_188] {strides = array<i32>} : memref<64x256xf32, #tpu.memory_space<vmem>>, vector<1x16xf32>,
      %get3A_190 = vector.shape_cast %get3A_189 : vector<1x16xf32> to vector<16xf32>
      %get3A_191 = arith.index_cast %add3A_88 : i32 to index
      %get3A_192 = arith.constant 160 : index
      %get3A_193 = tpu.vector_load %arg9[%get3A_191, %get3A_192] {strides = array<i32>} : memref<64x256xf32, #tpu.memory_space<vmem>>, vector<1x16xf32>,
      %get3A_194 = vector.shape_cast %get3A_193 : vector<1x16xf32> to vector<16xf32>
      %mul3A_195 = arith.mulf %get3A_190, %get3A_194 : vector<16xf32>
      %add3A_196 = arith.addf %add3A_186, %mul3A_195 : vector<16xf32>
      %get3A_197 = arith.index_cast %add3A_88 : i32 to index
      %get3A_198 = arith.constant 176 : index
      %get3A_199 = tpu.vector_load %arg12[%get3A_197, %get3A_198] {strides = array<i32>} : memref<64x256xf32, #tpu.memory_space<vmem>>, vector<1x16xf32>,
      %get3A_200 = vector.shape_cast %get3A_199 : vector<1x16xf32> to vector<16xf32>
      %get3A_201 = arith.index_cast %add3A_88 : i32 to index
      %get3A_202 = arith.constant 176 : index
      %get3A_203 = tpu.vector_load %arg9[%get3A_201, %get3A_202] {strides = array<i32>} : memref<64x256xf32, #tpu.memory_space<vmem>>, vector<1x16xf32>,
      %get3A_204 = vector.shape_cast %get3A_203 : vector<1x16xf32> to vector<16xf32>
      %mul3A_205 = arith.mulf %get3A_200, %get3A_204 : vector<16xf32>
      %add3A_206 = arith.addf %add3A_196, %mul3A_205 : vector<16xf32>
      %get3A_207 = arith.index_cast %add3A_88 : i32 to index
      %get3A_208 = arith.constant 192 : index
      %get3A_209 = tpu.vector_load %arg12[%get3A_207, %get3A_208] {strides = array<i32>} : memref<64x256xf32, #tpu.memory_space<vmem>>, vector<1x16xf32>,
      %get3A_210 = vector.shape_cast %get3A_209 : vector<1x16xf32> to vector<16xf32>
      %get3A_211 = arith.index_cast %add3A_88 : i32 to index
      %get3A_212 = arith.constant 192 : index
      %get3A_213 = tpu.vector_load %arg9[%get3A_211, %get3A_212] {strides = array<i32>} : memref<64x256xf32, #tpu.memory_space<vmem>>, vector<1x16xf32>,
      %get3A_214 = vector.shape_cast %get3A_213 : vector<1x16xf32> to vector<16xf32>
      %mul3A_215 = arith.mulf %get3A_210, %get3A_214 : vector<16xf32>
      %add3A_216 = arith.addf %add3A_206, %mul3A_215 : vector<16xf32>
      %get3A_217 = arith.index_cast %add3A_88 : i32 to index
      %get3A_218 = arith.constant 208 : index
      %get3A_219 = tpu.vector_load %arg12[%get3A_217, %get3A_218] {strides = array<i32>} : memref<64x256xf32, #tpu.memory_space<vmem>>, vector<1x16xf32>,
      %get3A_220 = vector.shape_cast %get3A_219 : vector<1x16xf32> to vector<16xf32>
      %get3A_221 = arith.index_cast %add3A_88 : i32 to index
      %get3A_222 = arith.constant 208 : index
      %get3A_223 = tpu.vector_load %arg9[%get3A_221, %get3A_222] {strides = array<i32>} : memref<64x256xf32, #tpu.memory_space<vmem>>, vector<1x16xf32>,
      %get3A_224 = vector.shape_cast %get3A_223 : vector<1x16xf32> to vector<16xf32>
      %mul3A_225 = arith.mulf %get3A_220, %get3A_224 : vector<16xf32>
      %add3A_226 = arith.addf %add3A_216, %mul3A_225 : vector<16xf32>
      %get3A_227 = arith.index_cast %add3A_88 : i32 to index
      %get3A_228 = arith.constant 224 : index
      %get3A_229 = tpu.vector_load %arg12[%get3A_227, %get3A_228] {strides = array<i32>} : memref<64x256xf32, #tpu.memory_space<vmem>>, vector<1x16xf32>,
      %get3A_230 = vector.shape_cast %get3A_229 : vector<1x16xf32> to vector<16xf32>
      %get3A_231 = arith.index_cast %add3A_88 : i32 to index
      %get3A_232 = arith.constant 224 : index
      %get3A_233 = tpu.vector_load %arg9[%get3A_231, %get3A_232] {strides = array<i32>} : memref<64x256xf32, #tpu.memory_space<vmem>>, vector<1x16xf32>,
      %get3A_234 = vector.shape_cast %get3A_233 : vector<1x16xf32> to vector<16xf32>
      %mul3A_235 = arith.mulf %get3A_230, %get3A_234 : vector<16xf32>
      %add3A_236 = arith.addf %add3A_226, %mul3A_235 : vector<16xf32>
      %get3A_237 = arith.index_cast %add3A_88 : i32 to index
      %get3A_238 = arith.constant 240 : index
      %get3A_239 = tpu.vector_load %arg12[%get3A_237, %get3A_238] {strides = array<i32>} : memref<64x256xf32, #tpu.memory_space<vmem>>, vector<1x16xf32>,
      %get3A_240 = vector.shape_cast %get3A_239 : vector<1x16xf32> to vector<16xf32>
      %get3A_241 = arith.index_cast %add3A_88 : i32 to index
      %get3A_242 = arith.constant 240 : index
      %get3A_243 = tpu.vector_load %arg9[%get3A_241, %get3A_242] {strides = array<i32>} : memref<64x256xf32, #tpu.memory_space<vmem>>, vector<1x16xf32>,
      %get3A_244 = vector.shape_cast %get3A_243 : vector<1x16xf32> to vector<16xf32>
      %mul3A_245 = arith.mulf %get3A_240, %get3A_244 : vector<16xf32>
      %add3A_246 = arith.addf %add3A_236, %mul3A_245 : vector<16xf32>
      %xor3A = arith.constant 8 : i32
      %xor3A_247 = vector.broadcast %xor3A : i32 to vector<16xi32>
      %xor3A_248 = arith.xori %iota3A, %xor3A_247 : vector<16xi32>
      %reshape3A = vector.shape_cast %xor3A_248 : vector<16xi32> to vector<16x1xi32>
      %gather3A = vector.shape_cast %reshape3A : vector<16x1xi32> to vector<16xi32>
      %gather3A_249 = tpu.dynamic_gather %add3A_246[%gather3A] in [0] : vector<16xf32>, vector<16xi32> -> vector<16xf32>
      %add3A_250 = arith.addf %add3A_246, %gather3A_249 : vector<16xf32>
      %xor3A_251 = arith.constant 4 : i32
      %xor3A_252 = vector.broadcast %xor3A_251 : i32 to vector<16xi32>
      %xor3A_253 = arith.xori %iota3A, %xor3A_252 : vector<16xi32>
      %reshape3A_254 = vector.shape_cast %xor3A_253 : vector<16xi32> to vector<16x1xi32>
      %gather3A_255 = vector.shape_cast %reshape3A_254 : vector<16x1xi32> to vector<16xi32>
      %gather3A_256 = tpu.dynamic_gather %add3A_250[%gather3A_255] in [0] : vector<16xf32>, vector<16xi32> -> vector<16xf32>
      %add3A_257 = arith.addf %add3A_250, %gather3A_256 : vector<16xf32>
      %xor3A_258 = arith.constant 2 : i32
      %xor3A_259 = vector.broadcast %xor3A_258 : i32 to vector<16xi32>
      %xor3A_260 = arith.xori %iota3A, %xor3A_259 : vector<16xi32>
      %reshape3A_261 = vector.shape_cast %xor3A_260 : vector<16xi32> to vector<16x1xi32>
      %gather3A_262 = vector.shape_cast %reshape3A_261 : vector<16x1xi32> to vector<16xi32>
      %gather3A_263 = tpu.dynamic_gather %add3A_257[%gather3A_262] in [0] : vector<16xf32>, vector<16xi32> -> vector<16xf32>
      %add3A_264 = arith.addf %add3A_257, %gather3A_263 : vector<16xf32>
      %xor3A_265 = arith.constant 1 : i32
      %xor3A_266 = vector.broadcast %xor3A_265 : i32 to vector<16xi32>
      %xor3A_267 = arith.xori %iota3A, %xor3A_266 : vector<16xi32>
      %reshape3A_268 = vector.shape_cast %xor3A_267 : vector<16xi32> to vector<16x1xi32>
      %gather3A_269 = vector.shape_cast %reshape3A_268 : vector<16x1xi32> to vector<16xi32>
      %gather3A_270 = tpu.dynamic_gather %add3A_264[%gather3A_269] in [0] : vector<16xf32>, vector<16xi32> -> vector<16xf32>
      %add3A_271 = arith.addf %add3A_264, %gather3A_270 : vector<16xf32>
      %eq3A = vector.broadcast %scan3A_85 : i32 to vector<16xi32>
      %eq3A_272 = arith.cmpi eq, %iota3A, %eq3A : vector<16xi32>
      %select_n3A = arith.select %eq3A_272, %add3A_271, %scan3A_86 : vector<16xi1>, vector<16xf32>
      scf.yield %select_n3A : vector<16xf32>
    }
    %scan3A_74 = arith.constant 8 : i32
    %neg3A = arith.constant 0.000000e+00 : f32
    %neg3A_75 = vector.broadcast %neg3A : f32 to vector<16xf32>
    %neg3A_76 = arith.subf %neg3A_75, %scan3A_73 : vector<16xf32>
    %exp3A = math.exp %neg3A_76 : vector<16xf32>
    %add3A_77 = arith.constant 1.000000e+00 : f32
    %add3A_78 = vector.broadcast %add3A_77 : f32 to vector<16xf32>
    %add3A_79 = arith.addf %add3A_78, %exp3A : vector<16xf32>
    %div3A = arith.constant 1.000000e+00 : f32
    %div3A_80 = vector.broadcast %div3A : f32 to vector<16xf32>
    %div3A_81 = arith.divf %div3A_80, %add3A_79 : vector<16xf32>
    %swap3A = arith.constant 4992 : index
    %swap3A_82 = tpu.vector_load %arg8[%swap3A] {strides = array<i32>} : memref<5008xf32, #tpu.memory_space<vmem>>, vector<16xf32>,
    %swap3A_83 = vector.shape_cast %swap3A_82 : vector<16xf32> to vector<16xf32>
    %swap3A_84 = vector.shape_cast %div3A_81 : vector<16xf32> to vector<16xf32>
    tpu.vector_store %arg8[%swap3A], %swap3A_84 {strides = array<i32>} : memref<5008xf32, #tpu.memory_space<vmem>>, vector<16xf32>,
    "tpu.region"() ({
      %run_scoped3A = tpu.sem_alloc : memref<!tpu.dma_semaphore, #tpu.memory_space<semaphore_mem>>
      %dma_start3A_85 = arith.constant 0 : i32
      %dma_start3A_86 = tpu.memref_slice %arg8[%dma_start3A_85] : memref<5008xf32, #tpu.memory_space<vmem>> -> memref<5000xf32, #tpu.memory_space<vmem>>
      %dma_start3A_87 = tpu.memref_slice %arg5[%mul3A_2] : memref<160000xf32, #tpu.memory_space<hbm>> -> memref<5000xf32, #tpu.memory_space<hbm>>
      %dma_start3A_88 = tpu.memref_slice %arg5[%mul3A_2] : memref<160000xf32, #tpu.memory_space<hbm>> -> memref<5000xf32, #tpu.memory_space<hbm>>
      %dma_start3A_89 = arith.constant 0 : i32
      %dma_start3A_90 = tpu.memref_slice %arg8[%dma_start3A_89] : memref<5008xf32, #tpu.memory_space<vmem>> -> memref<5000xf32, #tpu.memory_space<vmem>>
      tpu.enqueue_dma source(%dma_start3A_90 : memref<5000xf32, #tpu.memory_space<vmem>>) target(%dma_start3A_88 : memref<5000xf32, #tpu.memory_space<hbm>>) target_semaphore(%run_scoped3A : memref<!tpu.dma_semaphore, #tpu.memory_space<semaphore_mem>>)
      %dma_wait3A_91 = arith.constant 0 : i32
      %dma_wait3A_92 = tpu.memref_slice %arg8[%dma_wait3A_91] : memref<5008xf32, #tpu.memory_space<vmem>> -> memref<5000xf32, #tpu.memory_space<vmem>>
      %dma_wait3A_93 = tpu.memref_slice %arg5[%mul3A_2] : memref<160000xf32, #tpu.memory_space<hbm>> -> memref<5000xf32, #tpu.memory_space<hbm>>
      %dma_wait3A_94 = tpu.memref_slice %arg5[%mul3A_2] : memref<160000xf32, #tpu.memory_space<hbm>> -> memref<5000xf32, #tpu.memory_space<hbm>>
      %dma_wait3A_95 = arith.constant 0 : i32
      %dma_wait3A_96 = tpu.memref_slice %arg8[%dma_wait3A_95] : memref<5008xf32, #tpu.memory_space<vmem>> -> memref<5000xf32, #tpu.memory_space<vmem>>
      tpu.wait_dma2 semaphore(%run_scoped3A : memref<!tpu.dma_semaphore, #tpu.memory_space<semaphore_mem>>) src(%dma_wait3A_96 : memref<5000xf32, #tpu.memory_space<vmem>>) dst(%dma_wait3A_94 : memref<5000xf32, #tpu.memory_space<hbm>>)
      tpu.yield
    }) : () -> ()
    return
  }
}

</mosaic_0001>

<sc_bundles>
// kernel: kernel.3.cloned.1.call-start
scs
__scs_entry_jumppad:
0x0: {  	(pc) =	sbr.rel $0x88, $3  }
0x1: {  	(tag) =	ssettag $0x0;
	lr =	simm.s32 $0x1  }
0x2: {  	[smem:$0x3F9F] =	sst lr;
	_ =	strace $0xD0000000  }
0x3: {  	_ = 	snop  }
0x4: {  	_ = 	snop  }
0x5: {  	_ = 	snop  }
0x6: {  	_ = 	snop  }
0x7: {  	_ = 	snop  }
__scs_overlays_trampoline_lowered:
0x8: {  	[smem:$0x3FAE] =	sst s0  }
0x9: {  	[smem:$0x3FAF] =	sst s1  }
0xa: {  	[smem:$0x3FB0] =	sst s2  }
0xb: {  	[smem:$0x3FB1] =	sst s3  }
0xc: {  	[smem:$0x3FB2] =	sst s4  }
0xd: {  	[smem:$0x3FB3] =	sst s5  }
0xe: {  	[smem:$0x3FB4] =	sst s6  }
0xf: {  	[smem:$0x3FB5] =	sst s7  }
0x10: {  	[smem:$0x3FB6] =	sst s8  }
0x11: {  	[smem:$0x3FB7] =	sst s9;
	s0 =	simm.s32 @!p0 $0x0  }
0x12: {  	s1 =	sld [smem:$0x3F9D];
	s0 =	simm.s32 @p0 $0x1  }
0x13: {  	[smem:$0x3FB8] =	sst s0;
	s0 =	simm.s32 @!p1 $0x0  }
0x14: {  	s2 =	sld [smem:$0x3F9C];
	s0 =	simm.s32 @p1 $0x1  }
0x15: {  	[smem:$0x3FB9] =	sst s0;
	s0 =	simm.s32 @!p2 $0x0  }
0x16: {  	s3 =	sld [smem:$0x3FDB];
	s0 =	simm.s32 @p2 $0x1  }
0x17: {  	s4 =	simm.s32 $0x1BF5;
	[smem:$0x3FBB] =	sst s0  }
0x18: {  	s0 =	sld [smem:$0x3F9E];
	_ =	swait.ge [sflag:s4], $0x0  }
0x19: {  	s7 =	sld [smem:$0x3F9F]  }
0x1a: {  	s8 =	sadd.s32 $0xFFFFE003, lr  }
0x1b: {  	s9 =	sadd.s32 $0xFFFFFEF7, lr;
	s5 =	simm.s32 $0xFFFFFFFF;
	p2 =	slt.u32 s8, $0xFFFFF086  }
0x1c: {  	p1 =	slt.u32 s9, $0xF7A;
	s5 =	simm.s32 @!p2 $0x0  }
0x1d: {  	s5 =	simm.s32 @p1 $0x1;
	p0 =	seq.s32 s7, s2  }
0x1e: {  	s7 =	smul.u32 @!p0 $0xF7A, s2;
	p2 =	seq.s32 @!p0 s5, $0x0  }
0x1f: {  	s9 =	smul.u32 $0xF7A, s1;
	s8 =	simm.s32 @!p0 $0x1BF5;
	p2 =	por !p2, p0  }
0x20: {  	[sflag:s8] =	ssyncset.s32 @!p0 $0xFFFFF086;
	s6 =	sadd.s32 @!p0 s3, s7;
	s7 =	simm.s32 @!p0 $0x108  }
0x21: {  	s3 =	sadd.s32 s3, s9;
	s6 =	sadd.s32 @!p0 $0x88, s6;
	s7 =	simm.s32 @p2 $0x1082  }
0x22: {  	[simem:s7], [sflag:s8] =	dma.local @!p0 [hbm:s6], $0xF7A  }
0x23: {  	s9 =	sor.u32 $0xD0000000, s2;
	s6 =	simm.s32 $0x108;
	_ =	swait.ge @!p0 [sflag:s8], $0x0  }
0x24: {  	s3 =	sadd.s32 $0x88, s3;
	s6 =	simm.s32 @!p1 $0x1082;
	[sflag:s4] =	ssyncset.s32 $0xFFFFF086  }
0x25: {  	[simem:s6], [sflag:s4] =	dma.local [hbm:s3], $0xF7A  }
0x26: {  	[smem:$0x3F9F] =	sst s1;
	(tag) =	ssettag s2;
	_ =	strace s9  }
0x27: {  	s1 =	sld [smem:$0x3FAF]  }
0x28: {  	s2 =	sld [smem:$0x3FB0]  }
0x29: {  	s4 =	sld [smem:$0x3FB2]  }
0x2a: {  	p0 =	seq.s32 s5, $0x0;
	s5 =	sld [smem:$0x3FB3]  }
0x2b: {  	s6 =	sld [smem:$0x3FB4]  }
0x2c: {  	s7 =	sld [smem:$0x3FB5]  }
0x2d: {  	s3 =	simm.s32 $0x108;
	s8 =	sld [smem:$0x3FB6]  }
0x2e: {  	s3 =	simm.s32 @!p0 $0x1082;
	s9 =	sld [smem:$0x3FB7]  }
0x2f: {  	lr =	sadd.s32 s0, s3;
	s0 =	sld [smem:$0x3FAE]  }
0x30: {  	s3 =	sld [smem:$0x3FB1]  }
0x31: {  	[smem:$0x3FBA] =	sst s10  }
0x32: {  	s10 =	sld [smem:$0x3FB8];
	_ =	sdelay $0x3  }
0x33: {  	p0 =	seq.s32 s10, $0x1;
	s10 =	sld [smem:$0x3FBA];
	_ =	sdelay $0x3  }
0x34: {  	[smem:$0x3FBA] =	sst s10  }
0x35: {  	s10 =	sld [smem:$0x3FB9];
	_ =	sdelay $0x3  }
0x36: {  	p1 =	seq.s32 s10, $0x1;
	s10 =	sld [smem:$0x3FBA];
	_ =	sdelay $0x3  }
0x37: {  	[smem:$0x3FBA] =	sst s10  }
0x38: {  	s10 =	sld [smem:$0x3FBB]  }
0x39: {  	_ = 	snop;
	(pc) =	sbr.ind lr, $3  }
0x3a: {  	_ = 	snop  }
0x3b: {  	_ = 	snop  }
0x3c: {  	p2 =	seq.s32 s10, $0x1;
	s10 =	sld [smem:$0x3FBA]  }
0x3d: {  	_ =	shalt  }
0x3e: {  	_ =	shalt  }
0x3f: {  	_ =	shalt  }
0x40: {  	_ =	shalt  }
0x41: {  	_ =	shalt  }
0x42: {  	_ =	shalt  }
0x43: {  	_ =	shalt  }
0x44: {  	_ =	shalt  }
0x45: {  	_ =	shalt  }
0x46: {  	_ =	shalt  }
0x47: {  	_ =	shalt  }
0x48: {  	_ =	shalt  }
0x49: {  	_ =	shalt  }
0x4a: {  	_ =	shalt  }
0x4b: {  	_ =	shalt  }
0x4c: {  	_ =	shalt  }
0x4d: {  	_ =	shalt  }
0x4e: {  	_ =	shalt  }
0x4f: {  	_ =	shalt  }
0x50: {  	_ =	shalt  }
0x51: {  	_ =	shalt  }
0x52: {  	_ =	shalt  }
0x53: {  	_ =	shalt  }
0x54: {  	_ =	shalt  }
0x55: {  	_ =	shalt  }
0x56: {  	_ =	shalt  }
0x57: {  	_ =	shalt  }
0x58: {  	_ =	shalt  }
0x59: {  	_ =	shalt  }
0x5a: {  	_ =	shalt  }
0x5b: {  	_ =	shalt  }
0x5c: {  	_ =	shalt  }
0x5d: {  	_ =	shalt  }
0x5e: {  	_ =	shalt  }
0x5f: {  	_ =	shalt  }
0x60: {  	_ =	shalt  }
0x61: {  	_ =	shalt  }
0x62: {  	_ =	shalt  }
0x63: {  	_ =	shalt  }
0x64: {  	_ =	shalt  }
0x65: {  	_ =	shalt  }
0x66: {  	_ =	shalt  }
0x67: {  	_ =	shalt  }
0x68: {  	_ =	shalt  }
0x69: {  	_ =	shalt  }
0x6a: {  	_ =	shalt  }
0x6b: {  	_ =	shalt  }
0x6c: {  	_ =	shalt  }
0x6d: {  	_ =	shalt  }
0x6e: {  	_ =	shalt  }
0x6f: {  	_ =	shalt  }
0x70: {  	_ =	shalt  }
0x71: {  	_ =	shalt  }
0x72: {  	_ =	shalt  }
0x73: {  	_ =	shalt  }
0x74: {  	_ =	shalt  }
0x75: {  	_ =	shalt  }
0x76: {  	_ =	shalt  }
0x77: {  	_ =	shalt  }
0x78: {  	_ =	shalt  }
0x79: {  	_ =	shalt  }
0x7a: {  	_ =	shalt  }
0x7b: {  	_ =	shalt  }
0x7c: {  	_ =	shalt  }
0x7d: {  	_ =	shalt  }
0x7e: {  	_ =	shalt  }
0x7f: {  	_ =	shalt  }
0x80: {  	_ =	shalt  }
0x81: {  	_ =	shalt  }
0x82: {  	_ =	shalt  }
0x83: {  	_ =	shalt  }
0x84: {  	_ =	shalt  }
0x85: {  	_ =	shalt  }
0x86: {  	_ =	shalt  }
0x87: {  	_ =	shalt  }
.Lfunc_end0:
.L_simem_size_0:
called_computation_lowered:
.L_overlay_start_0:
0x88: {  	s2 =	sld [smem:$0x3FD9]  }
0x89: {  	s3 =	sld [smem:$0x3FFE];
	_ =	sdelay $0x1  }
0x8a: {  	s1 =	srdreg.scid  }
0x8b: {  	s0 =	sand.u32 $0x1, s1  }
0x8c: {  	s17 =	sshll.u32 s0, $0xA;
	s2 =	sadd.s32 s3, s2  }
0x8d: {  	s2 =	sadd.s32 s2, s17  }
0x8e: {  	[smem:$0x3FC6] =	sst s2  }
0x8f: {  	_ = 	snop  }
0x90: {  	s2 =	sld [smem:$0x3FC9]  }
0x91: {  	s18 =	sld [smem:$0x3FD0];
	(tm) =	ssettm $0x1  }
0x92: {  	s4 =	sld [smem:$0x3FFB];
	_ =	sdelay $0x3  }
0x93: {  	_ =	strace s4  }
0x94: {  	s4 =	sld [smem:$0x3FFC];
	_ =	sdelay $0x3  }
0x95: {  	_ =	strace s4  }
0x96: {  	s4 =	sld [smem:$0x3FFD];
	_ =	sdelay $0x3  }
0x97: {  	_ =	strace s4  }
0x98: {  	_ =	strace $0x8FFFFFFF  }
0x99: {  	s19 =	sld [smem:$0x3FDB];
	_ =	sdelay $0x1  }
0x9a: {  	s5 =	simm.s32 $_scs_section_size  }
0x9b: {  	s6 =	simm.s32 $_size__tile_overlayer_lowered;
	s7 =	simm.s32 $_tile_overlayer_lowered  }
0x9c: {  	s22 =	simm.s32 $0x1BFF;
	s21 =	sshll.u32 s7, $0x1;
	s4 =	sadd.s32 s5, s19  }
0x9d: {  	s8 =	simm.s32 $0x0;
	s20 =	sshll.u32 s6, $0x1;
	s6 =	sadd.s32 s21, s4  }
0x9e: {  	[timem:s8], [sflag:s22] =	dma.local [hbm:s6], s20  }
0x9f: {  	_ =	swait.ge [sflag:s22], s20  }
0xa0: {  	s5 =	ssub.s32 $0x0, s20;
	[sflag:s22] =	ssyncset.done $0x0  }
0xa1: {  	[sflag:s22] =	ssyncadd.s32 s5;
	_ =	sdelay $0x1  }
0xa2: {  	s23 =	simm.s32 $0x1B8B  }
0xa3: {  	_ =	swait.ge [sflag:s23], $0x1  }
0xa4: {  	[sflag:s23] =	ssyncset.done $0x0  }
0xa5: {  	s25 =	simm.s32 $0x1B8E;
	s24 =	sld [smem:$0x3FFE];
	[sflag:s23] =	ssyncadd.s32 $0xFFFFFFFF  }
0xa6: {  	s26 =	simm.s32 $execute0_lowered;
	[smem:$0x3FD2] =	sst s25  }
0xa7: {  	s6 =	sshll.u32 s26, $0x1;
	_ =	strace $0x80000046;
	[dreg:$0x1] =	wrdreg $0xFFFFFFFF  }
0xa8: {  	s28 =	simm.s32 $_size_execute0_lowered;
	s4 =	sadd.s32 s4, s6;
	[dreg:$0x0] =	wrdreg $0x0  }
0xa9: {  	s6 =	sshll.u32 s28, $0x1;
	[dreg:$0x2] =	wrdreg s4  }
0xaa: {  	[dreg:$0x3] =	wrdreg s6  }
0xab: {  	[dreg:$0x4] =	wrdreg $0xC0  }
0xac: {  	_ =	task [dreg:s8], $0x5FFFF  }
0xad: {  	[dreg:$0x1] =	wrdreg $0xFFFFFFFF  }
0xae: {  	[dreg:$0x0] =	wrdreg $0x60  }
0xaf: {  	[dreg:$0x2] =	wrdreg s2  }
0xb0: {  	[dreg:$0x3] =	wrdreg s24  }
0xb1: {  	[dreg:$0x4] =	wrdreg s18  }
0xb2: {  	[dreg:$0x5] =	wrdreg $0x9  }
0xb3: {  	_ =	task.clear_ibuf [dreg:s8], $0x6FFFF;
	_ =	strace $0x90000046  }
0xb4: {  	s29 =	simm.s32 $0x9;
	_ =	strace $0x80000048  }
0xb5: {  	_ =	swait.ge [sflag:s29], $0x1  }
0xb6: {  	[sflag:s29] =	ssyncadd.s32 $0xFFFFFFFF  }
0xb7: {  	_ =	strace $0x90000048  }
0xb8: {  	_ =	sfence  }
0xb9: {  	s30 =	sld [smem:$0x0];
	_ =	sdelay $0x2  }
0xba: {  	s31 =	sshll.u32 s1, $0xD;
	s1 =	sshrl.u32 s1, $0x2  }
0xbb: {  	s3 =	sand.u32 $0x4000, s31;
	s1 =	sadd.s32 s1, s30  }
0xbc: {  	s0 =	sor.u32 s3, s0;
	s1 =	sshll.u32 s1, $0x11  }
0xbd: {  	s0 =	sor.u32 s1, s0  }
0xbe: {  	s0 =	sadd.s32 $0x8F2B, s0  }
0xbf: {  	[sflag:s0] =	ssyncadd.remote.s32 $0x1  }
0xc0: {  	_ =	sfence.sel $0xFFFF  }
0xc1: {  	[dreg:$0x0] =	wrdreg $0xFFFFFFFF;
	(pc) =	sbr.abs _section_cstart, $3  }
0xc2: {  	[dreg:$0x1] =	wrdreg $0xFFFFFFFF  }
0xc3: {  	_ =	task.clear_ibuf [dreg:s8], $0x2FFFF;
	_ =	strace $0x9FFFFFFF  }
0xc4: {  	(tm) =	ssettm $0x7FFFFFFF  }
0xc5: {  	_ =	shalt  }
tec
execute0_lowered:
.L_overlay_start_1:
0x0: {  	(tag) =	ssettag $0x1  }
0x1: {  	s1 =	rddreg [dreg:$0x0]  }
0x2: {  	s0 =	srdreg.scid;
	s4 =	rddreg [dreg:$0x1]  }
0x3: {  	s2 =	stileid.u32;
	s5 =	rddreg [dreg:$0x2];
	v0 =	vimm.s32 $0xFEDCBA98  }
0x4: {  	s3 =	simm.s32 $0x0;
	s10 =	simm.s32 $0x7;
	v1 =	vimm.s32 $0x76543210;
	v3 =	vimm.s32 $0xBA98FEDC;
	s17 =	simm.s32 $0x19400  }
0x5: {  	v4 =	vimm.s32 $0x32107654;
	s19 =	simm.s32 $0x19C00;
	s20 =	simm.s32 $0x1A400;
	s21 =	simm.s32 $0x1AC00  }
0x6: {  	v5 =	vimm.s32 $0xDCFE98BA;
	s22 =	simm.s32 $0x1B400;
	s23 =	simm.s32 $0xBC00;
	s24 =	simm.s32 $0xC400;
	v2 =	vunpack.c.l.s4.s8 v0  }
0x7: {  	v6 =	vimm.s32 $0x54761032;
	s25 =	simm.s32 $0xCC00;
	s26 =	simm.s32 $0xD400;
	s28 =	simm.s32 $0xDC00;
	v1 =	vunpack.c.l.s4.s8 v1  }
0x8: {  	v7 =	vimm.s32 $0x67452301;
	s29 =	simm.s32 $0xE400;
	vm0 =	vmmov $0xffff;
	s0 =	sand.u32 $0x1, s0;
	s2 =	sshll.u32 s2, $0x1;
	v2 =	vunpack.c.0.s8.s32 v2  }
0x9: {  	s30 =	simm.s32 $0xEC00;
	s31 =	simm.s32 $0xF400;
	v3 =	vunpack.c.l.s4.s8 v3;
	v4 =	vunpack.c.l.s4.s8 v4;
	s2 =	sor.u32 s0, s2;
	v1 =	vunpack.c.0.s8.s32 v1  }
0xa: {  	s8 =	simm.s32 $0x5;
	s7 =	simm.s32 $0x3;
	v5 =	vunpack.c.l.s4.s8 v5;
	v6 =	vunpack.c.l.s4.s8 v6;
	s2 =	smul.u32 $0x271, s2;
	v2 =	vand.u32 $0xF, v2  }
0xb: {  	s9 =	simm.s32 $0x0;
	[smem:$0x7FF] =	sst s3;
	s0 =	ssub.s32 $0x2, s0;
	v1 =	vcombine.low v2, v1;
	v2 =	vunpack.c.0.s8.s32 v3;
	v3 =	vimm.s32 $0xEFCDAB89  }
0xc: {  	v0 =	vlaneseq.u32;
	v7 =	vunpack.c.l.s4.s8 v7;
	_ =	strace $0x80000047;
	s6 =	sshrl.u32 s0, $0x1;
	s4 =	sadd.s32 s4, s2;
	v3 =	vunpack.c.l.s4.s8 v3  }
0xd: {  	v4 =	vunpack.c.0.s8.s32 v4;
	v5 =	vunpack.c.0.s8.s32 v5;
	v6 =	vunpack.c.0.s8.s32 v6;
	s0 =	ssub.s32 s0, s6;
	s2 =	sadd.s32 s5, s2;
	[dreg:$0x4] =	wrdreg s4  }
0xe: {  	v8 =	vshrl.u32 v0, $0x3;
	v7 =	vunpack.c.0.s8.s32 v7;
	s6 =	simm.s32 $0x6;
	s0 =	smax.u32 s0, $0x1;
	[dreg:$0x6] =	wrdreg s2;
	v9 =	vunpack.c.0.s8.s32 v3  }
0xf: {  	s5 =	simm.s32 $0x2;
	v5 =	vcombine.low v6, v5;
	v6 =	vor.u32 $0x8, v0;
	s4 =	sadd.s32 $0x5000, s4;
	[dreg:$0x7] =	wrdreg s0;
	v2 =	vcombine.low v4, v2  }
0x10: {  	s2 =	simm.s32 $0x4;
	s0 =	simm.s32 $0x1;
	[dreg:$0x5] =	wrdreg s4;
	v4 =	vmul.u32 $0x8, v8;
	v3 =	vand.u32 $0x7, v0;
	v7 =	vcombine.low v7, v9  }
.LBB2_1:
0x11: {  	[dreg:$0x8] =	wrdreg s9  }
0x12: {  	s4 =	rddreg [dreg:$0x5];
	s18 =	simm.s32 $0x1400  }
0x13: {  	[tilespmem:s18], [sflag:$0x7] =	stream.linear.gather [hbm4b:s4+s3], $0x1388, $0x38;
	[tilespmem:$0x1BC00] =	vst v63  }
0x14: {  	_ =	swait.ge [sflag:s10], $0x1388  }
0x15: {  	[sflag:s10] =	ssyncset.done $0x0  }
0x16: {  	s9 =	rddreg [dreg:$0x4];
	[sflag:s10] =	ssyncadd.s32 $0xFFFFEC78  }
0x17: {  	[tilespmem:s3], [sflag:$0x7] =	stream.linear.gather [hbm4b:s9+s3], $0x1388, $0x38;
	[tilespmem:$0x1BC00] =	vst v63  }
0x18: {  	_ =	swait.ge [sflag:s10], $0x1388  }
0x19: {  	[sflag:s10] =	ssyncset.done $0x0  }
0x1a: {  	[sflag:s10] =	ssyncadd.s32 $0xFFFFEC78  }
0x1b: {  	v8 =	vld [tilespmem:$0x1400];
	_ =	sdelay $0x4  }
0x1c: {  	v9 =	vshll.u32 v8, $0x1  }
0x1d: {  	v8 =	vand.u32 $0x7, v8;
	v9 =	vand.u32 $0xFFFFFFF0, v9  }
0x1e: {  	v8 =	vor.u32 v8, v9  }
0x1f: {  	v9 =	vperm.xlane v8, v3;
	_ =	sdelay $0x1  }
0x20: {  	v8 =	vperm.xlane v8, v6;
	v9 =	vadd.s32 v4, v9;
	_ =	sdelay $0x1  }
0x21: {  	v8 =	vadd.s32 v4, v8;
	_ =	sdelay $0x1  }
0x22: {  	s10 =	simm.s32 $0xFC00  }
0x23: {  	[tilespmem:s10], [sflag:$0x4] =	stream.indirect_vreg.gather [hbm4b:s1+s3], $0x80, v9, vm0, $0xb8;
	[tilespmem:$0x1BC00] =	vst v63  }
0x24: {  	s11 =	simm.s32 $0x10400  }
0x25: {  	[tilespmem:s11], [sflag:$0x4] =	stream.indirect_vreg.gather [hbm4b:s1+s3], $0x80, v8, vm0, $0xb8;
	[tilespmem:$0x1BC00] =	vst v63  }
0x26: {  	v8 =	vld [tilespmem:$0x1410];
	_ =	sdelay $0x4  }
0x27: {  	v41 =	vshll.u32 v8, $0x1  }
0x28: {  	v8 =	vand.u32 $0x7, v8;
	v9 =	vand.u32 $0xFFFFFFF0, v41  }
0x29: {  	v8 =	vor.u32 v8, v9  }
0x2a: {  	v9 =	vperm.xlane v8, v3;
	_ =	sdelay $0x1  }
0x2b: {  	v8 =	vperm.xlane v8, v6;
	v9 =	vadd.s32 v4, v9;
	_ =	sdelay $0x1  }
0x2c: {  	v8 =	vadd.s32 v4, v8;
	_ =	sdelay $0x1  }
0x2d: {  	s12 =	simm.s32 $0x10C00  }
0x2e: {  	[tilespmem:s12], [sflag:$0x4] =	stream.indirect_vreg.gather [hbm4b:s1+s3], $0x80, v9, vm0, $0xb8;
	[tilespmem:$0x1BC00] =	vst v63  }
0x2f: {  	s13 =	simm.s32 $0x11400  }
0x30: {  	[tilespmem:s13], [sflag:$0x4] =	stream.indirect_vreg.gather [hbm4b:s1+s3], $0x80, v8, vm0, $0xb8;
	[tilespmem:$0x1BC00] =	vst v63  }
0x31: {  	v8 =	vld [tilespmem:$0x1420];
	_ =	sdelay $0x4  }
0x32: {  	v42 =	vshll.u32 v8, $0x1  }
0x33: {  	v8 =	vand.u32 $0x7, v8;
	v9 =	vand.u32 $0xFFFFFFF0, v42  }
0x34: {  	v8 =	vor.u32 v8, v9  }
0x35: {  	v9 =	vperm.xlane v8, v3;
	_ =	sdelay $0x1  }
0x36: {  	v8 =	vperm.xlane v8, v6;
	v9 =	vadd.s32 v4, v9;
	_ =	sdelay $0x1  }
0x37: {  	v8 =	vadd.s32 v4, v8;
	_ =	sdelay $0x1  }
0x38: {  	s14 =	simm.s32 $0x11C00  }
0x39: {  	[tilespmem:s14], [sflag:$0x4] =	stream.indirect_vreg.gather [hbm4b:s1+s3], $0x80, v9, vm0, $0xb8;
	[tilespmem:$0x1BC00] =	vst v63  }
0x3a: {  	s15 =	simm.s32 $0x12400  }
0x3b: {  	[tilespmem:s15], [sflag:$0x4] =	stream.indirect_vreg.gather [hbm4b:s1+s3], $0x80, v8, vm0, $0xb8;
	[tilespmem:$0x1BC00] =	vst v63  }
0x3c: {  	v8 =	vld [tilespmem:$0x1430];
	_ =	sdelay $0x4  }
0x3d: {  	v43 =	vshll.u32 v8, $0x1  }
0x3e: {  	v8 =	vand.u32 $0x7, v8;
	v9 =	vand.u32 $0xFFFFFFF0, v43  }
0x3f: {  	v8 =	vor.u32 v8, v9  }
0x40: {  	v9 =	vperm.xlane v8, v3;
	_ =	sdelay $0x1  }
0x41: {  	v8 =	vperm.xlane v8, v6;
	v9 =	vadd.s32 v4, v9;
	_ =	sdelay $0x1  }
0x42: {  	v8 =	vadd.s32 v4, v8;
	_ =	sdelay $0x1  }
0x43: {  	s16 =	simm.s32 $0x12C00  }
0x44: {  	[tilespmem:s16], [sflag:$0x4] =	stream.indirect_vreg.gather [hbm4b:s1+s3], $0x80, v9, vm0, $0xb8;
	[tilespmem:$0x1BC00] =	vst v63  }
0x45: {  	s18 =	simm.s32 $0x13400  }
0x46: {  	[tilespmem:s18], [sflag:$0x4] =	stream.indirect_vreg.gather [hbm4b:s1+s3], $0x80, v8, vm0, $0xb8;
	[tilespmem:$0x1BC00] =	vst v63  }
0x47: {  	v8 =	vld [tilespmem:$0x0];
	_ =	sdelay $0x4  }
0x48: {  	v44 =	vshll.u32 v8, $0x1  }
0x49: {  	v8 =	vand.u32 $0x7, v8;
	v9 =	vand.u32 $0xFFFFFFF0, v44  }
0x4a: {  	v8 =	vor.u32 v8, v9  }
0x4b: {  	v9 =	vperm.xlane v8, v3;
	_ =	sdelay $0x1  }
0x4c: {  	v8 =	vperm.xlane v8, v6;
	v9 =	vadd.s32 v4, v9;
	_ =	sdelay $0x1  }
0x4d: {  	v8 =	vadd.s32 v4, v8;
	_ =	sdelay $0x1  }
0x4e: {  	s9 =	simm.s32 $0x3C00  }
0x4f: {  	[tilespmem:s9], [sflag:$0x1] =	stream.indirect_vreg.gather [hbm4b:s1+s3], $0x80, v9, vm0, $0xb8;
	[tilespmem:$0x1BC00] =	vst v63  }
0x50: {  	s10 =	simm.s32 $0x4400  }
0x51: {  	[tilespmem:s10], [sflag:$0x1] =	stream.indirect_vreg.gather [hbm4b:s1+s3], $0x80, v8, vm0, $0xb8;
	[tilespmem:$0x1BC00] =	vst v63  }
0x52: {  	v8 =	vld [tilespmem:$0x10];
	_ =	sdelay $0x4  }
0x53: {  	v45 =	vshll.u32 v8, $0x1  }
0x54: {  	v8 =	vand.u32 $0x7, v8;
	v9 =	vand.u32 $0xFFFFFFF0, v45  }
0x55: {  	v8 =	vor.u32 v8, v9  }
0x56: {  	v9 =	vperm.xlane v8, v3;
	_ =	sdelay $0x1  }
0x57: {  	v8 =	vperm.xlane v8, v6;
	v9 =	vadd.s32 v4, v9;
	_ =	sdelay $0x1  }
0x58: {  	v8 =	vadd.s32 v4, v8;
	_ =	sdelay $0x1  }
0x59: {  	s11 =	simm.s32 $0x4C00  }
0x5a: {  	[tilespmem:s11], [sflag:$0x1] =	stream.indirect_vreg.gather [hbm4b:s1+s3], $0x80, v9, vm0, $0xb8;
	[tilespmem:$0x1BC00] =	vst v63  }
0x5b: {  	s12 =	simm.s32 $0x5400  }
0x5c: {  	[tilespmem:s12], [sflag:$0x1] =	stream.indirect_vreg.gather [hbm4b:s1+s3], $0x80, v8, vm0, $0xb8;
	[tilespmem:$0x1BC00] =	vst v63  }
0x5d: {  	v8 =	vld [tilespmem:$0x20];
	_ =	sdelay $0x4  }
0x5e: {  	v46 =	vshll.u32 v8, $0x1  }
0x5f: {  	v8 =	vand.u32 $0x7, v8;
	v9 =	vand.u32 $0xFFFFFFF0, v46  }
0x60: {  	v8 =	vor.u32 v8, v9  }
0x61: {  	v9 =	vperm.xlane v8, v3;
	_ =	sdelay $0x1  }
0x62: {  	v8 =	vperm.xlane v8, v6;
	v9 =	vadd.s32 v4, v9;
	_ =	sdelay $0x1  }
0x63: {  	v8 =	vadd.s32 v4, v8;
	_ =	sdelay $0x1  }
0x64: {  	s13 =	simm.s32 $0x5C00  }
0x65: {  	[tilespmem:s13], [sflag:$0x1] =	stream.indirect_vreg.gather [hbm4b:s1+s3], $0x80, v9, vm0, $0xb8;
	[tilespmem:$0x1BC00] =	vst v63  }
0x66: {  	s14 =	simm.s32 $0x6400  }
0x67: {  	[tilespmem:s14], [sflag:$0x1] =	stream.indirect_vreg.gather [hbm4b:s1+s3], $0x80, v8, vm0, $0xb8;
	[tilespmem:$0x1BC00] =	vst v63  }
0x68: {  	v8 =	vld [tilespmem:$0x30];
	_ =	sdelay $0x4  }
0x69: {  	v47 =	vshll.u32 v8, $0x1  }
0x6a: {  	v8 =	vand.u32 $0x7, v8;
	v9 =	vand.u32 $0xFFFFFFF0, v47  }
0x6b: {  	v8 =	vor.u32 v8, v9  }
0x6c: {  	v9 =	vperm.xlane v8, v3;
	_ =	sdelay $0x1  }
0x6d: {  	v8 =	vperm.xlane v8, v6;
	v9 =	vadd.s32 v4, v9;
	_ =	sdelay $0x1  }
0x6e: {  	v8 =	vadd.s32 v4, v8;
	_ =	sdelay $0x1  }
0x6f: {  	s15 =	simm.s32 $0x6C00  }
0x70: {  	[tilespmem:s15], [sflag:$0x1] =	stream.indirect_vreg.gather [hbm4b:s1+s3], $0x80, v9, vm0, $0xb8;
	[tilespmem:$0x1BC00] =	vst v63  }
0x71: {  	s16 =	simm.s32 $0x7400  }
0x72: {  	[tilespmem:s16], [sflag:$0x1] =	stream.indirect_vreg.gather [hbm4b:s1+s3], $0x80, v8, vm0, $0xb8;
	[tilespmem:$0x1BC00] =	vst v63  }
0x73: {  	v8 =	vld [tilespmem:$0x1440];
	_ =	sdelay $0x4  }
0x74: {  	v48 =	vshll.u32 v8, $0x1  }
0x75: {  	v8 =	vand.u32 $0x7, v8;
	v9 =	vand.u32 $0xFFFFFFF0, v48  }
0x76: {  	v8 =	vor.u32 v8, v9  }
0x77: {  	v9 =	vperm.xlane v8, v3;
	_ =	sdelay $0x1  }
0x78: {  	v8 =	vperm.xlane v8, v6;
	v9 =	vadd.s32 v4, v9;
	_ =	sdelay $0x1  }
0x79: {  	v8 =	vadd.s32 v4, v8;
	_ =	sdelay $0x1  }
0x7a: {  	s18 =	simm.s32 $0x13C00  }
0x7b: {  	[tilespmem:s18], [sflag:$0x5] =	stream.indirect_vreg.gather [hbm4b:s1+s3], $0x80, v9, vm0, $0xb8;
	[tilespmem:$0x1BC00] =	vst v63  }
0x7c: {  	s9 =	simm.s32 $0x14400  }
0x7d: {  	[tilespmem:s9], [sflag:$0x5] =	stream.indirect_vreg.gather [hbm4b:s1+s3], $0x80, v8, vm0, $0xb8;
	[tilespmem:$0x1BC00] =	vst v63  }
0x7e: {  	v8 =	vld [tilespmem:$0x1450];
	_ =	sdelay $0x4  }
0x7f: {  	v49 =	vshll.u32 v8, $0x1  }
0x80: {  	v8 =	vand.u32 $0x7, v8;
	v9 =	vand.u32 $0xFFFFFFF0, v49  }
0x81: {  	v8 =	vor.u32 v8, v9  }
0x82: {  	v9 =	vperm.xlane v8, v3;
	_ =	sdelay $0x1  }
0x83: {  	v8 =	vperm.xlane v8, v6;
	v9 =	vadd.s32 v4, v9;
	_ =	sdelay $0x1  }
0x84: {  	v8 =	vadd.s32 v4, v8;
	_ =	sdelay $0x1  }
0x85: {  	s10 =	simm.s32 $0x14C00  }
0x86: {  	[tilespmem:s10], [sflag:$0x5] =	stream.indirect_vreg.gather [hbm4b:s1+s3], $0x80, v9, vm0, $0xb8;
	[tilespmem:$0x1BC00] =	vst v63  }
0x87: {  	s11 =	simm.s32 $0x15400  }
0x88: {  	[tilespmem:s11], [sflag:$0x5] =	stream.indirect_vreg.gather [hbm4b:s1+s3], $0x80, v8, vm0, $0xb8;
	[tilespmem:$0x1BC00] =	vst v63  }
0x89: {  	v8 =	vld [tilespmem:$0x1460];
	_ =	sdelay $0x4  }
0x8a: {  	v50 =	vshll.u32 v8, $0x1  }
0x8b: {  	v8 =	vand.u32 $0x7, v8;
	v9 =	vand.u32 $0xFFFFFFF0, v50  }
0x8c: {  	v8 =	vor.u32 v8, v9  }
0x8d: {  	v9 =	vperm.xlane v8, v3;
	_ =	sdelay $0x1  }
0x8e: {  	v8 =	vperm.xlane v8, v6;
	v9 =	vadd.s32 v4, v9;
	_ =	sdelay $0x1  }
0x8f: {  	v8 =	vadd.s32 v4, v8;
	_ =	sdelay $0x1  }
0x90: {  	s12 =	simm.s32 $0x15C00  }
0x91: {  	[tilespmem:s12], [sflag:$0x5] =	stream.indirect_vreg.gather [hbm4b:s1+s3], $0x80, v9, vm0, $0xb8;
	[tilespmem:$0x1BC00] =	vst v63  }
0x92: {  	s13 =	simm.s32 $0x16400  }
0x93: {  	[tilespmem:s13], [sflag:$0x5] =	stream.indirect_vreg.gather [hbm4b:s1+s3], $0x80, v8, vm0, $0xb8;
	[tilespmem:$0x1BC00] =	vst v63  }
0x94: {  	v8 =	vld [tilespmem:$0x1470];
	_ =	sdelay $0x4  }
0x95: {  	v51 =	vshll.u32 v8, $0x1  }
0x96: {  	v8 =	vand.u32 $0x7, v8;
	v9 =	vand.u32 $0xFFFFFFF0, v51  }
0x97: {  	v8 =	vor.u32 v8, v9  }
0x98: {  	v9 =	vperm.xlane v8, v3;
	_ =	sdelay $0x1  }
0x99: {  	v8 =	vperm.xlane v8, v6;
	v9 =	vadd.s32 v4, v9;
	_ =	sdelay $0x1  }
0x9a: {  	v8 =	vadd.s32 v4, v8;
	_ =	sdelay $0x1  }
0x9b: {  	s14 =	simm.s32 $0x16C00  }
0x9c: {  	[tilespmem:s14], [sflag:$0x5] =	stream.indirect_vreg.gather [hbm4b:s1+s3], $0x80, v9, vm0, $0xb8;
	[tilespmem:$0x1BC00] =	vst v63  }
0x9d: {  	s15 =	simm.s32 $0x17400  }
0x9e: {  	[tilespmem:s15], [sflag:$0x5] =	stream.indirect_vreg.gather [hbm4b:s1+s3], $0x80, v8, vm0, $0xb8;
	[tilespmem:$0x1BC00] =	vst v63  }
0x9f: {  	v8 =	vld [tilespmem:$0x40];
	_ =	sdelay $0x4  }
0xa0: {  	v52 =	vshll.u32 v8, $0x1  }
0xa1: {  	v8 =	vand.u32 $0x7, v8;
	v9 =	vand.u32 $0xFFFFFFF0, v52  }
0xa2: {  	v8 =	vor.u32 v8, v9  }
0xa3: {  	v9 =	vperm.xlane v8, v3;
	_ =	sdelay $0x1  }
0xa4: {  	v8 =	vperm.xlane v8, v6;
	v9 =	vadd.s32 v4, v9;
	_ =	sdelay $0x1  }
0xa5: {  	v8 =	vadd.s32 v4, v8;
	_ =	sdelay $0x1  }
0xa6: {  	s16 =	simm.s32 $0x7C00  }
0xa7: {  	[tilespmem:s16], [sflag:$0x2] =	stream.indirect_vreg.gather [hbm4b:s1+s3], $0x80, v9, vm0, $0xb8;
	[tilespmem:$0x1BC00] =	vst v63  }
0xa8: {  	s18 =	simm.s32 $0x8400  }
0xa9: {  	[tilespmem:s18], [sflag:$0x2] =	stream.indirect_vreg.gather [hbm4b:s1+s3], $0x80, v8, vm0, $0xb8;
	[tilespmem:$0x1BC00] =	vst v63  }
0xaa: {  	v8 =	vld [tilespmem:$0x50];
	_ =	sdelay $0x4  }
0xab: {  	v53 =	vshll.u32 v8, $0x1  }
0xac: {  	v8 =	vand.u32 $0x7, v8;
	v9 =	vand.u32 $0xFFFFFFF0, v53  }
0xad: {  	v8 =	vor.u32 v8, v9  }
0xae: {  	v9 =	vperm.xlane v8, v3;
	_ =	sdelay $0x1  }
0xaf: {  	v8 =	vperm.xlane v8, v6;
	v9 =	vadd.s32 v4, v9;
	_ =	sdelay $0x1  }
0xb0: {  	v8 =	vadd.s32 v4, v8;
	_ =	sdelay $0x1  }
0xb1: {  	s9 =	simm.s32 $0x8C00  }
0xb2: {  	[tilespmem:s9], [sflag:$0x2] =	stream.indirect_vreg.gather [hbm4b:s1+s3], $0x80, v9, vm0, $0xb8;
	[tilespmem:$0x1BC00] =	vst v63  }
0xb3: {  	s10 =	simm.s32 $0x9400  }
0xb4: {  	[tilespmem:s10], [sflag:$0x2] =	stream.indirect_vreg.gather [hbm4b:s1+s3], $0x80, v8, vm0, $0xb8;
	[tilespmem:$0x1BC00] =	vst v63  }
0xb5: {  	v8 =	vld [tilespmem:$0x60];
	_ =	sdelay $0x4  }
0xb6: {  	v54 =	vshll.u32 v8, $0x1  }
0xb7: {  	v8 =	vand.u32 $0x7, v8;
	v9 =	vand.u32 $0xFFFFFFF0, v54  }
0xb8: {  	v8 =	vor.u32 v8, v9  }
0xb9: {  	v9 =	vperm.xlane v8, v3;
	_ =	sdelay $0x1  }
0xba: {  	v8 =	vperm.xlane v8, v6;
	v9 =	vadd.s32 v4, v9;
	_ =	sdelay $0x1  }
0xbb: {  	v8 =	vadd.s32 v4, v8;
	_ =	sdelay $0x1  }
0xbc: {  	s11 =	simm.s32 $0x9C00  }
0xbd: {  	[tilespmem:s11], [sflag:$0x2] =	stream.indirect_vreg.gather [hbm4b:s1+s3], $0x80, v9, vm0, $0xb8;
	[tilespmem:$0x1BC00] =	vst v63  }
0xbe: {  	s12 =	simm.s32 $0xA400  }
0xbf: {  	[tilespmem:s12], [sflag:$0x2] =	stream.indirect_vreg.gather [hbm4b:s1+s3], $0x80, v8, vm0, $0xb8;
	[tilespmem:$0x1BC00] =	vst v63  }
0xc0: {  	v8 =	vld [tilespmem:$0x70];
	_ =	sdelay $0x4  }
0xc1: {  	v55 =	vshll.u32 v8, $0x1  }
0xc2: {  	v8 =	vand.u32 $0x7, v8;
	v9 =	vand.u32 $0xFFFFFFF0, v55  }
0xc3: {  	v8 =	vor.u32 v8, v9  }
0xc4: {  	v9 =	vperm.xlane v8, v3;
	_ =	sdelay $0x1  }
0xc5: {  	v8 =	vperm.xlane v8, v6;
	v9 =	vadd.s32 v4, v9;
	_ =	sdelay $0x1  }
0xc6: {  	v8 =	vadd.s32 v4, v8;
	_ =	sdelay $0x1  }
0xc7: {  	s13 =	simm.s32 $0xAC00  }
0xc8: {  	[tilespmem:s13], [sflag:$0x2] =	stream.indirect_vreg.gather [hbm4b:s1+s3], $0x80, v9, vm0, $0xb8;
	[tilespmem:$0x1BC00] =	vst v63  }
0xc9: {  	s14 =	simm.s32 $0xB400  }
0xca: {  	[tilespmem:s14], [sflag:$0x2] =	stream.indirect_vreg.gather [hbm4b:s1+s3], $0x80, v8, vm0, $0xb8;
	[tilespmem:$0x1BC00] =	vst v63  }
0xcb: {  	v8 =	vld [tilespmem:$0x1480];
	_ =	sdelay $0x4  }
0xcc: {  	v56 =	vshll.u32 v8, $0x1  }
0xcd: {  	v8 =	vand.u32 $0x7, v8;
	v9 =	vand.u32 $0xFFFFFFF0, v56  }
0xce: {  	v8 =	vor.u32 v8, v9  }
0xcf: {  	v9 =	vperm.xlane v8, v3;
	_ =	sdelay $0x1  }
0xd0: {  	v8 =	vperm.xlane v8, v6;
	v9 =	vadd.s32 v4, v9;
	_ =	sdelay $0x1  }
0xd1: {  	v8 =	vadd.s32 v4, v8;
	_ =	sdelay $0x1  }
0xd2: {  	s15 =	simm.s32 $0x17C00  }
0xd3: {  	[tilespmem:s15], [sflag:$0x6] =	stream.indirect_vreg.gather [hbm4b:s1+s3], $0x80, v9, vm0, $0xb8;
	[tilespmem:$0x1BC00] =	vst v63  }
0xd4: {  	s16 =	simm.s32 $0x18400  }
0xd5: {  	[tilespmem:s16], [sflag:$0x6] =	stream.indirect_vreg.gather [hbm4b:s1+s3], $0x80, v8, vm0, $0xb8;
	[tilespmem:$0x1BC00] =	vst v63  }
0xd6: {  	v8 =	vld [tilespmem:$0x1490];
	_ =	sdelay $0x4  }
0xd7: {  	v57 =	vshll.u32 v8, $0x1  }
0xd8: {  	v8 =	vand.u32 $0x7, v8;
	v9 =	vand.u32 $0xFFFFFFF0, v57  }
0xd9: {  	v8 =	vor.u32 v8, v9  }
0xda: {  	v9 =	vperm.xlane v8, v3;
	_ =	sdelay $0x1  }
0xdb: {  	v8 =	vperm.xlane v8, v6;
	v9 =	vadd.s32 v4, v9;
	_ =	sdelay $0x1  }
0xdc: {  	v8 =	vadd.s32 v4, v8;
	_ =	sdelay $0x1  }
0xdd: {  	s18 =	simm.s32 $0x18C00  }
0xde: {  	[tilespmem:s18], [sflag:$0x6] =	stream.indirect_vreg.gather [hbm4b:s1+s3], $0x80, v9, vm0, $0xb8;
	[tilespmem:$0x1BC00] =	vst v63  }
0xdf: {  	_ = 	snop  }
0xe0: {  	[tilespmem:s17], [sflag:$0x6] =	stream.indirect_vreg.gather [hbm4b:s1+s3], $0x80, v8, vm0, $0xb8;
	[tilespmem:$0x1BC00] =	vst v63  }
0xe1: {  	v8 =	vld [tilespmem:$0x14A0];
	_ =	sdelay $0x4  }
0xe2: {  	v58 =	vshll.u32 v8, $0x1  }
0xe3: {  	v8 =	vand.u32 $0x7, v8;
	v9 =	vand.u32 $0xFFFFFFF0, v58  }
0xe4: {  	v8 =	vor.u32 v8, v9  }
0xe5: {  	v9 =	vperm.xlane v8, v3;
	_ =	sdelay $0x1  }
0xe6: {  	v8 =	vperm.xlane v8, v6;
	v9 =	vadd.s32 v4, v9;
	_ =	sdelay $0x1  }
0xe7: {  	v8 =	vadd.s32 v4, v8;
	_ =	sdelay $0x2  }
0xe8: {  	[tilespmem:s19], [sflag:$0x6] =	stream.indirect_vreg.gather [hbm4b:s1+s3], $0x80, v9, vm0, $0xb8;
	[tilespmem:$0x1BC00] =	vst v63  }
0xe9: {  	_ = 	snop  }
0xea: {  	[tilespmem:s20], [sflag:$0x6] =	stream.indirect_vreg.gather [hbm4b:s1+s3], $0x80, v8, vm0, $0xb8;
	[tilespmem:$0x1BC00] =	vst v63  }
0xeb: {  	v8 =	vld [tilespmem:$0x14B0];
	_ =	sdelay $0x4  }
0xec: {  	v59 =	vshll.u32 v8, $0x1  }
0xed: {  	v8 =	vand.u32 $0x7, v8;
	v9 =	vand.u32 $0xFFFFFFF0, v59  }
0xee: {  	v8 =	vor.u32 v8, v9  }
0xef: {  	v9 =	vperm.xlane v8, v3;
	_ =	sdelay $0x1  }
0xf0: {  	v8 =	vperm.xlane v8, v6;
	v9 =	vadd.s32 v4, v9;
	_ =	sdelay $0x1  }
0xf1: {  	v8 =	vadd.s32 v4, v8;
	_ =	sdelay $0x2  }
0xf2: {  	[tilespmem:s21], [sflag:$0x6] =	stream.indirect_vreg.gather [hbm4b:s1+s3], $0x80, v9, vm0, $0xb8;
	[tilespmem:$0x1BC00] =	vst v63  }
0xf3: {  	_ = 	snop  }
0xf4: {  	[tilespmem:s22], [sflag:$0x6] =	stream.indirect_vreg.gather [hbm4b:s1+s3], $0x80, v8, vm0, $0xb8;
	[tilespmem:$0x1BC00] =	vst v63  }
0xf5: {  	v8 =	vld [tilespmem:$0x80];
	_ =	sdelay $0x4  }
0xf6: {  	v60 =	vshll.u32 v8, $0x1  }
0xf7: {  	v8 =	vand.u32 $0x7, v8;
	v9 =	vand.u32 $0xFFFFFFF0, v60  }
0xf8: {  	v8 =	vor.u32 v8, v9  }
0xf9: {  	v9 =	vperm.xlane v8, v3;
	_ =	sdelay $0x1  }
0xfa: {  	v8 =	vperm.xlane v8, v6;
	v9 =	vadd.s32 v4, v9;
	_ =	sdelay $0x1  }
0xfb: {  	v8 =	vadd.s32 v4, v8;
	_ =	sdelay $0x2  }
0xfc: {  	[tilespmem:s23], [sflag:$0x3] =	stream.indirect_vreg.gather [hbm4b:s1+s3], $0x80, v9, vm0, $0xb8;
	[tilespmem:$0x1BC00] =	vst v63  }
0xfd: {  	_ = 	snop  }
0xfe: {  	[tilespmem:s24], [sflag:$0x3] =	stream.indirect_vreg.gather [hbm4b:s1+s3], $0x80, v8, vm0, $0xb8;
	[tilespmem:$0x1BC00] =	vst v63  }
0xff: {  	v8 =	vld [tilespmem:$0x90];
	_ =	sdelay $0x4  }
0x100: {  	v61 =	vshll.u32 v8, $0x1  }
0x101: {  	v8 =	vand.u32 $0x7, v8;
	v9 =	vand.u32 $0xFFFFFFF0, v61  }
0x102: {  	v8 =	vor.u32 v8, v9  }
0x103: {  	v9 =	vperm.xlane v8, v3;
	_ =	sdelay $0x1  }
0x104: {  	v8 =	vperm.xlane v8, v6;
	v9 =	vadd.s32 v4, v9;
	_ =	sdelay $0x1  }
0x105: {  	v8 =	vadd.s32 v4, v8;
	_ =	sdelay $0x2  }
0x106: {  	[tilespmem:s25], [sflag:$0x3] =	stream.indirect_vreg.gather [hbm4b:s1+s3], $0x80, v9, vm0, $0xb8;
	[tilespmem:$0x1BC00] =	vst v63  }
0x107: {  	_ = 	snop  }
0x108: {  	[tilespmem:s26], [sflag:$0x3] =	stream.indirect_vreg.gather [hbm4b:s1+s3], $0x80, v8, vm0, $0xb8;
	[tilespmem:$0x1BC00] =	vst v63  }
0x109: {  	v8 =	vld [tilespmem:$0xA0];
	_ =	sdelay $0x4  }
0x10a: {  	v62 =	vshll.u32 v8, $0x1  }
0x10b: {  	v8 =	vand.u32 $0x7, v8;
	v9 =	vand.u32 $0xFFFFFFF0, v62  }
0x10c: {  	v8 =	vor.u32 v8, v9  }
0x10d: {  	v9 =	vperm.xlane v8, v3;
	_ =	sdelay $0x1  }
0x10e: {  	v8 =	vperm.xlane v8, v6;
	v9 =	vadd.s32 v4, v9;
	_ =	sdelay $0x1  }
0x10f: {  	v8 =	vadd.s32 v4, v8;
	_ =	sdelay $0x2  }
0x110: {  	[tilespmem:s28], [sflag:$0x3] =	stream.indirect_vreg.gather [hbm4b:s1+s3], $0x80, v9, vm0, $0xb8;
	[tilespmem:$0x1BC00] =	vst v63  }
0x111: {  	_ = 	snop  }
0x112: {  	[tilespmem:s29], [sflag:$0x3] =	stream.indirect_vreg.gather [hbm4b:s1+s3], $0x80, v8, vm0, $0xb8;
	[tilespmem:$0x1BC00] =	vst v63  }
0x113: {  	v8 =	vld [tilespmem:$0xB0];
	_ =	sdelay $0x4  }
0x114: {  	v63 =	vshll.u32 v8, $0x1  }
0x115: {  	v8 =	vand.u32 $0x7, v8;
	v9 =	vand.u32 $0xFFFFFFF0, v63  }
0x116: {  	v8 =	vor.u32 v8, v9  }
0x117: {  	v9 =	vperm.xlane v8, v3;
	_ =	sdelay $0x1  }
0x118: {  	v8 =	vperm.xlane v8, v6;
	v9 =	vadd.s32 v4, v9;
	_ =	sdelay $0x1  }
0x119: {  	v8 =	vadd.s32 v4, v8;
	_ =	sdelay $0x2  }
0x11a: {  	[tilespmem:s30], [sflag:$0x3] =	stream.indirect_vreg.gather [hbm4b:s1+s3], $0x80, v9, vm0, $0xb8;
	[tilespmem:$0x1BC00] =	vst v63  }
0x11b: {  	s4 =	simm.s32 $0x0  }
0x11c: {  	[tilespmem:s31], [sflag:$0x3] =	stream.indirect_vreg.gather [hbm4b:s1+s3], $0x80, v8, vm0, $0xb8;
	[tilespmem:$0x1BC00] =	vst v63  }
.LBB2_2:
0x11d: {  	_ =	swait.ge [sflag:s2], $0x4000  }
0x11e: {  	[sflag:s2] =	ssyncset.done $0x0  }
0x11f: {  	[sflag:s2] =	ssyncadd.s32 $0xFFFFC000  }
0x120: {  	s9 =	simm.s32 $0x0;
	_ =	swait.ge [sflag:s0], $0x4000  }
0x121: {  	s10 =	sand.u32 $0x800, s9;
	s11 =	sand.u32 $0x380, s9;
	[sflag:s0] =	ssyncset.done $0x0  }
0x122: {  	s11 =	sor.u32 s11, s10;
	[sflag:s0] =	ssyncadd.s32 $0xFFFFC000  }
0x123: {  	v8 =	vld [tilespmem:s11+$0xFC00]  }
0x124: {  	v9 =	vld [tilespmem:s11+$0x3C00]  }
0x125: {  	v10 =	vld [tilespmem:s11+$0xFC10]  }
0x126: {  	v11 =	vld [tilespmem:s11+$0x3C10]  }
0x127: {  	v12 =	vld [tilespmem:s11+$0xFC20]  }
0x128: {  	v13 =	vld [tilespmem:s11+$0x3C20]  }
0x129: {  	v14 =	vld [tilespmem:s11+$0xFC30]  }
0x12a: {  	v15 =	vld [tilespmem:s11+$0x3C30]  }
0x12b: {  	v16 =	vld [tilespmem:s11+$0xFC40];
	v8 =	vmul.f32 v9, v8;
	v9 =	vmul.f32 v11, v10  }
0x12c: {  	v10 =	vld [tilespmem:s11+$0x3C40]  }
0x12d: {  	v11 =	vld [tilespmem:s11+$0xFC50];
	v8 =	vadd.f32 v9, v8;
	v9 =	vmul.f32 v13, v12  }
0x12e: {  	v12 =	vld [tilespmem:s11+$0x3C50]  }
0x12f: {  	v13 =	vld [tilespmem:s11+$0xFC60];
	v8 =	vadd.f32 v9, v8;
	v9 =	vmul.f32 v15, v14  }
0x130: {  	v14 =	vld [tilespmem:s11+$0x3C60]  }
0x131: {  	v15 =	vld [tilespmem:s11+$0xFC70];
	v8 =	vadd.f32 v9, v8;
	v9 =	vmul.f32 v10, v16  }
0x132: {  	v10 =	vld [tilespmem:s11+$0x3C70]  }
0x133: {  	v16 =	vld [tilespmem:s11+$0x10000];
	v8 =	vadd.f32 v9, v8;
	v9 =	vmul.f32 v12, v11  }
0x134: {  	v11 =	vld [tilespmem:s11+$0x4000]  }
0x135: {  	v12 =	vld [tilespmem:s11+$0x10010];
	v8 =	vadd.f32 v9, v8;
	v9 =	vmul.f32 v14, v13  }
0x136: {  	v13 =	vld [tilespmem:s11+$0x4010]  }
0x137: {  	v14 =	vld [tilespmem:s11+$0x10020];
	v8 =	vadd.f32 v9, v8;
	v9 =	vmul.f32 v10, v15  }
0x138: {  	v10 =	vld [tilespmem:s11+$0x4020]  }
0x139: {  	v15 =	vld [tilespmem:s11+$0x10030];
	v8 =	vadd.f32 v9, v8;
	v9 =	vmul.f32 v11, v16  }
0x13a: {  	v11 =	vld [tilespmem:s11+$0x4030]  }
0x13b: {  	v16 =	vld [tilespmem:s11+$0x10040];
	v8 =	vadd.f32 v9, v8;
	v9 =	vmul.f32 v13, v12  }
0x13c: {  	v12 =	vld [tilespmem:s11+$0x4040]  }
0x13d: {  	v17 =	vld [tilespmem:s11+$0x10050];
	v10 =	vmul.f32 v10, v14;
	v8 =	vadd.f32 v9, v8  }
0x13e: {  	v14 =	vld [tilespmem:s11+$0x4050]  }
0x13f: {  	v9 =	vld [tilespmem:s11+$0x10060];
	v13 =	vmul.f32 v11, v15;
	v8 =	vadd.f32 v10, v8  }
0x140: {  	s13 =	simm.s32 $0x100;
	s10 =	simm.s32 $0x80;
	v10 =	vld [tilespmem:s11+$0x4060]  }
0x141: {  	s12 =	sand.u32 $0x800, s13;
	s14 =	sand.u32 $0x380, s10;
	v11 =	vld [tilespmem:s11+$0x10070];
	v16 =	vmul.f32 v12, v16;
	v13 =	vadd.f32 v13, v8  }
0x142: {  	s12 =	sor.u32 s14, s12;
	v12 =	vld [tilespmem:s11+$0x4070]  }
0x143: {  	v15 =	vld [tilespmem:s12+$0xFC00];
	v14 =	vmul.f32 v14, v17;
	v13 =	vadd.f32 v16, v13  }
0x144: {  	s18 =	simm.s32 $0x2;
	s11 =	simm.s32 $0x1;
	v8 =	vimm.f32 $0.0e+00;
	v16 =	vld [tilespmem:s12+$0x3C00]  }
.LBB2_3:
0x145: {  	p0 =	sne.s32 s18, $0xF;
	v17 =	vld [tilespmem:s12+$0xFC10];
	v13 =	vadd.f32 v14, v13;
	v9 =	vmul.f32 v10, v9  }
0x146: {  	v10 =	vld [tilespmem:s12+$0x3C10]  }
0x147: {  	v14 =	vld [tilespmem:s12+$0xFC20];
	v9 =	vadd.f32 v9, v13;
	v11 =	vmul.f32 v12, v11  }
0x148: {  	v12 =	vld [tilespmem:s12+$0x3C20]  }
0x149: {  	v13 =	vld [tilespmem:s12+$0xFC30];
	v9 =	vadd.f32 v11, v9  }
0x14a: {  	v11 =	vmul.f32 v16, v15;
	v15 =	vld [tilespmem:s12+$0x3C30]  }
0x14b: {  	v10 =	vmul.f32 v10, v17;
	v16 =	vld [tilespmem:s12+$0xFC40];
	v17 =	vperm.xlane v9, v1  }
0x14c: {  	v18 =	vld [tilespmem:s12+$0x3C40]  }
0x14d: {  	v10 =	vadd.f32 v10, v11;
	v11 =	vmul.f32 v12, v14;
	v12 =	vld [tilespmem:s12+$0xFC50];
	v9 =	vadd.f32 v9, v17  }
0x14e: {  	v14 =	vld [tilespmem:s12+$0x3C50]  }
0x14f: {  	v10 =	vadd.f32 v11, v10;
	v11 =	vmul.f32 v15, v13;
	v13 =	vld [tilespmem:s12+$0xFC60];
	v15 =	vperm.xlane v9, v2  }
0x150: {  	v17 =	vld [tilespmem:s12+$0x3C60]  }
0x151: {  	v10 =	vadd.f32 v11, v10;
	v11 =	vmul.f32 v18, v16;
	v16 =	vld [tilespmem:s12+$0xFC70];
	v9 =	vadd.f32 v9, v15  }
0x152: {  	v15 =	vld [tilespmem:s12+$0x3C70]  }
0x153: {  	v10 =	vadd.f32 v11, v10;
	v11 =	vmul.f32 v14, v12;
	v12 =	vld [tilespmem:s12+$0x10000];
	v14 =	vperm.xlane v9, v5  }
0x154: {  	v18 =	vld [tilespmem:s12+$0x4000]  }
0x155: {  	v10 =	vadd.f32 v11, v10;
	v11 =	vmul.f32 v17, v13;
	v13 =	vld [tilespmem:s12+$0x10010];
	v9 =	vadd.f32 v9, v14  }
0x156: {  	v14 =	vld [tilespmem:s12+$0x4010]  }
0x157: {  	v10 =	vadd.f32 v11, v10;
	v11 =	vmul.f32 v15, v16;
	v15 =	vld [tilespmem:s12+$0x10020];
	v16 =	vperm.xlane v9, v7  }
0x158: {  	v19 =	vmov s9;
	s9 =	smov.u32 s11;
	s11 =	smov.u32 s18;
	v17 =	vld [tilespmem:s12+$0x4020]  }
0x159: {  	v10 =	vadd.f32 v11, v10;
	v11 =	vmul.f32 v18, v12;
	v12 =	vld [tilespmem:s12+$0x10030];
	v9 =	vadd.f32 v9, v16  }
0x15a: {  	vm1 =	veq.s32 v19, v0;
	v16 =	vld [tilespmem:s12+$0x4030]  }
0x15b: {  	v10 =	vadd.f32 v11, v10;
	v11 =	vmul.f32 v14, v13;
	v13 =	vld [tilespmem:s12+$0x10040];
	v8 =	vsel vm1, v9, v8  }
0x15c: {  	v14 =	vld [tilespmem:s12+$0x4040]  }
0x15d: {  	v9 =	vadd.f32 v11, v10;
	v10 =	vmul.f32 v17, v15;
	v17 =	vld [tilespmem:s12+$0x10050]  }
0x15e: {  	v18 =	vld [tilespmem:s12+$0x4050]  }
0x15f: {  	v11 =	vadd.f32 v10, v9;
	v12 =	vmul.f32 v16, v12;
	v9 =	vld [tilespmem:s12+$0x10060]  }
.Ltmp0:
0x160: {  	s10 =	sadd.s32 $0x80, s10;
	s13 =	sadd.s32 $0x100, s13;
	v10 =	vld [tilespmem:s12+$0x4060];
	(pc) =	sbr.rel @p0 .LBB2_3-.Ltmp0, $4  }
0x161: {  	s14 =	sand.u32 $0x800, s13;
	s15 =	sand.u32 $0x380, s10;
	v16 =	vadd.f32 v12, v11;
	v13 =	vmul.f32 v14, v13;
	v11 =	vld [tilespmem:s12+$0x10070]  }
0x162: {  	v12 =	vld [tilespmem:s12+$0x4070];
	s12 =	sor.u32 s15, s14  }
0x163: {  	v15 =	vld [tilespmem:s12+$0xFC00];
	v13 =	vadd.f32 v13, v16;
	v14 =	vmul.f32 v18, v17  }
0x164: {  	s18 =	sadd.s32 $0x1, s18;
	v16 =	vld [tilespmem:s12+$0x3C00]  }
0x165: {  	v17 =	vld [tilespmem:s12+$0xFC10]  }
0x166: {  	v18 =	vld [tilespmem:s12+$0x3C10]  }
0x167: {  	v19 =	vld [tilespmem:s12+$0xFC20]  }
0x168: {  	v20 =	vld [tilespmem:s12+$0x3C20]  }
0x169: {  	v21 =	vld [tilespmem:s12+$0xFC30]  }
0x16a: {  	v22 =	vld [tilespmem:s12+$0x3C30]  }
0x16b: {  	v15 =	vmul.f32 v16, v15;
	v16 =	vmul.f32 v18, v17;
	v17 =	vld [tilespmem:s12+$0xFC40]  }
0x16c: {  	v18 =	vld [tilespmem:s12+$0x3C40]  }
0x16d: {  	v52 =	vld [tilespmem:s12+$0x3C50];
	v15 =	vadd.f32 v16, v15;
	v16 =	vmul.f32 v20, v19  }
0x16e: {  	v19 =	vld [tilespmem:s12+$0xFC50]  }
0x16f: {  	v53 =	vld [tilespmem:s12+$0xFC60];
	v15 =	vadd.f32 v16, v15;
	v16 =	vmul.f32 v22, v21  }
0x170: {  	v54 =	vld [tilespmem:s12+$0x3C60]  }
0x171: {  	v15 =	vadd.f32 v16, v15;
	v16 =	vmul.f32 v18, v17;
	v17 =	vld [tilespmem:s12+$0xFC70]  }
0x172: {  	v18 =	vld [tilespmem:s12+$0x3C70]  }
0x173: {  	v55 =	vld [tilespmem:s12+$0x4000];
	v15 =	vadd.f32 v16, v15;
	v16 =	vmul.f32 v52, v19  }
0x174: {  	v19 =	vld [tilespmem:s12+$0x10000]  }
0x175: {  	v56 =	vld [tilespmem:s12+$0x10010];
	v15 =	vadd.f32 v16, v15;
	v16 =	vmul.f32 v54, v53  }
0x176: {  	v57 =	vld [tilespmem:s12+$0x4010]  }
0x177: {  	v15 =	vadd.f32 v16, v15;
	v16 =	vmul.f32 v18, v17;
	v17 =	vld [tilespmem:s12+$0x10020]  }
0x178: {  	v18 =	vld [tilespmem:s12+$0x4020]  }
0x179: {  	v58 =	vld [tilespmem:s12+$0x4030];
	v15 =	vadd.f32 v16, v15;
	v16 =	vmul.f32 v55, v19  }
0x17a: {  	v19 =	vld [tilespmem:s12+$0x10030]  }
0x17b: {  	v59 =	vld [tilespmem:s12+$0x10040];
	v15 =	vadd.f32 v16, v15;
	v16 =	vmul.f32 v57, v56  }
0x17c: {  	v60 =	vld [tilespmem:s12+$0x4040]  }
0x17d: {  	v15 =	vadd.f32 v16, v15;
	v16 =	vmul.f32 v18, v17;
	v17 =	vld [tilespmem:s12+$0x10050]  }
0x17e: {  	v18 =	vld [tilespmem:s12+$0x4050]  }
0x17f: {  	v61 =	vld [tilespmem:s12+$0x4060];
	v15 =	vadd.f32 v16, v15;
	v16 =	vmul.f32 v58, v19  }
0x180: {  	v19 =	vld [tilespmem:s12+$0x10060]  }
0x181: {  	v62 =	vld [tilespmem:s12+$0x10070];
	v15 =	vadd.f32 v16, v15;
	v16 =	vmul.f32 v60, v59  }
0x182: {  	v63 =	vld [tilespmem:s12+$0x4070]  }
0x183: {  	v15 =	vadd.f32 v16, v15;
	v16 =	vmul.f32 v18, v17  }
0x184: {  	v13 =	vadd.f32 v14, v13;
	v9 =	vmul.f32 v10, v9  }
0x185: {  	v14 =	vmul.f32 v61, v19;
	v10 =	vadd.f32 v16, v15  }
0x186: {  	v9 =	vadd.f32 v9, v13;
	v11 =	vmul.f32 v12, v11  }
0x187: {  	v12 =	vmul.f32 v63, v62;
	v10 =	vadd.f32 v14, v10  }
0x188: {  	v9 =	vadd.f32 v11, v9  }
0x189: {  	v10 =	vadd.f32 v12, v10  }
0x18a: {  	v11 =	vperm.xlane v9, v1  }
0x18b: {  	v12 =	vperm.xlane v10, v1  }
0x18c: {  	v9 =	vadd.f32 v9, v11  }
0x18d: {  	v10 =	vadd.f32 v10, v12  }
0x18e: {  	v11 =	vperm.xlane v9, v2  }
0x18f: {  	v12 =	vperm.xlane v10, v2  }
0x190: {  	v9 =	vadd.f32 v9, v11  }
0x191: {  	v10 =	vadd.f32 v10, v12  }
0x192: {  	v11 =	vperm.xlane v9, v5  }
0x193: {  	v12 =	vperm.xlane v10, v5  }
0x194: {  	v9 =	vadd.f32 v9, v11  }
0x195: {  	v10 =	vadd.f32 v10, v12  }
0x196: {  	v11 =	vperm.xlane v9, v7  }
0x197: {  	v12 =	vperm.xlane v10, v7  }
0x198: {  	v13 =	vmov s9;
	v9 =	vadd.f32 v9, v11  }
0x199: {  	vm1 =	veq.s32 v13, v0;
	v11 =	vmov s11;
	v10 =	vadd.f32 v10, v12  }
0x19a: {  	v8 =	vsel vm1, v9, v8;
	vm1 =	veq.s32 v11, v0  }
0x19b: {  	v8 =	vsel vm1, v10, v8  }
0x19c: {  	v8 =	vsub.f32 $0.0e+00, v8;
	_ =	sdelay $0x1  }
0x19d: {  	v8 =	vmul.f32 $1.442695020e+00, v8;
	_ =	sdelay $0x1  }
0x19e: {  	(erf) = vpow2.f32 v8;
	_ =	sdelay $0x8  }
0x19f: {  	v8 =	vpop (erf)  }
0x1a0: {  	v8 =	vadd.f32 $1.000000000e+00, v8;
	_ =	sdelay $0x1  }
0x1a1: {  	(erf) = vrcp.f32 v8;
	_ =	sdelay $0x7  }
0x1a2: {  	s9 =	smul.u32 $0xC0, s4;
	s11 =	simm.s32 $0x0  }
0x1a3: {  	s10 =	sand.u32 $0x800, s11;
	s14 =	sand.u32 $0x380, s11;
	v8 =	vpop (erf)  }
0x1a4: {  	s10 =	sor.u32 s14, s10;
	[tilespmem:s9+$0x2800] =	vst v8  }
0x1a5: {  	v8 =	vld [tilespmem:s10+$0x10C00]  }
0x1a6: {  	v9 =	vld [tilespmem:s10+$0x4C00]  }
0x1a7: {  	v10 =	vld [tilespmem:s10+$0x10C10]  }
0x1a8: {  	v11 =	vld [tilespmem:s10+$0x4C10]  }
0x1a9: {  	v12 =	vld [tilespmem:s10+$0x10C20]  }
0x1aa: {  	v13 =	vld [tilespmem:s10+$0x4C20]  }
0x1ab: {  	v14 =	vld [tilespmem:s10+$0x10C30]  }
0x1ac: {  	v15 =	vld [tilespmem:s10+$0x4C30]  }
0x1ad: {  	v16 =	vld [tilespmem:s10+$0x10C40];
	v8 =	vmul.f32 v9, v8;
	v9 =	vmul.f32 v11, v10  }
0x1ae: {  	v10 =	vld [tilespmem:s10+$0x4C40]  }
0x1af: {  	v11 =	vld [tilespmem:s10+$0x10C50];
	v8 =	vadd.f32 v9, v8;
	v9 =	vmul.f32 v13, v12  }
0x1b0: {  	v12 =	vld [tilespmem:s10+$0x4C50]  }
0x1b1: {  	v13 =	vld [tilespmem:s10+$0x10C60];
	v8 =	vadd.f32 v9, v8;
	v9 =	vmul.f32 v15, v14  }
0x1b2: {  	s15 =	sand.u32 $0xFFFFF800, s11;
	v14 =	vld [tilespmem:s10+$0x4C60]  }
0x1b3: {  	s12 =	sadd.s32 $0x0, s15;
	v15 =	vld [tilespmem:s10+$0x10C70];
	v8 =	vadd.f32 v9, v8;
	v9 =	vmul.f32 v10, v16  }
0x1b4: {  	s16 =	sor.u32 $0x1400, s12;
	v10 =	vld [tilespmem:s10+$0x4C70]  }
0x1b5: {  	v16 =	vld [tilespmem:s16+$0xFC00];
	v8 =	vadd.f32 v9, v8;
	v9 =	vmul.f32 v12, v11  }
0x1b6: {  	s18 =	sor.u32 $0x1410, s12;
	v11 =	vld [tilespmem:s16+$0x3C00]  }
0x1b7: {  	v12 =	vld [tilespmem:s18+$0xFC00];
	v8 =	vadd.f32 v9, v8;
	v9 =	vmul.f32 v14, v13  }
0x1b8: {  	s13 =	sor.u32 $0x1420, s12;
	v13 =	vld [tilespmem:s18+$0x3C00]  }
0x1b9: {  	v14 =	vld [tilespmem:s13+$0xFC00];
	v8 =	vadd.f32 v9, v8;
	v9 =	vmul.f32 v10, v15  }
0x1ba: {  	s14 =	sor.u32 $0x1430, s12;
	v10 =	vld [tilespmem:s13+$0x3C00]  }
0x1bb: {  	v15 =	vld [tilespmem:s14+$0xFC00];
	v8 =	vadd.f32 v9, v8;
	v9 =	vmul.f32 v11, v16  }
0x1bc: {  	s15 =	sor.u32 $0x1440, s12;
	v11 =	vld [tilespmem:s14+$0x3C00]  }
0x1bd: {  	v16 =	vld [tilespmem:s15+$0xFC00];
	v8 =	vadd.f32 v9, v8;
	v9 =	vmul.f32 v13, v12  }
0x1be: {  	s16 =	sor.u32 $0x1450, s12;
	v12 =	vld [tilespmem:s15+$0x3C00]  }
0x1bf: {  	v17 =	vld [tilespmem:s16+$0xFC00];
	v10 =	vmul.f32 v10, v14;
	v8 =	vadd.f32 v9, v8  }
0x1c0: {  	s18 =	sor.u32 $0x1460, s12;
	v14 =	vld [tilespmem:s16+$0x3C00]  }
0x1c1: {  	v9 =	vld [tilespmem:s18+$0xFC00];
	v13 =	vmul.f32 v11, v15;
	v8 =	vadd.f32 v10, v8  }
0x1c2: {  	s10 =	simm.s32 $0x100;
	s12 =	sor.u32 $0x1470, s12;
	s13 =	simm.s32 $0x80;
	v10 =	vld [tilespmem:s18+$0x3C00]  }
0x1c3: {  	s14 =	sand.u32 $0x800, s10;
	s15 =	sand.u32 $0x380, s13;
	v11 =	vld [tilespmem:s12+$0xFC00];
	v16 =	vmul.f32 v12, v16;
	v13 =	vadd.f32 v13, v8  }
0x1c4: {  	s14 =	sor.u32 s15, s14;
	v12 =	vld [tilespmem:s12+$0x3C00]  }
0x1c5: {  	v15 =	vld [tilespmem:s14+$0x10C00];
	v14 =	vmul.f32 v14, v17;
	v13 =	vadd.f32 v16, v13  }
0x1c6: {  	s18 =	simm.s32 $0x2;
	s12 =	simm.s32 $0x1;
	v8 =	vimm.f32 $0.0e+00;
	v16 =	vld [tilespmem:s14+$0x4C00]  }
.LBB2_5:
0x1c7: {  	p0 =	sne.s32 s18, $0xF;
	v17 =	vld [tilespmem:s14+$0x10C10];
	v13 =	vadd.f32 v14, v13;
	v9 =	vmul.f32 v10, v9  }
0x1c8: {  	v10 =	vld [tilespmem:s14+$0x4C10]  }
0x1c9: {  	v14 =	vld [tilespmem:s14+$0x10C20];
	v9 =	vadd.f32 v9, v13;
	v11 =	vmul.f32 v12, v11  }
0x1ca: {  	v12 =	vld [tilespmem:s14+$0x4C20]  }
0x1cb: {  	v13 =	vld [tilespmem:s14+$0x10C30];
	v9 =	vadd.f32 v11, v9  }
0x1cc: {  	v11 =	vmul.f32 v16, v15;
	v15 =	vld [tilespmem:s14+$0x4C30]  }
0x1cd: {  	v10 =	vmul.f32 v10, v17;
	v16 =	vld [tilespmem:s14+$0x10C40];
	v17 =	vperm.xlane v9, v1  }
0x1ce: {  	v18 =	vld [tilespmem:s14+$0x4C40]  }
0x1cf: {  	v10 =	vadd.f32 v10, v11;
	v11 =	vmul.f32 v12, v14;
	v12 =	vld [tilespmem:s14+$0x10C50];
	v9 =	vadd.f32 v9, v17  }
0x1d0: {  	v14 =	vld [tilespmem:s14+$0x4C50]  }
0x1d1: {  	v10 =	vadd.f32 v11, v10;
	v11 =	vmul.f32 v15, v13;
	v13 =	vld [tilespmem:s14+$0x10C60];
	v15 =	vperm.xlane v9, v2  }
0x1d2: {  	s15 =	sand.u32 $0xFFFFF800, s10;
	v17 =	vld [tilespmem:s14+$0x4C60]  }
0x1d3: {  	s15 =	sadd.s32 s15, s13;
	v10 =	vadd.f32 v11, v10;
	v11 =	vmul.f32 v18, v16;
	v16 =	vld [tilespmem:s14+$0x10C70];
	v9 =	vadd.f32 v9, v15  }
0x1d4: {  	v15 =	vld [tilespmem:s14+$0x4C70];
	s14 =	sor.u32 $0x1400, s15  }
0x1d5: {  	v10 =	vadd.f32 v11, v10;
	v11 =	vmul.f32 v14, v12;
	v12 =	vld [tilespmem:s14+$0xFC00];
	v14 =	vperm.xlane v9, v5  }
0x1d6: {  	v18 =	vld [tilespmem:s14+$0x3C00];
	s14 =	sor.u32 $0x1410, s15  }
0x1d7: {  	v10 =	vadd.f32 v11, v10;
	v11 =	vmul.f32 v17, v13;
	v13 =	vld [tilespmem:s14+$0xFC00];
	v9 =	vadd.f32 v9, v14  }
0x1d8: {  	v14 =	vld [tilespmem:s14+$0x3C00];
	s14 =	sor.u32 $0x1420, s15  }
0x1d9: {  	v10 =	vadd.f32 v11, v10;
	v11 =	vmul.f32 v15, v16;
	v15 =	vld [tilespmem:s14+$0xFC00];
	v16 =	vperm.xlane v9, v7  }
0x1da: {  	v19 =	vmov s11;
	s11 =	smov.u32 s12;
	s12 =	smov.u32 s18;
	v17 =	vld [tilespmem:s14+$0x3C00];
	s14 =	sor.u32 $0x1430, s15  }
0x1db: {  	v10 =	vadd.f32 v11, v10;
	v11 =	vmul.f32 v18, v12;
	v12 =	vld [tilespmem:s14+$0xFC00];
	v9 =	vadd.f32 v9, v16  }
0x1dc: {  	vm1 =	veq.s32 v19, v0;
	v16 =	vld [tilespmem:s14+$0x3C00];
	s14 =	sor.u32 $0x1440, s15  }
0x1dd: {  	v10 =	vadd.f32 v11, v10;
	v11 =	vmul.f32 v14, v13;
	v13 =	vld [tilespmem:s14+$0xFC00];
	v8 =	vsel vm1, v9, v8  }
0x1de: {  	v14 =	vld [tilespmem:s14+$0x3C00];
	s14 =	sor.u32 $0x1450, s15  }
0x1df: {  	v9 =	vadd.f32 v11, v10;
	v10 =	vmul.f32 v17, v15;
	v17 =	vld [tilespmem:s14+$0xFC00]  }
0x1e0: {  	v18 =	vld [tilespmem:s14+$0x3C00];
	s14 =	sor.u32 $0x1460, s15  }
0x1e1: {  	s10 =	sadd.s32 $0x100, s10;
	v11 =	vadd.f32 v10, v9;
	v12 =	vmul.f32 v16, v12;
	v9 =	vld [tilespmem:s14+$0xFC00]  }
.Ltmp1:
0x1e2: {  	s13 =	sadd.s32 $0x80, s13;
	s15 =	sor.u32 $0x1470, s15;
	v10 =	vld [tilespmem:s14+$0x3C00];
	(pc) =	sbr.rel @p0 .LBB2_5-.Ltmp1, $4  }
0x1e3: {  	s16 =	sand.u32 $0x380, s13;
	s14 =	sand.u32 $0x800, s10;
	v16 =	vadd.f32 v12, v11;
	v13 =	vmul.f32 v14, v13;
	v11 =	vld [tilespmem:s15+$0xFC00]  }
0x1e4: {  	s14 =	sor.u32 s16, s14;
	v12 =	vld [tilespmem:s15+$0x3C00]  }
0x1e5: {  	v15 =	vld [tilespmem:s14+$0x10C00];
	v13 =	vadd.f32 v13, v16;
	v14 =	vmul.f32 v18, v17  }
0x1e6: {  	s18 =	sadd.s32 $0x1, s18;
	v16 =	vld [tilespmem:s14+$0x4C00]  }
0x1e7: {  	v17 =	vld [tilespmem:s14+$0x10C10]  }
0x1e8: {  	v18 =	vld [tilespmem:s14+$0x4C10]  }
0x1e9: {  	v19 =	vld [tilespmem:s14+$0x10C20]  }
0x1ea: {  	v20 =	vld [tilespmem:s14+$0x4C20]  }
0x1eb: {  	v21 =	vld [tilespmem:s14+$0x10C30]  }
0x1ec: {  	v22 =	vld [tilespmem:s14+$0x4C30]  }
0x1ed: {  	v15 =	vmul.f32 v16, v15;
	v16 =	vmul.f32 v18, v17;
	v17 =	vld [tilespmem:s14+$0x10C40]  }
0x1ee: {  	v18 =	vld [tilespmem:s14+$0x4C40]  }
0x1ef: {  	v52 =	vld [tilespmem:s14+$0x4C50];
	v15 =	vadd.f32 v16, v15;
	v16 =	vmul.f32 v20, v19  }
0x1f0: {  	v19 =	vld [tilespmem:s14+$0x10C50]  }
0x1f1: {  	v53 =	vld [tilespmem:s14+$0x10C60];
	v15 =	vadd.f32 v16, v15;
	v16 =	vmul.f32 v22, v21  }
0x1f2: {  	s10 =	sand.u32 $0xFFFFF800, s10;
	v54 =	vld [tilespmem:s14+$0x4C60]  }
0x1f3: {  	s10 =	sadd.s32 s10, s13;
	v15 =	vadd.f32 v16, v15;
	v16 =	vmul.f32 v18, v17;
	v17 =	vld [tilespmem:s14+$0x10C70]  }
0x1f4: {  	s13 =	sor.u32 $0x1400, s10;
	v18 =	vld [tilespmem:s14+$0x4C70]  }
0x1f5: {  	v55 =	vld [tilespmem:s13+$0x3C00];
	v15 =	vadd.f32 v16, v15;
	v16 =	vmul.f32 v52, v19  }
0x1f6: {  	s16 =	sor.u32 $0x1410, s10;
	v19 =	vld [tilespmem:s13+$0xFC00]  }
0x1f7: {  	v56 =	vld [tilespmem:s16+$0xFC00];
	v15 =	vadd.f32 v16, v15;
	v16 =	vmul.f32 v54, v53  }
0x1f8: {  	s18 =	sor.u32 $0x1420, s10;
	v57 =	vld [tilespmem:s16+$0x3C00]  }
0x1f9: {  	v15 =	vadd.f32 v16, v15;
	v16 =	vmul.f32 v18, v17;
	v17 =	vld [tilespmem:s18+$0xFC00]  }
0x1fa: {  	s14 =	sor.u32 $0x1430, s10;
	v18 =	vld [tilespmem:s18+$0x3C00]  }
0x1fb: {  	v58 =	vld [tilespmem:s14+$0x3C00];
	v15 =	vadd.f32 v16, v15;
	v16 =	vmul.f32 v55, v19  }
0x1fc: {  	s15 =	sor.u32 $0x1440, s10;
	v19 =	vld [tilespmem:s14+$0xFC00]  }
0x1fd: {  	v59 =	vld [tilespmem:s15+$0xFC00];
	v15 =	vadd.f32 v16, v15;
	v16 =	vmul.f32 v57, v56  }
0x1fe: {  	v60 =	vld [tilespmem:s15+$0x3C00];
	s16 =	sor.u32 $0x1450, s10  }
0x1ff: {  	v15 =	vadd.f32 v16, v15;
	v16 =	vmul.f32 v18, v17;
	v17 =	vld [tilespmem:s16+$0xFC00]  }
0x200: {  	s18 =	sor.u32 $0x1460, s10;
	v18 =	vld [tilespmem:s16+$0x3C00]  }
0x201: {  	v61 =	vld [tilespmem:s18+$0x3C00];
	v15 =	vadd.f32 v16, v15;
	v16 =	vmul.f32 v58, v19  }
0x202: {  	s10 =	sor.u32 $0x1470, s10;
	v19 =	vld [tilespmem:s18+$0xFC00]  }
0x203: {  	v62 =	vld [tilespmem:s10+$0xFC00];
	v15 =	vadd.f32 v16, v15;
	v16 =	vmul.f32 v60, v59  }
0x204: {  	v63 =	vld [tilespmem:s10+$0x3C00]  }
0x205: {  	v15 =	vadd.f32 v16, v15;
	v16 =	vmul.f32 v18, v17  }
0x206: {  	v13 =	vadd.f32 v14, v13;
	v9 =	vmul.f32 v10, v9  }
0x207: {  	v14 =	vmul.f32 v61, v19;
	v10 =	vadd.f32 v16, v15  }
0x208: {  	v9 =	vadd.f32 v9, v13;
	v11 =	vmul.f32 v12, v11  }
0x209: {  	v12 =	vmul.f32 v63, v62;
	v10 =	vadd.f32 v14, v10  }
0x20a: {  	v9 =	vadd.f32 v11, v9  }
0x20b: {  	v10 =	vadd.f32 v12, v10  }
0x20c: {  	v11 =	vperm.xlane v9, v1  }
0x20d: {  	v12 =	vperm.xlane v10, v1  }
0x20e: {  	v9 =	vadd.f32 v9, v11  }
0x20f: {  	v10 =	vadd.f32 v10, v12  }
0x210: {  	v11 =	vperm.xlane v9, v2  }
0x211: {  	v12 =	vperm.xlane v10, v2  }
0x212: {  	v9 =	vadd.f32 v9, v11  }
0x213: {  	v10 =	vadd.f32 v10, v12  }
0x214: {  	v11 =	vperm.xlane v9, v5  }
0x215: {  	v12 =	vperm.xlane v10, v5  }
0x216: {  	v9 =	vadd.f32 v9, v11  }
0x217: {  	v10 =	vadd.f32 v10, v12  }
0x218: {  	v11 =	vperm.xlane v9, v7  }
0x219: {  	v12 =	vperm.xlane v10, v7  }
0x21a: {  	v13 =	vmov s11;
	v9 =	vadd.f32 v9, v11  }
0x21b: {  	vm1 =	veq.s32 v13, v0;
	v11 =	vmov s12;
	v10 =	vadd.f32 v10, v12  }
0x21c: {  	v8 =	vsel vm1, v9, v8;
	vm1 =	veq.s32 v11, v0  }
0x21d: {  	v8 =	vsel vm1, v10, v8  }
0x21e: {  	v8 =	vsub.f32 $0.0e+00, v8;
	_ =	sdelay $0x1  }
0x21f: {  	v8 =	vmul.f32 $1.442695020e+00, v8;
	_ =	sdelay $0x1  }
0x220: {  	(erf) = vpow2.f32 v8;
	_ =	sdelay $0x8  }
0x221: {  	v8 =	vpop (erf)  }
0x222: {  	v8 =	vadd.f32 $1.000000000e+00, v8;
	_ =	sdelay $0x1  }
0x223: {  	(erf) = vrcp.f32 v8;
	_ =	sdelay $0x7  }
0x224: {  	s11 =	simm.s32 $0x0  }
0x225: {  	s13 =	sand.u32 $0x380, s11;
	s12 =	sand.u32 $0x800, s11;
	v8 =	vpop (erf)  }
0x226: {  	s10 =	sor.u32 s13, s12;
	[tilespmem:s9+$0x2810] =	vst v8  }
0x227: {  	v8 =	vld [tilespmem:s10+$0x11C00]  }
0x228: {  	v9 =	vld [tilespmem:s10+$0x5C00]  }
0x229: {  	v10 =	vld [tilespmem:s10+$0x11C10]  }
0x22a: {  	v11 =	vld [tilespmem:s10+$0x5C10]  }
0x22b: {  	v12 =	vld [tilespmem:s10+$0x11C20]  }
0x22c: {  	v13 =	vld [tilespmem:s10+$0x5C20]  }
0x22d: {  	v14 =	vld [tilespmem:s10+$0x11C30]  }
0x22e: {  	v15 =	vld [tilespmem:s10+$0x5C30]  }
0x22f: {  	v16 =	vld [tilespmem:s10+$0x11C40];
	v8 =	vmul.f32 v9, v8;
	v9 =	vmul.f32 v11, v10  }
0x230: {  	v10 =	vld [tilespmem:s10+$0x5C40]  }
0x231: {  	v11 =	vld [tilespmem:s10+$0x11C50];
	v8 =	vadd.f32 v9, v8;
	v9 =	vmul.f32 v13, v12  }
0x232: {  	v12 =	vld [tilespmem:s10+$0x5C50]  }
0x233: {  	v13 =	vld [tilespmem:s10+$0x11C60];
	v8 =	vadd.f32 v9, v8;
	v9 =	vmul.f32 v15, v14  }
0x234: {  	s14 =	sand.u32 $0xFFFFF800, s11;
	v14 =	vld [tilespmem:s10+$0x5C60]  }
0x235: {  	s12 =	sadd.s32 $0x0, s14;
	v15 =	vld [tilespmem:s10+$0x11C70];
	v8 =	vadd.f32 v9, v8;
	v9 =	vmul.f32 v10, v16  }
0x236: {  	s15 =	sor.u32 $0x2400, s12;
	v10 =	vld [tilespmem:s10+$0x5C70]  }
0x237: {  	v16 =	vld [tilespmem:s15+$0xFC00];
	v8 =	vadd.f32 v9, v8;
	v9 =	vmul.f32 v12, v11  }
0x238: {  	s16 =	sor.u32 $0x2410, s12;
	v11 =	vld [tilespmem:s15+$0x3C00]  }
0x239: {  	v12 =	vld [tilespmem:s16+$0xFC00];
	v8 =	vadd.f32 v9, v8;
	v9 =	vmul.f32 v14, v13  }
0x23a: {  	s18 =	sor.u32 $0x2420, s12;
	v13 =	vld [tilespmem:s16+$0x3C00]  }
0x23b: {  	v14 =	vld [tilespmem:s18+$0xFC00];
	v8 =	vadd.f32 v9, v8;
	v9 =	vmul.f32 v10, v15  }
0x23c: {  	s13 =	sor.u32 $0x2430, s12;
	v10 =	vld [tilespmem:s18+$0x3C00]  }
0x23d: {  	v15 =	vld [tilespmem:s13+$0xFC00];
	v8 =	vadd.f32 v9, v8;
	v9 =	vmul.f32 v11, v16  }
0x23e: {  	s14 =	sor.u32 $0x2440, s12;
	v11 =	vld [tilespmem:s13+$0x3C00]  }
0x23f: {  	v16 =	vld [tilespmem:s14+$0xFC00];
	v8 =	vadd.f32 v9, v8;
	v9 =	vmul.f32 v13, v12  }
0x240: {  	s15 =	sor.u32 $0x2450, s12;
	v12 =	vld [tilespmem:s14+$0x3C00]  }
0x241: {  	v17 =	vld [tilespmem:s15+$0xFC00];
	v10 =	vmul.f32 v10, v14;
	v8 =	vadd.f32 v9, v8  }
0x242: {  	s16 =	sor.u32 $0x2460, s12;
	v14 =	vld [tilespmem:s15+$0x3C00]  }
0x243: {  	v9 =	vld [tilespmem:s16+$0xFC00];
	v13 =	vmul.f32 v11, v15;
	v8 =	vadd.f32 v10, v8  }
0x244: {  	s10 =	simm.s32 $0x100;
	s12 =	sor.u32 $0x2470, s12;
	s13 =	simm.s32 $0x80;
	v10 =	vld [tilespmem:s16+$0x3C00]  }
0x245: {  	s18 =	sand.u32 $0x800, s10;
	s15 =	sand.u32 $0x380, s13;
	v11 =	vld [tilespmem:s12+$0xFC00];
	v16 =	vmul.f32 v12, v16;
	v13 =	vadd.f32 v13, v8  }
0x246: {  	s14 =	sor.u32 s15, s18;
	v12 =	vld [tilespmem:s12+$0x3C00]  }
0x247: {  	v15 =	vld [tilespmem:s14+$0x11C00];
	v14 =	vmul.f32 v14, v17;
	v13 =	vadd.f32 v16, v13  }
0x248: {  	s18 =	simm.s32 $0x2;
	s12 =	simm.s32 $0x1;
	v8 =	vimm.f32 $0.0e+00;
	v16 =	vld [tilespmem:s14+$0x5C00]  }
.LBB2_7:
0x249: {  	p0 =	sne.s32 s18, $0xF;
	v17 =	vld [tilespmem:s14+$0x11C10];
	v13 =	vadd.f32 v14, v13;
	v9 =	vmul.f32 v10, v9  }
0x24a: {  	v10 =	vld [tilespmem:s14+$0x5C10]  }
0x24b: {  	v14 =	vld [tilespmem:s14+$0x11C20];
	v9 =	vadd.f32 v9, v13;
	v11 =	vmul.f32 v12, v11  }
0x24c: {  	v12 =	vld [tilespmem:s14+$0x5C20]  }
0x24d: {  	v13 =	vld [tilespmem:s14+$0x11C30];
	v9 =	vadd.f32 v11, v9  }
0x24e: {  	v11 =	vmul.f32 v16, v15;
	v15 =	vld [tilespmem:s14+$0x5C30]  }
0x24f: {  	v10 =	vmul.f32 v10, v17;
	v16 =	vld [tilespmem:s14+$0x11C40];
	v17 =	vperm.xlane v9, v1  }
0x250: {  	v18 =	vld [tilespmem:s14+$0x5C40]  }
0x251: {  	v10 =	vadd.f32 v10, v11;
	v11 =	vmul.f32 v12, v14;
	v12 =	vld [tilespmem:s14+$0x11C50];
	v9 =	vadd.f32 v9, v17  }
0x252: {  	v14 =	vld [tilespmem:s14+$0x5C50]  }
0x253: {  	v10 =	vadd.f32 v11, v10;
	v11 =	vmul.f32 v15, v13;
	v13 =	vld [tilespmem:s14+$0x11C60];
	v15 =	vperm.xlane v9, v2  }
0x254: {  	s15 =	sand.u32 $0xFFFFF800, s10;
	v17 =	vld [tilespmem:s14+$0x5C60]  }
0x255: {  	s15 =	sadd.s32 s15, s13;
	v10 =	vadd.f32 v11, v10;
	v11 =	vmul.f32 v18, v16;
	v16 =	vld [tilespmem:s14+$0x11C70];
	v9 =	vadd.f32 v9, v15  }
0x256: {  	v15 =	vld [tilespmem:s14+$0x5C70];
	s14 =	sor.u32 $0x2400, s15  }
0x257: {  	v10 =	vadd.f32 v11, v10;
	v11 =	vmul.f32 v14, v12;
	v12 =	vld [tilespmem:s14+$0xFC00];
	v14 =	vperm.xlane v9, v5  }
0x258: {  	v18 =	vld [tilespmem:s14+$0x3C00];
	s14 =	sor.u32 $0x2410, s15  }
0x259: {  	v10 =	vadd.f32 v11, v10;
	v11 =	vmul.f32 v17, v13;
	v13 =	vld [tilespmem:s14+$0xFC00];
	v9 =	vadd.f32 v9, v14  }
0x25a: {  	v14 =	vld [tilespmem:s14+$0x3C00];
	s14 =	sor.u32 $0x2420, s15  }
0x25b: {  	v10 =	vadd.f32 v11, v10;
	v11 =	vmul.f32 v15, v16;
	v15 =	vld [tilespmem:s14+$0xFC00];
	v16 =	vperm.xlane v9, v7  }
0x25c: {  	v19 =	vmov s11;
	s11 =	smov.u32 s12;
	s12 =	smov.u32 s18;
	v17 =	vld [tilespmem:s14+$0x3C00];
	s14 =	sor.u32 $0x2430, s15  }
0x25d: {  	v10 =	vadd.f32 v11, v10;
	v11 =	vmul.f32 v18, v12;
	v12 =	vld [tilespmem:s14+$0xFC00];
	v9 =	vadd.f32 v9, v16  }
0x25e: {  	vm1 =	veq.s32 v19, v0;
	v16 =	vld [tilespmem:s14+$0x3C00];
	s14 =	sor.u32 $0x2440, s15  }
0x25f: {  	v10 =	vadd.f32 v11, v10;
	v11 =	vmul.f32 v14, v13;
	v13 =	vld [tilespmem:s14+$0xFC00];
	v8 =	vsel vm1, v9, v8  }
0x260: {  	v14 =	vld [tilespmem:s14+$0x3C00];
	s14 =	sor.u32 $0x2450, s15  }
0x261: {  	v9 =	vadd.f32 v11, v10;
	v10 =	vmul.f32 v17, v15;
	v17 =	vld [tilespmem:s14+$0xFC00]  }
0x262: {  	v18 =	vld [tilespmem:s14+$0x3C00];
	s14 =	sor.u32 $0x2460, s15  }
0x263: {  	s10 =	sadd.s32 $0x100, s10;
	v11 =	vadd.f32 v10, v9;
	v12 =	vmul.f32 v16, v12;
	v9 =	vld [tilespmem:s14+$0xFC00]  }
.Ltmp2:
0x264: {  	s13 =	sadd.s32 $0x80, s13;
	s15 =	sor.u32 $0x2470, s15;
	v10 =	vld [tilespmem:s14+$0x3C00];
	(pc) =	sbr.rel @p0 .LBB2_7-.Ltmp2, $4  }
0x265: {  	s16 =	sand.u32 $0x380, s13;
	s14 =	sand.u32 $0x800, s10;
	v16 =	vadd.f32 v12, v11;
	v13 =	vmul.f32 v14, v13;
	v11 =	vld [tilespmem:s15+$0xFC00]  }
0x266: {  	s14 =	sor.u32 s16, s14;
	v12 =	vld [tilespmem:s15+$0x3C00]  }
0x267: {  	v15 =	vld [tilespmem:s14+$0x11C00];
	v13 =	vadd.f32 v13, v16;
	v14 =	vmul.f32 v18, v17  }
0x268: {  	s18 =	sadd.s32 $0x1, s18;
	v16 =	vld [tilespmem:s14+$0x5C00]  }
0x269: {  	v17 =	vld [tilespmem:s14+$0x11C10]  }
0x26a: {  	v18 =	vld [tilespmem:s14+$0x5C10]  }
0x26b: {  	v19 =	vld [tilespmem:s14+$0x11C20]  }
0x26c: {  	v20 =	vld [tilespmem:s14+$0x5C20]  }
0x26d: {  	v21 =	vld [tilespmem:s14+$0x11C30]  }
0x26e: {  	v22 =	vld [tilespmem:s14+$0x5C30]  }
0x26f: {  	v15 =	vmul.f32 v16, v15;
	v16 =	vmul.f32 v18, v17;
	v17 =	vld [tilespmem:s14+$0x11C40]  }
0x270: {  	v18 =	vld [tilespmem:s14+$0x5C40]  }
0x271: {  	v52 =	vld [tilespmem:s14+$0x5C50];
	v15 =	vadd.f32 v16, v15;
	v16 =	vmul.f32 v20, v19  }
0x272: {  	v19 =	vld [tilespmem:s14+$0x11C50]  }
0x273: {  	v53 =	vld [tilespmem:s14+$0x11C60];
	v15 =	vadd.f32 v16, v15;
	v16 =	vmul.f32 v22, v21  }
0x274: {  	s10 =	sand.u32 $0xFFFFF800, s10;
	v54 =	vld [tilespmem:s14+$0x5C60]  }
0x275: {  	s10 =	sadd.s32 s10, s13;
	v15 =	vadd.f32 v16, v15;
	v16 =	vmul.f32 v18, v17;
	v17 =	vld [tilespmem:s14+$0x11C70]  }
0x276: {  	s13 =	sor.u32 $0x2400, s10;
	v18 =	vld [tilespmem:s14+$0x5C70]  }
0x277: {  	v55 =	vld [tilespmem:s13+$0x3C00];
	v15 =	vadd.f32 v16, v15;
	v16 =	vmul.f32 v52, v19  }
0x278: {  	s16 =	sor.u32 $0x2410, s10;
	v19 =	vld [tilespmem:s13+$0xFC00]  }
0x279: {  	v56 =	vld [tilespmem:s16+$0xFC00];
	v15 =	vadd.f32 v16, v15;
	v16 =	vmul.f32 v54, v53  }
0x27a: {  	s18 =	sor.u32 $0x2420, s10;
	v57 =	vld [tilespmem:s16+$0x3C00]  }
0x27b: {  	v15 =	vadd.f32 v16, v15;
	v16 =	vmul.f32 v18, v17;
	v17 =	vld [tilespmem:s18+$0xFC00]  }
0x27c: {  	s14 =	sor.u32 $0x2430, s10;
	v18 =	vld [tilespmem:s18+$0x3C00]  }
0x27d: {  	v58 =	vld [tilespmem:s14+$0x3C00];
	v15 =	vadd.f32 v16, v15;
	v16 =	vmul.f32 v55, v19  }
0x27e: {  	s15 =	sor.u32 $0x2440, s10;
	v19 =	vld [tilespmem:s14+$0xFC00]  }
0x27f: {  	v59 =	vld [tilespmem:s15+$0xFC00];
	v15 =	vadd.f32 v16, v15;
	v16 =	vmul.f32 v57, v56  }
0x280: {  	v60 =	vld [tilespmem:s15+$0x3C00];
	s16 =	sor.u32 $0x2450, s10  }
0x281: {  	v15 =	vadd.f32 v16, v15;
	v16 =	vmul.f32 v18, v17;
	v17 =	vld [tilespmem:s16+$0xFC00]  }
0x282: {  	s18 =	sor.u32 $0x2460, s10;
	v18 =	vld [tilespmem:s16+$0x3C00]  }
0x283: {  	v61 =	vld [tilespmem:s18+$0x3C00];
	v15 =	vadd.f32 v16, v15;
	v16 =	vmul.f32 v58, v19  }
0x284: {  	s10 =	sor.u32 $0x2470, s10;
	v19 =	vld [tilespmem:s18+$0xFC00]  }
0x285: {  	v62 =	vld [tilespmem:s10+$0xFC00];
	v15 =	vadd.f32 v16, v15;
	v16 =	vmul.f32 v60, v59  }
0x286: {  	v63 =	vld [tilespmem:s10+$0x3C00]  }
0x287: {  	v15 =	vadd.f32 v16, v15;
	v16 =	vmul.f32 v18, v17  }
0x288: {  	v13 =	vadd.f32 v14, v13;
	v9 =	vmul.f32 v10, v9  }
0x289: {  	v14 =	vmul.f32 v61, v19;
	v10 =	vadd.f32 v16, v15  }
0x28a: {  	v9 =	vadd.f32 v9, v13;
	v11 =	vmul.f32 v12, v11  }
0x28b: {  	v12 =	vmul.f32 v63, v62;
	v10 =	vadd.f32 v14, v10  }
0x28c: {  	v9 =	vadd.f32 v11, v9  }
0x28d: {  	v10 =	vadd.f32 v12, v10  }
0x28e: {  	v11 =	vperm.xlane v9, v1  }
0x28f: {  	v12 =	vperm.xlane v10, v1  }
0x290: {  	v9 =	vadd.f32 v9, v11  }
0x291: {  	v10 =	vadd.f32 v10, v12  }
0x292: {  	v11 =	vperm.xlane v9, v2  }
0x293: {  	v12 =	vperm.xlane v10, v2  }
0x294: {  	v9 =	vadd.f32 v9, v11  }
0x295: {  	v10 =	vadd.f32 v10, v12  }
0x296: {  	v11 =	vperm.xlane v9, v5  }
0x297: {  	v12 =	vperm.xlane v10, v5  }
0x298: {  	v9 =	vadd.f32 v9, v11  }
0x299: {  	v10 =	vadd.f32 v10, v12  }
0x29a: {  	v11 =	vperm.xlane v9, v7  }
0x29b: {  	v12 =	vperm.xlane v10, v7  }
0x29c: {  	v13 =	vmov s11;
	v9 =	vadd.f32 v9, v11  }
0x29d: {  	vm1 =	veq.s32 v13, v0;
	v11 =	vmov s12;
	v10 =	vadd.f32 v10, v12  }
0x29e: {  	v8 =	vsel vm1, v9, v8;
	vm1 =	veq.s32 v11, v0  }
0x29f: {  	v8 =	vsel vm1, v10, v8  }
0x2a0: {  	v8 =	vsub.f32 $0.0e+00, v8;
	_ =	sdelay $0x1  }
0x2a1: {  	v8 =	vmul.f32 $1.442695020e+00, v8;
	_ =	sdelay $0x1  }
0x2a2: {  	(erf) = vpow2.f32 v8;
	_ =	sdelay $0x8  }
0x2a3: {  	v8 =	vpop (erf)  }
0x2a4: {  	v8 =	vadd.f32 $1.000000000e+00, v8;
	_ =	sdelay $0x1  }
0x2a5: {  	(erf) = vrcp.f32 v8;
	_ =	sdelay $0x7  }
0x2a6: {  	s11 =	simm.s32 $0x0  }
0x2a7: {  	s13 =	sand.u32 $0x380, s11;
	s12 =	sand.u32 $0x800, s11;
	v8 =	vpop (erf)  }
0x2a8: {  	s10 =	sor.u32 s13, s12;
	[tilespmem:s9+$0x2820] =	vst v8  }
0x2a9: {  	v8 =	vld [tilespmem:s10+$0x12C00]  }
0x2aa: {  	v9 =	vld [tilespmem:s10+$0x6C00]  }
0x2ab: {  	v10 =	vld [tilespmem:s10+$0x12C10]  }
0x2ac: {  	v11 =	vld [tilespmem:s10+$0x6C10]  }
0x2ad: {  	v12 =	vld [tilespmem:s10+$0x12C20]  }
0x2ae: {  	v13 =	vld [tilespmem:s10+$0x6C20]  }
0x2af: {  	v14 =	vld [tilespmem:s10+$0x12C30]  }
0x2b0: {  	v15 =	vld [tilespmem:s10+$0x6C30]  }
0x2b1: {  	v16 =	vld [tilespmem:s10+$0x12C40];
	v8 =	vmul.f32 v9, v8;
	v9 =	vmul.f32 v11, v10  }
0x2b2: {  	v10 =	vld [tilespmem:s10+$0x6C40]  }
0x2b3: {  	v11 =	vld [tilespmem:s10+$0x12C50];
	v8 =	vadd.f32 v9, v8;
	v9 =	vmul.f32 v13, v12  }
0x2b4: {  	v12 =	vld [tilespmem:s10+$0x6C50]  }
0x2b5: {  	v13 =	vld [tilespmem:s10+$0x12C60];
	v8 =	vadd.f32 v9, v8;
	v9 =	vmul.f32 v15, v14  }
0x2b6: {  	s14 =	sand.u32 $0xFFFFF800, s11;
	v14 =	vld [tilespmem:s10+$0x6C60]  }
0x2b7: {  	s12 =	sadd.s32 $0x0, s14;
	v15 =	vld [tilespmem:s10+$0x12C70];
	v8 =	vadd.f32 v9, v8;
	v9 =	vmul.f32 v10, v16  }
0x2b8: {  	s15 =	sor.u32 $0x3400, s12;
	v10 =	vld [tilespmem:s10+$0x6C70]  }
0x2b9: {  	v16 =	vld [tilespmem:s15+$0xFC00];
	v8 =	vadd.f32 v9, v8;
	v9 =	vmul.f32 v12, v11  }
0x2ba: {  	s16 =	sor.u32 $0x3410, s12;
	v11 =	vld [tilespmem:s15+$0x3C00]  }
0x2bb: {  	v12 =	vld [tilespmem:s16+$0xFC00];
	v8 =	vadd.f32 v9, v8;
	v9 =	vmul.f32 v14, v13  }
0x2bc: {  	s18 =	sor.u32 $0x3420, s12;
	v13 =	vld [tilespmem:s16+$0x3C00]  }
0x2bd: {  	v14 =	vld [tilespmem:s18+$0xFC00];
	v8 =	vadd.f32 v9, v8;
	v9 =	vmul.f32 v10, v15  }
0x2be: {  	s13 =	sor.u32 $0x3430, s12;
	v10 =	vld [tilespmem:s18+$0x3C00]  }
0x2bf: {  	v15 =	vld [tilespmem:s13+$0xFC00];
	v8 =	vadd.f32 v9, v8;
	v9 =	vmul.f32 v11, v16  }
0x2c0: {  	s14 =	sor.u32 $0x3440, s12;
	v11 =	vld [tilespmem:s13+$0x3C00]  }
0x2c1: {  	v16 =	vld [tilespmem:s14+$0xFC00];
	v8 =	vadd.f32 v9, v8;
	v9 =	vmul.f32 v13, v12  }
0x2c2: {  	s15 =	sor.u32 $0x3450, s12;
	v12 =	vld [tilespmem:s14+$0x3C00]  }
0x2c3: {  	v17 =	vld [tilespmem:s15+$0xFC00];
	v10 =	vmul.f32 v10, v14;
	v8 =	vadd.f32 v9, v8  }
0x2c4: {  	s16 =	sor.u32 $0x3460, s12;
	v14 =	vld [tilespmem:s15+$0x3C00]  }
0x2c5: {  	v9 =	vld [tilespmem:s16+$0xFC00];
	v13 =	vmul.f32 v11, v15;
	v8 =	vadd.f32 v10, v8  }
0x2c6: {  	s10 =	simm.s32 $0x100;
	s12 =	sor.u32 $0x3470, s12;
	s13 =	simm.s32 $0x80;
	v10 =	vld [tilespmem:s16+$0x3C00]  }
0x2c7: {  	s18 =	sand.u32 $0x800, s10;
	s15 =	sand.u32 $0x380, s13;
	v11 =	vld [tilespmem:s12+$0xFC00];
	v16 =	vmul.f32 v12, v16;
	v13 =	vadd.f32 v13, v8  }
0x2c8: {  	s14 =	sor.u32 s15, s18;
	v12 =	vld [tilespmem:s12+$0x3C00]  }
0x2c9: {  	v15 =	vld [tilespmem:s14+$0x12C00];
	v14 =	vmul.f32 v14, v17;
	v13 =	vadd.f32 v16, v13  }
0x2ca: {  	s18 =	simm.s32 $0x2;
	s12 =	simm.s32 $0x1;
	v8 =	vimm.f32 $0.0e+00;
	v16 =	vld [tilespmem:s14+$0x6C00]  }
.LBB2_9:
0x2cb: {  	p0 =	sne.s32 s18, $0xF;
	v17 =	vld [tilespmem:s14+$0x12C10];
	v13 =	vadd.f32 v14, v13;
	v9 =	vmul.f32 v10, v9  }
0x2cc: {  	v10 =	vld [tilespmem:s14+$0x6C10]  }
0x2cd: {  	v14 =	vld [tilespmem:s14+$0x12C20];
	v9 =	vadd.f32 v9, v13;
	v11 =	vmul.f32 v12, v11  }
0x2ce: {  	v12 =	vld [tilespmem:s14+$0x6C20]  }
0x2cf: {  	v13 =	vld [tilespmem:s14+$0x12C30];
	v9 =	vadd.f32 v11, v9  }
0x2d0: {  	v11 =	vmul.f32 v16, v15;
	v15 =	vld [tilespmem:s14+$0x6C30]  }
0x2d1: {  	v10 =	vmul.f32 v10, v17;
	v16 =	vld [tilespmem:s14+$0x12C40];
	v17 =	vperm.xlane v9, v1  }
0x2d2: {  	v18 =	vld [tilespmem:s14+$0x6C40]  }
0x2d3: {  	v10 =	vadd.f32 v10, v11;
	v11 =	vmul.f32 v12, v14;
	v12 =	vld [tilespmem:s14+$0x12C50];
	v9 =	vadd.f32 v9, v17  }
0x2d4: {  	v14 =	vld [tilespmem:s14+$0x6C50]  }
0x2d5: {  	v10 =	vadd.f32 v11, v10;
	v11 =	vmul.f32 v15, v13;
	v13 =	vld [tilespmem:s14+$0x12C60];
	v15 =	vperm.xlane v9, v2  }
0x2d6: {  	s15 =	sand.u32 $0xFFFFF800, s10;
	v17 =	vld [tilespmem:s14+$0x6C60]  }
0x2d7: {  	s15 =	sadd.s32 s15, s13;
	v10 =	vadd.f32 v11, v10;
	v11 =	vmul.f32 v18, v16;
	v16 =	vld [tilespmem:s14+$0x12C70];
	v9 =	vadd.f32 v9, v15  }
0x2d8: {  	v15 =	vld [tilespmem:s14+$0x6C70];
	s14 =	sor.u32 $0x3400, s15  }
0x2d9: {  	v10 =	vadd.f32 v11, v10;
	v11 =	vmul.f32 v14, v12;
	v12 =	vld [tilespmem:s14+$0xFC00];
	v14 =	vperm.xlane v9, v5  }
0x2da: {  	v18 =	vld [tilespmem:s14+$0x3C00];
	s14 =	sor.u32 $0x3410, s15  }
0x2db: {  	v10 =	vadd.f32 v11, v10;
	v11 =	vmul.f32 v17, v13;
	v13 =	vld [tilespmem:s14+$0xFC00];
	v9 =	vadd.f32 v9, v14  }
0x2dc: {  	v14 =	vld [tilespmem:s14+$0x3C00];
	s14 =	sor.u32 $0x3420, s15  }
0x2dd: {  	v10 =	vadd.f32 v11, v10;
	v11 =	vmul.f32 v15, v16;
	v15 =	vld [tilespmem:s14+$0xFC00];
	v16 =	vperm.xlane v9, v7  }
0x2de: {  	v19 =	vmov s11;
	s11 =	smov.u32 s12;
	s12 =	smov.u32 s18;
	v17 =	vld [tilespmem:s14+$0x3C00];
	s14 =	sor.u32 $0x3430, s15  }
0x2df: {  	v10 =	vadd.f32 v11, v10;
	v11 =	vmul.f32 v18, v12;
	v12 =	vld [tilespmem:s14+$0xFC00];
	v9 =	vadd.f32 v9, v16  }
0x2e0: {  	vm1 =	veq.s32 v19, v0;
	v16 =	vld [tilespmem:s14+$0x3C00];
	s14 =	sor.u32 $0x3440, s15  }
0x2e1: {  	v10 =	vadd.f32 v11, v10;
	v11 =	vmul.f32 v14, v13;
	v13 =	vld [tilespmem:s14+$0xFC00];
	v8 =	vsel vm1, v9, v8  }
0x2e2: {  	v14 =	vld [tilespmem:s14+$0x3C00];
	s14 =	sor.u32 $0x3450, s15  }
0x2e3: {  	v9 =	vadd.f32 v11, v10;
	v10 =	vmul.f32 v17, v15;
	v17 =	vld [tilespmem:s14+$0xFC00]  }
0x2e4: {  	v18 =	vld [tilespmem:s14+$0x3C00];
	s14 =	sor.u32 $0x3460, s15  }
0x2e5: {  	s10 =	sadd.s32 $0x100, s10;
	v11 =	vadd.f32 v10, v9;
	v12 =	vmul.f32 v16, v12;
	v9 =	vld [tilespmem:s14+$0xFC00]  }
.Ltmp3:
0x2e6: {  	s13 =	sadd.s32 $0x80, s13;
	s15 =	sor.u32 $0x3470, s15;
	v10 =	vld [tilespmem:s14+$0x3C00];
	(pc) =	sbr.rel @p0 .LBB2_9-.Ltmp3, $4  }
0x2e7: {  	s16 =	sand.u32 $0x380, s13;
	s14 =	sand.u32 $0x800, s10;
	v16 =	vadd.f32 v12, v11;
	v13 =	vmul.f32 v14, v13;
	v11 =	vld [tilespmem:s15+$0xFC00]  }
0x2e8: {  	s14 =	sor.u32 s16, s14;
	v12 =	vld [tilespmem:s15+$0x3C00]  }
0x2e9: {  	v15 =	vld [tilespmem:s14+$0x12C00];
	v13 =	vadd.f32 v13, v16;
	v14 =	vmul.f32 v18, v17  }
0x2ea: {  	s18 =	sadd.s32 $0x1, s18;
	v16 =	vld [tilespmem:s14+$0x6C00]  }
0x2eb: {  	v17 =	vld [tilespmem:s14+$0x12C10]  }
0x2ec: {  	v18 =	vld [tilespmem:s14+$0x6C10]  }
0x2ed: {  	v19 =	vld [tilespmem:s14+$0x12C20]  }
0x2ee: {  	v20 =	vld [tilespmem:s14+$0x6C20]  }
0x2ef: {  	v21 =	vld [tilespmem:s14+$0x12C30]  }
0x2f0: {  	v22 =	vld [tilespmem:s14+$0x6C30]  }
0x2f1: {  	v63 =	vld [tilespmem:s14+$0x12C40];
	v15 =	vmul.f32 v16, v15;
	v62 =	vmul.f32 v18, v17  }
0x2f2: {  	v24 =	vld [tilespmem:s14+$0x6C40]  }
0x2f3: {  	v26 =	vld [tilespmem:s14+$0x12C50];
	v25 =	vmul.f32 v20, v19;
	v15 =	vadd.f32 v62, v15  }
0x2f4: {  	v27 =	vld [tilespmem:s14+$0x6C50]  }
0x2f5: {  	v29 =	vld [tilespmem:s14+$0x12C60];
	v28 =	vmul.f32 v22, v21;
	v15 =	vadd.f32 v25, v15  }
0x2f6: {  	s10 =	sand.u32 $0xFFFFF800, s10;
	v30 =	vld [tilespmem:s14+$0x6C60]  }
0x2f7: {  	v32 =	vld [tilespmem:s14+$0x12C70];
	s10 =	sadd.s32 s10, s13;
	v31 =	vmul.f32 v24, v63;
	v15 =	vadd.f32 v28, v15  }
0x2f8: {  	v33 =	vld [tilespmem:s14+$0x6C70];
	s13 =	sor.u32 $0x3400, s10  }
0x2f9: {  	v35 =	vld [tilespmem:s13+$0xFC00];
	v34 =	vmul.f32 v27, v26;
	v15 =	vadd.f32 v31, v15  }
0x2fa: {  	s16 =	sor.u32 $0x3410, s10;
	v36 =	vld [tilespmem:s13+$0x3C00]  }
0x2fb: {  	v38 =	vld [tilespmem:s16+$0xFC00];
	v37 =	vmul.f32 v30, v29;
	v15 =	vadd.f32 v34, v15  }
0x2fc: {  	s18 =	sor.u32 $0x3420, s10;
	v39 =	vld [tilespmem:s16+$0x3C00]  }
0x2fd: {  	v41 =	vld [tilespmem:s18+$0xFC00];
	v40 =	vmul.f32 v33, v32;
	v15 =	vadd.f32 v37, v15  }
0x2fe: {  	s14 =	sor.u32 $0x3430, s10;
	v42 =	vld [tilespmem:s18+$0x3C00]  }
0x2ff: {  	v44 =	vld [tilespmem:s14+$0xFC00];
	v43 =	vmul.f32 v36, v35;
	v15 =	vadd.f32 v40, v15  }
0x300: {  	s15 =	sor.u32 $0x3440, s10;
	v45 =	vld [tilespmem:s14+$0x3C00]  }
0x301: {  	v47 =	vld [tilespmem:s15+$0xFC00];
	v46 =	vmul.f32 v39, v38;
	v15 =	vadd.f32 v43, v15  }
0x302: {  	v48 =	vld [tilespmem:s15+$0x3C00];
	s16 =	sor.u32 $0x3450, s10  }
0x303: {  	v50 =	vld [tilespmem:s16+$0xFC00];
	v49 =	vmul.f32 v42, v41;
	v15 =	vadd.f32 v46, v15  }
0x304: {  	s18 =	sor.u32 $0x3460, s10;
	v51 =	vld [tilespmem:s16+$0x3C00]  }
0x305: {  	v53 =	vld [tilespmem:s18+$0xFC00];
	v52 =	vmul.f32 v45, v44;
	v15 =	vadd.f32 v49, v15  }
0x306: {  	s10 =	sor.u32 $0x3470, s10;
	v54 =	vld [tilespmem:s18+$0x3C00]  }
0x307: {  	v56 =	vld [tilespmem:s10+$0xFC00];
	v55 =	vmul.f32 v48, v47;
	v15 =	vadd.f32 v52, v15  }
0x308: {  	v57 =	vld [tilespmem:s10+$0x3C00]  }
0x309: {  	v58 =	vmul.f32 v51, v50;
	v15 =	vadd.f32 v55, v15  }
0x30a: {  	v13 =	vadd.f32 v14, v13;
	v9 =	vmul.f32 v10, v9  }
0x30b: {  	v60 =	vmul.f32 v54, v53;
	v59 =	vadd.f32 v58, v15  }
0x30c: {  	v9 =	vadd.f32 v9, v13;
	v11 =	vmul.f32 v12, v11  }
0x30d: {  	v61 =	vmul.f32 v57, v56;
	v10 =	vadd.f32 v60, v59  }
0x30e: {  	v9 =	vadd.f32 v11, v9  }
0x30f: {  	v10 =	vadd.f32 v61, v10  }
0x310: {  	v11 =	vperm.xlane v9, v1  }
0x311: {  	v12 =	vperm.xlane v10, v1  }
0x312: {  	v9 =	vadd.f32 v9, v11  }
0x313: {  	v10 =	vadd.f32 v10, v12  }
0x314: {  	v11 =	vperm.xlane v9, v2  }
0x315: {  	v12 =	vperm.xlane v10, v2  }
0x316: {  	v9 =	vadd.f32 v9, v11  }
0x317: {  	v10 =	vadd.f32 v10, v12  }
0x318: {  	v11 =	vperm.xlane v9, v5  }
0x319: {  	v12 =	vperm.xlane v10, v5  }
0x31a: {  	v9 =	vadd.f32 v9, v11  }
0x31b: {  	v10 =	vadd.f32 v10, v12  }
0x31c: {  	v11 =	vperm.xlane v9, v7  }
0x31d: {  	v12 =	vperm.xlane v10, v7  }
0x31e: {  	v62 =	vmov s11;
	v9 =	vadd.f32 v9, v11  }
0x31f: {  	v63 =	vmov s12;
	vm1 =	veq.s32 v62, v0;
	v10 =	vadd.f32 v10, v12  }
0x320: {  	v8 =	vsel vm1, v9, v8;
	vm1 =	veq.s32 v63, v0  }
0x321: {  	v8 =	vsel vm1, v10, v8  }
0x322: {  	v8 =	vsub.f32 $0.0e+00, v8;
	_ =	sdelay $0x1  }
0x323: {  	v8 =	vmul.f32 $1.442695020e+00, v8;
	_ =	sdelay $0x1  }
0x324: {  	(erf) = vpow2.f32 v8;
	_ =	sdelay $0x8  }
0x325: {  	v8 =	vpop (erf)  }
0x326: {  	v8 =	vadd.f32 $1.000000000e+00, v8;
	_ =	sdelay $0x1  }
0x327: {  	(erf) = vrcp.f32 v8;
	_ =	sdelay $0x4  }
0x328: {  	p0 =	seq.s32 s4, $0x19  }
.Ltmp4:
0x329: {  	_ = 	snop;
	(pc) =	sbr.rel @p0 .LBB2_12-.Ltmp4, $3  }
0x32a: {  	_ =	sdelay $0x1  }
0x32b: {  	v8 =	vpop (erf)  }
0x32c: {  	[tilespmem:s9+$0x2830] =	vst v8  }
0x32d: {  	v8 =	vld [tilespmem:s9+$0x14C0];
	_ =	sdelay $0x4  }
0x32e: {  	v9 =	vshll.u32 v8, $0x1  }
0x32f: {  	v8 =	vand.u32 $0x7, v8;
	v9 =	vand.u32 $0xFFFFFFF0, v9  }
0x330: {  	v8 =	vor.u32 v8, v9  }
0x331: {  	v9 =	vperm.xlane v8, v3;
	_ =	sdelay $0x1  }
0x332: {  	v8 =	vperm.xlane v8, v6;
	v9 =	vadd.s32 v4, v9;
	_ =	sdelay $0x1  }
0x333: {  	v8 =	vadd.s32 v4, v8;
	_ =	sdelay $0x1  }
0x334: {  	s10 =	simm.s32 $0xFC00  }
0x335: {  	[tilespmem:s10], [sflag:$0x4] =	stream.indirect_vreg.gather [hbm4b:s1+s3], $0x80, v9, vm0, $0xb8;
	[tilespmem:$0x1BC00] =	vst v63  }
0x336: {  	s18 =	simm.s32 $0x10400  }
0x337: {  	[tilespmem:s18], [sflag:$0x4] =	stream.indirect_vreg.gather [hbm4b:s1+s3], $0x80, v8, vm0, $0xb8;
	[tilespmem:$0x1BC00] =	vst v63  }
0x338: {  	v8 =	vld [tilespmem:s9+$0x14D0];
	_ =	sdelay $0x4  }
0x339: {  	v57 =	vshll.u32 v8, $0x1  }
0x33a: {  	v8 =	vand.u32 $0x7, v8;
	v9 =	vand.u32 $0xFFFFFFF0, v57  }
0x33b: {  	v8 =	vor.u32 v8, v9  }
0x33c: {  	v9 =	vperm.xlane v8, v3;
	_ =	sdelay $0x1  }
0x33d: {  	v8 =	vperm.xlane v8, v6;
	v9 =	vadd.s32 v4, v9;
	_ =	sdelay $0x1  }
0x33e: {  	v8 =	vadd.s32 v4, v8;
	_ =	sdelay $0x1  }
0x33f: {  	s11 =	simm.s32 $0x10C00  }
0x340: {  	[tilespmem:s11], [sflag:$0x4] =	stream.indirect_vreg.gather [hbm4b:s1+s3], $0x80, v9, vm0, $0xb8;
	[tilespmem:$0x1BC00] =	vst v63  }
0x341: {  	s12 =	simm.s32 $0x11400  }
0x342: {  	[tilespmem:s12], [sflag:$0x4] =	stream.indirect_vreg.gather [hbm4b:s1+s3], $0x80, v8, vm0, $0xb8;
	[tilespmem:$0x1BC00] =	vst v63  }
0x343: {  	v8 =	vld [tilespmem:s9+$0x14E0];
	_ =	sdelay $0x4  }
0x344: {  	v58 =	vshll.u32 v8, $0x1  }
0x345: {  	v8 =	vand.u32 $0x7, v8;
	v9 =	vand.u32 $0xFFFFFFF0, v58  }
0x346: {  	v8 =	vor.u32 v8, v9  }
0x347: {  	v9 =	vperm.xlane v8, v3;
	_ =	sdelay $0x1  }
0x348: {  	v8 =	vperm.xlane v8, v6;
	v9 =	vadd.s32 v4, v9;
	_ =	sdelay $0x1  }
0x349: {  	v8 =	vadd.s32 v4, v8;
	_ =	sdelay $0x1  }
0x34a: {  	s13 =	simm.s32 $0x11C00  }
0x34b: {  	[tilespmem:s13], [sflag:$0x4] =	stream.indirect_vreg.gather [hbm4b:s1+s3], $0x80, v9, vm0, $0xb8;
	[tilespmem:$0x1BC00] =	vst v63  }
0x34c: {  	s14 =	simm.s32 $0x12400  }
0x34d: {  	[tilespmem:s14], [sflag:$0x4] =	stream.indirect_vreg.gather [hbm4b:s1+s3], $0x80, v8, vm0, $0xb8;
	[tilespmem:$0x1BC00] =	vst v63  }
0x34e: {  	v8 =	vld [tilespmem:s9+$0x14F0];
	_ =	sdelay $0x4  }
0x34f: {  	v59 =	vshll.u32 v8, $0x1  }
0x350: {  	v8 =	vand.u32 $0x7, v8;
	v9 =	vand.u32 $0xFFFFFFF0, v59  }
0x351: {  	v8 =	vor.u32 v8, v9  }
0x352: {  	v9 =	vperm.xlane v8, v3;
	_ =	sdelay $0x1  }
0x353: {  	v8 =	vperm.xlane v8, v6;
	v9 =	vadd.s32 v4, v9;
	_ =	sdelay $0x1  }
0x354: {  	v8 =	vadd.s32 v4, v8;
	_ =	sdelay $0x1  }
0x355: {  	s15 =	simm.s32 $0x12C00  }
0x356: {  	[tilespmem:s15], [sflag:$0x4] =	stream.indirect_vreg.gather [hbm4b:s1+s3], $0x80, v9, vm0, $0xb8;
	[tilespmem:$0x1BC00] =	vst v63  }
0x357: {  	s16 =	simm.s32 $0x13400  }
0x358: {  	[tilespmem:s16], [sflag:$0x4] =	stream.indirect_vreg.gather [hbm4b:s1+s3], $0x80, v8, vm0, $0xb8;
	[tilespmem:$0x1BC00] =	vst v63  }
0x359: {  	v8 =	vld [tilespmem:s9+$0xC0];
	_ =	sdelay $0x4  }
0x35a: {  	v60 =	vshll.u32 v8, $0x1  }
0x35b: {  	v8 =	vand.u32 $0x7, v8;
	v9 =	vand.u32 $0xFFFFFFF0, v60  }
0x35c: {  	v8 =	vor.u32 v8, v9  }
0x35d: {  	v9 =	vperm.xlane v8, v3;
	_ =	sdelay $0x1  }
0x35e: {  	v8 =	vperm.xlane v8, v6;
	v9 =	vadd.s32 v4, v9;
	_ =	sdelay $0x1  }
0x35f: {  	v8 =	vadd.s32 v4, v8;
	_ =	sdelay $0x1  }
0x360: {  	s18 =	simm.s32 $0x3C00  }
0x361: {  	[tilespmem:s18], [sflag:$0x1] =	stream.indirect_vreg.gather [hbm4b:s1+s3], $0x80, v9, vm0, $0xb8;
	[tilespmem:$0x1BC00] =	vst v63  }
0x362: {  	s11 =	simm.s32 $0x4400  }
0x363: {  	[tilespmem:s11], [sflag:$0x1] =	stream.indirect_vreg.gather [hbm4b:s1+s3], $0x80, v8, vm0, $0xb8;
	[tilespmem:$0x1BC00] =	vst v63  }
0x364: {  	v8 =	vld [tilespmem:s9+$0xD0];
	_ =	sdelay $0x4  }
0x365: {  	v61 =	vshll.u32 v8, $0x1  }
0x366: {  	v8 =	vand.u32 $0x7, v8;
	v9 =	vand.u32 $0xFFFFFFF0, v61  }
0x367: {  	v8 =	vor.u32 v8, v9  }
0x368: {  	v9 =	vperm.xlane v8, v3;
	_ =	sdelay $0x1  }
0x369: {  	v8 =	vperm.xlane v8, v6;
	v9 =	vadd.s32 v4, v9;
	_ =	sdelay $0x1  }
0x36a: {  	v8 =	vadd.s32 v4, v8;
	_ =	sdelay $0x1  }
0x36b: {  	s12 =	simm.s32 $0x4C00  }
0x36c: {  	[tilespmem:s12], [sflag:$0x1] =	stream.indirect_vreg.gather [hbm4b:s1+s3], $0x80, v9, vm0, $0xb8;
	[tilespmem:$0x1BC00] =	vst v63  }
0x36d: {  	s13 =	simm.s32 $0x5400  }
0x36e: {  	[tilespmem:s13], [sflag:$0x1] =	stream.indirect_vreg.gather [hbm4b:s1+s3], $0x80, v8, vm0, $0xb8;
	[tilespmem:$0x1BC00] =	vst v63  }
0x36f: {  	v8 =	vld [tilespmem:s9+$0xE0];
	_ =	sdelay $0x4  }
0x370: {  	v62 =	vshll.u32 v8, $0x1  }
0x371: {  	v8 =	vand.u32 $0x7, v8;
	v9 =	vand.u32 $0xFFFFFFF0, v62  }
0x372: {  	v8 =	vor.u32 v8, v9  }
0x373: {  	v9 =	vperm.xlane v8, v3;
	_ =	sdelay $0x1  }
0x374: {  	v8 =	vperm.xlane v8, v6;
	v9 =	vadd.s32 v4, v9;
	_ =	sdelay $0x1  }
0x375: {  	v8 =	vadd.s32 v4, v8;
	_ =	sdelay $0x1  }
0x376: {  	s14 =	simm.s32 $0x5C00  }
0x377: {  	[tilespmem:s14], [sflag:$0x1] =	stream.indirect_vreg.gather [hbm4b:s1+s3], $0x80, v9, vm0, $0xb8;
	[tilespmem:$0x1BC00] =	vst v63  }
0x378: {  	s15 =	simm.s32 $0x6400  }
0x379: {  	[tilespmem:s15], [sflag:$0x1] =	stream.indirect_vreg.gather [hbm4b:s1+s3], $0x80, v8, vm0, $0xb8;
	[tilespmem:$0x1BC00] =	vst v63  }
0x37a: {  	v8 =	vld [tilespmem:s9+$0xF0];
	_ =	sdelay $0x4  }
0x37b: {  	v63 =	vshll.u32 v8, $0x1  }
0x37c: {  	v8 =	vand.u32 $0x7, v8;
	v9 =	vand.u32 $0xFFFFFFF0, v63  }
0x37d: {  	v8 =	vor.u32 v8, v9  }
0x37e: {  	v9 =	vperm.xlane v8, v3;
	_ =	sdelay $0x1  }
0x37f: {  	v8 =	vperm.xlane v8, v6;
	v9 =	vadd.s32 v4, v9;
	_ =	sdelay $0x1  }
0x380: {  	v8 =	vadd.s32 v4, v8;
	_ =	sdelay $0x1  }
0x381: {  	s16 =	simm.s32 $0x6C00  }
0x382: {  	[tilespmem:s16], [sflag:$0x1] =	stream.indirect_vreg.gather [hbm4b:s1+s3], $0x80, v9, vm0, $0xb8;
	[tilespmem:$0x1BC00] =	vst v63  }
0x383: {  	s18 =	simm.s32 $0x7400  }
0x384: {  	[tilespmem:s18], [sflag:$0x1] =	stream.indirect_vreg.gather [hbm4b:s1+s3], $0x80, v8, vm0, $0xb8;
	[tilespmem:$0x1BC00] =	vst v63  }
.LBB2_12:
0x385: {  	_ =	swait.ge [sflag:s8], $0x4000  }
0x386: {  	[sflag:s8] =	ssyncset.done $0x0  }
0x387: {  	[sflag:s8] =	ssyncadd.s32 $0xFFFFC000  }
0x388: {  	s11 =	simm.s32 $0x0;
	_ =	swait.ge [sflag:s5], $0x4000  }
0x389: {  	s10 =	sand.u32 $0x800, s11;
	s12 =	sand.u32 $0x380, s11;
	[sflag:s5] =	ssyncset.done $0x0  }
0x38a: {  	s12 =	sor.u32 s12, s10;
	[sflag:s5] =	ssyncadd.s32 $0xFFFFC000  }
0x38b: {  	v8 =	vld [tilespmem:s12+$0x13C00]  }
0x38c: {  	v9 =	vld [tilespmem:s12+$0x7C00]  }
0x38d: {  	v10 =	vld [tilespmem:s12+$0x13C10]  }
0x38e: {  	v11 =	vld [tilespmem:s12+$0x7C10]  }
0x38f: {  	v12 =	vld [tilespmem:s12+$0x13C20]  }
0x390: {  	v13 =	vld [tilespmem:s12+$0x7C20]  }
0x391: {  	v14 =	vld [tilespmem:s12+$0x13C30]  }
0x392: {  	v15 =	vld [tilespmem:s12+$0x7C30]  }
0x393: {  	v16 =	vld [tilespmem:s12+$0x13C40];
	v8 =	vmul.f32 v9, v8;
	v9 =	vmul.f32 v11, v10  }
0x394: {  	v10 =	vld [tilespmem:s12+$0x7C40]  }
0x395: {  	v11 =	vld [tilespmem:s12+$0x13C50];
	v8 =	vadd.f32 v9, v8;
	v9 =	vmul.f32 v13, v12  }
0x396: {  	v12 =	vld [tilespmem:s12+$0x7C50]  }
0x397: {  	v13 =	vld [tilespmem:s12+$0x13C60];
	v8 =	vadd.f32 v9, v8;
	v9 =	vmul.f32 v15, v14  }
0x398: {  	v14 =	vld [tilespmem:s12+$0x7C60]  }
0x399: {  	v15 =	vld [tilespmem:s12+$0x13C70];
	v8 =	vadd.f32 v9, v8;
	v9 =	vmul.f32 v10, v16  }
0x39a: {  	v10 =	vld [tilespmem:s12+$0x7C70]  }
0x39b: {  	v16 =	vld [tilespmem:s12+$0x14000];
	v8 =	vadd.f32 v9, v8;
	v9 =	vmul.f32 v12, v11  }
0x39c: {  	v11 =	vld [tilespmem:s12+$0x8000]  }
0x39d: {  	v12 =	vld [tilespmem:s12+$0x14010];
	v8 =	vadd.f32 v9, v8;
	v9 =	vmul.f32 v14, v13  }
0x39e: {  	v13 =	vld [tilespmem:s12+$0x8010]  }
0x39f: {  	v14 =	vld [tilespmem:s12+$0x14020];
	v8 =	vadd.f32 v9, v8;
	v9 =	vmul.f32 v10, v15  }
0x3a0: {  	v10 =	vld [tilespmem:s12+$0x8020]  }
0x3a1: {  	v15 =	vld [tilespmem:s12+$0x14030];
	v8 =	vadd.f32 v9, v8;
	v9 =	vmul.f32 v11, v16  }
0x3a2: {  	v11 =	vld [tilespmem:s12+$0x8030]  }
0x3a3: {  	v16 =	vld [tilespmem:s12+$0x14040];
	v8 =	vadd.f32 v9, v8;
	v9 =	vmul.f32 v13, v12  }
0x3a4: {  	v12 =	vld [tilespmem:s12+$0x8040]  }
0x3a5: {  	v17 =	vld [tilespmem:s12+$0x14050];
	v10 =	vmul.f32 v10, v14;
	v8 =	vadd.f32 v9, v8  }
0x3a6: {  	v14 =	vld [tilespmem:s12+$0x8050]  }
0x3a7: {  	v9 =	vld [tilespmem:s12+$0x14060];
	v13 =	vmul.f32 v11, v15;
	v8 =	vadd.f32 v10, v8  }
0x3a8: {  	s18 =	simm.s32 $0x100;
	s10 =	simm.s32 $0x80;
	v10 =	vld [tilespmem:s12+$0x8060]  }
0x3a9: {  	s13 =	sand.u32 $0x800, s18;
	s14 =	sand.u32 $0x380, s10;
	v11 =	vld [tilespmem:s12+$0x14070];
	v16 =	vmul.f32 v12, v16;
	v13 =	vadd.f32 v13, v8  }
0x3aa: {  	s13 =	sor.u32 s14, s13;
	v12 =	vld [tilespmem:s12+$0x8070]  }
0x3ab: {  	v15 =	vld [tilespmem:s13+$0x13C00];
	v14 =	vmul.f32 v14, v17;
	v13 =	vadd.f32 v16, v13  }
0x3ac: {  	s14 =	simm.s32 $0x2;
	s12 =	simm.s32 $0x1;
	v8 =	vimm.f32 $0.0e+00;
	v16 =	vld [tilespmem:s13+$0x7C00]  }
.LBB2_13:
0x3ad: {  	p1 =	sne.s32 s14, $0xF;
	v17 =	vld [tilespmem:s13+$0x13C10];
	v13 =	vadd.f32 v14, v13;
	v9 =	vmul.f32 v10, v9  }
0x3ae: {  	v10 =	vld [tilespmem:s13+$0x7C10]  }
0x3af: {  	v14 =	vld [tilespmem:s13+$0x13C20];
	v9 =	vadd.f32 v9, v13;
	v11 =	vmul.f32 v12, v11  }
0x3b0: {  	v12 =	vld [tilespmem:s13+$0x7C20]  }
0x3b1: {  	v13 =	vld [tilespmem:s13+$0x13C30];
	v9 =	vadd.f32 v11, v9  }
0x3b2: {  	v11 =	vmul.f32 v16, v15;
	v15 =	vld [tilespmem:s13+$0x7C30]  }
0x3b3: {  	v10 =	vmul.f32 v10, v17;
	v16 =	vld [tilespmem:s13+$0x13C40];
	v17 =	vperm.xlane v9, v1  }
0x3b4: {  	v18 =	vld [tilespmem:s13+$0x7C40]  }
0x3b5: {  	v10 =	vadd.f32 v10, v11;
	v11 =	vmul.f32 v12, v14;
	v12 =	vld [tilespmem:s13+$0x13C50];
	v9 =	vadd.f32 v9, v17  }
0x3b6: {  	v14 =	vld [tilespmem:s13+$0x7C50]  }
0x3b7: {  	v10 =	vadd.f32 v11, v10;
	v11 =	vmul.f32 v15, v13;
	v13 =	vld [tilespmem:s13+$0x13C60];
	v15 =	vperm.xlane v9, v2  }
0x3b8: {  	v17 =	vld [tilespmem:s13+$0x7C60]  }
0x3b9: {  	v10 =	vadd.f32 v11, v10;
	v11 =	vmul.f32 v18, v16;
	v16 =	vld [tilespmem:s13+$0x13C70];
	v9 =	vadd.f32 v9, v15  }
0x3ba: {  	v15 =	vld [tilespmem:s13+$0x7C70]  }
0x3bb: {  	v10 =	vadd.f32 v11, v10;
	v11 =	vmul.f32 v14, v12;
	v12 =	vld [tilespmem:s13+$0x14000];
	v14 =	vperm.xlane v9, v5  }
0x3bc: {  	v18 =	vld [tilespmem:s13+$0x8000]  }
0x3bd: {  	v10 =	vadd.f32 v11, v10;
	v11 =	vmul.f32 v17, v13;
	v13 =	vld [tilespmem:s13+$0x14010];
	v9 =	vadd.f32 v9, v14  }
0x3be: {  	v14 =	vld [tilespmem:s13+$0x8010]  }
0x3bf: {  	v10 =	vadd.f32 v11, v10;
	v11 =	vmul.f32 v15, v16;
	v15 =	vld [tilespmem:s13+$0x14020];
	v16 =	vperm.xlane v9, v7  }
0x3c0: {  	v19 =	vmov s11;
	s11 =	smov.u32 s12;
	s12 =	smov.u32 s14;
	v17 =	vld [tilespmem:s13+$0x8020]  }
0x3c1: {  	v10 =	vadd.f32 v11, v10;
	v11 =	vmul.f32 v18, v12;
	v12 =	vld [tilespmem:s13+$0x14030];
	v9 =	vadd.f32 v9, v16  }
0x3c2: {  	vm1 =	veq.s32 v19, v0;
	v16 =	vld [tilespmem:s13+$0x8030]  }
0x3c3: {  	v10 =	vadd.f32 v11, v10;
	v11 =	vmul.f32 v14, v13;
	v13 =	vld [tilespmem:s13+$0x14040];
	v8 =	vsel vm1, v9, v8  }
0x3c4: {  	v14 =	vld [tilespmem:s13+$0x8040]  }
0x3c5: {  	v9 =	vadd.f32 v11, v10;
	v10 =	vmul.f32 v17, v15;
	v17 =	vld [tilespmem:s13+$0x14050]  }
0x3c6: {  	v18 =	vld [tilespmem:s13+$0x8050]  }
0x3c7: {  	v11 =	vadd.f32 v10, v9;
	v12 =	vmul.f32 v16, v12;
	v9 =	vld [tilespmem:s13+$0x14060]  }
.Ltmp5:
0x3c8: {  	s10 =	sadd.s32 $0x80, s10;
	s18 =	sadd.s32 $0x100, s18;
	v10 =	vld [tilespmem:s13+$0x8060];
	(pc) =	sbr.rel @p1 .LBB2_13-.Ltmp5, $4  }
0x3c9: {  	s15 =	sand.u32 $0x800, s18;
	s16 =	sand.u32 $0x380, s10;
	v16 =	vadd.f32 v12, v11;
	v13 =	vmul.f32 v14, v13;
	v11 =	vld [tilespmem:s13+$0x14070]  }
0x3ca: {  	v12 =	vld [tilespmem:s13+$0x8070];
	s13 =	sor.u32 s16, s15  }
0x3cb: {  	v15 =	vld [tilespmem:s13+$0x13C00];
	v13 =	vadd.f32 v13, v16;
	v14 =	vmul.f32 v18, v17  }
0x3cc: {  	s14 =	sadd.s32 $0x1, s14;
	v16 =	vld [tilespmem:s13+$0x7C00]  }
0x3cd: {  	v17 =	vld [tilespmem:s13+$0x13C10]  }
0x3ce: {  	v18 =	vld [tilespmem:s13+$0x7C10]  }
0x3cf: {  	v19 =	vld [tilespmem:s13+$0x13C20]  }
0x3d0: {  	v20 =	vld [tilespmem:s13+$0x7C20]  }
0x3d1: {  	v21 =	vld [tilespmem:s13+$0x13C30]  }
0x3d2: {  	v22 =	vld [tilespmem:s13+$0x7C30]  }
0x3d3: {  	v15 =	vmul.f32 v16, v15;
	v16 =	vmul.f32 v18, v17;
	v17 =	vld [tilespmem:s13+$0x13C40]  }
0x3d4: {  	v18 =	vld [tilespmem:s13+$0x7C40]  }
0x3d5: {  	v52 =	vld [tilespmem:s13+$0x7C50];
	v15 =	vadd.f32 v16, v15;
	v16 =	vmul.f32 v20, v19  }
0x3d6: {  	v19 =	vld [tilespmem:s13+$0x13C50]  }
0x3d7: {  	v53 =	vld [tilespmem:s13+$0x13C60];
	v15 =	vadd.f32 v16, v15;
	v16 =	vmul.f32 v22, v21  }
0x3d8: {  	v54 =	vld [tilespmem:s13+$0x7C60]  }
0x3d9: {  	v15 =	vadd.f32 v16, v15;
	v16 =	vmul.f32 v18, v17;
	v17 =	vld [tilespmem:s13+$0x13C70]  }
0x3da: {  	v18 =	vld [tilespmem:s13+$0x7C70]  }
0x3db: {  	v55 =	vld [tilespmem:s13+$0x8000];
	v15 =	vadd.f32 v16, v15;
	v16 =	vmul.f32 v52, v19  }
0x3dc: {  	v19 =	vld [tilespmem:s13+$0x14000]  }
0x3dd: {  	v56 =	vld [tilespmem:s13+$0x14010];
	v15 =	vadd.f32 v16, v15;
	v16 =	vmul.f32 v54, v53  }
0x3de: {  	v57 =	vld [tilespmem:s13+$0x8010]  }
0x3df: {  	v15 =	vadd.f32 v16, v15;
	v16 =	vmul.f32 v18, v17;
	v17 =	vld [tilespmem:s13+$0x14020]  }
0x3e0: {  	v18 =	vld [tilespmem:s13+$0x8020]  }
0x3e1: {  	v58 =	vld [tilespmem:s13+$0x8030];
	v15 =	vadd.f32 v16, v15;
	v16 =	vmul.f32 v55, v19  }
0x3e2: {  	v19 =	vld [tilespmem:s13+$0x14030]  }
0x3e3: {  	v59 =	vld [tilespmem:s13+$0x14040];
	v15 =	vadd.f32 v16, v15;
	v16 =	vmul.f32 v57, v56  }
0x3e4: {  	v60 =	vld [tilespmem:s13+$0x8040]  }
0x3e5: {  	v15 =	vadd.f32 v16, v15;
	v16 =	vmul.f32 v18, v17;
	v17 =	vld [tilespmem:s13+$0x14050]  }
0x3e6: {  	v18 =	vld [tilespmem:s13+$0x8050]  }
0x3e7: {  	v61 =	vld [tilespmem:s13+$0x8060];
	v15 =	vadd.f32 v16, v15;
	v16 =	vmul.f32 v58, v19  }
0x3e8: {  	v19 =	vld [tilespmem:s13+$0x14060]  }
0x3e9: {  	v62 =	vld [tilespmem:s13+$0x14070];
	v15 =	vadd.f32 v16, v15;
	v16 =	vmul.f32 v60, v59  }
0x3ea: {  	v63 =	vld [tilespmem:s13+$0x8070]  }
0x3eb: {  	v15 =	vadd.f32 v16, v15;
	v16 =	vmul.f32 v18, v17  }
0x3ec: {  	v13 =	vadd.f32 v14, v13;
	v9 =	vmul.f32 v10, v9  }
0x3ed: {  	v14 =	vmul.f32 v61, v19;
	v10 =	vadd.f32 v16, v15  }
0x3ee: {  	v9 =	vadd.f32 v9, v13;
	v11 =	vmul.f32 v12, v11  }
0x3ef: {  	v12 =	vmul.f32 v63, v62;
	v10 =	vadd.f32 v14, v10  }
0x3f0: {  	v9 =	vadd.f32 v11, v9  }
0x3f1: {  	v10 =	vadd.f32 v12, v10  }
0x3f2: {  	v11 =	vperm.xlane v9, v1  }
0x3f3: {  	v12 =	vperm.xlane v10, v1  }
0x3f4: {  	v9 =	vadd.f32 v9, v11  }
0x3f5: {  	v10 =	vadd.f32 v10, v12  }
0x3f6: {  	v11 =	vperm.xlane v9, v2  }
0x3f7: {  	v12 =	vperm.xlane v10, v2  }
0x3f8: {  	v9 =	vadd.f32 v9, v11  }
0x3f9: {  	v10 =	vadd.f32 v10, v12  }
0x3fa: {  	v11 =	vperm.xlane v9, v5  }
0x3fb: {  	v12 =	vperm.xlane v10, v5  }
0x3fc: {  	v9 =	vadd.f32 v9, v11  }
0x3fd: {  	v10 =	vadd.f32 v10, v12  }
0x3fe: {  	v11 =	vperm.xlane v9, v7  }
0x3ff: {  	v12 =	vperm.xlane v10, v7  }
0x400: {  	v13 =	vmov s11;
	v9 =	vadd.f32 v9, v11  }
0x401: {  	vm1 =	veq.s32 v13, v0;
	v11 =	vmov s12;
	v10 =	vadd.f32 v10, v12  }
0x402: {  	v8 =	vsel vm1, v9, v8;
	vm1 =	veq.s32 v11, v0  }
0x403: {  	v8 =	vsel vm1, v10, v8  }
0x404: {  	v8 =	vsub.f32 $0.0e+00, v8;
	_ =	sdelay $0x1  }
0x405: {  	v8 =	vmul.f32 $1.442695020e+00, v8;
	_ =	sdelay $0x1  }
0x406: {  	(erf) = vpow2.f32 v8;
	_ =	sdelay $0x8  }
0x407: {  	v8 =	vpop (erf)  }
0x408: {  	v8 =	vadd.f32 $1.000000000e+00, v8;
	_ =	sdelay $0x1  }
0x409: {  	(erf) = vrcp.f32 v8;
	_ =	sdelay $0x7  }
0x40a: {  	s11 =	simm.s32 $0x0  }
0x40b: {  	s10 =	sand.u32 $0x800, s11;
	s14 =	sand.u32 $0x380, s11;
	v8 =	vpop (erf)  }
0x40c: {  	s10 =	sor.u32 s14, s10;
	[tilespmem:s9+$0x2840] =	vst v8  }
0x40d: {  	v8 =	vld [tilespmem:s10+$0x14C00]  }
0x40e: {  	v9 =	vld [tilespmem:s10+$0x8C00]  }
0x40f: {  	v10 =	vld [tilespmem:s10+$0x14C10]  }
0x410: {  	v11 =	vld [tilespmem:s10+$0x8C10]  }
0x411: {  	v12 =	vld [tilespmem:s10+$0x14C20]  }
0x412: {  	v13 =	vld [tilespmem:s10+$0x8C20]  }
0x413: {  	v14 =	vld [tilespmem:s10+$0x14C30]  }
0x414: {  	v15 =	vld [tilespmem:s10+$0x8C30]  }
0x415: {  	v16 =	vld [tilespmem:s10+$0x14C40];
	v8 =	vmul.f32 v9, v8;
	v9 =	vmul.f32 v11, v10  }
0x416: {  	v10 =	vld [tilespmem:s10+$0x8C40]  }
0x417: {  	v11 =	vld [tilespmem:s10+$0x14C50];
	v8 =	vadd.f32 v9, v8;
	v9 =	vmul.f32 v13, v12  }
0x418: {  	v12 =	vld [tilespmem:s10+$0x8C50]  }
0x419: {  	v13 =	vld [tilespmem:s10+$0x14C60];
	v8 =	vadd.f32 v9, v8;
	v9 =	vmul.f32 v15, v14  }
0x41a: {  	s15 =	sand.u32 $0xFFFFF800, s11;
	v14 =	vld [tilespmem:s10+$0x8C60]  }
0x41b: {  	s12 =	sadd.s32 $0x0, s15;
	v15 =	vld [tilespmem:s10+$0x14C70];
	v8 =	vadd.f32 v9, v8;
	v9 =	vmul.f32 v10, v16  }
0x41c: {  	s16 =	sor.u32 $0x1400, s12;
	v10 =	vld [tilespmem:s10+$0x8C70]  }
0x41d: {  	v16 =	vld [tilespmem:s16+$0x13C00];
	v8 =	vadd.f32 v9, v8;
	v9 =	vmul.f32 v12, v11  }
0x41e: {  	s18 =	sor.u32 $0x1410, s12;
	v11 =	vld [tilespmem:s16+$0x7C00]  }
0x41f: {  	v12 =	vld [tilespmem:s18+$0x13C00];
	v8 =	vadd.f32 v9, v8;
	v9 =	vmul.f32 v14, v13  }
0x420: {  	s13 =	sor.u32 $0x1420, s12;
	v13 =	vld [tilespmem:s18+$0x7C00]  }
0x421: {  	v14 =	vld [tilespmem:s13+$0x13C00];
	v8 =	vadd.f32 v9, v8;
	v9 =	vmul.f32 v10, v15  }
0x422: {  	s14 =	sor.u32 $0x1430, s12;
	v10 =	vld [tilespmem:s13+$0x7C00]  }
0x423: {  	v15 =	vld [tilespmem:s14+$0x13C00];
	v8 =	vadd.f32 v9, v8;
	v9 =	vmul.f32 v11, v16  }
0x424: {  	s15 =	sor.u32 $0x1440, s12;
	v11 =	vld [tilespmem:s14+$0x7C00]  }
0x425: {  	v16 =	vld [tilespmem:s15+$0x13C00];
	v8 =	vadd.f32 v9, v8;
	v9 =	vmul.f32 v13, v12  }
0x426: {  	s16 =	sor.u32 $0x1450, s12;
	v12 =	vld [tilespmem:s15+$0x7C00]  }
0x427: {  	v17 =	vld [tilespmem:s16+$0x13C00];
	v10 =	vmul.f32 v10, v14;
	v8 =	vadd.f32 v9, v8  }
0x428: {  	s18 =	sor.u32 $0x1460, s12;
	v14 =	vld [tilespmem:s16+$0x7C00]  }
0x429: {  	v9 =	vld [tilespmem:s18+$0x13C00];
	v13 =	vmul.f32 v11, v15;
	v8 =	vadd.f32 v10, v8  }
0x42a: {  	s10 =	simm.s32 $0x100;
	s12 =	sor.u32 $0x1470, s12;
	s13 =	simm.s32 $0x80;
	v10 =	vld [tilespmem:s18+$0x7C00]  }
0x42b: {  	s14 =	sand.u32 $0x800, s10;
	s15 =	sand.u32 $0x380, s13;
	v11 =	vld [tilespmem:s12+$0x13C00];
	v16 =	vmul.f32 v12, v16;
	v13 =	vadd.f32 v13, v8  }
0x42c: {  	s14 =	sor.u32 s15, s14;
	v12 =	vld [tilespmem:s12+$0x7C00]  }
0x42d: {  	v15 =	vld [tilespmem:s14+$0x14C00];
	v14 =	vmul.f32 v14, v17;
	v13 =	vadd.f32 v16, v13  }
0x42e: {  	s18 =	simm.s32 $0x2;
	s12 =	simm.s32 $0x1;
	v8 =	vimm.f32 $0.0e+00;
	v16 =	vld [tilespmem:s14+$0x8C00]  }
.LBB2_15:
0x42f: {  	p1 =	sne.s32 s18, $0xF;
	v17 =	vld [tilespmem:s14+$0x14C10];
	v13 =	vadd.f32 v14, v13;
	v9 =	vmul.f32 v10, v9  }
0x430: {  	v10 =	vld [tilespmem:s14+$0x8C10]  }
0x431: {  	v14 =	vld [tilespmem:s14+$0x14C20];
	v9 =	vadd.f32 v9, v13;
	v11 =	vmul.f32 v12, v11  }
0x432: {  	v12 =	vld [tilespmem:s14+$0x8C20]  }
0x433: {  	v13 =	vld [tilespmem:s14+$0x14C30];
	v9 =	vadd.f32 v11, v9  }
0x434: {  	v11 =	vmul.f32 v16, v15;
	v15 =	vld [tilespmem:s14+$0x8C30]  }
0x435: {  	v10 =	vmul.f32 v10, v17;
	v16 =	vld [tilespmem:s14+$0x14C40];
	v17 =	vperm.xlane v9, v1  }
0x436: {  	v18 =	vld [tilespmem:s14+$0x8C40]  }
0x437: {  	v10 =	vadd.f32 v10, v11;
	v11 =	vmul.f32 v12, v14;
	v12 =	vld [tilespmem:s14+$0x14C50];
	v9 =	vadd.f32 v9, v17  }
0x438: {  	v14 =	vld [tilespmem:s14+$0x8C50]  }
0x439: {  	v10 =	vadd.f32 v11, v10;
	v11 =	vmul.f32 v15, v13;
	v13 =	vld [tilespmem:s14+$0x14C60];
	v15 =	vperm.xlane v9, v2  }
0x43a: {  	s15 =	sand.u32 $0xFFFFF800, s10;
	v17 =	vld [tilespmem:s14+$0x8C60]  }
0x43b: {  	s15 =	sadd.s32 s15, s13;
	v10 =	vadd.f32 v11, v10;
	v11 =	vmul.f32 v18, v16;
	v16 =	vld [tilespmem:s14+$0x14C70];
	v9 =	vadd.f32 v9, v15  }
0x43c: {  	v15 =	vld [tilespmem:s14+$0x8C70];
	s14 =	sor.u32 $0x1400, s15  }
0x43d: {  	v10 =	vadd.f32 v11, v10;
	v11 =	vmul.f32 v14, v12;
	v12 =	vld [tilespmem:s14+$0x13C00];
	v14 =	vperm.xlane v9, v5  }
0x43e: {  	v18 =	vld [tilespmem:s14+$0x7C00];
	s14 =	sor.u32 $0x1410, s15  }
0x43f: {  	v10 =	vadd.f32 v11, v10;
	v11 =	vmul.f32 v17, v13;
	v13 =	vld [tilespmem:s14+$0x13C00];
	v9 =	vadd.f32 v9, v14  }
0x440: {  	v14 =	vld [tilespmem:s14+$0x7C00];
	s14 =	sor.u32 $0x1420, s15  }
0x441: {  	v10 =	vadd.f32 v11, v10;
	v11 =	vmul.f32 v15, v16;
	v15 =	vld [tilespmem:s14+$0x13C00];
	v16 =	vperm.xlane v9, v7  }
0x442: {  	v19 =	vmov s11;
	s11 =	smov.u32 s12;
	s12 =	smov.u32 s18;
	v17 =	vld [tilespmem:s14+$0x7C00];
	s14 =	sor.u32 $0x1430, s15  }
0x443: {  	v10 =	vadd.f32 v11, v10;
	v11 =	vmul.f32 v18, v12;
	v12 =	vld [tilespmem:s14+$0x13C00];
	v9 =	vadd.f32 v9, v16  }
0x444: {  	vm1 =	veq.s32 v19, v0;
	v16 =	vld [tilespmem:s14+$0x7C00];
	s14 =	sor.u32 $0x1440, s15  }
0x445: {  	v10 =	vadd.f32 v11, v10;
	v11 =	vmul.f32 v14, v13;
	v13 =	vld [tilespmem:s14+$0x13C00];
	v8 =	vsel vm1, v9, v8  }
0x446: {  	v14 =	vld [tilespmem:s14+$0x7C00];
	s14 =	sor.u32 $0x1450, s15  }
0x447: {  	v9 =	vadd.f32 v11, v10;
	v10 =	vmul.f32 v17, v15;
	v17 =	vld [tilespmem:s14+$0x13C00]  }
0x448: {  	v18 =	vld [tilespmem:s14+$0x7C00];
	s14 =	sor.u32 $0x1460, s15  }
0x449: {  	s10 =	sadd.s32 $0x100, s10;
	v11 =	vadd.f32 v10, v9;
	v12 =	vmul.f32 v16, v12;
	v9 =	vld [tilespmem:s14+$0x13C00]  }
.Ltmp6:
0x44a: {  	s13 =	sadd.s32 $0x80, s13;
	s15 =	sor.u32 $0x1470, s15;
	v10 =	vld [tilespmem:s14+$0x7C00];
	(pc) =	sbr.rel @p1 .LBB2_15-.Ltmp6, $4  }
0x44b: {  	s16 =	sand.u32 $0x380, s13;
	s14 =	sand.u32 $0x800, s10;
	v16 =	vadd.f32 v12, v11;
	v13 =	vmul.f32 v14, v13;
	v11 =	vld [tilespmem:s15+$0x13C00]  }
0x44c: {  	s14 =	sor.u32 s16, s14;
	v12 =	vld [tilespmem:s15+$0x7C00]  }
0x44d: {  	v15 =	vld [tilespmem:s14+$0x14C00];
	v13 =	vadd.f32 v13, v16;
	v14 =	vmul.f32 v18, v17  }
0x44e: {  	s18 =	sadd.s32 $0x1, s18;
	v16 =	vld [tilespmem:s14+$0x8C00]  }
0x44f: {  	v17 =	vld [tilespmem:s14+$0x14C10]  }
0x450: {  	v18 =	vld [tilespmem:s14+$0x8C10]  }
0x451: {  	v19 =	vld [tilespmem:s14+$0x14C20]  }
0x452: {  	v20 =	vld [tilespmem:s14+$0x8C20]  }
0x453: {  	v21 =	vld [tilespmem:s14+$0x14C30]  }
0x454: {  	v22 =	vld [tilespmem:s14+$0x8C30]  }
0x455: {  	v15 =	vmul.f32 v16, v15;
	v16 =	vmul.f32 v18, v17;
	v17 =	vld [tilespmem:s14+$0x14C40]  }
0x456: {  	v18 =	vld [tilespmem:s14+$0x8C40]  }
0x457: {  	v52 =	vld [tilespmem:s14+$0x8C50];
	v15 =	vadd.f32 v16, v15;
	v16 =	vmul.f32 v20, v19  }
0x458: {  	v19 =	vld [tilespmem:s14+$0x14C50]  }
0x459: {  	v53 =	vld [tilespmem:s14+$0x14C60];
	v15 =	vadd.f32 v16, v15;
	v16 =	vmul.f32 v22, v21  }
0x45a: {  	s10 =	sand.u32 $0xFFFFF800, s10;
	v54 =	vld [tilespmem:s14+$0x8C60]  }
0x45b: {  	s10 =	sadd.s32 s10, s13;
	v15 =	vadd.f32 v16, v15;
	v16 =	vmul.f32 v18, v17;
	v17 =	vld [tilespmem:s14+$0x14C70]  }
0x45c: {  	s13 =	sor.u32 $0x1400, s10;
	v18 =	vld [tilespmem:s14+$0x8C70]  }
0x45d: {  	v55 =	vld [tilespmem:s13+$0x7C00];
	v15 =	vadd.f32 v16, v15;
	v16 =	vmul.f32 v52, v19  }
0x45e: {  	s16 =	sor.u32 $0x1410, s10;
	v19 =	vld [tilespmem:s13+$0x13C00]  }
0x45f: {  	v56 =	vld [tilespmem:s16+$0x13C00];
	v15 =	vadd.f32 v16, v15;
	v16 =	vmul.f32 v54, v53  }
0x460: {  	s18 =	sor.u32 $0x1420, s10;
	v57 =	vld [tilespmem:s16+$0x7C00]  }
0x461: {  	v15 =	vadd.f32 v16, v15;
	v16 =	vmul.f32 v18, v17;
	v17 =	vld [tilespmem:s18+$0x13C00]  }
0x462: {  	s14 =	sor.u32 $0x1430, s10;
	v18 =	vld [tilespmem:s18+$0x7C00]  }
0x463: {  	v58 =	vld [tilespmem:s14+$0x7C00];
	v15 =	vadd.f32 v16, v15;
	v16 =	vmul.f32 v55, v19  }
0x464: {  	s15 =	sor.u32 $0x1440, s10;
	v19 =	vld [tilespmem:s14+$0x13C00]  }
0x465: {  	v59 =	vld [tilespmem:s15+$0x13C00];
	v15 =	vadd.f32 v16, v15;
	v16 =	vmul.f32 v57, v56  }
0x466: {  	v60 =	vld [tilespmem:s15+$0x7C00];
	s16 =	sor.u32 $0x1450, s10  }
0x467: {  	v15 =	vadd.f32 v16, v15;
	v16 =	vmul.f32 v18, v17;
	v17 =	vld [tilespmem:s16+$0x13C00]  }
0x468: {  	s18 =	sor.u32 $0x1460, s10;
	v18 =	vld [tilespmem:s16+$0x7C00]  }
0x469: {  	v61 =	vld [tilespmem:s18+$0x7C00];
	v15 =	vadd.f32 v16, v15;
	v16 =	vmul.f32 v58, v19  }
0x46a: {  	s10 =	sor.u32 $0x1470, s10;
	v19 =	vld [tilespmem:s18+$0x13C00]  }
0x46b: {  	v62 =	vld [tilespmem:s10+$0x13C00];
	v15 =	vadd.f32 v16, v15;
	v16 =	vmul.f32 v60, v59  }
0x46c: {  	v63 =	vld [tilespmem:s10+$0x7C00]  }
0x46d: {  	v15 =	vadd.f32 v16, v15;
	v16 =	vmul.f32 v18, v17  }
0x46e: {  	v13 =	vadd.f32 v14, v13;
	v9 =	vmul.f32 v10, v9  }
0x46f: {  	v14 =	vmul.f32 v61, v19;
	v10 =	vadd.f32 v16, v15  }
0x470: {  	v9 =	vadd.f32 v9, v13;
	v11 =	vmul.f32 v12, v11  }
0x471: {  	v12 =	vmul.f32 v63, v62;
	v10 =	vadd.f32 v14, v10  }
0x472: {  	v9 =	vadd.f32 v11, v9  }
0x473: {  	v10 =	vadd.f32 v12, v10  }
0x474: {  	v11 =	vperm.xlane v9, v1  }
0x475: {  	v12 =	vperm.xlane v10, v1  }
0x476: {  	v9 =	vadd.f32 v9, v11  }
0x477: {  	v10 =	vadd.f32 v10, v12  }
0x478: {  	v11 =	vperm.xlane v9, v2  }
0x479: {  	v12 =	vperm.xlane v10, v2  }
0x47a: {  	v9 =	vadd.f32 v9, v11  }
0x47b: {  	v10 =	vadd.f32 v10, v12  }
0x47c: {  	v11 =	vperm.xlane v9, v5  }
0x47d: {  	v12 =	vperm.xlane v10, v5  }
0x47e: {  	v9 =	vadd.f32 v9, v11  }
0x47f: {  	v10 =	vadd.f32 v10, v12  }
0x480: {  	v11 =	vperm.xlane v9, v7  }
0x481: {  	v12 =	vperm.xlane v10, v7  }
0x482: {  	v13 =	vmov s11;
	v9 =	vadd.f32 v9, v11  }
0x483: {  	vm1 =	veq.s32 v13, v0;
	v11 =	vmov s12;
	v10 =	vadd.f32 v10, v12  }
0x484: {  	v8 =	vsel vm1, v9, v8;
	vm1 =	veq.s32 v11, v0  }
0x485: {  	v8 =	vsel vm1, v10, v8  }
0x486: {  	v8 =	vsub.f32 $0.0e+00, v8;
	_ =	sdelay $0x1  }
0x487: {  	v8 =	vmul.f32 $1.442695020e+00, v8;
	_ =	sdelay $0x1  }
0x488: {  	(erf) = vpow2.f32 v8;
	_ =	sdelay $0x8  }
0x489: {  	v8 =	vpop (erf)  }
0x48a: {  	v8 =	vadd.f32 $1.000000000e+00, v8;
	_ =	sdelay $0x1  }
0x48b: {  	(erf) = vrcp.f32 v8;
	_ =	sdelay $0x7  }
0x48c: {  	s11 =	simm.s32 $0x0  }
0x48d: {  	s13 =	sand.u32 $0x380, s11;
	s12 =	sand.u32 $0x800, s11;
	v8 =	vpop (erf)  }
0x48e: {  	s10 =	sor.u32 s13, s12;
	[tilespmem:s9+$0x2850] =	vst v8  }
0x48f: {  	v8 =	vld [tilespmem:s10+$0x15C00]  }
0x490: {  	v9 =	vld [tilespmem:s10+$0x9C00]  }
0x491: {  	v10 =	vld [tilespmem:s10+$0x15C10]  }
0x492: {  	v11 =	vld [tilespmem:s10+$0x9C10]  }
0x493: {  	v12 =	vld [tilespmem:s10+$0x15C20]  }
0x494: {  	v13 =	vld [tilespmem:s10+$0x9C20]  }
0x495: {  	v14 =	vld [tilespmem:s10+$0x15C30]  }
0x496: {  	v15 =	vld [tilespmem:s10+$0x9C30]  }
0x497: {  	v16 =	vld [tilespmem:s10+$0x15C40];
	v8 =	vmul.f32 v9, v8;
	v9 =	vmul.f32 v11, v10  }
0x498: {  	v10 =	vld [tilespmem:s10+$0x9C40]  }
0x499: {  	v11 =	vld [tilespmem:s10+$0x15C50];
	v8 =	vadd.f32 v9, v8;
	v9 =	vmul.f32 v13, v12  }
0x49a: {  	v12 =	vld [tilespmem:s10+$0x9C50]  }
0x49b: {  	v13 =	vld [tilespmem:s10+$0x15C60];
	v8 =	vadd.f32 v9, v8;
	v9 =	vmul.f32 v15, v14  }
0x49c: {  	s14 =	sand.u32 $0xFFFFF800, s11;
	v14 =	vld [tilespmem:s10+$0x9C60]  }
0x49d: {  	s12 =	sadd.s32 $0x0, s14;
	v15 =	vld [tilespmem:s10+$0x15C70];
	v8 =	vadd.f32 v9, v8;
	v9 =	vmul.f32 v10, v16  }
0x49e: {  	s15 =	sor.u32 $0x2400, s12;
	v10 =	vld [tilespmem:s10+$0x9C70]  }
0x49f: {  	v16 =	vld [tilespmem:s15+$0x13C00];
	v8 =	vadd.f32 v9, v8;
	v9 =	vmul.f32 v12, v11  }
0x4a0: {  	s16 =	sor.u32 $0x2410, s12;
	v11 =	vld [tilespmem:s15+$0x7C00]  }
0x4a1: {  	v12 =	vld [tilespmem:s16+$0x13C00];
	v8 =	vadd.f32 v9, v8;
	v9 =	vmul.f32 v14, v13  }
0x4a2: {  	s18 =	sor.u32 $0x2420, s12;
	v13 =	vld [tilespmem:s16+$0x7C00]  }
0x4a3: {  	v14 =	vld [tilespmem:s18+$0x13C00];
	v8 =	vadd.f32 v9, v8;
	v9 =	vmul.f32 v10, v15  }
0x4a4: {  	s13 =	sor.u32 $0x2430, s12;
	v10 =	vld [tilespmem:s18+$0x7C00]  }
0x4a5: {  	v15 =	vld [tilespmem:s13+$0x13C00];
	v8 =	vadd.f32 v9, v8;
	v9 =	vmul.f32 v11, v16  }
0x4a6: {  	s14 =	sor.u32 $0x2440, s12;
	v11 =	vld [tilespmem:s13+$0x7C00]  }
0x4a7: {  	v16 =	vld [tilespmem:s14+$0x13C00];
	v8 =	vadd.f32 v9, v8;
	v9 =	vmul.f32 v13, v12  }
0x4a8: {  	s15 =	sor.u32 $0x2450, s12;
	v12 =	vld [tilespmem:s14+$0x7C00]  }
0x4a9: {  	v17 =	vld [tilespmem:s15+$0x13C00];
	v10 =	vmul.f32 v10, v14;
	v8 =	vadd.f32 v9, v8  }
0x4aa: {  	s16 =	sor.u32 $0x2460, s12;
	v14 =	vld [tilespmem:s15+$0x7C00]  }
0x4ab: {  	v9 =	vld [tilespmem:s16+$0x13C00];
	v13 =	vmul.f32 v11, v15;
	v8 =	vadd.f32 v10, v8  }
0x4ac: {  	s10 =	simm.s32 $0x100;
	s12 =	sor.u32 $0x2470, s12;
	s13 =	simm.s32 $0x80;
	v10 =	vld [tilespmem:s16+$0x7C00]  }
0x4ad: {  	s18 =	sand.u32 $0x800, s10;
	s15 =	sand.u32 $0x380, s13;
	v11 =	vld [tilespmem:s12+$0x13C00];
	v16 =	vmul.f32 v12, v16;
	v13 =	vadd.f32 v13, v8  }
0x4ae: {  	s14 =	sor.u32 s15, s18;
	v12 =	vld [tilespmem:s12+$0x7C00]  }
0x4af: {  	v15 =	vld [tilespmem:s14+$0x15C00];
	v14 =	vmul.f32 v14, v17;
	v13 =	vadd.f32 v16, v13  }
0x4b0: {  	s18 =	simm.s32 $0x2;
	s12 =	simm.s32 $0x1;
	v8 =	vimm.f32 $0.0e+00;
	v16 =	vld [tilespmem:s14+$0x9C00]  }
.LBB2_17:
0x4b1: {  	p1 =	sne.s32 s18, $0xF;
	v17 =	vld [tilespmem:s14+$0x15C10];
	v13 =	vadd.f32 v14, v13;
	v9 =	vmul.f32 v10, v9  }
0x4b2: {  	v10 =	vld [tilespmem:s14+$0x9C10]  }
0x4b3: {  	v14 =	vld [tilespmem:s14+$0x15C20];
	v9 =	vadd.f32 v9, v13;
	v11 =	vmul.f32 v12, v11  }
0x4b4: {  	v12 =	vld [tilespmem:s14+$0x9C20]  }
0x4b5: {  	v13 =	vld [tilespmem:s14+$0x15C30];
	v9 =	vadd.f32 v11, v9  }
0x4b6: {  	v11 =	vmul.f32 v16, v15;
	v15 =	vld [tilespmem:s14+$0x9C30]  }
0x4b7: {  	v10 =	vmul.f32 v10, v17;
	v16 =	vld [tilespmem:s14+$0x15C40];
	v17 =	vperm.xlane v9, v1  }
0x4b8: {  	v18 =	vld [tilespmem:s14+$0x9C40]  }
0x4b9: {  	v10 =	vadd.f32 v10, v11;
	v11 =	vmul.f32 v12, v14;
	v12 =	vld [tilespmem:s14+$0x15C50];
	v9 =	vadd.f32 v9, v17  }
0x4ba: {  	v14 =	vld [tilespmem:s14+$0x9C50]  }
0x4bb: {  	v10 =	vadd.f32 v11, v10;
	v11 =	vmul.f32 v15, v13;
	v13 =	vld [tilespmem:s14+$0x15C60];
	v15 =	vperm.xlane v9, v2  }
0x4bc: {  	s15 =	sand.u32 $0xFFFFF800, s10;
	v17 =	vld [tilespmem:s14+$0x9C60]  }
0x4bd: {  	s15 =	sadd.s32 s15, s13;
	v10 =	vadd.f32 v11, v10;
	v11 =	vmul.f32 v18, v16;
	v16 =	vld [tilespmem:s14+$0x15C70];
	v9 =	vadd.f32 v9, v15  }
0x4be: {  	v15 =	vld [tilespmem:s14+$0x9C70];
	s14 =	sor.u32 $0x2400, s15  }
0x4bf: {  	v10 =	vadd.f32 v11, v10;
	v11 =	vmul.f32 v14, v12;
	v12 =	vld [tilespmem:s14+$0x13C00];
	v14 =	vperm.xlane v9, v5  }
0x4c0: {  	v18 =	vld [tilespmem:s14+$0x7C00];
	s14 =	sor.u32 $0x2410, s15  }
0x4c1: {  	v10 =	vadd.f32 v11, v10;
	v11 =	vmul.f32 v17, v13;
	v13 =	vld [tilespmem:s14+$0x13C00];
	v9 =	vadd.f32 v9, v14  }
0x4c2: {  	v14 =	vld [tilespmem:s14+$0x7C00];
	s14 =	sor.u32 $0x2420, s15  }
0x4c3: {  	v10 =	vadd.f32 v11, v10;
	v11 =	vmul.f32 v15, v16;
	v15 =	vld [tilespmem:s14+$0x13C00];
	v16 =	vperm.xlane v9, v7  }
0x4c4: {  	v19 =	vmov s11;
	s11 =	smov.u32 s12;
	s12 =	smov.u32 s18;
	v17 =	vld [tilespmem:s14+$0x7C00];
	s14 =	sor.u32 $0x2430, s15  }
0x4c5: {  	v10 =	vadd.f32 v11, v10;
	v11 =	vmul.f32 v18, v12;
	v12 =	vld [tilespmem:s14+$0x13C00];
	v9 =	vadd.f32 v9, v16  }
0x4c6: {  	vm1 =	veq.s32 v19, v0;
	v16 =	vld [tilespmem:s14+$0x7C00];
	s14 =	sor.u32 $0x2440, s15  }
0x4c7: {  	v10 =	vadd.f32 v11, v10;
	v11 =	vmul.f32 v14, v13;
	v13 =	vld [tilespmem:s14+$0x13C00];
	v8 =	vsel vm1, v9, v8  }
0x4c8: {  	v14 =	vld [tilespmem:s14+$0x7C00];
	s14 =	sor.u32 $0x2450, s15  }
0x4c9: {  	v9 =	vadd.f32 v11, v10;
	v10 =	vmul.f32 v17, v15;
	v17 =	vld [tilespmem:s14+$0x13C00]  }
0x4ca: {  	v18 =	vld [tilespmem:s14+$0x7C00];
	s14 =	sor.u32 $0x2460, s15  }
0x4cb: {  	s10 =	sadd.s32 $0x100, s10;
	v11 =	vadd.f32 v10, v9;
	v12 =	vmul.f32 v16, v12;
	v9 =	vld [tilespmem:s14+$0x13C00]  }
.Ltmp7:
0x4cc: {  	s13 =	sadd.s32 $0x80, s13;
	s15 =	sor.u32 $0x2470, s15;
	v10 =	vld [tilespmem:s14+$0x7C00];
	(pc) =	sbr.rel @p1 .LBB2_17-.Ltmp7, $4  }
0x4cd: {  	s16 =	sand.u32 $0x380, s13;
	s14 =	sand.u32 $0x800, s10;
	v16 =	vadd.f32 v12, v11;
	v13 =	vmul.f32 v14, v13;
	v11 =	vld [tilespmem:s15+$0x13C00]  }
0x4ce: {  	s14 =	sor.u32 s16, s14;
	v12 =	vld [tilespmem:s15+$0x7C00]  }
0x4cf: {  	v15 =	vld [tilespmem:s14+$0x15C00];
	v13 =	vadd.f32 v13, v16;
	v14 =	vmul.f32 v18, v17  }
0x4d0: {  	s18 =	sadd.s32 $0x1, s18;
	v16 =	vld [tilespmem:s14+$0x9C00]  }
0x4d1: {  	v17 =	vld [tilespmem:s14+$0x15C10]  }
0x4d2: {  	v18 =	vld [tilespmem:s14+$0x9C10]  }
0x4d3: {  	v19 =	vld [tilespmem:s14+$0x15C20]  }
0x4d4: {  	v20 =	vld [tilespmem:s14+$0x9C20]  }
0x4d5: {  	v21 =	vld [tilespmem:s14+$0x15C30]  }
0x4d6: {  	v22 =	vld [tilespmem:s14+$0x9C30]  }
0x4d7: {  	v15 =	vmul.f32 v16, v15;
	v16 =	vmul.f32 v18, v17;
	v17 =	vld [tilespmem:s14+$0x15C40]  }
0x4d8: {  	v18 =	vld [tilespmem:s14+$0x9C40]  }
0x4d9: {  	v52 =	vld [tilespmem:s14+$0x9C50];
	v15 =	vadd.f32 v16, v15;
	v16 =	vmul.f32 v20, v19  }
0x4da: {  	v19 =	vld [tilespmem:s14+$0x15C50]  }
0x4db: {  	v53 =	vld [tilespmem:s14+$0x15C60];
	v15 =	vadd.f32 v16, v15;
	v16 =	vmul.f32 v22, v21  }
0x4dc: {  	s10 =	sand.u32 $0xFFFFF800, s10;
	v54 =	vld [tilespmem:s14+$0x9C60]  }
0x4dd: {  	s10 =	sadd.s32 s10, s13;
	v15 =	vadd.f32 v16, v15;
	v16 =	vmul.f32 v18, v17;
	v17 =	vld [tilespmem:s14+$0x15C70]  }
0x4de: {  	s13 =	sor.u32 $0x2400, s10;
	v18 =	vld [tilespmem:s14+$0x9C70]  }
0x4df: {  	v55 =	vld [tilespmem:s13+$0x7C00];
	v15 =	vadd.f32 v16, v15;
	v16 =	vmul.f32 v52, v19  }
0x4e0: {  	s16 =	sor.u32 $0x2410, s10;
	v19 =	vld [tilespmem:s13+$0x13C00]  }
0x4e1: {  	v56 =	vld [tilespmem:s16+$0x13C00];
	v15 =	vadd.f32 v16, v15;
	v16 =	vmul.f32 v54, v53  }
0x4e2: {  	s18 =	sor.u32 $0x2420, s10;
	v57 =	vld [tilespmem:s16+$0x7C00]  }
0x4e3: {  	v15 =	vadd.f32 v16, v15;
	v16 =	vmul.f32 v18, v17;
	v17 =	vld [tilespmem:s18+$0x13C00]  }
0x4e4: {  	s14 =	sor.u32 $0x2430, s10;
	v18 =	vld [tilespmem:s18+$0x7C00]  }
0x4e5: {  	v58 =	vld [tilespmem:s14+$0x7C00];
	v15 =	vadd.f32 v16, v15;
	v16 =	vmul.f32 v55, v19  }
0x4e6: {  	s15 =	sor.u32 $0x2440, s10;
	v19 =	vld [tilespmem:s14+$0x13C00]  }
0x4e7: {  	v59 =	vld [tilespmem:s15+$0x13C00];
	v15 =	vadd.f32 v16, v15;
	v16 =	vmul.f32 v57, v56  }
0x4e8: {  	v60 =	vld [tilespmem:s15+$0x7C00];
	s16 =	sor.u32 $0x2450, s10  }
0x4e9: {  	v15 =	vadd.f32 v16, v15;
	v16 =	vmul.f32 v18, v17;
	v17 =	vld [tilespmem:s16+$0x13C00]  }
0x4ea: {  	s18 =	sor.u32 $0x2460, s10;
	v18 =	vld [tilespmem:s16+$0x7C00]  }
0x4eb: {  	v61 =	vld [tilespmem:s18+$0x7C00];
	v15 =	vadd.f32 v16, v15;
	v16 =	vmul.f32 v58, v19  }
0x4ec: {  	s10 =	sor.u32 $0x2470, s10;
	v19 =	vld [tilespmem:s18+$0x13C00]  }
0x4ed: {  	v62 =	vld [tilespmem:s10+$0x13C00];
	v15 =	vadd.f32 v16, v15;
	v16 =	vmul.f32 v60, v59  }
0x4ee: {  	v63 =	vld [tilespmem:s10+$0x7C00]  }
0x4ef: {  	v15 =	vadd.f32 v16, v15;
	v16 =	vmul.f32 v18, v17  }
0x4f0: {  	v13 =	vadd.f32 v14, v13;
	v9 =	vmul.f32 v10, v9  }
0x4f1: {  	v14 =	vmul.f32 v61, v19;
	v10 =	vadd.f32 v16, v15  }
0x4f2: {  	v9 =	vadd.f32 v9, v13;
	v11 =	vmul.f32 v12, v11  }
0x4f3: {  	v12 =	vmul.f32 v63, v62;
	v10 =	vadd.f32 v14, v10  }
0x4f4: {  	v9 =	vadd.f32 v11, v9  }
0x4f5: {  	v10 =	vadd.f32 v12, v10  }
0x4f6: {  	v11 =	vperm.xlane v9, v1  }
0x4f7: {  	v12 =	vperm.xlane v10, v1  }
0x4f8: {  	v9 =	vadd.f32 v9, v11  }
0x4f9: {  	v10 =	vadd.f32 v10, v12  }
0x4fa: {  	v11 =	vperm.xlane v9, v2  }
0x4fb: {  	v12 =	vperm.xlane v10, v2  }
0x4fc: {  	v9 =	vadd.f32 v9, v11  }
0x4fd: {  	v10 =	vadd.f32 v10, v12  }
0x4fe: {  	v11 =	vperm.xlane v9, v5  }
0x4ff: {  	v12 =	vperm.xlane v10, v5  }
0x500: {  	v9 =	vadd.f32 v9, v11  }
0x501: {  	v10 =	vadd.f32 v10, v12  }
0x502: {  	v11 =	vperm.xlane v9, v7  }
0x503: {  	v12 =	vperm.xlane v10, v7  }
0x504: {  	v13 =	vmov s11;
	v9 =	vadd.f32 v9, v11  }
0x505: {  	vm1 =	veq.s32 v13, v0;
	v11 =	vmov s12;
	v10 =	vadd.f32 v10, v12  }
0x506: {  	v8 =	vsel vm1, v9, v8;
	vm1 =	veq.s32 v11, v0  }
0x507: {  	v8 =	vsel vm1, v10, v8  }
0x508: {  	v8 =	vsub.f32 $0.0e+00, v8;
	_ =	sdelay $0x1  }
0x509: {  	v8 =	vmul.f32 $1.442695020e+00, v8;
	_ =	sdelay $0x1  }
0x50a: {  	(erf) = vpow2.f32 v8;
	_ =	sdelay $0x8  }
0x50b: {  	v8 =	vpop (erf)  }
0x50c: {  	v8 =	vadd.f32 $1.000000000e+00, v8;
	_ =	sdelay $0x1  }
0x50d: {  	(erf) = vrcp.f32 v8;
	_ =	sdelay $0x7  }
0x50e: {  	s11 =	simm.s32 $0x0  }
0x50f: {  	s13 =	sand.u32 $0x380, s11;
	s12 =	sand.u32 $0x800, s11;
	v8 =	vpop (erf)  }
0x510: {  	s10 =	sor.u32 s13, s12;
	[tilespmem:s9+$0x2860] =	vst v8  }
0x511: {  	v8 =	vld [tilespmem:s10+$0x16C00]  }
0x512: {  	v9 =	vld [tilespmem:s10+$0xAC00]  }
0x513: {  	v10 =	vld [tilespmem:s10+$0x16C10]  }
0x514: {  	v11 =	vld [tilespmem:s10+$0xAC10]  }
0x515: {  	v12 =	vld [tilespmem:s10+$0x16C20]  }
0x516: {  	v13 =	vld [tilespmem:s10+$0xAC20]  }
0x517: {  	v14 =	vld [tilespmem:s10+$0x16C30]  }
0x518: {  	v15 =	vld [tilespmem:s10+$0xAC30]  }
0x519: {  	v16 =	vld [tilespmem:s10+$0x16C40];
	v8 =	vmul.f32 v9, v8;
	v9 =	vmul.f32 v11, v10  }
0x51a: {  	v10 =	vld [tilespmem:s10+$0xAC40]  }
0x51b: {  	v11 =	vld [tilespmem:s10+$0x16C50];
	v8 =	vadd.f32 v9, v8;
	v9 =	vmul.f32 v13, v12  }
0x51c: {  	v12 =	vld [tilespmem:s10+$0xAC50]  }
0x51d: {  	v13 =	vld [tilespmem:s10+$0x16C60];
	v8 =	vadd.f32 v9, v8;
	v9 =	vmul.f32 v15, v14  }
0x51e: {  	s14 =	sand.u32 $0xFFFFF800, s11;
	v14 =	vld [tilespmem:s10+$0xAC60]  }
0x51f: {  	s12 =	sadd.s32 $0x0, s14;
	v15 =	vld [tilespmem:s10+$0x16C70];
	v8 =	vadd.f32 v9, v8;
	v9 =	vmul.f32 v10, v16  }
0x520: {  	s15 =	sor.u32 $0x3400, s12;
	v10 =	vld [tilespmem:s10+$0xAC70]  }
0x521: {  	v16 =	vld [tilespmem:s15+$0x13C00];
	v8 =	vadd.f32 v9, v8;
	v9 =	vmul.f32 v12, v11  }
0x522: {  	s16 =	sor.u32 $0x3410, s12;
	v11 =	vld [tilespmem:s15+$0x7C00]  }
0x523: {  	v12 =	vld [tilespmem:s16+$0x13C00];
	v8 =	vadd.f32 v9, v8;
	v9 =	vmul.f32 v14, v13  }
0x524: {  	s18 =	sor.u32 $0x3420, s12;
	v13 =	vld [tilespmem:s16+$0x7C00]  }
0x525: {  	v14 =	vld [tilespmem:s18+$0x13C00];
	v8 =	vadd.f32 v9, v8;
	v9 =	vmul.f32 v10, v15  }
0x526: {  	s13 =	sor.u32 $0x3430, s12;
	v10 =	vld [tilespmem:s18+$0x7C00]  }
0x527: {  	v15 =	vld [tilespmem:s13+$0x13C00];
	v8 =	vadd.f32 v9, v8;
	v9 =	vmul.f32 v11, v16  }
0x528: {  	s14 =	sor.u32 $0x3440, s12;
	v11 =	vld [tilespmem:s13+$0x7C00]  }
0x529: {  	v16 =	vld [tilespmem:s14+$0x13C00];
	v8 =	vadd.f32 v9, v8;
	v9 =	vmul.f32 v13, v12  }
0x52a: {  	s15 =	sor.u32 $0x3450, s12;
	v12 =	vld [tilespmem:s14+$0x7C00]  }
0x52b: {  	v17 =	vld [tilespmem:s15+$0x13C00];
	v10 =	vmul.f32 v10, v14;
	v8 =	vadd.f32 v9, v8  }
0x52c: {  	s16 =	sor.u32 $0x3460, s12;
	v14 =	vld [tilespmem:s15+$0x7C00]  }
0x52d: {  	v9 =	vld [tilespmem:s16+$0x13C00];
	v13 =	vmul.f32 v11, v15;
	v8 =	vadd.f32 v10, v8  }
0x52e: {  	s10 =	simm.s32 $0x100;
	s12 =	sor.u32 $0x3470, s12;
	s13 =	simm.s32 $0x80;
	v10 =	vld [tilespmem:s16+$0x7C00]  }
0x52f: {  	s18 =	sand.u32 $0x800, s10;
	s15 =	sand.u32 $0x380, s13;
	v11 =	vld [tilespmem:s12+$0x13C00];
	v16 =	vmul.f32 v12, v16;
	v13 =	vadd.f32 v13, v8  }
0x530: {  	s14 =	sor.u32 s15, s18;
	v12 =	vld [tilespmem:s12+$0x7C00]  }
0x531: {  	v15 =	vld [tilespmem:s14+$0x16C00];
	v14 =	vmul.f32 v14, v17;
	v13 =	vadd.f32 v16, v13  }
0x532: {  	s18 =	simm.s32 $0x2;
	s12 =	simm.s32 $0x1;
	v8 =	vimm.f32 $0.0e+00;
	v16 =	vld [tilespmem:s14+$0xAC00]  }
.LBB2_19:
0x533: {  	p1 =	sne.s32 s18, $0xF;
	v17 =	vld [tilespmem:s14+$0x16C10];
	v13 =	vadd.f32 v14, v13;
	v9 =	vmul.f32 v10, v9  }
0x534: {  	v10 =	vld [tilespmem:s14+$0xAC10]  }
0x535: {  	v14 =	vld [tilespmem:s14+$0x16C20];
	v9 =	vadd.f32 v9, v13;
	v11 =	vmul.f32 v12, v11  }
0x536: {  	v12 =	vld [tilespmem:s14+$0xAC20]  }
0x537: {  	v13 =	vld [tilespmem:s14+$0x16C30];
	v9 =	vadd.f32 v11, v9  }
0x538: {  	v11 =	vmul.f32 v16, v15;
	v15 =	vld [tilespmem:s14+$0xAC30]  }
0x539: {  	v10 =	vmul.f32 v10, v17;
	v16 =	vld [tilespmem:s14+$0x16C40];
	v17 =	vperm.xlane v9, v1  }
0x53a: {  	v18 =	vld [tilespmem:s14+$0xAC40]  }
0x53b: {  	v10 =	vadd.f32 v10, v11;
	v11 =	vmul.f32 v12, v14;
	v12 =	vld [tilespmem:s14+$0x16C50];
	v9 =	vadd.f32 v9, v17  }
0x53c: {  	v14 =	vld [tilespmem:s14+$0xAC50]  }
0x53d: {  	v10 =	vadd.f32 v11, v10;
	v11 =	vmul.f32 v15, v13;
	v13 =	vld [tilespmem:s14+$0x16C60];
	v15 =	vperm.xlane v9, v2  }
0x53e: {  	s15 =	sand.u32 $0xFFFFF800, s10;
	v17 =	vld [tilespmem:s14+$0xAC60]  }
0x53f: {  	s15 =	sadd.s32 s15, s13;
	v10 =	vadd.f32 v11, v10;
	v11 =	vmul.f32 v18, v16;
	v16 =	vld [tilespmem:s14+$0x16C70];
	v9 =	vadd.f32 v9, v15  }
0x540: {  	v15 =	vld [tilespmem:s14+$0xAC70];
	s14 =	sor.u32 $0x3400, s15  }
0x541: {  	v10 =	vadd.f32 v11, v10;
	v11 =	vmul.f32 v14, v12;
	v12 =	vld [tilespmem:s14+$0x13C00];
	v14 =	vperm.xlane v9, v5  }
0x542: {  	v18 =	vld [tilespmem:s14+$0x7C00];
	s14 =	sor.u32 $0x3410, s15  }
0x543: {  	v10 =	vadd.f32 v11, v10;
	v11 =	vmul.f32 v17, v13;
	v13 =	vld [tilespmem:s14+$0x13C00];
	v9 =	vadd.f32 v9, v14  }
0x544: {  	v14 =	vld [tilespmem:s14+$0x7C00];
	s14 =	sor.u32 $0x3420, s15  }
0x545: {  	v10 =	vadd.f32 v11, v10;
	v11 =	vmul.f32 v15, v16;
	v15 =	vld [tilespmem:s14+$0x13C00];
	v16 =	vperm.xlane v9, v7  }
0x546: {  	v19 =	vmov s11;
	s11 =	smov.u32 s12;
	s12 =	smov.u32 s18;
	v17 =	vld [tilespmem:s14+$0x7C00];
	s14 =	sor.u32 $0x3430, s15  }
0x547: {  	v10 =	vadd.f32 v11, v10;
	v11 =	vmul.f32 v18, v12;
	v12 =	vld [tilespmem:s14+$0x13C00];
	v9 =	vadd.f32 v9, v16  }
0x548: {  	vm1 =	veq.s32 v19, v0;
	v16 =	vld [tilespmem:s14+$0x7C00];
	s14 =	sor.u32 $0x3440, s15  }
0x549: {  	v10 =	vadd.f32 v11, v10;
	v11 =	vmul.f32 v14, v13;
	v13 =	vld [tilespmem:s14+$0x13C00];
	v8 =	vsel vm1, v9, v8  }
0x54a: {  	v14 =	vld [tilespmem:s14+$0x7C00];
	s14 =	sor.u32 $0x3450, s15  }
0x54b: {  	v9 =	vadd.f32 v11, v10;
	v10 =	vmul.f32 v17, v15;
	v17 =	vld [tilespmem:s14+$0x13C00]  }
0x54c: {  	v18 =	vld [tilespmem:s14+$0x7C00];
	s14 =	sor.u32 $0x3460, s15  }
0x54d: {  	s10 =	sadd.s32 $0x100, s10;
	v11 =	vadd.f32 v10, v9;
	v12 =	vmul.f32 v16, v12;
	v9 =	vld [tilespmem:s14+$0x13C00]  }
.Ltmp8:
0x54e: {  	s13 =	sadd.s32 $0x80, s13;
	s15 =	sor.u32 $0x3470, s15;
	v10 =	vld [tilespmem:s14+$0x7C00];
	(pc) =	sbr.rel @p1 .LBB2_19-.Ltmp8, $4  }
0x54f: {  	s16 =	sand.u32 $0x380, s13;
	s14 =	sand.u32 $0x800, s10;
	v16 =	vadd.f32 v12, v11;
	v13 =	vmul.f32 v14, v13;
	v11 =	vld [tilespmem:s15+$0x13C00]  }
0x550: {  	s14 =	sor.u32 s16, s14;
	v12 =	vld [tilespmem:s15+$0x7C00]  }
0x551: {  	v15 =	vld [tilespmem:s14+$0x16C00];
	v13 =	vadd.f32 v13, v16;
	v14 =	vmul.f32 v18, v17  }
0x552: {  	s18 =	sadd.s32 $0x1, s18;
	v16 =	vld [tilespmem:s14+$0xAC00]  }
0x553: {  	v17 =	vld [tilespmem:s14+$0x16C10]  }
0x554: {  	v18 =	vld [tilespmem:s14+$0xAC10]  }
0x555: {  	v19 =	vld [tilespmem:s14+$0x16C20]  }
0x556: {  	v20 =	vld [tilespmem:s14+$0xAC20]  }
0x557: {  	v21 =	vld [tilespmem:s14+$0x16C30]  }
0x558: {  	v22 =	vld [tilespmem:s14+$0xAC30]  }
0x559: {  	v63 =	vld [tilespmem:s14+$0x16C40];
	v15 =	vmul.f32 v16, v15;
	v62 =	vmul.f32 v18, v17  }
0x55a: {  	v24 =	vld [tilespmem:s14+$0xAC40]  }
0x55b: {  	v26 =	vld [tilespmem:s14+$0x16C50];
	v25 =	vmul.f32 v20, v19;
	v15 =	vadd.f32 v62, v15  }
0x55c: {  	v27 =	vld [tilespmem:s14+$0xAC50]  }
0x55d: {  	v29 =	vld [tilespmem:s14+$0x16C60];
	v28 =	vmul.f32 v22, v21;
	v15 =	vadd.f32 v25, v15  }
0x55e: {  	s10 =	sand.u32 $0xFFFFF800, s10;
	v30 =	vld [tilespmem:s14+$0xAC60]  }
0x55f: {  	v32 =	vld [tilespmem:s14+$0x16C70];
	s10 =	sadd.s32 s10, s13;
	v31 =	vmul.f32 v24, v63;
	v15 =	vadd.f32 v28, v15  }
0x560: {  	v33 =	vld [tilespmem:s14+$0xAC70];
	s13 =	sor.u32 $0x3400, s10  }
0x561: {  	v35 =	vld [tilespmem:s13+$0x13C00];
	v34 =	vmul.f32 v27, v26;
	v15 =	vadd.f32 v31, v15  }
0x562: {  	s16 =	sor.u32 $0x3410, s10;
	v36 =	vld [tilespmem:s13+$0x7C00]  }
0x563: {  	v38 =	vld [tilespmem:s16+$0x13C00];
	v37 =	vmul.f32 v30, v29;
	v15 =	vadd.f32 v34, v15  }
0x564: {  	s18 =	sor.u32 $0x3420, s10;
	v39 =	vld [tilespmem:s16+$0x7C00]  }
0x565: {  	v41 =	vld [tilespmem:s18+$0x13C00];
	v40 =	vmul.f32 v33, v32;
	v15 =	vadd.f32 v37, v15  }
0x566: {  	s14 =	sor.u32 $0x3430, s10;
	v42 =	vld [tilespmem:s18+$0x7C00]  }
0x567: {  	v44 =	vld [tilespmem:s14+$0x13C00];
	v43 =	vmul.f32 v36, v35;
	v15 =	vadd.f32 v40, v15  }
0x568: {  	s15 =	sor.u32 $0x3440, s10;
	v45 =	vld [tilespmem:s14+$0x7C00]  }
0x569: {  	v47 =	vld [tilespmem:s15+$0x13C00];
	v46 =	vmul.f32 v39, v38;
	v15 =	vadd.f32 v43, v15  }
0x56a: {  	v48 =	vld [tilespmem:s15+$0x7C00];
	s16 =	sor.u32 $0x3450, s10  }
0x56b: {  	v50 =	vld [tilespmem:s16+$0x13C00];
	v49 =	vmul.f32 v42, v41;
	v15 =	vadd.f32 v46, v15  }
0x56c: {  	s18 =	sor.u32 $0x3460, s10;
	v51 =	vld [tilespmem:s16+$0x7C00]  }
0x56d: {  	v53 =	vld [tilespmem:s18+$0x13C00];
	v52 =	vmul.f32 v45, v44;
	v15 =	vadd.f32 v49, v15  }
0x56e: {  	s10 =	sor.u32 $0x3470, s10;
	v54 =	vld [tilespmem:s18+$0x7C00]  }
0x56f: {  	v56 =	vld [tilespmem:s10+$0x13C00];
	v55 =	vmul.f32 v48, v47;
	v15 =	vadd.f32 v52, v15  }
0x570: {  	v57 =	vld [tilespmem:s10+$0x7C00]  }
0x571: {  	v58 =	vmul.f32 v51, v50;
	v15 =	vadd.f32 v55, v15  }
0x572: {  	v13 =	vadd.f32 v14, v13;
	v9 =	vmul.f32 v10, v9  }
0x573: {  	v60 =	vmul.f32 v54, v53;
	v59 =	vadd.f32 v58, v15  }
0x574: {  	v9 =	vadd.f32 v9, v13;
	v11 =	vmul.f32 v12, v11  }
0x575: {  	v61 =	vmul.f32 v57, v56;
	v10 =	vadd.f32 v60, v59  }
0x576: {  	v9 =	vadd.f32 v11, v9  }
0x577: {  	v10 =	vadd.f32 v61, v10  }
0x578: {  	v11 =	vperm.xlane v9, v1  }
0x579: {  	v12 =	vperm.xlane v10, v1  }
0x57a: {  	v9 =	vadd.f32 v9, v11  }
0x57b: {  	v10 =	vadd.f32 v10, v12  }
0x57c: {  	v11 =	vperm.xlane v9, v2  }
0x57d: {  	v12 =	vperm.xlane v10, v2  }
0x57e: {  	v9 =	vadd.f32 v9, v11  }
0x57f: {  	v10 =	vadd.f32 v10, v12  }
0x580: {  	v11 =	vperm.xlane v9, v5  }
0x581: {  	v12 =	vperm.xlane v10, v5  }
0x582: {  	v9 =	vadd.f32 v9, v11  }
0x583: {  	v10 =	vadd.f32 v10, v12  }
0x584: {  	v11 =	vperm.xlane v9, v7  }
0x585: {  	v12 =	vperm.xlane v10, v7  }
0x586: {  	v62 =	vmov s11;
	v9 =	vadd.f32 v9, v11  }
0x587: {  	v63 =	vmov s12;
	vm1 =	veq.s32 v62, v0;
	v10 =	vadd.f32 v10, v12  }
0x588: {  	v8 =	vsel vm1, v9, v8;
	vm1 =	veq.s32 v63, v0  }
0x589: {  	v8 =	vsel vm1, v10, v8  }
0x58a: {  	v8 =	vsub.f32 $0.0e+00, v8;
	_ =	sdelay $0x1  }
0x58b: {  	v8 =	vmul.f32 $1.442695020e+00, v8;
	_ =	sdelay $0x1  }
0x58c: {  	(erf) = vpow2.f32 v8;
	_ =	sdelay $0x8  }
0x58d: {  	v8 =	vpop (erf)  }
0x58e: {  	v8 =	vadd.f32 $1.000000000e+00, v8;
	_ =	sdelay $0x1  }
0x58f: {  	(erf) = vrcp.f32 v8;
	_ =	sdelay $0x5  }
.Ltmp9:
0x590: {  	_ = 	snop;
	(pc) =	sbr.rel @p0 .LBB2_22-.Ltmp9, $3  }
0x591: {  	_ =	sdelay $0x1  }
0x592: {  	v8 =	vpop (erf)  }
0x593: {  	[tilespmem:s9+$0x2870] =	vst v8  }
0x594: {  	v8 =	vld [tilespmem:s9+$0x1500];
	_ =	sdelay $0x4  }
0x595: {  	v9 =	vshll.u32 v8, $0x1  }
0x596: {  	v8 =	vand.u32 $0x7, v8;
	v9 =	vand.u32 $0xFFFFFFF0, v9  }
0x597: {  	v8 =	vor.u32 v8, v9  }
0x598: {  	v9 =	vperm.xlane v8, v3;
	_ =	sdelay $0x1  }
0x599: {  	v8 =	vperm.xlane v8, v6;
	v9 =	vadd.s32 v4, v9;
	_ =	sdelay $0x1  }
0x59a: {  	v8 =	vadd.s32 v4, v8;
	_ =	sdelay $0x1  }
0x59b: {  	s10 =	simm.s32 $0x13C00  }
0x59c: {  	[tilespmem:s10], [sflag:$0x5] =	stream.indirect_vreg.gather [hbm4b:s1+s3], $0x80, v9, vm0, $0xb8;
	[tilespmem:$0x1BC00] =	vst v63  }
0x59d: {  	s18 =	simm.s32 $0x14400  }
0x59e: {  	[tilespmem:s18], [sflag:$0x5] =	stream.indirect_vreg.gather [hbm4b:s1+s3], $0x80, v8, vm0, $0xb8;
	[tilespmem:$0x1BC00] =	vst v63  }
0x59f: {  	v8 =	vld [tilespmem:s9+$0x1510];
	_ =	sdelay $0x4  }
0x5a0: {  	v57 =	vshll.u32 v8, $0x1  }
0x5a1: {  	v8 =	vand.u32 $0x7, v8;
	v9 =	vand.u32 $0xFFFFFFF0, v57  }
0x5a2: {  	v8 =	vor.u32 v8, v9  }
0x5a3: {  	v9 =	vperm.xlane v8, v3;
	_ =	sdelay $0x1  }
0x5a4: {  	v8 =	vperm.xlane v8, v6;
	v9 =	vadd.s32 v4, v9;
	_ =	sdelay $0x1  }
0x5a5: {  	v8 =	vadd.s32 v4, v8;
	_ =	sdelay $0x1  }
0x5a6: {  	s11 =	simm.s32 $0x14C00  }
0x5a7: {  	[tilespmem:s11], [sflag:$0x5] =	stream.indirect_vreg.gather [hbm4b:s1+s3], $0x80, v9, vm0, $0xb8;
	[tilespmem:$0x1BC00] =	vst v63  }
0x5a8: {  	s12 =	simm.s32 $0x15400  }
0x5a9: {  	[tilespmem:s12], [sflag:$0x5] =	stream.indirect_vreg.gather [hbm4b:s1+s3], $0x80, v8, vm0, $0xb8;
	[tilespmem:$0x1BC00] =	vst v63  }
0x5aa: {  	v8 =	vld [tilespmem:s9+$0x1520];
	_ =	sdelay $0x4  }
0x5ab: {  	v58 =	vshll.u32 v8, $0x1  }
0x5ac: {  	v8 =	vand.u32 $0x7, v8;
	v9 =	vand.u32 $0xFFFFFFF0, v58  }
0x5ad: {  	v8 =	vor.u32 v8, v9  }
0x5ae: {  	v9 =	vperm.xlane v8, v3;
	_ =	sdelay $0x1  }
0x5af: {  	v8 =	vperm.xlane v8, v6;
	v9 =	vadd.s32 v4, v9;
	_ =	sdelay $0x1  }
0x5b0: {  	v8 =	vadd.s32 v4, v8;
	_ =	sdelay $0x1  }
0x5b1: {  	s13 =	simm.s32 $0x15C00  }
0x5b2: {  	[tilespmem:s13], [sflag:$0x5] =	stream.indirect_vreg.gather [hbm4b:s1+s3], $0x80, v9, vm0, $0xb8;
	[tilespmem:$0x1BC00] =	vst v63  }
0x5b3: {  	s14 =	simm.s32 $0x16400  }
0x5b4: {  	[tilespmem:s14], [sflag:$0x5] =	stream.indirect_vreg.gather [hbm4b:s1+s3], $0x80, v8, vm0, $0xb8;
	[tilespmem:$0x1BC00] =	vst v63  }
0x5b5: {  	v8 =	vld [tilespmem:s9+$0x1530];
	_ =	sdelay $0x4  }
0x5b6: {  	v59 =	vshll.u32 v8, $0x1  }
0x5b7: {  	v8 =	vand.u32 $0x7, v8;
	v9 =	vand.u32 $0xFFFFFFF0, v59  }
0x5b8: {  	v8 =	vor.u32 v8, v9  }
0x5b9: {  	v9 =	vperm.xlane v8, v3;
	_ =	sdelay $0x1  }
0x5ba: {  	v8 =	vperm.xlane v8, v6;
	v9 =	vadd.s32 v4, v9;
	_ =	sdelay $0x1  }
0x5bb: {  	v8 =	vadd.s32 v4, v8;
	_ =	sdelay $0x1  }
0x5bc: {  	s15 =	simm.s32 $0x16C00  }
0x5bd: {  	[tilespmem:s15], [sflag:$0x5] =	stream.indirect_vreg.gather [hbm4b:s1+s3], $0x80, v9, vm0, $0xb8;
	[tilespmem:$0x1BC00] =	vst v63  }
0x5be: {  	s16 =	simm.s32 $0x17400  }
0x5bf: {  	[tilespmem:s16], [sflag:$0x5] =	stream.indirect_vreg.gather [hbm4b:s1+s3], $0x80, v8, vm0, $0xb8;
	[tilespmem:$0x1BC00] =	vst v63  }
0x5c0: {  	v8 =	vld [tilespmem:s9+$0x100];
	_ =	sdelay $0x4  }
0x5c1: {  	v60 =	vshll.u32 v8, $0x1  }
0x5c2: {  	v8 =	vand.u32 $0x7, v8;
	v9 =	vand.u32 $0xFFFFFFF0, v60  }
0x5c3: {  	v8 =	vor.u32 v8, v9  }
0x5c4: {  	v9 =	vperm.xlane v8, v3;
	_ =	sdelay $0x1  }
0x5c5: {  	v8 =	vperm.xlane v8, v6;
	v9 =	vadd.s32 v4, v9;
	_ =	sdelay $0x1  }
0x5c6: {  	v8 =	vadd.s32 v4, v8;
	_ =	sdelay $0x1  }
0x5c7: {  	s18 =	simm.s32 $0x7C00  }
0x5c8: {  	[tilespmem:s18], [sflag:$0x2] =	stream.indirect_vreg.gather [hbm4b:s1+s3], $0x80, v9, vm0, $0xb8;
	[tilespmem:$0x1BC00] =	vst v63  }
0x5c9: {  	s11 =	simm.s32 $0x8400  }
0x5ca: {  	[tilespmem:s11], [sflag:$0x2] =	stream.indirect_vreg.gather [hbm4b:s1+s3], $0x80, v8, vm0, $0xb8;
	[tilespmem:$0x1BC00] =	vst v63  }
0x5cb: {  	v8 =	vld [tilespmem:s9+$0x110];
	_ =	sdelay $0x4  }
0x5cc: {  	v61 =	vshll.u32 v8, $0x1  }
0x5cd: {  	v8 =	vand.u32 $0x7, v8;
	v9 =	vand.u32 $0xFFFFFFF0, v61  }
0x5ce: {  	v8 =	vor.u32 v8, v9  }
0x5cf: {  	v9 =	vperm.xlane v8, v3;
	_ =	sdelay $0x1  }
0x5d0: {  	v8 =	vperm.xlane v8, v6;
	v9 =	vadd.s32 v4, v9;
	_ =	sdelay $0x1  }
0x5d1: {  	v8 =	vadd.s32 v4, v8;
	_ =	sdelay $0x1  }
0x5d2: {  	s12 =	simm.s32 $0x8C00  }
0x5d3: {  	[tilespmem:s12], [sflag:$0x2] =	stream.indirect_vreg.gather [hbm4b:s1+s3], $0x80, v9, vm0, $0xb8;
	[tilespmem:$0x1BC00] =	vst v63  }
0x5d4: {  	s13 =	simm.s32 $0x9400  }
0x5d5: {  	[tilespmem:s13], [sflag:$0x2] =	stream.indirect_vreg.gather [hbm4b:s1+s3], $0x80, v8, vm0, $0xb8;
	[tilespmem:$0x1BC00] =	vst v63  }
0x5d6: {  	v8 =	vld [tilespmem:s9+$0x120];
	_ =	sdelay $0x4  }
0x5d7: {  	v62 =	vshll.u32 v8, $0x1  }
0x5d8: {  	v8 =	vand.u32 $0x7, v8;
	v9 =	vand.u32 $0xFFFFFFF0, v62  }
0x5d9: {  	v8 =	vor.u32 v8, v9  }
0x5da: {  	v9 =	vperm.xlane v8, v3;
	_ =	sdelay $0x1  }
0x5db: {  	v8 =	vperm.xlane v8, v6;
	v9 =	vadd.s32 v4, v9;
	_ =	sdelay $0x1  }
0x5dc: {  	v8 =	vadd.s32 v4, v8;
	_ =	sdelay $0x1  }
0x5dd: {  	s14 =	simm.s32 $0x9C00  }
0x5de: {  	[tilespmem:s14], [sflag:$0x2] =	stream.indirect_vreg.gather [hbm4b:s1+s3], $0x80, v9, vm0, $0xb8;
	[tilespmem:$0x1BC00] =	vst v63  }
0x5df: {  	s15 =	simm.s32 $0xA400  }
0x5e0: {  	[tilespmem:s15], [sflag:$0x2] =	stream.indirect_vreg.gather [hbm4b:s1+s3], $0x80, v8, vm0, $0xb8;
	[tilespmem:$0x1BC00] =	vst v63  }
0x5e1: {  	v8 =	vld [tilespmem:s9+$0x130];
	_ =	sdelay $0x4  }
0x5e2: {  	v63 =	vshll.u32 v8, $0x1  }
0x5e3: {  	v8 =	vand.u32 $0x7, v8;
	v9 =	vand.u32 $0xFFFFFFF0, v63  }
0x5e4: {  	v8 =	vor.u32 v8, v9  }
0x5e5: {  	v9 =	vperm.xlane v8, v3;
	_ =	sdelay $0x1  }
0x5e6: {  	v8 =	vperm.xlane v8, v6;
	v9 =	vadd.s32 v4, v9;
	_ =	sdelay $0x1  }
0x5e7: {  	v8 =	vadd.s32 v4, v8;
	_ =	sdelay $0x1  }
0x5e8: {  	s16 =	simm.s32 $0xAC00  }
0x5e9: {  	[tilespmem:s16], [sflag:$0x2] =	stream.indirect_vreg.gather [hbm4b:s1+s3], $0x80, v9, vm0, $0xb8;
	[tilespmem:$0x1BC00] =	vst v63  }
0x5ea: {  	s18 =	simm.s32 $0xB400  }
0x5eb: {  	[tilespmem:s18], [sflag:$0x2] =	stream.indirect_vreg.gather [hbm4b:s1+s3], $0x80, v8, vm0, $0xb8;
	[tilespmem:$0x1BC00] =	vst v63  }
.LBB2_22:
0x5ec: {  	_ =	swait.ge [sflag:s6], $0x4000  }
0x5ed: {  	[sflag:s6] =	ssyncset.done $0x0  }
0x5ee: {  	[sflag:s6] =	ssyncadd.s32 $0xFFFFC000  }
0x5ef: {  	s11 =	simm.s32 $0x0;
	_ =	swait.ge [sflag:s7], $0x4000  }
0x5f0: {  	s10 =	sand.u32 $0x800, s11;
	s12 =	sand.u32 $0x380, s11;
	[sflag:s7] =	ssyncset.done $0x0  }
0x5f1: {  	s12 =	sor.u32 s12, s10;
	[sflag:s7] =	ssyncadd.s32 $0xFFFFC000  }
0x5f2: {  	v8 =	vld [tilespmem:s12+$0x17C00]  }
0x5f3: {  	v9 =	vld [tilespmem:s12+$0xBC00]  }
0x5f4: {  	v10 =	vld [tilespmem:s12+$0x17C10]  }
0x5f5: {  	v11 =	vld [tilespmem:s12+$0xBC10]  }
0x5f6: {  	v12 =	vld [tilespmem:s12+$0x17C20]  }
0x5f7: {  	v13 =	vld [tilespmem:s12+$0xBC20]  }
0x5f8: {  	v14 =	vld [tilespmem:s12+$0x17C30]  }
0x5f9: {  	v15 =	vld [tilespmem:s12+$0xBC30]  }
0x5fa: {  	v16 =	vld [tilespmem:s12+$0x17C40];
	v8 =	vmul.f32 v9, v8;
	v9 =	vmul.f32 v11, v10  }
0x5fb: {  	v10 =	vld [tilespmem:s12+$0xBC40]  }
0x5fc: {  	v11 =	vld [tilespmem:s12+$0x17C50];
	v8 =	vadd.f32 v9, v8;
	v9 =	vmul.f32 v13, v12  }
0x5fd: {  	v12 =	vld [tilespmem:s12+$0xBC50]  }
0x5fe: {  	v13 =	vld [tilespmem:s12+$0x17C60];
	v8 =	vadd.f32 v9, v8;
	v9 =	vmul.f32 v15, v14  }
0x5ff: {  	v14 =	vld [tilespmem:s12+$0xBC60]  }
0x600: {  	v15 =	vld [tilespmem:s12+$0x17C70];
	v8 =	vadd.f32 v9, v8;
	v9 =	vmul.f32 v10, v16  }
0x601: {  	v10 =	vld [tilespmem:s12+$0xBC70]  }
0x602: {  	v16 =	vld [tilespmem:s12+$0x18000];
	v8 =	vadd.f32 v9, v8;
	v9 =	vmul.f32 v12, v11  }
0x603: {  	v11 =	vld [tilespmem:s12+$0xC000]  }
0x604: {  	v12 =	vld [tilespmem:s12+$0x18010];
	v8 =	vadd.f32 v9, v8;
	v9 =	vmul.f32 v14, v13  }
0x605: {  	v13 =	vld [tilespmem:s12+$0xC010]  }
0x606: {  	v14 =	vld [tilespmem:s12+$0x18020];
	v8 =	vadd.f32 v9, v8;
	v9 =	vmul.f32 v10, v15  }
0x607: {  	v10 =	vld [tilespmem:s12+$0xC020]  }
0x608: {  	v15 =	vld [tilespmem:s12+$0x18030];
	v8 =	vadd.f32 v9, v8;
	v9 =	vmul.f32 v11, v16  }
0x609: {  	v11 =	vld [tilespmem:s12+$0xC030]  }
0x60a: {  	v16 =	vld [tilespmem:s12+$0x18040];
	v8 =	vadd.f32 v9, v8;
	v9 =	vmul.f32 v13, v12  }
0x60b: {  	v12 =	vld [tilespmem:s12+$0xC040]  }
0x60c: {  	v17 =	vld [tilespmem:s12+$0x18050];
	v10 =	vmul.f32 v10, v14;
	v8 =	vadd.f32 v9, v8  }
0x60d: {  	v14 =	vld [tilespmem:s12+$0xC050]  }
0x60e: {  	v9 =	vld [tilespmem:s12+$0x18060];
	v13 =	vmul.f32 v11, v15;
	v8 =	vadd.f32 v10, v8  }
0x60f: {  	s18 =	simm.s32 $0x100;
	s10 =	simm.s32 $0x80;
	v10 =	vld [tilespmem:s12+$0xC060]  }
0x610: {  	s13 =	sand.u32 $0x800, s18;
	s14 =	sand.u32 $0x380, s10;
	v11 =	vld [tilespmem:s12+$0x18070];
	v16 =	vmul.f32 v12, v16;
	v13 =	vadd.f32 v13, v8  }
0x611: {  	s13 =	sor.u32 s14, s13;
	v12 =	vld [tilespmem:s12+$0xC070]  }
0x612: {  	v15 =	vld [tilespmem:s13+$0x17C00];
	v14 =	vmul.f32 v14, v17;
	v13 =	vadd.f32 v16, v13  }
0x613: {  	s14 =	simm.s32 $0x2;
	s12 =	simm.s32 $0x1;
	v8 =	vimm.f32 $0.0e+00;
	v16 =	vld [tilespmem:s13+$0xBC00]  }
.LBB2_23:
0x614: {  	p1 =	sne.s32 s14, $0xF;
	v17 =	vld [tilespmem:s13+$0x17C10];
	v13 =	vadd.f32 v14, v13;
	v9 =	vmul.f32 v10, v9  }
0x615: {  	v10 =	vld [tilespmem:s13+$0xBC10]  }
0x616: {  	v14 =	vld [tilespmem:s13+$0x17C20];
	v9 =	vadd.f32 v9, v13;
	v11 =	vmul.f32 v12, v11  }
0x617: {  	v12 =	vld [tilespmem:s13+$0xBC20]  }
0x618: {  	v13 =	vld [tilespmem:s13+$0x17C30];
	v9 =	vadd.f32 v11, v9  }
0x619: {  	v11 =	vmul.f32 v16, v15;
	v15 =	vld [tilespmem:s13+$0xBC30]  }
0x61a: {  	v10 =	vmul.f32 v10, v17;
	v16 =	vld [tilespmem:s13+$0x17C40];
	v17 =	vperm.xlane v9, v1  }
0x61b: {  	v18 =	vld [tilespmem:s13+$0xBC40]  }
0x61c: {  	v10 =	vadd.f32 v10, v11;
	v11 =	vmul.f32 v12, v14;
	v12 =	vld [tilespmem:s13+$0x17C50];
	v9 =	vadd.f32 v9, v17  }
0x61d: {  	v14 =	vld [tilespmem:s13+$0xBC50]  }
0x61e: {  	v10 =	vadd.f32 v11, v10;
	v11 =	vmul.f32 v15, v13;
	v13 =	vld [tilespmem:s13+$0x17C60];
	v15 =	vperm.xlane v9, v2  }
0x61f: {  	v17 =	vld [tilespmem:s13+$0xBC60]  }
0x620: {  	v10 =	vadd.f32 v11, v10;
	v11 =	vmul.f32 v18, v16;
	v16 =	vld [tilespmem:s13+$0x17C70];
	v9 =	vadd.f32 v9, v15  }
0x621: {  	v15 =	vld [tilespmem:s13+$0xBC70]  }
0x622: {  	v10 =	vadd.f32 v11, v10;
	v11 =	vmul.f32 v14, v12;
	v12 =	vld [tilespmem:s13+$0x18000];
	v14 =	vperm.xlane v9, v5  }
0x623: {  	v18 =	vld [tilespmem:s13+$0xC000]  }
0x624: {  	v10 =	vadd.f32 v11, v10;
	v11 =	vmul.f32 v17, v13;
	v13 =	vld [tilespmem:s13+$0x18010];
	v9 =	vadd.f32 v9, v14  }
0x625: {  	v14 =	vld [tilespmem:s13+$0xC010]  }
0x626: {  	v10 =	vadd.f32 v11, v10;
	v11 =	vmul.f32 v15, v16;
	v15 =	vld [tilespmem:s13+$0x18020];
	v16 =	vperm.xlane v9, v7  }
0x627: {  	v19 =	vmov s11;
	s11 =	smov.u32 s12;
	s12 =	smov.u32 s14;
	v17 =	vld [tilespmem:s13+$0xC020]  }
0x628: {  	v10 =	vadd.f32 v11, v10;
	v11 =	vmul.f32 v18, v12;
	v12 =	vld [tilespmem:s13+$0x18030];
	v9 =	vadd.f32 v9, v16  }
0x629: {  	vm1 =	veq.s32 v19, v0;
	v16 =	vld [tilespmem:s13+$0xC030]  }
0x62a: {  	v10 =	vadd.f32 v11, v10;
	v11 =	vmul.f32 v14, v13;
	v13 =	vld [tilespmem:s13+$0x18040];
	v8 =	vsel vm1, v9, v8  }
0x62b: {  	v14 =	vld [tilespmem:s13+$0xC040]  }
0x62c: {  	v9 =	vadd.f32 v11, v10;
	v10 =	vmul.f32 v17, v15;
	v17 =	vld [tilespmem:s13+$0x18050]  }
0x62d: {  	v18 =	vld [tilespmem:s13+$0xC050]  }
0x62e: {  	v11 =	vadd.f32 v10, v9;
	v12 =	vmul.f32 v16, v12;
	v9 =	vld [tilespmem:s13+$0x18060]  }
.Ltmp10:
0x62f: {  	s10 =	sadd.s32 $0x80, s10;
	s18 =	sadd.s32 $0x100, s18;
	v10 =	vld [tilespmem:s13+$0xC060];
	(pc) =	sbr.rel @p1 .LBB2_23-.Ltmp10, $4  }
0x630: {  	s15 =	sand.u32 $0x800, s18;
	s16 =	sand.u32 $0x380, s10;
	v16 =	vadd.f32 v12, v11;
	v13 =	vmul.f32 v14, v13;
	v11 =	vld [tilespmem:s13+$0x18070]  }
0x631: {  	v12 =	vld [tilespmem:s13+$0xC070];
	s13 =	sor.u32 s16, s15  }
0x632: {  	v15 =	vld [tilespmem:s13+$0x17C00];
	v13 =	vadd.f32 v13, v16;
	v14 =	vmul.f32 v18, v17  }
0x633: {  	s14 =	sadd.s32 $0x1, s14;
	v16 =	vld [tilespmem:s13+$0xBC00]  }
0x634: {  	v17 =	vld [tilespmem:s13+$0x17C10]  }
0x635: {  	v18 =	vld [tilespmem:s13+$0xBC10]  }
0x636: {  	v19 =	vld [tilespmem:s13+$0x17C20]  }
0x637: {  	v20 =	vld [tilespmem:s13+$0xBC20]  }
0x638: {  	v21 =	vld [tilespmem:s13+$0x17C30]  }
0x639: {  	v22 =	vld [tilespmem:s13+$0xBC30]  }
0x63a: {  	v15 =	vmul.f32 v16, v15;
	v16 =	vmul.f32 v18, v17;
	v17 =	vld [tilespmem:s13+$0x17C40]  }
0x63b: {  	v18 =	vld [tilespmem:s13+$0xBC40]  }
0x63c: {  	v52 =	vld [tilespmem:s13+$0xBC50];
	v15 =	vadd.f32 v16, v15;
	v16 =	vmul.f32 v20, v19  }
0x63d: {  	v19 =	vld [tilespmem:s13+$0x17C50]  }
0x63e: {  	v53 =	vld [tilespmem:s13+$0x17C60];
	v15 =	vadd.f32 v16, v15;
	v16 =	vmul.f32 v22, v21  }
0x63f: {  	v54 =	vld [tilespmem:s13+$0xBC60]  }
0x640: {  	v15 =	vadd.f32 v16, v15;
	v16 =	vmul.f32 v18, v17;
	v17 =	vld [tilespmem:s13+$0x17C70]  }
0x641: {  	v18 =	vld [tilespmem:s13+$0xBC70]  }
0x642: {  	v55 =	vld [tilespmem:s13+$0xC000];
	v15 =	vadd.f32 v16, v15;
	v16 =	vmul.f32 v52, v19  }
0x643: {  	v19 =	vld [tilespmem:s13+$0x18000]  }
0x644: {  	v56 =	vld [tilespmem:s13+$0x18010];
	v15 =	vadd.f32 v16, v15;
	v16 =	vmul.f32 v54, v53  }
0x645: {  	v57 =	vld [tilespmem:s13+$0xC010]  }
0x646: {  	v15 =	vadd.f32 v16, v15;
	v16 =	vmul.f32 v18, v17;
	v17 =	vld [tilespmem:s13+$0x18020]  }
0x647: {  	v18 =	vld [tilespmem:s13+$0xC020]  }
0x648: {  	v58 =	vld [tilespmem:s13+$0xC030];
	v15 =	vadd.f32 v16, v15;
	v16 =	vmul.f32 v55, v19  }
0x649: {  	v19 =	vld [tilespmem:s13+$0x18030]  }
0x64a: {  	v59 =	vld [tilespmem:s13+$0x18040];
	v15 =	vadd.f32 v16, v15;
	v16 =	vmul.f32 v57, v56  }
0x64b: {  	v60 =	vld [tilespmem:s13+$0xC040]  }
0x64c: {  	v15 =	vadd.f32 v16, v15;
	v16 =	vmul.f32 v18, v17;
	v17 =	vld [tilespmem:s13+$0x18050]  }
0x64d: {  	v18 =	vld [tilespmem:s13+$0xC050]  }
0x64e: {  	v61 =	vld [tilespmem:s13+$0xC060];
	v15 =	vadd.f32 v16, v15;
	v16 =	vmul.f32 v58, v19  }
0x64f: {  	v19 =	vld [tilespmem:s13+$0x18060]  }
0x650: {  	v62 =	vld [tilespmem:s13+$0x18070];
	v15 =	vadd.f32 v16, v15;
	v16 =	vmul.f32 v60, v59  }
0x651: {  	v63 =	vld [tilespmem:s13+$0xC070]  }
0x652: {  	v15 =	vadd.f32 v16, v15;
	v16 =	vmul.f32 v18, v17  }
0x653: {  	v13 =	vadd.f32 v14, v13;
	v9 =	vmul.f32 v10, v9  }
0x654: {  	v14 =	vmul.f32 v61, v19;
	v10 =	vadd.f32 v16, v15  }
0x655: {  	v9 =	vadd.f32 v9, v13;
	v11 =	vmul.f32 v12, v11  }
0x656: {  	v12 =	vmul.f32 v63, v62;
	v10 =	vadd.f32 v14, v10  }
0x657: {  	v9 =	vadd.f32 v11, v9  }
0x658: {  	v10 =	vadd.f32 v12, v10  }
0x659: {  	v11 =	vperm.xlane v9, v1  }
0x65a: {  	v12 =	vperm.xlane v10, v1  }
0x65b: {  	v9 =	vadd.f32 v9, v11  }
0x65c: {  	v10 =	vadd.f32 v10, v12  }
0x65d: {  	v11 =	vperm.xlane v9, v2  }
0x65e: {  	v12 =	vperm.xlane v10, v2  }
0x65f: {  	v9 =	vadd.f32 v9, v11  }
0x660: {  	v10 =	vadd.f32 v10, v12  }
0x661: {  	v11 =	vperm.xlane v9, v5  }
0x662: {  	v12 =	vperm.xlane v10, v5  }
0x663: {  	v9 =	vadd.f32 v9, v11  }
0x664: {  	v10 =	vadd.f32 v10, v12  }
0x665: {  	v11 =	vperm.xlane v9, v7  }
0x666: {  	v12 =	vperm.xlane v10, v7  }
0x667: {  	v13 =	vmov s11;
	v9 =	vadd.f32 v9, v11  }
0x668: {  	vm1 =	veq.s32 v13, v0;
	v11 =	vmov s12;
	v10 =	vadd.f32 v10, v12  }
0x669: {  	v8 =	vsel vm1, v9, v8;
	vm1 =	veq.s32 v11, v0  }
0x66a: {  	v8 =	vsel vm1, v10, v8  }
0x66b: {  	v8 =	vsub.f32 $0.0e+00, v8;
	_ =	sdelay $0x1  }
0x66c: {  	v8 =	vmul.f32 $1.442695020e+00, v8;
	_ =	sdelay $0x1  }
0x66d: {  	(erf) = vpow2.f32 v8;
	_ =	sdelay $0x8  }
0x66e: {  	v8 =	vpop (erf)  }
0x66f: {  	v8 =	vadd.f32 $1.000000000e+00, v8;
	_ =	sdelay $0x1  }
0x670: {  	(erf) = vrcp.f32 v8;
	_ =	sdelay $0x7  }
0x671: {  	s11 =	simm.s32 $0x0  }
0x672: {  	s10 =	sand.u32 $0x1FC0, s9;
	s16 =	sand.u32 $0x800, s11;
	s18 =	sand.u32 $0x380, s11;
	v8 =	vpop (erf)  }
0x673: {  	s14 =	sor.u32 s18, s16;
	[tilespmem:s10+$0x2880] =	vst v8  }
0x674: {  	v8 =	vld [tilespmem:s14+$0x18C00]  }
0x675: {  	v9 =	vld [tilespmem:s14+$0xCC00]  }
0x676: {  	v10 =	vld [tilespmem:s14+$0x18C10]  }
0x677: {  	v11 =	vld [tilespmem:s14+$0xCC10]  }
0x678: {  	v12 =	vld [tilespmem:s14+$0x18C20]  }
0x679: {  	v13 =	vld [tilespmem:s14+$0xCC20]  }
0x67a: {  	v14 =	vld [tilespmem:s14+$0x18C30]  }
0x67b: {  	v15 =	vld [tilespmem:s14+$0xCC30]  }
0x67c: {  	v16 =	vld [tilespmem:s14+$0x18C40];
	v8 =	vmul.f32 v9, v8;
	v9 =	vmul.f32 v11, v10  }
0x67d: {  	v10 =	vld [tilespmem:s14+$0xCC40]  }
0x67e: {  	v11 =	vld [tilespmem:s14+$0x18C50];
	v8 =	vadd.f32 v9, v8;
	v9 =	vmul.f32 v13, v12  }
0x67f: {  	v12 =	vld [tilespmem:s14+$0xCC50]  }
0x680: {  	v13 =	vld [tilespmem:s14+$0x18C60];
	v8 =	vadd.f32 v9, v8;
	v9 =	vmul.f32 v15, v14  }
0x681: {  	s15 =	sand.u32 $0xFFFFF800, s11;
	v14 =	vld [tilespmem:s14+$0xCC60]  }
0x682: {  	s12 =	sadd.s32 $0x0, s15;
	v15 =	vld [tilespmem:s14+$0x18C70];
	v8 =	vadd.f32 v9, v8;
	v9 =	vmul.f32 v10, v16  }
0x683: {  	s16 =	sor.u32 $0x1400, s12;
	v10 =	vld [tilespmem:s14+$0xCC70]  }
0x684: {  	v16 =	vld [tilespmem:s16+$0x17C00];
	v8 =	vadd.f32 v9, v8;
	v9 =	vmul.f32 v12, v11  }
0x685: {  	s18 =	sor.u32 $0x1410, s12;
	v11 =	vld [tilespmem:s16+$0xBC00]  }
0x686: {  	v12 =	vld [tilespmem:s18+$0x17C00];
	v8 =	vadd.f32 v9, v8;
	v9 =	vmul.f32 v14, v13  }
0x687: {  	s13 =	sor.u32 $0x1420, s12;
	v13 =	vld [tilespmem:s18+$0xBC00]  }
0x688: {  	v14 =	vld [tilespmem:s13+$0x17C00];
	v8 =	vadd.f32 v9, v8;
	v9 =	vmul.f32 v10, v15  }
0x689: {  	s14 =	sor.u32 $0x1430, s12;
	v10 =	vld [tilespmem:s13+$0xBC00]  }
0x68a: {  	v15 =	vld [tilespmem:s14+$0x17C00];
	v8 =	vadd.f32 v9, v8;
	v9 =	vmul.f32 v11, v16  }
0x68b: {  	s15 =	sor.u32 $0x1440, s12;
	v11 =	vld [tilespmem:s14+$0xBC00]  }
0x68c: {  	v16 =	vld [tilespmem:s15+$0x17C00];
	v8 =	vadd.f32 v9, v8;
	v9 =	vmul.f32 v13, v12  }
0x68d: {  	s16 =	sor.u32 $0x1450, s12;
	v12 =	vld [tilespmem:s15+$0xBC00]  }
0x68e: {  	v17 =	vld [tilespmem:s16+$0x17C00];
	v10 =	vmul.f32 v10, v14;
	v8 =	vadd.f32 v9, v8  }
0x68f: {  	s18 =	sor.u32 $0x1460, s12;
	v14 =	vld [tilespmem:s16+$0xBC00]  }
0x690: {  	v9 =	vld [tilespmem:s18+$0x17C00];
	v13 =	vmul.f32 v11, v15;
	v8 =	vadd.f32 v10, v8  }
0x691: {  	s10 =	simm.s32 $0x100;
	s12 =	sor.u32 $0x1470, s12;
	s13 =	simm.s32 $0x80;
	v10 =	vld [tilespmem:s18+$0xBC00]  }
0x692: {  	s14 =	sand.u32 $0x800, s10;
	s15 =	sand.u32 $0x380, s13;
	v11 =	vld [tilespmem:s12+$0x17C00];
	v16 =	vmul.f32 v12, v16;
	v13 =	vadd.f32 v13, v8  }
0x693: {  	s14 =	sor.u32 s15, s14;
	v12 =	vld [tilespmem:s12+$0xBC00]  }
0x694: {  	v15 =	vld [tilespmem:s14+$0x18C00];
	v14 =	vmul.f32 v14, v17;
	v13 =	vadd.f32 v16, v13  }
0x695: {  	s18 =	simm.s32 $0x2;
	s12 =	simm.s32 $0x1;
	v8 =	vimm.f32 $0.0e+00;
	v16 =	vld [tilespmem:s14+$0xCC00]  }
.LBB2_25:
0x696: {  	p1 =	sne.s32 s18, $0xF;
	v17 =	vld [tilespmem:s14+$0x18C10];
	v13 =	vadd.f32 v14, v13;
	v9 =	vmul.f32 v10, v9  }
0x697: {  	v10 =	vld [tilespmem:s14+$0xCC10]  }
0x698: {  	v14 =	vld [tilespmem:s14+$0x18C20];
	v9 =	vadd.f32 v9, v13;
	v11 =	vmul.f32 v12, v11  }
0x699: {  	v12 =	vld [tilespmem:s14+$0xCC20]  }
0x69a: {  	v13 =	vld [tilespmem:s14+$0x18C30];
	v9 =	vadd.f32 v11, v9  }
0x69b: {  	v11 =	vmul.f32 v16, v15;
	v15 =	vld [tilespmem:s14+$0xCC30]  }
0x69c: {  	v10 =	vmul.f32 v10, v17;
	v16 =	vld [tilespmem:s14+$0x18C40];
	v17 =	vperm.xlane v9, v1  }
0x69d: {  	v18 =	vld [tilespmem:s14+$0xCC40]  }
0x69e: {  	v10 =	vadd.f32 v10, v11;
	v11 =	vmul.f32 v12, v14;
	v12 =	vld [tilespmem:s14+$0x18C50];
	v9 =	vadd.f32 v9, v17  }
0x69f: {  	v14 =	vld [tilespmem:s14+$0xCC50]  }
0x6a0: {  	v10 =	vadd.f32 v11, v10;
	v11 =	vmul.f32 v15, v13;
	v13 =	vld [tilespmem:s14+$0x18C60];
	v15 =	vperm.xlane v9, v2  }
0x6a1: {  	s15 =	sand.u32 $0xFFFFF800, s10;
	v17 =	vld [tilespmem:s14+$0xCC60]  }
0x6a2: {  	s15 =	sadd.s32 s15, s13;
	v10 =	vadd.f32 v11, v10;
	v11 =	vmul.f32 v18, v16;
	v16 =	vld [tilespmem:s14+$0x18C70];
	v9 =	vadd.f32 v9, v15  }
0x6a3: {  	v15 =	vld [tilespmem:s14+$0xCC70];
	s14 =	sor.u32 $0x1400, s15  }
0x6a4: {  	v10 =	vadd.f32 v11, v10;
	v11 =	vmul.f32 v14, v12;
	v12 =	vld [tilespmem:s14+$0x17C00];
	v14 =	vperm.xlane v9, v5  }
0x6a5: {  	v18 =	vld [tilespmem:s14+$0xBC00];
	s14 =	sor.u32 $0x1410, s15  }
0x6a6: {  	v10 =	vadd.f32 v11, v10;
	v11 =	vmul.f32 v17, v13;
	v13 =	vld [tilespmem:s14+$0x17C00];
	v9 =	vadd.f32 v9, v14  }
0x6a7: {  	v14 =	vld [tilespmem:s14+$0xBC00];
	s14 =	sor.u32 $0x1420, s15  }
0x6a8: {  	v10 =	vadd.f32 v11, v10;
	v11 =	vmul.f32 v15, v16;
	v15 =	vld [tilespmem:s14+$0x17C00];
	v16 =	vperm.xlane v9, v7  }
0x6a9: {  	v19 =	vmov s11;
	s11 =	smov.u32 s12;
	s12 =	smov.u32 s18;
	v17 =	vld [tilespmem:s14+$0xBC00];
	s14 =	sor.u32 $0x1430, s15  }
0x6aa: {  	v10 =	vadd.f32 v11, v10;
	v11 =	vmul.f32 v18, v12;
	v12 =	vld [tilespmem:s14+$0x17C00];
	v9 =	vadd.f32 v9, v16  }
0x6ab: {  	vm1 =	veq.s32 v19, v0;
	v16 =	vld [tilespmem:s14+$0xBC00];
	s14 =	sor.u32 $0x1440, s15  }
0x6ac: {  	v10 =	vadd.f32 v11, v10;
	v11 =	vmul.f32 v14, v13;
	v13 =	vld [tilespmem:s14+$0x17C00];
	v8 =	vsel vm1, v9, v8  }
0x6ad: {  	v14 =	vld [tilespmem:s14+$0xBC00];
	s14 =	sor.u32 $0x1450, s15  }
0x6ae: {  	v9 =	vadd.f32 v11, v10;
	v10 =	vmul.f32 v17, v15;
	v17 =	vld [tilespmem:s14+$0x17C00]  }
0x6af: {  	v18 =	vld [tilespmem:s14+$0xBC00];
	s14 =	sor.u32 $0x1460, s15  }
0x6b0: {  	s10 =	sadd.s32 $0x100, s10;
	v11 =	vadd.f32 v10, v9;
	v12 =	vmul.f32 v16, v12;
	v9 =	vld [tilespmem:s14+$0x17C00]  }
.Ltmp11:
0x6b1: {  	s13 =	sadd.s32 $0x80, s13;
	s15 =	sor.u32 $0x1470, s15;
	v10 =	vld [tilespmem:s14+$0xBC00];
	(pc) =	sbr.rel @p1 .LBB2_25-.Ltmp11, $4  }
0x6b2: {  	s16 =	sand.u32 $0x380, s13;
	s14 =	sand.u32 $0x800, s10;
	v16 =	vadd.f32 v12, v11;
	v13 =	vmul.f32 v14, v13;
	v11 =	vld [tilespmem:s15+$0x17C00]  }
0x6b3: {  	s14 =	sor.u32 s16, s14;
	v12 =	vld [tilespmem:s15+$0xBC00]  }
0x6b4: {  	v15 =	vld [tilespmem:s14+$0x18C00];
	v13 =	vadd.f32 v13, v16;
	v14 =	vmul.f32 v18, v17  }
0x6b5: {  	s18 =	sadd.s32 $0x1, s18;
	v16 =	vld [tilespmem:s14+$0xCC00]  }
0x6b6: {  	v17 =	vld [tilespmem:s14+$0x18C10]  }
0x6b7: {  	v18 =	vld [tilespmem:s14+$0xCC10]  }
0x6b8: {  	v19 =	vld [tilespmem:s14+$0x18C20]  }
0x6b9: {  	v20 =	vld [tilespmem:s14+$0xCC20]  }
0x6ba: {  	v21 =	vld [tilespmem:s14+$0x18C30]  }
0x6bb: {  	v22 =	vld [tilespmem:s14+$0xCC30]  }
0x6bc: {  	v15 =	vmul.f32 v16, v15;
	v16 =	vmul.f32 v18, v17;
	v17 =	vld [tilespmem:s14+$0x18C40]  }
0x6bd: {  	v18 =	vld [tilespmem:s14+$0xCC40]  }
0x6be: {  	v52 =	vld [tilespmem:s14+$0xCC50];
	v15 =	vadd.f32 v16, v15;
	v16 =	vmul.f32 v20, v19  }
0x6bf: {  	v19 =	vld [tilespmem:s14+$0x18C50]  }
0x6c0: {  	v53 =	vld [tilespmem:s14+$0x18C60];
	v15 =	vadd.f32 v16, v15;
	v16 =	vmul.f32 v22, v21  }
0x6c1: {  	s10 =	sand.u32 $0xFFFFF800, s10;
	v54 =	vld [tilespmem:s14+$0xCC60]  }
0x6c2: {  	s10 =	sadd.s32 s10, s13;
	v15 =	vadd.f32 v16, v15;
	v16 =	vmul.f32 v18, v17;
	v17 =	vld [tilespmem:s14+$0x18C70]  }
0x6c3: {  	s13 =	sor.u32 $0x1400, s10;
	v18 =	vld [tilespmem:s14+$0xCC70]  }
0x6c4: {  	v55 =	vld [tilespmem:s13+$0xBC00];
	v15 =	vadd.f32 v16, v15;
	v16 =	vmul.f32 v52, v19  }
0x6c5: {  	s16 =	sor.u32 $0x1410, s10;
	v19 =	vld [tilespmem:s13+$0x17C00]  }
0x6c6: {  	v56 =	vld [tilespmem:s16+$0x17C00];
	v15 =	vadd.f32 v16, v15;
	v16 =	vmul.f32 v54, v53  }
0x6c7: {  	s18 =	sor.u32 $0x1420, s10;
	v57 =	vld [tilespmem:s16+$0xBC00]  }
0x6c8: {  	v15 =	vadd.f32 v16, v15;
	v16 =	vmul.f32 v18, v17;
	v17 =	vld [tilespmem:s18+$0x17C00]  }
0x6c9: {  	s14 =	sor.u32 $0x1430, s10;
	v18 =	vld [tilespmem:s18+$0xBC00]  }
0x6ca: {  	v58 =	vld [tilespmem:s14+$0xBC00];
	v15 =	vadd.f32 v16, v15;
	v16 =	vmul.f32 v55, v19  }
0x6cb: {  	s15 =	sor.u32 $0x1440, s10;
	v19 =	vld [tilespmem:s14+$0x17C00]  }
0x6cc: {  	v59 =	vld [tilespmem:s15+$0x17C00];
	v15 =	vadd.f32 v16, v15;
	v16 =	vmul.f32 v57, v56  }
0x6cd: {  	v60 =	vld [tilespmem:s15+$0xBC00];
	s16 =	sor.u32 $0x1450, s10  }
0x6ce: {  	v15 =	vadd.f32 v16, v15;
	v16 =	vmul.f32 v18, v17;
	v17 =	vld [tilespmem:s16+$0x17C00]  }
0x6cf: {  	s18 =	sor.u32 $0x1460, s10;
	v18 =	vld [tilespmem:s16+$0xBC00]  }
0x6d0: {  	v61 =	vld [tilespmem:s18+$0xBC00];
	v15 =	vadd.f32 v16, v15;
	v16 =	vmul.f32 v58, v19  }
0x6d1: {  	s10 =	sor.u32 $0x1470, s10;
	v19 =	vld [tilespmem:s18+$0x17C00]  }
0x6d2: {  	v62 =	vld [tilespmem:s10+$0x17C00];
	v15 =	vadd.f32 v16, v15;
	v16 =	vmul.f32 v60, v59  }
0x6d3: {  	v63 =	vld [tilespmem:s10+$0xBC00]  }
0x6d4: {  	v15 =	vadd.f32 v16, v15;
	v16 =	vmul.f32 v18, v17  }
0x6d5: {  	v13 =	vadd.f32 v14, v13;
	v9 =	vmul.f32 v10, v9  }
0x6d6: {  	v14 =	vmul.f32 v61, v19;
	v10 =	vadd.f32 v16, v15  }
0x6d7: {  	v9 =	vadd.f32 v9, v13;
	v11 =	vmul.f32 v12, v11  }
0x6d8: {  	v12 =	vmul.f32 v63, v62;
	v10 =	vadd.f32 v14, v10  }
0x6d9: {  	v9 =	vadd.f32 v11, v9  }
0x6da: {  	v10 =	vadd.f32 v12, v10  }
0x6db: {  	v11 =	vperm.xlane v9, v1  }
0x6dc: {  	v12 =	vperm.xlane v10, v1  }
0x6dd: {  	v9 =	vadd.f32 v9, v11  }
0x6de: {  	v10 =	vadd.f32 v10, v12  }
0x6df: {  	v11 =	vperm.xlane v9, v2  }
0x6e0: {  	v12 =	vperm.xlane v10, v2  }
0x6e1: {  	v9 =	vadd.f32 v9, v11  }
0x6e2: {  	v10 =	vadd.f32 v10, v12  }
0x6e3: {  	v11 =	vperm.xlane v9, v5  }
0x6e4: {  	v12 =	vperm.xlane v10, v5  }
0x6e5: {  	v9 =	vadd.f32 v9, v11  }
0x6e6: {  	v10 =	vadd.f32 v10, v12  }
0x6e7: {  	v11 =	vperm.xlane v9, v7  }
0x6e8: {  	v12 =	vperm.xlane v10, v7  }
0x6e9: {  	v13 =	vmov s11;
	v9 =	vadd.f32 v9, v11  }
0x6ea: {  	vm1 =	veq.s32 v13, v0;
	v11 =	vmov s12;
	v10 =	vadd.f32 v10, v12  }
0x6eb: {  	v8 =	vsel vm1, v9, v8;
	vm1 =	veq.s32 v11, v0  }
0x6ec: {  	v8 =	vsel vm1, v10, v8  }
0x6ed: {  	v8 =	vsub.f32 $0.0e+00, v8;
	_ =	sdelay $0x1  }
0x6ee: {  	v8 =	vmul.f32 $1.442695020e+00, v8;
	_ =	sdelay $0x1  }
0x6ef: {  	(erf) = vpow2.f32 v8;
	_ =	sdelay $0x8  }
0x6f0: {  	v8 =	vpop (erf)  }
0x6f1: {  	v8 =	vadd.f32 $1.000000000e+00, v8;
	_ =	sdelay $0x1  }
0x6f2: {  	(erf) = vrcp.f32 v8;
	_ =	sdelay $0x7  }
0x6f3: {  	s11 =	simm.s32 $0x0  }
0x6f4: {  	s13 =	sand.u32 $0x380, s11;
	s12 =	sand.u32 $0x800, s11;
	v8 =	vpop (erf)  }
0x6f5: {  	s10 =	sor.u32 s13, s12;
	[tilespmem:s9+$0x2890] =	vst v8  }
0x6f6: {  	v8 =	vld [tilespmem:s10+$0x19C00]  }
0x6f7: {  	v9 =	vld [tilespmem:s10+$0xDC00]  }
0x6f8: {  	v10 =	vld [tilespmem:s10+$0x19C10]  }
0x6f9: {  	v11 =	vld [tilespmem:s10+$0xDC10]  }
0x6fa: {  	v12 =	vld [tilespmem:s10+$0x19C20]  }
0x6fb: {  	v13 =	vld [tilespmem:s10+$0xDC20]  }
0x6fc: {  	v14 =	vld [tilespmem:s10+$0x19C30]  }
0x6fd: {  	v15 =	vld [tilespmem:s10+$0xDC30]  }
0x6fe: {  	v16 =	vld [tilespmem:s10+$0x19C40];
	v8 =	vmul.f32 v9, v8;
	v9 =	vmul.f32 v11, v10  }
0x6ff: {  	v10 =	vld [tilespmem:s10+$0xDC40]  }
0x700: {  	v11 =	vld [tilespmem:s10+$0x19C50];
	v8 =	vadd.f32 v9, v8;
	v9 =	vmul.f32 v13, v12  }
0x701: {  	v12 =	vld [tilespmem:s10+$0xDC50]  }
0x702: {  	v13 =	vld [tilespmem:s10+$0x19C60];
	v8 =	vadd.f32 v9, v8;
	v9 =	vmul.f32 v15, v14  }
0x703: {  	s14 =	sand.u32 $0xFFFFF800, s11;
	v14 =	vld [tilespmem:s10+$0xDC60]  }
0x704: {  	s12 =	sadd.s32 $0x0, s14;
	v15 =	vld [tilespmem:s10+$0x19C70];
	v8 =	vadd.f32 v9, v8;
	v9 =	vmul.f32 v10, v16  }
0x705: {  	s15 =	sor.u32 $0x2400, s12;
	v10 =	vld [tilespmem:s10+$0xDC70]  }
0x706: {  	v16 =	vld [tilespmem:s15+$0x17C00];
	v8 =	vadd.f32 v9, v8;
	v9 =	vmul.f32 v12, v11  }
0x707: {  	s16 =	sor.u32 $0x2410, s12;
	v11 =	vld [tilespmem:s15+$0xBC00]  }
0x708: {  	v12 =	vld [tilespmem:s16+$0x17C00];
	v8 =	vadd.f32 v9, v8;
	v9 =	vmul.f32 v14, v13  }
0x709: {  	s18 =	sor.u32 $0x2420, s12;
	v13 =	vld [tilespmem:s16+$0xBC00]  }
0x70a: {  	v14 =	vld [tilespmem:s18+$0x17C00];
	v8 =	vadd.f32 v9, v8;
	v9 =	vmul.f32 v10, v15  }
0x70b: {  	s13 =	sor.u32 $0x2430, s12;
	v10 =	vld [tilespmem:s18+$0xBC00]  }
0x70c: {  	v15 =	vld [tilespmem:s13+$0x17C00];
	v8 =	vadd.f32 v9, v8;
	v9 =	vmul.f32 v11, v16  }
0x70d: {  	s14 =	sor.u32 $0x2440, s12;
	v11 =	vld [tilespmem:s13+$0xBC00]  }
0x70e: {  	v16 =	vld [tilespmem:s14+$0x17C00];
	v8 =	vadd.f32 v9, v8;
	v9 =	vmul.f32 v13, v12  }
0x70f: {  	s15 =	sor.u32 $0x2450, s12;
	v12 =	vld [tilespmem:s14+$0xBC00]  }
0x710: {  	v17 =	vld [tilespmem:s15+$0x17C00];
	v10 =	vmul.f32 v10, v14;
	v8 =	vadd.f32 v9, v8  }
0x711: {  	s16 =	sor.u32 $0x2460, s12;
	v14 =	vld [tilespmem:s15+$0xBC00]  }
0x712: {  	v9 =	vld [tilespmem:s16+$0x17C00];
	v13 =	vmul.f32 v11, v15;
	v8 =	vadd.f32 v10, v8  }
0x713: {  	s10 =	simm.s32 $0x100;
	s12 =	sor.u32 $0x2470, s12;
	s13 =	simm.s32 $0x80;
	v10 =	vld [tilespmem:s16+$0xBC00]  }
0x714: {  	s18 =	sand.u32 $0x800, s10;
	s15 =	sand.u32 $0x380, s13;
	v11 =	vld [tilespmem:s12+$0x17C00];
	v16 =	vmul.f32 v12, v16;
	v13 =	vadd.f32 v13, v8  }
0x715: {  	s14 =	sor.u32 s15, s18;
	v12 =	vld [tilespmem:s12+$0xBC00]  }
0x716: {  	v15 =	vld [tilespmem:s14+$0x19C00];
	v14 =	vmul.f32 v14, v17;
	v13 =	vadd.f32 v16, v13  }
0x717: {  	s18 =	simm.s32 $0x2;
	s12 =	simm.s32 $0x1;
	v8 =	vimm.f32 $0.0e+00;
	v16 =	vld [tilespmem:s14+$0xDC00]  }
.LBB2_27:
0x718: {  	p1 =	sne.s32 s18, $0xF;
	v17 =	vld [tilespmem:s14+$0x19C10];
	v13 =	vadd.f32 v14, v13;
	v9 =	vmul.f32 v10, v9  }
0x719: {  	v10 =	vld [tilespmem:s14+$0xDC10]  }
0x71a: {  	v14 =	vld [tilespmem:s14+$0x19C20];
	v9 =	vadd.f32 v9, v13;
	v11 =	vmul.f32 v12, v11  }
0x71b: {  	v12 =	vld [tilespmem:s14+$0xDC20]  }
0x71c: {  	v13 =	vld [tilespmem:s14+$0x19C30];
	v9 =	vadd.f32 v11, v9  }
0x71d: {  	v11 =	vmul.f32 v16, v15;
	v15 =	vld [tilespmem:s14+$0xDC30]  }
0x71e: {  	v10 =	vmul.f32 v10, v17;
	v16 =	vld [tilespmem:s14+$0x19C40];
	v17 =	vperm.xlane v9, v1  }
0x71f: {  	v18 =	vld [tilespmem:s14+$0xDC40]  }
0x720: {  	v10 =	vadd.f32 v10, v11;
	v11 =	vmul.f32 v12, v14;
	v12 =	vld [tilespmem:s14+$0x19C50];
	v9 =	vadd.f32 v9, v17  }
0x721: {  	v14 =	vld [tilespmem:s14+$0xDC50]  }
0x722: {  	v10 =	vadd.f32 v11, v10;
	v11 =	vmul.f32 v15, v13;
	v13 =	vld [tilespmem:s14+$0x19C60];
	v15 =	vperm.xlane v9, v2  }
0x723: {  	s15 =	sand.u32 $0xFFFFF800, s10;
	v17 =	vld [tilespmem:s14+$0xDC60]  }
0x724: {  	s15 =	sadd.s32 s15, s13;
	v10 =	vadd.f32 v11, v10;
	v11 =	vmul.f32 v18, v16;
	v16 =	vld [tilespmem:s14+$0x19C70];
	v9 =	vadd.f32 v9, v15  }
0x725: {  	v15 =	vld [tilespmem:s14+$0xDC70];
	s14 =	sor.u32 $0x2400, s15  }
0x726: {  	v10 =	vadd.f32 v11, v10;
	v11 =	vmul.f32 v14, v12;
	v12 =	vld [tilespmem:s14+$0x17C00];
	v14 =	vperm.xlane v9, v5  }
0x727: {  	v18 =	vld [tilespmem:s14+$0xBC00];
	s14 =	sor.u32 $0x2410, s15  }
0x728: {  	v10 =	vadd.f32 v11, v10;
	v11 =	vmul.f32 v17, v13;
	v13 =	vld [tilespmem:s14+$0x17C00];
	v9 =	vadd.f32 v9, v14  }
0x729: {  	v14 =	vld [tilespmem:s14+$0xBC00];
	s14 =	sor.u32 $0x2420, s15  }
0x72a: {  	v10 =	vadd.f32 v11, v10;
	v11 =	vmul.f32 v15, v16;
	v15 =	vld [tilespmem:s14+$0x17C00];
	v16 =	vperm.xlane v9, v7  }
0x72b: {  	v19 =	vmov s11;
	s11 =	smov.u32 s12;
	s12 =	smov.u32 s18;
	v17 =	vld [tilespmem:s14+$0xBC00];
	s14 =	sor.u32 $0x2430, s15  }
0x72c: {  	v10 =	vadd.f32 v11, v10;
	v11 =	vmul.f32 v18, v12;
	v12 =	vld [tilespmem:s14+$0x17C00];
	v9 =	vadd.f32 v9, v16  }
0x72d: {  	vm1 =	veq.s32 v19, v0;
	v16 =	vld [tilespmem:s14+$0xBC00];
	s14 =	sor.u32 $0x2440, s15  }
0x72e: {  	v10 =	vadd.f32 v11, v10;
	v11 =	vmul.f32 v14, v13;
	v13 =	vld [tilespmem:s14+$0x17C00];
	v8 =	vsel vm1, v9, v8  }
0x72f: {  	v14 =	vld [tilespmem:s14+$0xBC00];
	s14 =	sor.u32 $0x2450, s15  }
0x730: {  	v9 =	vadd.f32 v11, v10;
	v10 =	vmul.f32 v17, v15;
	v17 =	vld [tilespmem:s14+$0x17C00]  }
0x731: {  	v18 =	vld [tilespmem:s14+$0xBC00];
	s14 =	sor.u32 $0x2460, s15  }
0x732: {  	s10 =	sadd.s32 $0x100, s10;
	v11 =	vadd.f32 v10, v9;
	v12 =	vmul.f32 v16, v12;
	v9 =	vld [tilespmem:s14+$0x17C00]  }
.Ltmp12:
0x733: {  	s13 =	sadd.s32 $0x80, s13;
	s15 =	sor.u32 $0x2470, s15;
	v10 =	vld [tilespmem:s14+$0xBC00];
	(pc) =	sbr.rel @p1 .LBB2_27-.Ltmp12, $4  }
0x734: {  	s16 =	sand.u32 $0x380, s13;
	s14 =	sand.u32 $0x800, s10;
	v16 =	vadd.f32 v12, v11;
	v13 =	vmul.f32 v14, v13;
	v11 =	vld [tilespmem:s15+$0x17C00]  }
0x735: {  	s14 =	sor.u32 s16, s14;
	v12 =	vld [tilespmem:s15+$0xBC00]  }
0x736: {  	v15 =	vld [tilespmem:s14+$0x19C00];
	v13 =	vadd.f32 v13, v16;
	v14 =	vmul.f32 v18, v17  }
0x737: {  	s18 =	sadd.s32 $0x1, s18;
	v16 =	vld [tilespmem:s14+$0xDC00]  }
0x738: {  	v17 =	vld [tilespmem:s14+$0x19C10]  }
0x739: {  	v18 =	vld [tilespmem:s14+$0xDC10]  }
0x73a: {  	v19 =	vld [tilespmem:s14+$0x19C20]  }
0x73b: {  	v20 =	vld [tilespmem:s14+$0xDC20]  }
0x73c: {  	v21 =	vld [tilespmem:s14+$0x19C30]  }
0x73d: {  	v22 =	vld [tilespmem:s14+$0xDC30]  }
0x73e: {  	v15 =	vmul.f32 v16, v15;
	v16 =	vmul.f32 v18, v17;
	v17 =	vld [tilespmem:s14+$0x19C40]  }
0x73f: {  	v18 =	vld [tilespmem:s14+$0xDC40]  }
0x740: {  	v52 =	vld [tilespmem:s14+$0xDC50];
	v15 =	vadd.f32 v16, v15;
	v16 =	vmul.f32 v20, v19  }
0x741: {  	v19 =	vld [tilespmem:s14+$0x19C50]  }
0x742: {  	v53 =	vld [tilespmem:s14+$0x19C60];
	v15 =	vadd.f32 v16, v15;
	v16 =	vmul.f32 v22, v21  }
0x743: {  	s10 =	sand.u32 $0xFFFFF800, s10;
	v54 =	vld [tilespmem:s14+$0xDC60]  }
0x744: {  	s10 =	sadd.s32 s10, s13;
	v15 =	vadd.f32 v16, v15;
	v16 =	vmul.f32 v18, v17;
	v17 =	vld [tilespmem:s14+$0x19C70]  }
0x745: {  	s13 =	sor.u32 $0x2400, s10;
	v18 =	vld [tilespmem:s14+$0xDC70]  }
0x746: {  	v55 =	vld [tilespmem:s13+$0xBC00];
	v15 =	vadd.f32 v16, v15;
	v16 =	vmul.f32 v52, v19  }
0x747: {  	s16 =	sor.u32 $0x2410, s10;
	v19 =	vld [tilespmem:s13+$0x17C00]  }
0x748: {  	v56 =	vld [tilespmem:s16+$0x17C00];
	v15 =	vadd.f32 v16, v15;
	v16 =	vmul.f32 v54, v53  }
0x749: {  	s18 =	sor.u32 $0x2420, s10;
	v57 =	vld [tilespmem:s16+$0xBC00]  }
0x74a: {  	v15 =	vadd.f32 v16, v15;
	v16 =	vmul.f32 v18, v17;
	v17 =	vld [tilespmem:s18+$0x17C00]  }
0x74b: {  	s14 =	sor.u32 $0x2430, s10;
	v18 =	vld [tilespmem:s18+$0xBC00]  }
0x74c: {  	v58 =	vld [tilespmem:s14+$0xBC00];
	v15 =	vadd.f32 v16, v15;
	v16 =	vmul.f32 v55, v19  }
0x74d: {  	s15 =	sor.u32 $0x2440, s10;
	v19 =	vld [tilespmem:s14+$0x17C00]  }
0x74e: {  	v59 =	vld [tilespmem:s15+$0x17C00];
	v15 =	vadd.f32 v16, v15;
	v16 =	vmul.f32 v57, v56  }
0x74f: {  	v60 =	vld [tilespmem:s15+$0xBC00];
	s16 =	sor.u32 $0x2450, s10  }
0x750: {  	v15 =	vadd.f32 v16, v15;
	v16 =	vmul.f32 v18, v17;
	v17 =	vld [tilespmem:s16+$0x17C00]  }
0x751: {  	s18 =	sor.u32 $0x2460, s10;
	v18 =	vld [tilespmem:s16+$0xBC00]  }
0x752: {  	v61 =	vld [tilespmem:s18+$0xBC00];
	v15 =	vadd.f32 v16, v15;
	v16 =	vmul.f32 v58, v19  }
0x753: {  	s10 =	sor.u32 $0x2470, s10;
	v19 =	vld [tilespmem:s18+$0x17C00]  }
0x754: {  	v62 =	vld [tilespmem:s10+$0x17C00];
	v15 =	vadd.f32 v16, v15;
	v16 =	vmul.f32 v60, v59  }
0x755: {  	v63 =	vld [tilespmem:s10+$0xBC00]  }
0x756: {  	v15 =	vadd.f32 v16, v15;
	v16 =	vmul.f32 v18, v17  }
0x757: {  	v13 =	vadd.f32 v14, v13;
	v9 =	vmul.f32 v10, v9  }
0x758: {  	v14 =	vmul.f32 v61, v19;
	v10 =	vadd.f32 v16, v15  }
0x759: {  	v9 =	vadd.f32 v9, v13;
	v11 =	vmul.f32 v12, v11  }
0x75a: {  	v12 =	vmul.f32 v63, v62;
	v10 =	vadd.f32 v14, v10  }
0x75b: {  	v9 =	vadd.f32 v11, v9  }
0x75c: {  	v10 =	vadd.f32 v12, v10  }
0x75d: {  	v11 =	vperm.xlane v9, v1  }
0x75e: {  	v12 =	vperm.xlane v10, v1  }
0x75f: {  	v9 =	vadd.f32 v9, v11  }
0x760: {  	v10 =	vadd.f32 v10, v12  }
0x761: {  	v11 =	vperm.xlane v9, v2  }
0x762: {  	v12 =	vperm.xlane v10, v2  }
0x763: {  	v9 =	vadd.f32 v9, v11  }
0x764: {  	v10 =	vadd.f32 v10, v12  }
0x765: {  	v11 =	vperm.xlane v9, v5  }
0x766: {  	v12 =	vperm.xlane v10, v5  }
0x767: {  	v9 =	vadd.f32 v9, v11  }
0x768: {  	v10 =	vadd.f32 v10, v12  }
0x769: {  	v11 =	vperm.xlane v9, v7  }
0x76a: {  	v12 =	vperm.xlane v10, v7  }
0x76b: {  	v13 =	vmov s11;
	v9 =	vadd.f32 v9, v11  }
0x76c: {  	vm1 =	veq.s32 v13, v0;
	v11 =	vmov s12;
	v10 =	vadd.f32 v10, v12  }
0x76d: {  	v8 =	vsel vm1, v9, v8;
	vm1 =	veq.s32 v11, v0  }
0x76e: {  	v8 =	vsel vm1, v10, v8  }
0x76f: {  	v8 =	vsub.f32 $0.0e+00, v8;
	_ =	sdelay $0x1  }
0x770: {  	v8 =	vmul.f32 $1.442695020e+00, v8;
	_ =	sdelay $0x1  }
0x771: {  	(erf) = vpow2.f32 v8;
	_ =	sdelay $0x8  }
0x772: {  	v8 =	vpop (erf)  }
0x773: {  	v8 =	vadd.f32 $1.000000000e+00, v8;
	_ =	sdelay $0x1  }
0x774: {  	(erf) = vrcp.f32 v8;
	_ =	sdelay $0x7  }
0x775: {  	s11 =	simm.s32 $0x0  }
0x776: {  	s13 =	sand.u32 $0x380, s11;
	s12 =	sand.u32 $0x800, s11;
	v8 =	vpop (erf)  }
0x777: {  	s10 =	sor.u32 s13, s12;
	[tilespmem:s9+$0x28A0] =	vst v8  }
0x778: {  	v8 =	vld [tilespmem:s10+$0x1AC00]  }
0x779: {  	v9 =	vld [tilespmem:s10+$0xEC00]  }
0x77a: {  	v10 =	vld [tilespmem:s10+$0x1AC10]  }
0x77b: {  	v11 =	vld [tilespmem:s10+$0xEC10]  }
0x77c: {  	v12 =	vld [tilespmem:s10+$0x1AC20]  }
0x77d: {  	v13 =	vld [tilespmem:s10+$0xEC20]  }
0x77e: {  	v14 =	vld [tilespmem:s10+$0x1AC30]  }
0x77f: {  	v15 =	vld [tilespmem:s10+$0xEC30]  }
0x780: {  	v16 =	vld [tilespmem:s10+$0x1AC40];
	v8 =	vmul.f32 v9, v8;
	v9 =	vmul.f32 v11, v10  }
0x781: {  	v10 =	vld [tilespmem:s10+$0xEC40]  }
0x782: {  	v11 =	vld [tilespmem:s10+$0x1AC50];
	v8 =	vadd.f32 v9, v8;
	v9 =	vmul.f32 v13, v12  }
0x783: {  	v12 =	vld [tilespmem:s10+$0xEC50]  }
0x784: {  	v13 =	vld [tilespmem:s10+$0x1AC60];
	v8 =	vadd.f32 v9, v8;
	v9 =	vmul.f32 v15, v14  }
0x785: {  	s14 =	sand.u32 $0xFFFFF800, s11;
	v14 =	vld [tilespmem:s10+$0xEC60]  }
0x786: {  	s12 =	sadd.s32 $0x0, s14;
	v15 =	vld [tilespmem:s10+$0x1AC70];
	v8 =	vadd.f32 v9, v8;
	v9 =	vmul.f32 v10, v16  }
0x787: {  	s15 =	sor.u32 $0x3400, s12;
	v10 =	vld [tilespmem:s10+$0xEC70]  }
0x788: {  	v16 =	vld [tilespmem:s15+$0x17C00];
	v8 =	vadd.f32 v9, v8;
	v9 =	vmul.f32 v12, v11  }
0x789: {  	s16 =	sor.u32 $0x3410, s12;
	v11 =	vld [tilespmem:s15+$0xBC00]  }
0x78a: {  	v12 =	vld [tilespmem:s16+$0x17C00];
	v8 =	vadd.f32 v9, v8;
	v9 =	vmul.f32 v14, v13  }
0x78b: {  	s18 =	sor.u32 $0x3420, s12;
	v13 =	vld [tilespmem:s16+$0xBC00]  }
0x78c: {  	v14 =	vld [tilespmem:s18+$0x17C00];
	v8 =	vadd.f32 v9, v8;
	v9 =	vmul.f32 v10, v15  }
0x78d: {  	s13 =	sor.u32 $0x3430, s12;
	v10 =	vld [tilespmem:s18+$0xBC00]  }
0x78e: {  	v15 =	vld [tilespmem:s13+$0x17C00];
	v8 =	vadd.f32 v9, v8;
	v9 =	vmul.f32 v11, v16  }
0x78f: {  	s14 =	sor.u32 $0x3440, s12;
	v11 =	vld [tilespmem:s13+$0xBC00]  }
0x790: {  	v16 =	vld [tilespmem:s14+$0x17C00];
	v8 =	vadd.f32 v9, v8;
	v9 =	vmul.f32 v13, v12  }
0x791: {  	s15 =	sor.u32 $0x3450, s12;
	v12 =	vld [tilespmem:s14+$0xBC00]  }
0x792: {  	v17 =	vld [tilespmem:s15+$0x17C00];
	v10 =	vmul.f32 v10, v14;
	v8 =	vadd.f32 v9, v8  }
0x793: {  	s16 =	sor.u32 $0x3460, s12;
	v14 =	vld [tilespmem:s15+$0xBC00]  }
0x794: {  	v9 =	vld [tilespmem:s16+$0x17C00];
	v13 =	vmul.f32 v11, v15;
	v8 =	vadd.f32 v10, v8  }
0x795: {  	s10 =	simm.s32 $0x100;
	s12 =	sor.u32 $0x3470, s12;
	s13 =	simm.s32 $0x80;
	v10 =	vld [tilespmem:s16+$0xBC00]  }
0x796: {  	s18 =	sand.u32 $0x800, s10;
	s15 =	sand.u32 $0x380, s13;
	v11 =	vld [tilespmem:s12+$0x17C00];
	v16 =	vmul.f32 v12, v16;
	v13 =	vadd.f32 v13, v8  }
0x797: {  	s14 =	sor.u32 s15, s18;
	v12 =	vld [tilespmem:s12+$0xBC00]  }
0x798: {  	v15 =	vld [tilespmem:s14+$0x1AC00];
	v14 =	vmul.f32 v14, v17;
	v13 =	vadd.f32 v16, v13  }
0x799: {  	s18 =	simm.s32 $0x2;
	s12 =	simm.s32 $0x1;
	v8 =	vimm.f32 $0.0e+00;
	v16 =	vld [tilespmem:s14+$0xEC00]  }
.LBB2_29:
0x79a: {  	p1 =	sne.s32 s18, $0xF;
	v17 =	vld [tilespmem:s14+$0x1AC10];
	v13 =	vadd.f32 v14, v13;
	v9 =	vmul.f32 v10, v9  }
0x79b: {  	v10 =	vld [tilespmem:s14+$0xEC10]  }
0x79c: {  	v14 =	vld [tilespmem:s14+$0x1AC20];
	v9 =	vadd.f32 v9, v13;
	v11 =	vmul.f32 v12, v11  }
0x79d: {  	v12 =	vld [tilespmem:s14+$0xEC20]  }
0x79e: {  	v13 =	vld [tilespmem:s14+$0x1AC30];
	v9 =	vadd.f32 v11, v9  }
0x79f: {  	v11 =	vmul.f32 v16, v15;
	v15 =	vld [tilespmem:s14+$0xEC30]  }
0x7a0: {  	v10 =	vmul.f32 v10, v17;
	v16 =	vld [tilespmem:s14+$0x1AC40];
	v17 =	vperm.xlane v9, v1  }
0x7a1: {  	v18 =	vld [tilespmem:s14+$0xEC40]  }
0x7a2: {  	v10 =	vadd.f32 v10, v11;
	v11 =	vmul.f32 v12, v14;
	v12 =	vld [tilespmem:s14+$0x1AC50];
	v9 =	vadd.f32 v9, v17  }
0x7a3: {  	v14 =	vld [tilespmem:s14+$0xEC50]  }
0x7a4: {  	v10 =	vadd.f32 v11, v10;
	v11 =	vmul.f32 v15, v13;
	v13 =	vld [tilespmem:s14+$0x1AC60];
	v15 =	vperm.xlane v9, v2  }
0x7a5: {  	s15 =	sand.u32 $0xFFFFF800, s10;
	v17 =	vld [tilespmem:s14+$0xEC60]  }
0x7a6: {  	s15 =	sadd.s32 s15, s13;
	v10 =	vadd.f32 v11, v10;
	v11 =	vmul.f32 v18, v16;
	v16 =	vld [tilespmem:s14+$0x1AC70];
	v9 =	vadd.f32 v9, v15  }
0x7a7: {  	v15 =	vld [tilespmem:s14+$0xEC70];
	s14 =	sor.u32 $0x3400, s15  }
0x7a8: {  	v10 =	vadd.f32 v11, v10;
	v11 =	vmul.f32 v14, v12;
	v12 =	vld [tilespmem:s14+$0x17C00];
	v14 =	vperm.xlane v9, v5  }
0x7a9: {  	v18 =	vld [tilespmem:s14+$0xBC00];
	s14 =	sor.u32 $0x3410, s15  }
0x7aa: {  	v10 =	vadd.f32 v11, v10;
	v11 =	vmul.f32 v17, v13;
	v13 =	vld [tilespmem:s14+$0x17C00];
	v9 =	vadd.f32 v9, v14  }
0x7ab: {  	v14 =	vld [tilespmem:s14+$0xBC00];
	s14 =	sor.u32 $0x3420, s15  }
0x7ac: {  	v10 =	vadd.f32 v11, v10;
	v11 =	vmul.f32 v15, v16;
	v15 =	vld [tilespmem:s14+$0x17C00];
	v16 =	vperm.xlane v9, v7  }
0x7ad: {  	v19 =	vmov s11;
	s11 =	smov.u32 s12;
	s12 =	smov.u32 s18;
	v17 =	vld [tilespmem:s14+$0xBC00];
	s14 =	sor.u32 $0x3430, s15  }
0x7ae: {  	v10 =	vadd.f32 v11, v10;
	v11 =	vmul.f32 v18, v12;
	v12 =	vld [tilespmem:s14+$0x17C00];
	v9 =	vadd.f32 v9, v16  }
0x7af: {  	vm1 =	veq.s32 v19, v0;
	v16 =	vld [tilespmem:s14+$0xBC00];
	s14 =	sor.u32 $0x3440, s15  }
0x7b0: {  	v10 =	vadd.f32 v11, v10;
	v11 =	vmul.f32 v14, v13;
	v13 =	vld [tilespmem:s14+$0x17C00];
	v8 =	vsel vm1, v9, v8  }
0x7b1: {  	v14 =	vld [tilespmem:s14+$0xBC00];
	s14 =	sor.u32 $0x3450, s15  }
0x7b2: {  	v9 =	vadd.f32 v11, v10;
	v10 =	vmul.f32 v17, v15;
	v17 =	vld [tilespmem:s14+$0x17C00]  }
0x7b3: {  	v18 =	vld [tilespmem:s14+$0xBC00];
	s14 =	sor.u32 $0x3460, s15  }
0x7b4: {  	s10 =	sadd.s32 $0x100, s10;
	v11 =	vadd.f32 v10, v9;
	v12 =	vmul.f32 v16, v12;
	v9 =	vld [tilespmem:s14+$0x17C00]  }
.Ltmp13:
0x7b5: {  	s13 =	sadd.s32 $0x80, s13;
	s15 =	sor.u32 $0x3470, s15;
	v10 =	vld [tilespmem:s14+$0xBC00];
	(pc) =	sbr.rel @p1 .LBB2_29-.Ltmp13, $4  }
0x7b6: {  	s16 =	sand.u32 $0x380, s13;
	s14 =	sand.u32 $0x800, s10;
	v16 =	vadd.f32 v12, v11;
	v13 =	vmul.f32 v14, v13;
	v11 =	vld [tilespmem:s15+$0x17C00]  }
0x7b7: {  	s14 =	sor.u32 s16, s14;
	v12 =	vld [tilespmem:s15+$0xBC00]  }
0x7b8: {  	v15 =	vld [tilespmem:s14+$0x1AC00];
	v13 =	vadd.f32 v13, v16;
	v14 =	vmul.f32 v18, v17  }
0x7b9: {  	s18 =	sadd.s32 $0x1, s18;
	v16 =	vld [tilespmem:s14+$0xEC00]  }
0x7ba: {  	v17 =	vld [tilespmem:s14+$0x1AC10]  }
0x7bb: {  	v18 =	vld [tilespmem:s14+$0xEC10]  }
0x7bc: {  	v19 =	vld [tilespmem:s14+$0x1AC20]  }
0x7bd: {  	v20 =	vld [tilespmem:s14+$0xEC20]  }
0x7be: {  	v21 =	vld [tilespmem:s14+$0x1AC30]  }
0x7bf: {  	v22 =	vld [tilespmem:s14+$0xEC30]  }
0x7c0: {  	v63 =	vld [tilespmem:s14+$0x1AC40];
	v15 =	vmul.f32 v16, v15;
	v62 =	vmul.f32 v18, v17  }
0x7c1: {  	v24 =	vld [tilespmem:s14+$0xEC40]  }
0x7c2: {  	v26 =	vld [tilespmem:s14+$0x1AC50];
	v25 =	vmul.f32 v20, v19;
	v15 =	vadd.f32 v62, v15  }
0x7c3: {  	v27 =	vld [tilespmem:s14+$0xEC50]  }
0x7c4: {  	v29 =	vld [tilespmem:s14+$0x1AC60];
	v28 =	vmul.f32 v22, v21;
	v15 =	vadd.f32 v25, v15  }
0x7c5: {  	s10 =	sand.u32 $0xFFFFF800, s10;
	v30 =	vld [tilespmem:s14+$0xEC60]  }
0x7c6: {  	v32 =	vld [tilespmem:s14+$0x1AC70];
	s10 =	sadd.s32 s10, s13;
	v31 =	vmul.f32 v24, v63;
	v15 =	vadd.f32 v28, v15  }
0x7c7: {  	v33 =	vld [tilespmem:s14+$0xEC70];
	s13 =	sor.u32 $0x3400, s10  }
0x7c8: {  	v35 =	vld [tilespmem:s13+$0x17C00];
	v34 =	vmul.f32 v27, v26;
	v15 =	vadd.f32 v31, v15  }
0x7c9: {  	s16 =	sor.u32 $0x3410, s10;
	v36 =	vld [tilespmem:s13+$0xBC00]  }
0x7ca: {  	v38 =	vld [tilespmem:s16+$0x17C00];
	v37 =	vmul.f32 v30, v29;
	v15 =	vadd.f32 v34, v15  }
0x7cb: {  	s18 =	sor.u32 $0x3420, s10;
	v39 =	vld [tilespmem:s16+$0xBC00]  }
0x7cc: {  	v41 =	vld [tilespmem:s18+$0x17C00];
	v40 =	vmul.f32 v33, v32;
	v15 =	vadd.f32 v37, v15  }
0x7cd: {  	s14 =	sor.u32 $0x3430, s10;
	v42 =	vld [tilespmem:s18+$0xBC00]  }
0x7ce: {  	v44 =	vld [tilespmem:s14+$0x17C00];
	v43 =	vmul.f32 v36, v35;
	v15 =	vadd.f32 v40, v15  }
0x7cf: {  	s15 =	sor.u32 $0x3440, s10;
	v45 =	vld [tilespmem:s14+$0xBC00]  }
0x7d0: {  	v47 =	vld [tilespmem:s15+$0x17C00];
	v46 =	vmul.f32 v39, v38;
	v15 =	vadd.f32 v43, v15  }
0x7d1: {  	v48 =	vld [tilespmem:s15+$0xBC00];
	s16 =	sor.u32 $0x3450, s10  }
0x7d2: {  	v50 =	vld [tilespmem:s16+$0x17C00];
	v49 =	vmul.f32 v42, v41;
	v15 =	vadd.f32 v46, v15  }
0x7d3: {  	s18 =	sor.u32 $0x3460, s10;
	v51 =	vld [tilespmem:s16+$0xBC00]  }
0x7d4: {  	v53 =	vld [tilespmem:s18+$0x17C00];
	v52 =	vmul.f32 v45, v44;
	v15 =	vadd.f32 v49, v15  }
0x7d5: {  	s10 =	sor.u32 $0x3470, s10;
	v54 =	vld [tilespmem:s18+$0xBC00]  }
0x7d6: {  	v56 =	vld [tilespmem:s10+$0x17C00];
	v55 =	vmul.f32 v48, v47;
	v15 =	vadd.f32 v52, v15  }
0x7d7: {  	v57 =	vld [tilespmem:s10+$0xBC00]  }
0x7d8: {  	v58 =	vmul.f32 v51, v50;
	v15 =	vadd.f32 v55, v15  }
0x7d9: {  	v13 =	vadd.f32 v14, v13;
	v9 =	vmul.f32 v10, v9  }
0x7da: {  	v60 =	vmul.f32 v54, v53;
	v59 =	vadd.f32 v58, v15  }
0x7db: {  	v9 =	vadd.f32 v9, v13;
	v11 =	vmul.f32 v12, v11  }
0x7dc: {  	v61 =	vmul.f32 v57, v56;
	v10 =	vadd.f32 v60, v59  }
0x7dd: {  	v9 =	vadd.f32 v11, v9  }
0x7de: {  	v10 =	vadd.f32 v61, v10  }
0x7df: {  	v11 =	vperm.xlane v9, v1  }
0x7e0: {  	v12 =	vperm.xlane v10, v1  }
0x7e1: {  	v9 =	vadd.f32 v9, v11  }
0x7e2: {  	v10 =	vadd.f32 v10, v12  }
0x7e3: {  	v11 =	vperm.xlane v9, v2  }
0x7e4: {  	v12 =	vperm.xlane v10, v2  }
0x7e5: {  	v9 =	vadd.f32 v9, v11  }
0x7e6: {  	v10 =	vadd.f32 v10, v12  }
0x7e7: {  	v11 =	vperm.xlane v9, v5  }
0x7e8: {  	v12 =	vperm.xlane v10, v5  }
0x7e9: {  	v9 =	vadd.f32 v9, v11  }
0x7ea: {  	v10 =	vadd.f32 v10, v12  }
0x7eb: {  	v11 =	vperm.xlane v9, v7  }
0x7ec: {  	v12 =	vperm.xlane v10, v7  }
0x7ed: {  	v62 =	vmov s11;
	v9 =	vadd.f32 v9, v11  }
0x7ee: {  	v63 =	vmov s12;
	vm1 =	veq.s32 v62, v0;
	v10 =	vadd.f32 v10, v12  }
0x7ef: {  	v8 =	vsel vm1, v9, v8;
	vm1 =	veq.s32 v63, v0  }
0x7f0: {  	v8 =	vsel vm1, v10, v8  }
0x7f1: {  	v8 =	vsub.f32 $0.0e+00, v8;
	_ =	sdelay $0x1  }
0x7f2: {  	v8 =	vmul.f32 $1.442695020e+00, v8;
	_ =	sdelay $0x1  }
0x7f3: {  	(erf) = vpow2.f32 v8;
	_ =	sdelay $0x8  }
0x7f4: {  	v8 =	vpop (erf)  }
0x7f5: {  	v8 =	vadd.f32 $1.000000000e+00, v8;
	_ =	sdelay $0x1  }
0x7f6: {  	(erf) = vrcp.f32 v8;
	_ =	sdelay $0x5  }
.Ltmp14:
0x7f7: {  	_ = 	snop;
	(pc) =	sbr.rel @p0 .LBB2_32-.Ltmp14, $3  }
0x7f8: {  	_ =	sdelay $0x1  }
0x7f9: {  	v8 =	vpop (erf)  }
0x7fa: {  	[tilespmem:s9+$0x28B0] =	vst v8  }
0x7fb: {  	v8 =	vld [tilespmem:s9+$0x1540];
	_ =	sdelay $0x4  }
0x7fc: {  	v9 =	vshll.u32 v8, $0x1  }
0x7fd: {  	v8 =	vand.u32 $0x7, v8;
	v9 =	vand.u32 $0xFFFFFFF0, v9  }
0x7fe: {  	v8 =	vor.u32 v8, v9  }
0x7ff: {  	v9 =	vperm.xlane v8, v3;
	_ =	sdelay $0x1  }
0x800: {  	v8 =	vperm.xlane v8, v6;
	v9 =	vadd.s32 v4, v9;
	_ =	sdelay $0x1  }
0x801: {  	v8 =	vadd.s32 v4, v8;
	_ =	sdelay $0x1  }
0x802: {  	s10 =	simm.s32 $0x17C00  }
0x803: {  	[tilespmem:s10], [sflag:$0x6] =	stream.indirect_vreg.gather [hbm4b:s1+s3], $0x80, v9, vm0, $0xb8;
	[tilespmem:$0x1BC00] =	vst v63  }
0x804: {  	s16 =	simm.s32 $0x18400  }
0x805: {  	[tilespmem:s16], [sflag:$0x6] =	stream.indirect_vreg.gather [hbm4b:s1+s3], $0x80, v8, vm0, $0xb8;
	[tilespmem:$0x1BC00] =	vst v63  }
0x806: {  	v8 =	vld [tilespmem:s9+$0x1550];
	_ =	sdelay $0x4  }
0x807: {  	v57 =	vshll.u32 v8, $0x1  }
0x808: {  	v8 =	vand.u32 $0x7, v8;
	v9 =	vand.u32 $0xFFFFFFF0, v57  }
0x809: {  	v8 =	vor.u32 v8, v9  }
0x80a: {  	v9 =	vperm.xlane v8, v3;
	_ =	sdelay $0x1  }
0x80b: {  	v8 =	vperm.xlane v8, v6;
	v9 =	vadd.s32 v4, v9;
	_ =	sdelay $0x1  }
0x80c: {  	v8 =	vadd.s32 v4, v8;
	_ =	sdelay $0x1  }
0x80d: {  	s18 =	simm.s32 $0x18C00  }
0x80e: {  	[tilespmem:s18], [sflag:$0x6] =	stream.indirect_vreg.gather [hbm4b:s1+s3], $0x80, v9, vm0, $0xb8;
	[tilespmem:$0x1BC00] =	vst v63  }
0x80f: {  	_ = 	snop  }
0x810: {  	[tilespmem:s17], [sflag:$0x6] =	stream.indirect_vreg.gather [hbm4b:s1+s3], $0x80, v8, vm0, $0xb8;
	[tilespmem:$0x1BC00] =	vst v63  }
0x811: {  	v8 =	vld [tilespmem:s9+$0x1560];
	_ =	sdelay $0x4  }
0x812: {  	v58 =	vshll.u32 v8, $0x1  }
0x813: {  	v8 =	vand.u32 $0x7, v8;
	v9 =	vand.u32 $0xFFFFFFF0, v58  }
0x814: {  	v8 =	vor.u32 v8, v9  }
0x815: {  	v9 =	vperm.xlane v8, v3;
	_ =	sdelay $0x1  }
0x816: {  	v8 =	vperm.xlane v8, v6;
	v9 =	vadd.s32 v4, v9;
	_ =	sdelay $0x1  }
0x817: {  	v8 =	vadd.s32 v4, v8;
	_ =	sdelay $0x2  }
0x818: {  	[tilespmem:s19], [sflag:$0x6] =	stream.indirect_vreg.gather [hbm4b:s1+s3], $0x80, v9, vm0, $0xb8;
	[tilespmem:$0x1BC00] =	vst v63  }
0x819: {  	_ = 	snop  }
0x81a: {  	[tilespmem:s20], [sflag:$0x6] =	stream.indirect_vreg.gather [hbm4b:s1+s3], $0x80, v8, vm0, $0xb8;
	[tilespmem:$0x1BC00] =	vst v63  }
0x81b: {  	v8 =	vld [tilespmem:s9+$0x1570];
	_ =	sdelay $0x4  }
0x81c: {  	v59 =	vshll.u32 v8, $0x1  }
0x81d: {  	v8 =	vand.u32 $0x7, v8;
	v9 =	vand.u32 $0xFFFFFFF0, v59  }
0x81e: {  	v8 =	vor.u32 v8, v9  }
0x81f: {  	v9 =	vperm.xlane v8, v3;
	_ =	sdelay $0x1  }
0x820: {  	v8 =	vperm.xlane v8, v6;
	v9 =	vadd.s32 v4, v9;
	_ =	sdelay $0x1  }
0x821: {  	v8 =	vadd.s32 v4, v8;
	_ =	sdelay $0x2  }
0x822: {  	[tilespmem:s21], [sflag:$0x6] =	stream.indirect_vreg.gather [hbm4b:s1+s3], $0x80, v9, vm0, $0xb8;
	[tilespmem:$0x1BC00] =	vst v63  }
0x823: {  	_ = 	snop  }
0x824: {  	[tilespmem:s22], [sflag:$0x6] =	stream.indirect_vreg.gather [hbm4b:s1+s3], $0x80, v8, vm0, $0xb8;
	[tilespmem:$0x1BC00] =	vst v63  }
0x825: {  	v8 =	vld [tilespmem:s9+$0x140];
	_ =	sdelay $0x4  }
0x826: {  	v60 =	vshll.u32 v8, $0x1  }
0x827: {  	v8 =	vand.u32 $0x7, v8;
	v9 =	vand.u32 $0xFFFFFFF0, v60  }
0x828: {  	v8 =	vor.u32 v8, v9  }
0x829: {  	v9 =	vperm.xlane v8, v3;
	_ =	sdelay $0x1  }
0x82a: {  	v8 =	vperm.xlane v8, v6;
	v9 =	vadd.s32 v4, v9;
	_ =	sdelay $0x1  }
0x82b: {  	v8 =	vadd.s32 v4, v8;
	_ =	sdelay $0x2  }
0x82c: {  	[tilespmem:s23], [sflag:$0x3] =	stream.indirect_vreg.gather [hbm4b:s1+s3], $0x80, v9, vm0, $0xb8;
	[tilespmem:$0x1BC00] =	vst v63  }
0x82d: {  	_ = 	snop  }
0x82e: {  	[tilespmem:s24], [sflag:$0x3] =	stream.indirect_vreg.gather [hbm4b:s1+s3], $0x80, v8, vm0, $0xb8;
	[tilespmem:$0x1BC00] =	vst v63  }
0x82f: {  	v8 =	vld [tilespmem:s9+$0x150];
	_ =	sdelay $0x4  }
0x830: {  	v61 =	vshll.u32 v8, $0x1  }
0x831: {  	v8 =	vand.u32 $0x7, v8;
	v9 =	vand.u32 $0xFFFFFFF0, v61  }
0x832: {  	v8 =	vor.u32 v8, v9  }
0x833: {  	v9 =	vperm.xlane v8, v3;
	_ =	sdelay $0x1  }
0x834: {  	v8 =	vperm.xlane v8, v6;
	v9 =	vadd.s32 v4, v9;
	_ =	sdelay $0x1  }
0x835: {  	v8 =	vadd.s32 v4, v8;
	_ =	sdelay $0x2  }
0x836: {  	[tilespmem:s25], [sflag:$0x3] =	stream.indirect_vreg.gather [hbm4b:s1+s3], $0x80, v9, vm0, $0xb8;
	[tilespmem:$0x1BC00] =	vst v63  }
0x837: {  	_ = 	snop  }
0x838: {  	[tilespmem:s26], [sflag:$0x3] =	stream.indirect_vreg.gather [hbm4b:s1+s3], $0x80, v8, vm0, $0xb8;
	[tilespmem:$0x1BC00] =	vst v63  }
0x839: {  	v8 =	vld [tilespmem:s9+$0x160];
	_ =	sdelay $0x4  }
0x83a: {  	v62 =	vshll.u32 v8, $0x1  }
0x83b: {  	v8 =	vand.u32 $0x7, v8;
	v9 =	vand.u32 $0xFFFFFFF0, v62  }
0x83c: {  	v8 =	vor.u32 v8, v9  }
0x83d: {  	v9 =	vperm.xlane v8, v3;
	_ =	sdelay $0x1  }
0x83e: {  	v8 =	vperm.xlane v8, v6;
	v9 =	vadd.s32 v4, v9;
	_ =	sdelay $0x1  }
0x83f: {  	v8 =	vadd.s32 v4, v8;
	_ =	sdelay $0x2  }
0x840: {  	[tilespmem:s28], [sflag:$0x3] =	stream.indirect_vreg.gather [hbm4b:s1+s3], $0x80, v9, vm0, $0xb8;
	[tilespmem:$0x1BC00] =	vst v63  }
0x841: {  	_ = 	snop  }
0x842: {  	[tilespmem:s29], [sflag:$0x3] =	stream.indirect_vreg.gather [hbm4b:s1+s3], $0x80, v8, vm0, $0xb8;
	[tilespmem:$0x1BC00] =	vst v63  }
0x843: {  	v8 =	vld [tilespmem:s9+$0x170];
	_ =	sdelay $0x4  }
0x844: {  	v63 =	vshll.u32 v8, $0x1  }
0x845: {  	v8 =	vand.u32 $0x7, v8;
	v9 =	vand.u32 $0xFFFFFFF0, v63  }
0x846: {  	v8 =	vor.u32 v8, v9  }
0x847: {  	v9 =	vperm.xlane v8, v3;
	_ =	sdelay $0x1  }
0x848: {  	v8 =	vperm.xlane v8, v6;
	v9 =	vadd.s32 v4, v9;
	_ =	sdelay $0x1  }
0x849: {  	v8 =	vadd.s32 v4, v8  }
.Ltmp15:
0x84a: {  	_ = 	snop;
	(pc) =	sbr.rel .LBB2_2-.Ltmp15, $4  }
0x84b: {  	_ = 	snop  }
0x84c: {  	[tilespmem:s30], [sflag:$0x3] =	stream.indirect_vreg.gather [hbm4b:s1+s3], $0x80, v9, vm0, $0xb8;
	[tilespmem:$0x1BC00] =	vst v63  }
0x84d: {  	s4 =	sadd.s32 $0x1, s4  }
0x84e: {  	[tilespmem:s31], [sflag:$0x3] =	stream.indirect_vreg.gather [hbm4b:s1+s3], $0x80, v8, vm0, $0xb8;
	[tilespmem:$0x1BC00] =	vst v63  }
.LBB2_32:
0x84f: {  	v8 =	vld.msk [tilespmem:$0x2780], $0xff;
	_ =	sdelay $0x4  }
0x850: {  	v9 =	vshll.u32 v8, $0x1  }
0x851: {  	v8 =	vand.u32 $0x7, v8;
	v9 =	vand.u32 $0xFFFFFFF0, v9  }
0x852: {  	v8 =	vor.u32 v8, v9  }
0x853: {  	v8 =	vperm.xlane v8, v3;
	_ =	sdelay $0x1  }
0x854: {  	v8 =	vadd.s32 v4, v8;
	_ =	sdelay $0x3  }
0x855: {  	s4 =	simm.s32 $0x0;
	s9 =	simm.s32 $0xFC00  }
0x856: {  	[tilespmem:s9], [sflag:$0x4] =	stream.indirect_vreg.gather [hbm4b:s1+s4], $0x80, v8, vm0, $0xb8;
	[tilespmem:$0x1BC00] =	vst v63  }
0x857: {  	v8 =	vld.msk [tilespmem:$0x1380], $0xff;
	_ =	sdelay $0x4  }
0x858: {  	v9 =	vshll.u32 v8, $0x1  }
0x859: {  	v8 =	vand.u32 $0x7, v8;
	v9 =	vand.u32 $0xFFFFFFF0, v9  }
0x85a: {  	v8 =	vor.u32 v8, v9  }
0x85b: {  	v8 =	vperm.xlane v8, v3;
	_ =	sdelay $0x1  }
0x85c: {  	v8 =	vadd.s32 v4, v8;
	_ =	sdelay $0x3  }
0x85d: {  	s16 =	simm.s32 $0x3C00  }
0x85e: {  	[tilespmem:s16], [sflag:$0x1] =	stream.indirect_vreg.gather [hbm4b:s1+s4], $0x80, v8, vm0, $0xb8;
	[tilespmem:$0x1BC00] =	vst v63  }
0x85f: {  	_ =	swait.ge [sflag:s2], $0x800  }
0x860: {  	[sflag:s2] =	ssyncset.done $0x0  }
0x861: {  	[sflag:s2] =	ssyncadd.s32 $0xFFFFF800  }
0x862: {  	_ =	swait.ge [sflag:s0], $0x800  }
0x863: {  	[sflag:s0] =	ssyncset.done $0x0  }
0x864: {  	s18 =	simm.s32 $0x10000;
	[sflag:s0] =	ssyncadd.s32 $0xFFFFF800  }
0x865: {  	s10 =	simm.s32 $0x4000;
	v8 =	vld [tilespmem:s18+$0xFFFFFC00]  }
0x866: {  	v9 =	vld [tilespmem:s10+$0xFFFFFC00]  }
0x867: {  	v10 =	vld [tilespmem:s18+$0xFFFFFC10]  }
0x868: {  	v11 =	vld [tilespmem:s10+$0xFFFFFC10]  }
0x869: {  	v12 =	vld [tilespmem:s18+$0xFFFFFC20]  }
0x86a: {  	v13 =	vld [tilespmem:s10+$0xFFFFFC20]  }
0x86b: {  	v14 =	vld [tilespmem:s18+$0xFFFFFC30]  }
0x86c: {  	v15 =	vld [tilespmem:s10+$0xFFFFFC30]  }
0x86d: {  	v16 =	vld [tilespmem:s18+$0xFFFFFC40];
	v8 =	vmul.f32 v9, v8;
	v9 =	vmul.f32 v11, v10  }
0x86e: {  	v10 =	vld [tilespmem:s10+$0xFFFFFC40]  }
0x86f: {  	v11 =	vld [tilespmem:s18+$0xFFFFFC50];
	v8 =	vadd.f32 v9, v8;
	v9 =	vmul.f32 v13, v12  }
0x870: {  	v12 =	vld [tilespmem:s10+$0xFFFFFC50]  }
0x871: {  	v13 =	vld [tilespmem:s18+$0xFFFFFC60];
	v8 =	vadd.f32 v9, v8;
	v9 =	vmul.f32 v15, v14  }
0x872: {  	v14 =	vld [tilespmem:s10+$0xFFFFFC60]  }
0x873: {  	v15 =	vld [tilespmem:s18+$0xFFFFFC70];
	v8 =	vadd.f32 v9, v8;
	v9 =	vmul.f32 v10, v16  }
0x874: {  	v10 =	vld [tilespmem:s10+$0xFFFFFC70]  }
0x875: {  	v16 =	vld [tilespmem:s18+$0x0];
	v8 =	vadd.f32 v9, v8;
	v9 =	vmul.f32 v12, v11  }
0x876: {  	v11 =	vld [tilespmem:s10+$0x0]  }
0x877: {  	v12 =	vld [tilespmem:s18+$0x10];
	v8 =	vadd.f32 v9, v8;
	v9 =	vmul.f32 v14, v13  }
0x878: {  	v13 =	vld [tilespmem:s10+$0x10]  }
0x879: {  	v14 =	vld [tilespmem:s18+$0x20];
	v8 =	vadd.f32 v9, v8;
	v9 =	vmul.f32 v10, v15  }
0x87a: {  	v10 =	vld [tilespmem:s10+$0x20]  }
0x87b: {  	v15 =	vld [tilespmem:s18+$0x30];
	v8 =	vadd.f32 v9, v8;
	v9 =	vmul.f32 v11, v16  }
0x87c: {  	v11 =	vld [tilespmem:s10+$0x30]  }
0x87d: {  	v16 =	vld [tilespmem:s18+$0x40];
	v8 =	vadd.f32 v9, v8;
	v9 =	vmul.f32 v13, v12  }
0x87e: {  	v12 =	vld [tilespmem:s10+$0x40]  }
0x87f: {  	v17 =	vld [tilespmem:s18+$0x50];
	v8 =	vadd.f32 v9, v8;
	v9 =	vmul.f32 v10, v14  }
0x880: {  	v14 =	vld [tilespmem:s10+$0x50]  }
0x881: {  	v18 =	vld [tilespmem:s18+$0x60];
	v10 =	vmul.f32 v11, v15;
	v8 =	vadd.f32 v9, v8  }
0x882: {  	v19 =	vld [tilespmem:s10+$0x60]  }
0x883: {  	v9 =	vld [tilespmem:s18+$0x70];
	v11 =	vmul.f32 v12, v16;
	v8 =	vadd.f32 v10, v8  }
0x884: {  	s11 =	simm.s32 $0x10080;
	v10 =	vld [tilespmem:s10+$0x70]  }
0x885: {  	s12 =	simm.s32 $0x4080;
	v13 =	vld [tilespmem:s11+$0xFFFFFC00];
	v12 =	vmul.f32 v14, v17;
	v11 =	vadd.f32 v11, v8  }
0x886: {  	v15 =	vld [tilespmem:s12+$0xFFFFFC00]  }
0x887: {  	v16 =	vld [tilespmem:s12+$0xFFFFFC10];
	v11 =	vadd.f32 v12, v11;
	v12 =	vmul.f32 v19, v18  }
0x888: {  	s9 =	simm.s32 $0x1;
	s10 =	simm.s32 $0x2;
	v14 =	vld [tilespmem:s11+$0xFFFFFC10];
	v8 =	vimm.f32 $0.0e+00  }
.LBB2_33:
0x889: {  	p0 =	sne.s32 s10, $0x7;
	v17 =	vld [tilespmem:s11+$0xFFFFFC20];
	v11 =	vadd.f32 v12, v11;
	v9 =	vmul.f32 v10, v9  }
0x88a: {  	v10 =	vld [tilespmem:s12+$0xFFFFFC20]  }
0x88b: {  	v12 =	vld [tilespmem:s11+$0xFFFFFC30];
	v9 =	vadd.f32 v9, v11  }
0x88c: {  	v11 =	vmul.f32 v15, v13;
	v13 =	vld [tilespmem:s12+$0xFFFFFC30]  }
0x88d: {  	v14 =	vmul.f32 v16, v14;
	v15 =	vld [tilespmem:s11+$0xFFFFFC40];
	v16 =	vperm.xlane v9, v1  }
0x88e: {  	v18 =	vld [tilespmem:s12+$0xFFFFFC40]  }
0x88f: {  	v11 =	vadd.f32 v14, v11;
	v10 =	vmul.f32 v10, v17;
	v14 =	vld [tilespmem:s11+$0xFFFFFC50];
	v9 =	vadd.f32 v9, v16  }
0x890: {  	v16 =	vld [tilespmem:s12+$0xFFFFFC50]  }
0x891: {  	v10 =	vadd.f32 v10, v11;
	v11 =	vmul.f32 v13, v12;
	v12 =	vld [tilespmem:s11+$0xFFFFFC60];
	v13 =	vperm.xlane v9, v2  }
0x892: {  	v17 =	vld [tilespmem:s12+$0xFFFFFC60]  }
0x893: {  	v10 =	vadd.f32 v11, v10;
	v11 =	vmul.f32 v18, v15;
	v15 =	vld [tilespmem:s11+$0xFFFFFC70];
	v9 =	vadd.f32 v9, v13  }
0x894: {  	v13 =	vld [tilespmem:s12+$0xFFFFFC70]  }
0x895: {  	v10 =	vadd.f32 v11, v10;
	v11 =	vmul.f32 v16, v14;
	v14 =	vld [tilespmem:s11+$0x0];
	v16 =	vperm.xlane v9, v5  }
0x896: {  	v18 =	vld [tilespmem:s12+$0x0]  }
0x897: {  	v10 =	vadd.f32 v11, v10;
	v11 =	vmul.f32 v17, v12;
	v12 =	vld [tilespmem:s11+$0x10];
	v9 =	vadd.f32 v9, v16  }
0x898: {  	v16 =	vld [tilespmem:s12+$0x10]  }
0x899: {  	v10 =	vadd.f32 v11, v10;
	v11 =	vmul.f32 v13, v15;
	v13 =	vld [tilespmem:s11+$0x20];
	v15 =	vperm.xlane v9, v7  }
0x89a: {  	v19 =	vmov s4;
	s4 =	smov.u32 s9;
	s9 =	smov.u32 s10;
	v17 =	vld [tilespmem:s12+$0x20]  }
0x89b: {  	v10 =	vadd.f32 v11, v10;
	v11 =	vmul.f32 v18, v14;
	v14 =	vld [tilespmem:s11+$0x30];
	v9 =	vadd.f32 v9, v15  }
0x89c: {  	vm1 =	veq.s32 v19, v0;
	v15 =	vld [tilespmem:s12+$0x30]  }
0x89d: {  	v10 =	vadd.f32 v11, v10;
	v11 =	vmul.f32 v16, v12;
	v12 =	vld [tilespmem:s11+$0x40];
	v8 =	vsel vm1, v9, v8  }
0x89e: {  	v9 =	vld [tilespmem:s12+$0x40]  }
0x89f: {  	v10 =	vadd.f32 v11, v10;
	v11 =	vmul.f32 v17, v13;
	v16 =	vld [tilespmem:s11+$0x50]  }
0x8a0: {  	v17 =	vld [tilespmem:s12+$0x50]  }
0x8a1: {  	v10 =	vadd.f32 v11, v10;
	v11 =	vmul.f32 v15, v14;
	v18 =	vld [tilespmem:s11+$0x60]  }
0x8a2: {  	v19 =	vld [tilespmem:s12+$0x60]  }
0x8a3: {  	v11 =	vadd.f32 v11, v10;
	v12 =	vmul.f32 v9, v12;
	v9 =	vld [tilespmem:s11+$0x70]  }
.Ltmp16:
0x8a4: {  	s11 =	sadd.s32 $0x80, s11;
	v10 =	vld [tilespmem:s12+$0x70];
	(pc) =	sbr.rel @p0 .LBB2_33-.Ltmp16, $4  }
0x8a5: {  	s12 =	sadd.s32 $0x80, s12;
	v13 =	vld [tilespmem:s11+$0xFFFFFC00];
	v11 =	vadd.f32 v12, v11;
	v12 =	vmul.f32 v17, v16  }
0x8a6: {  	v15 =	vld [tilespmem:s12+$0xFFFFFC00]  }
0x8a7: {  	v14 =	vld [tilespmem:s11+$0xFFFFFC10];
	v11 =	vadd.f32 v12, v11;
	v12 =	vmul.f32 v19, v18  }
0x8a8: {  	s10 =	sadd.s32 $0x1, s10;
	v16 =	vld [tilespmem:s12+$0xFFFFFC10]  }
0x8a9: {  	v17 =	vld [tilespmem:s11+$0xFFFFFC20]  }
0x8aa: {  	v18 =	vld [tilespmem:s12+$0xFFFFFC20]  }
0x8ab: {  	v19 =	vld [tilespmem:s11+$0xFFFFFC30]  }
0x8ac: {  	v20 =	vld [tilespmem:s12+$0xFFFFFC30]  }
0x8ad: {  	v63 =	vld [tilespmem:s11+$0xFFFFFC40];
	v13 =	vmul.f32 v15, v13;
	v14 =	vmul.f32 v16, v14  }
0x8ae: {  	v24 =	vld [tilespmem:s12+$0xFFFFFC40]  }
0x8af: {  	v26 =	vld [tilespmem:s11+$0xFFFFFC50];
	v25 =	vmul.f32 v18, v17;
	v13 =	vadd.f32 v14, v13  }
0x8b0: {  	v27 =	vld [tilespmem:s12+$0xFFFFFC50]  }
0x8b1: {  	v29 =	vld [tilespmem:s11+$0xFFFFFC60];
	v28 =	vmul.f32 v20, v19;
	v13 =	vadd.f32 v25, v13  }
0x8b2: {  	v30 =	vld [tilespmem:s12+$0xFFFFFC60]  }
0x8b3: {  	v32 =	vld [tilespmem:s11+$0xFFFFFC70];
	v31 =	vmul.f32 v24, v63;
	v13 =	vadd.f32 v28, v13  }
0x8b4: {  	v33 =	vld [tilespmem:s12+$0xFFFFFC70]  }
0x8b5: {  	v35 =	vld [tilespmem:s11+$0x0];
	v34 =	vmul.f32 v27, v26;
	v13 =	vadd.f32 v31, v13  }
0x8b6: {  	v36 =	vld [tilespmem:s12+$0x0]  }
0x8b7: {  	v38 =	vld [tilespmem:s11+$0x10];
	v37 =	vmul.f32 v30, v29;
	v13 =	vadd.f32 v34, v13  }
0x8b8: {  	v39 =	vld [tilespmem:s12+$0x10]  }
0x8b9: {  	v41 =	vld [tilespmem:s11+$0x20];
	v40 =	vmul.f32 v33, v32;
	v13 =	vadd.f32 v37, v13  }
0x8ba: {  	v42 =	vld [tilespmem:s12+$0x20]  }
0x8bb: {  	v44 =	vld [tilespmem:s11+$0x30];
	v43 =	vmul.f32 v36, v35;
	v13 =	vadd.f32 v40, v13  }
0x8bc: {  	v45 =	vld [tilespmem:s12+$0x30]  }
0x8bd: {  	v47 =	vld [tilespmem:s11+$0x40];
	v46 =	vmul.f32 v39, v38;
	v13 =	vadd.f32 v43, v13  }
0x8be: {  	v48 =	vld [tilespmem:s12+$0x40]  }
0x8bf: {  	v50 =	vld [tilespmem:s11+$0x50];
	v49 =	vmul.f32 v42, v41;
	v13 =	vadd.f32 v46, v13  }
0x8c0: {  	v51 =	vld [tilespmem:s12+$0x50]  }
0x8c1: {  	v53 =	vld [tilespmem:s11+$0x60];
	v52 =	vmul.f32 v45, v44;
	v13 =	vadd.f32 v49, v13  }
0x8c2: {  	v54 =	vld [tilespmem:s12+$0x60]  }
0x8c3: {  	v56 =	vld [tilespmem:s11+$0x70];
	v55 =	vmul.f32 v48, v47;
	v13 =	vadd.f32 v52, v13  }
0x8c4: {  	v57 =	vld [tilespmem:s12+$0x70]  }
0x8c5: {  	v58 =	vmul.f32 v51, v50;
	v13 =	vadd.f32 v55, v13;
	_ =	sdelay $0x1  }
0x8c6: {  	v59 =	vmul.f32 v54, v53;
	v13 =	vadd.f32 v58, v13  }
0x8c7: {  	v11 =	vadd.f32 v12, v11;
	v9 =	vmul.f32 v10, v9  }
0x8c8: {  	v61 =	vmul.f32 v57, v56;
	v60 =	vadd.f32 v59, v13  }
0x8c9: {  	v9 =	vadd.f32 v9, v11  }
0x8ca: {  	v10 =	vadd.f32 v61, v60  }
0x8cb: {  	v11 =	vperm.xlane v9, v1  }
0x8cc: {  	v12 =	vperm.xlane v10, v1  }
0x8cd: {  	v9 =	vadd.f32 v9, v11  }
0x8ce: {  	v10 =	vadd.f32 v10, v12  }
0x8cf: {  	v11 =	vperm.xlane v9, v2  }
0x8d0: {  	v12 =	vperm.xlane v10, v2  }
0x8d1: {  	v9 =	vadd.f32 v9, v11  }
0x8d2: {  	v10 =	vadd.f32 v10, v12  }
0x8d3: {  	v11 =	vperm.xlane v9, v5  }
0x8d4: {  	v12 =	vperm.xlane v10, v5  }
0x8d5: {  	v9 =	vadd.f32 v9, v11  }
0x8d6: {  	v10 =	vadd.f32 v10, v12  }
0x8d7: {  	v11 =	vperm.xlane v9, v7  }
0x8d8: {  	v12 =	vperm.xlane v10, v7  }
0x8d9: {  	v62 =	vmov s4;
	v9 =	vadd.f32 v9, v11  }
0x8da: {  	vm1 =	veq.s32 v62, v0;
	v63 =	vmov s9;
	v10 =	vadd.f32 v10, v12  }
0x8db: {  	v8 =	vsel vm1, v9, v8;
	vm1 =	veq.s32 v63, v0  }
0x8dc: {  	v8 =	vsel vm1, v10, v8  }
0x8dd: {  	v8 =	vsub.f32 $0.0e+00, v8;
	_ =	sdelay $0x1  }
0x8de: {  	v8 =	vmul.f32 $1.442695020e+00, v8;
	_ =	sdelay $0x1  }
0x8df: {  	(erf) = vpow2.f32 v8;
	_ =	sdelay $0x8  }
0x8e0: {  	v8 =	vpop (erf)  }
0x8e1: {  	v8 =	vadd.f32 $1.000000000e+00, v8;
	_ =	sdelay $0x1  }
0x8e2: {  	(erf) = vrcp.f32 v8;
	_ =	sdelay $0x8  }
0x8e3: {  	v8 =	vpop (erf)  }
0x8e4: {  	s14 =	rddreg [dreg:$0x6];
	s15 =	simm.s32 $0x2800;
	s10 =	simm.s32 $0x7;
	[tilespmem:$0x3B80] =	vst v8  }
0x8e5: {  	[hbm4b:s14+s3] =	stream.linear.scatter [tilespmem:s15], [sflag:$0x7], $0x1388, $0x38;
	[tilespmem:$0x1BC00] =	vst v63  }
0x8e6: {  	_ =	swait.ge [sflag:s10], $0x1388  }
0x8e7: {  	s16 =	rddreg [dreg:$0x8]  }
0x8e8: {  	s18 =	rddreg [dreg:$0x7];
	s9 =	sadd.s32 $0x1, s16  }
0x8e9: {  	p0 =	sne.s32 s9, s18  }
.Ltmp17:
0x8ea: {  	_ = 	snop;
	(pc) =	sbr.rel @p0 .LBB2_1-.Ltmp17, $3  }
0x8eb: {  	_ =	sdelay $0x1  }
0x8ec: {  	[sflag:s10] =	ssyncset.done $0x0  }
0x8ed: {  	[sflag:s10] =	ssyncadd.s32 $0xFFFFEC78  }
0x8ee: {  	_ =	sfence.sel $0x180000  }
0x8ef: {  	[bflag:$0x0] =	sbarrier.arrive $0xFFFF  }
0x8f0: {  	_ =	strace $0x90000047  }
0x8f1: {  	s0 =	stileid.u32;
	[bflag:$0x2] =	sbarrier.arrive $0xFFFF  }
0x8f2: {  	p0 =	sne.s32 s0, $0x0;
	s0 =	rddreg [dreg:$0x3]  }
0x8f3: {  	s0 =	sadd.s32 @!p0 $0x100000, s0  }
0x8f4: {  	[sflag:s0] =	ssyncadd.tile.s32 @!p0 $0x1;
	_ =	shalt  }
.Lfunc_end2:
_tile_overlayer_lowered:
.L_overlay_start_2:
0x8f5: {  	(tag) =	ssettag $0x2  }
0x8f6: {  	s0 =	rddreg [dreg:$0x0];
	s2 =	stileid.u32  }
0x8f7: {  	s1 =	rddreg [dreg:$0x1];
	p0 =	sne.s32 s2, $0x0  }
0x8f8: {  	s3 =	rddreg [dreg:$0x2];
	[bflag:$0x3] =	sbarrier.arrive $0xFFFF;
	s2 =	simm.s32 @!p0 $0x1C07  }
0x8f9: {  	[timem:s3], [sflag:s2] =	dma.local @!p0 [hbm:s0], s1  }
0x8fa: {  	s0 =	simm.s32 @!p0 $0x7  }
0x8fb: {  	_ =	swait.ge @!p0 [sflag:s0], s1  }
0x8fc: {  	s1 =	ssub.s32 @!p0 $0x0, s1;
	[sflag:s0] =	ssyncset.done @!p0 $0x0  }
0x8fd: {  	[sflag:s0] =	ssyncadd.s32 @!p0 s1  }
0x8fe: {  	[bflag:$0x3] =	sbarrier.arrive $0xFFFF  }
0x8ff: {  	_ =	shalt  }

</sc_bundles>
